<compile_context>
chip_gen: v7x
topology: tpu7x:2x2x1
jax: 0.10.2.dev20260603
libtpu: 0.0.44.dev20260713+nightly
codegen_flags: <defaults>
</compile_context>

<pallas_src>
import functools

import jax
import jax.numpy as jnp
from jax import lax
from jax.experimental import pallas as pl
from jax.experimental.pallas import tpu as pltpu
from jax.experimental.pallas import tpu_sc as plsc

_B, _C, _L, _N = 8, 128, 8192, 8192
_K = 5
_H = 64
_BN = _B * _N
_BL = _B * _L
_NW = 32
_PPW = _BN // _NW
_CHA = 128
_PB = 2048

_mesh = plsc.VectorSubcoreMesh(core_axis_name="c", subcore_axis_name="s")
_sc_params = pltpu.CompilerParams(needs_layout_passes=False)


def _worker_base():
    wid = lax.axis_index("s") * 2 + lax.axis_index("c")
    return wid * _PPW


def _anchor_ix(xv):
    return jnp.clip((xv + 1.0) * 0.5 * (_L - 1), 0.0, float(_L - 1))



@functools.partial(
    pl.kernel,
    out_type=(
        jax.ShapeDtypeStruct((_BN, _C), jnp.float32),
        jax.ShapeDtypeStruct((_BN, _C), jnp.float32),
    ),
    mesh=_mesh,
    scratch_types=[
        pltpu.VMEM((_PPW,), jnp.float32),
        pltpu.VMEM((_CHA,), jnp.int32),
        pltpu.VMEM((_CHA,), jnp.int32),
        pltpu.VMEM((_CHA, _C), jnp.float32),
        pltpu.VMEM((_CHA, _C), jnp.float32),
        pltpu.SemaphoreType.DMA,
        pltpu.SemaphoreType.DMA,
    ],
    compiler_params=_sc_params,
)
def _stage_a(coords_hbm, featT_hbm, f0_hbm, f1_hbm,
             coords_v, idx0_v, idx1_v, buf0_v, buf1_v, sem0, sem1):
    base = _worker_base()
    boff = (base // _N) * _L
    pltpu.sync_copy(coords_hbm.at[pl.ds(base, _PPW)], coords_v)

    def round_body(g, carry):
        rbase = g * _CHA
        for i in range(_CHA // 16):
            xv = coords_v[pl.ds(rbase + i * 16, 16)]
            ix = _anchor_ix(xv)
            x0 = ix.astype(jnp.int32)
            x1 = jnp.minimum(x0 + 1, _L - 1)
            idx0_v[pl.ds(i * 16, 16)] = x0 + boff
            idx1_v[pl.ds(i * 16, 16)] = x1 + boff
        cp0 = pltpu.async_copy(featT_hbm.at[idx0_v], buf0_v, sem0)
        cp1 = pltpu.async_copy(featT_hbm.at[idx1_v], buf1_v, sem1)
        cp0.wait()
        cp1.wait()
        pltpu.sync_copy(buf0_v, f0_hbm.at[pl.ds(base + rbase, _CHA)])
        pltpu.sync_copy(buf1_v, f1_hbm.at[pl.ds(base + rbase, _CHA)])
        return carry

    lax.fori_loop(0, _PPW // _CHA, round_body, 0)



def _dot(a, b):
    return lax.dot_general(a, b, (((1,), (0,)), ((), ())),
                           preferred_element_type=jnp.float32)


def _router_body(f0_ref, f1_ref, xr_ref, w1a_ref, w1cb_ref,
                 wre_ref, w2e_ref, gb_ref, ww_ref):
    xT = xr_ref[0]
    ixa = _anchor_ix(xT)
    x0f = jnp.floor(ixa)
    wa = ixa - x0f

    h0 = lax.dot_general(w1a_ref[...], f0_ref[...], (((1,), (1,)), ((), ())),
                         preferred_element_type=jnp.float32)
    h1 = lax.dot_general(w1a_ref[...], f1_ref[...], (((1,), (1,)), ((), ())),
                         preferred_element_type=jnp.float32)
    ones = jnp.ones_like(xT)
    x2 = jnp.concatenate([xT, ones], axis=0)
    h = h0 + wa * (h1 - h0) + _dot(w1cb_ref[...], x2)
    h = jnp.where(h >= 0, h, 0.2 * h)
    he = jnp.concatenate([h, ones], axis=0)
    h2 = h + _dot(wre_ref[...], he)
    h2 = jnp.where(h2 >= 0, h2, 0.2 * h2)
    h2e = jnp.concatenate([h2, ones], axis=0)
    rT = _dot(w2e_ref[...], h2e)

    offs = jnp.tanh(rT[:_K, :]) * (6.0 / _L)
    rw = rT[_K:, :]
    m = jnp.max(rw, axis=0, keepdims=True)
    e = jnp.exp(rw - m)
    dw = e / jnp.sum(e, axis=0, keepdims=True)

    xk = xT + offs
    ixk = _anchor_ix(xk)
    x0kf = jnp.floor(ixk)
    wk = ixk - x0kf
    x0k = x0kf.astype(jnp.int32)
    x1k = jnp.minimum(x0k + 1, _L - 1)

    x0a = x0f.astype(jnp.int32)
    wb = jnp.clip(x0a - 3, 0, _L - 8)
    p0 = jnp.clip(x0k - wb, 0, 7)
    p1 = jnp.clip(x1k - wb, 0, 7)
    cw0 = dw * (1.0 - wk)
    cw1 = dw * wk

    rows = []
    for j in range(8):
        rows.append(
            jnp.sum(jnp.where(p0 == j, cw0, 0.0), axis=0, keepdims=True)
            + jnp.sum(jnp.where(p1 == j, cw1, 0.0), axis=0, keepdims=True))
    wwT = jnp.concatenate(rows, axis=0)
    expand = (lax.broadcasted_iota(jnp.int32, (8, _C), 1) // 16
              == lax.broadcasted_iota(jnp.int32, (8, _C), 0)).astype(jnp.float32)
    wwb = lax.dot_general(wwT, expand, (((0,), (0,)), ((), ())),
                          preferred_element_type=jnp.float32)

    b = pl.program_id(0) // (_N // _PB)
    gb_ref[0] = wb + b * _L
    ww_ref[...] = wwb


def _stage_b(f0, f1, xrow, w1a, w1cb, wre, w2e):
    grid = (_BN // _PB,)
    full = lambda shape: pl.BlockSpec(shape, lambda i: (0, 0))
    return pl.pallas_call(
        _router_body,
        grid=grid,
        in_specs=[
            pl.BlockSpec((_PB, _C), lambda i: (i, 0)),
            pl.BlockSpec((_PB, _C), lambda i: (i, 0)),
            pl.BlockSpec((1, 1, _PB), lambda i: (i, 0, 0)),
            full((_H, _C)),
            full((_H, 2)),
            full((_H, _H + 1)),
            full((2 * _K, _H + 1)),
        ],
        out_specs=[
            pl.BlockSpec((1, 1, _PB), lambda i: (i, 0, 0)),
            pl.BlockSpec((_PB, _C), lambda i: (i, 0)),
        ],
        out_shape=[
            jax.ShapeDtypeStruct((_BN // _PB, 1, _PB), jnp.int32),
            jax.ShapeDtypeStruct((_BN, _C), jnp.float32),
        ],
    )(f0, f1, xrow, w1a, w1cb, wre, w2e)



_CHC = 16
_RC = _PPW // _CHC
_NS = 4


@functools.partial(
    pl.kernel,
    out_type=jax.ShapeDtypeStruct((_BN, _C), jnp.float32),
    mesh=_mesh,
    scratch_types=[
        pltpu.VMEM((_PPW,), jnp.int32),
        pltpu.VMEM((_NS * 128,), jnp.int32),
        pltpu.VMEM((_NS, 128, _C), jnp.float32),
        pltpu.VMEM((_NS, _CHC, _C), jnp.float32),
        pltpu.VMEM((_NS, _CHC, _C), jnp.float32),
        pltpu.SemaphoreType.DMA,
        pltpu.SemaphoreType.DMA,
        pltpu.SemaphoreType.DMA,
        pltpu.SemaphoreType.DMA,
        pltpu.SemaphoreType.DMA,
        pltpu.SemaphoreType.DMA,
        pltpu.SemaphoreType.DMA,
        pltpu.SemaphoreType.DMA,
    ],
    compiler_params=_sc_params,
)
def _stage_c(gb_hbm, wwb_hbm, featT_hbm, out_hbm,
             gb_v, idx_v, buf_v, ww_v, out_v,
             g0s, g1s, g2s, g3s, o0s, o1s, o2s, o3s):
    base = _worker_base()
    pltpu.sync_copy(gb_hbm.at[pl.ds(base, _PPW)], gb_v)
    lane = lax.iota(jnp.int32, 16)
    lane8 = lane * 8
    gsems = (g0s, g1s, g2s, g3s)
    osems = (o0s, o1s, o2s, o3s)

    def fire(g, s):
        p0 = g * _CHC
        gv = gb_v[pl.ds(p0, 16)]
        for j in range(8):
            plsc.store_scatter(idx_v, [lane8 + (s * 128 + j)], gv + j)
        pltpu.async_copy(
            featT_hbm.at[idx_v.at[pl.ds(s * 128, 128)]], buf_v.at[s], gsems[s])
        pltpu.async_copy(
            wwb_hbm.at[pl.ds(base + p0, _CHC)], ww_v.at[s], gsems[s])

    def wait_slot(s):
        pltpu.make_async_copy(
            featT_hbm.at[idx_v.at[pl.ds(s * 128, 128)]], buf_v.at[s], gsems[s]
        ).wait()
        pltpu.make_async_copy(
            wwb_hbm.at[pl.ds(base, _CHC)], ww_v.at[s], gsems[s]).wait()

    def drain_out(s):
        pltpu.make_async_copy(
            out_v.at[s], out_hbm.at[pl.ds(base, _CHC)], osems[s]).wait()

    def compute(g, s):
        @pl.when(g >= _NS)
        def _():
            drain_out(s)

        def pbody(p2, c2):
            row = p2 * 8
            wvs = [ww_v[s, p2, pl.ds(j * 16, 16)] for j in range(8)]
            for cv in range(8):
                sl = pl.ds(cv * 16, 16)
                t0 = wvs[0] * buf_v[s, row, sl] + wvs[1] * buf_v[s, row + 1, sl]
                t1 = wvs[2] * buf_v[s, row + 2, sl] + wvs[3] * buf_v[s, row + 3, sl]
                t2 = wvs[4] * buf_v[s, row + 4, sl] + wvs[5] * buf_v[s, row + 5, sl]
                t3 = wvs[6] * buf_v[s, row + 6, sl] + wvs[7] * buf_v[s, row + 7, sl]
                out_v[s, p2, sl] = (t0 + t1) + (t2 + t3)
            return c2

        lax.fori_loop(0, _CHC, pbody, 0)
        pltpu.async_copy(
            out_v.at[s], out_hbm.at[pl.ds(base + g * _CHC, _CHC)], osems[s])

    for s in range(_NS):
        fire(s, s)

    def outer(t, carry):
        for s in range(_NS):
            g = _NS * t + s
            wait_slot(s)
            compute(g, s)

            @pl.when(g + _NS < _RC)
            def _():
                fire(g + _NS, s)

        return carry

    lax.fori_loop(0, _RC // _NS, outer, 0)
    for s in range(_NS):
        drain_out(s)


def kernel(feat_1d, coords_1d, W1, b1, Wr, br, W2, b2):
    assert feat_1d.shape == (_B, _C, _L) and coords_1d.shape == (_B, _N, 1)
    featT = jnp.transpose(feat_1d, (0, 2, 1)).reshape(_BL, _C)
    coords = coords_1d.reshape(_BN)
    f0, f1 = _stage_a(coords, featT)
    gb, ww = _stage_b(
        f0, f1, coords.reshape(_BN // _PB, 1, _PB),
        W1[:, :_C],
        jnp.stack([W1[:, _C], b1], axis=1),
        jnp.concatenate([Wr, br[:, None]], axis=1),
        jnp.concatenate([W2, b2[:, None]], axis=1),
    )
    out = _stage_c(gb.reshape(_BN), ww, featT)
    return out.reshape(_B, _N, _C)

# --- scband reference (transcript-rebuilt; emitter-appended) ---
"""Pipeline reference for scband-deformable-dynamic-kernel1-d-27736898797749 (READ-ONLY COPY).

The authoritative reference and input builder live on the scoring server;
editing this copy changes nothing except your own understanding.
"""

import jax, jax.numpy as jnp
import numpy as np

K = 5

def leaky(x):
    return jnp.where(x >= 0, x, 0.2 * x)

def grid_sample_1d(feat, x):
    # feat: [B, C, L], x: [B, M] normalized coords in [-1, 1]
    # Equivalent to torch F.grid_sample on a [B,C,1,L] map with y=0,
    # mode='bilinear', padding_mode='border', align_corners=True.
    B, C, L = feat.shape
    ix = (x + 1.0) * 0.5 * (L - 1)
    ix = jnp.clip(ix, 0.0, float(L - 1))
    x0f = jnp.floor(ix)
    x0 = x0f.astype(jnp.int32)
    x1 = jnp.minimum(x0 + 1, L - 1)
    w = (ix - x0f)[:, None, :]
    f0 = jnp.take_along_axis(feat, x0[:, None, :], axis=2)
    f1 = jnp.take_along_axis(feat, x1[:, None, :], axis=2)
    return f0 * (1.0 - w) + f1 * w

def router_mlp(x, W1, b1, Wr, br, W2, b2):
    h = leaky(x @ W1.T + b1)
    h = leaky(h + (h @ Wr.T + br))
    return h @ W2.T + b2

def setup_inputs(seed: int = 0) -> dict:
    key = jax.random.key(seed)
    ks = jax.random.split(key, 8)
    B, C, L, N = 8, 128, 8192, 8192
    hidden = 64
    feat_1d = jax.random.normal(ks[0], (B, C, L), dtype=jnp.float32)
    coords_1d = jax.random.uniform(ks[1], (B, N, 1), dtype=jnp.float32)
    W1 = jax.random.normal(ks[2], (hidden, C + 1), dtype=jnp.float32) * 0.05
    b1 = jnp.zeros((hidden,), dtype=jnp.float32)
    Wr = jax.random.normal(ks[3], (hidden, hidden), dtype=jnp.float32) * 0.05
    br = jnp.zeros((hidden,), dtype=jnp.float32)
    W2 = jax.random.normal(ks[4], (2 * K, hidden), dtype=jnp.float32) * 0.05
    b2 = jnp.zeros((2 * K,), dtype=jnp.float32)
    return {"feat_1d": feat_1d, "coords_1d": coords_1d, "W1": W1, "b1": b1, "Wr": Wr, "br": br, "W2": W2, "b2": b2}

def reference(feat_1d, coords_1d, W1, b1, Wr, br, W2, b2):
    B, C, L = feat_1d.shape
    N = coords_1d.shape[1]
    x = coords_1d[:, :, 0]
    f_anchor = grid_sample_1d(feat_1d, x)  # [B, C, N]
    router_in = jnp.concatenate([jnp.transpose(f_anchor, (0, 2, 1)), coords_1d], axis=-1)
    routing_out = router_mlp(router_in, W1, b1, Wr, br, W2, b2)
    max_offset_x = 6.0 / L
    offsets_x = jnp.tanh(routing_out[..., :K]) * max_offset_x
    dynamic_weights = jax.nn.softmax(routing_out[..., K:], axis=-1)[:, None, :, :]
    deform_coords_x = coords_1d + offsets_x  # [B, N, K] via broadcast
    f_sampled = grid_sample_1d(feat_1d, deform_coords_x.reshape(B, N * K)).reshape(B, C, N, K)
    f_agg = jnp.sum(f_sampled * dynamic_weights, axis=-1)
    return jnp.transpose(f_agg, (0, 2, 1))

if __name__ == "__main__":
    import jax
    _d = setup_inputs()
    print(jax.jit(kernel)(*tuple(_d.values())))

</pallas_src>

<mosaic_0001>
#map = affine_map<(d0, d1) -> (0)>
#map1 = affine_map<(d0, d1) -> (0, 0)>
module attributes {stable_mosaic.version = 14 : i64} {
  func.func @_stage_c(%arg0: i32, %arg1: i32, %arg2: memref<65536xi32, #tpu.memory_space<hbm>>, %arg3: memref<65536x128xf32, #tpu.memory_space<hbm>>, %arg4: memref<65536x128xf32, #tpu.memory_space<hbm>>, %arg5: memref<65536x128xf32, #tpu.memory_space<hbm>>, %arg6: memref<2048xi32, #tpu.memory_space<vmem>>, %arg7: memref<512xi32, #tpu.memory_space<vmem>>, %arg8: memref<4x128x128xf32, #tpu.memory_space<vmem>>, %arg9: memref<4x16x128xf32, #tpu.memory_space<vmem>>, %arg10: memref<4x16x128xf32, #tpu.memory_space<vmem>>, %arg11: memref<!tpu.dma_semaphore, #tpu.memory_space<semaphore_mem>>, %arg12: memref<!tpu.dma_semaphore, #tpu.memory_space<semaphore_mem>>, %arg13: memref<!tpu.dma_semaphore, #tpu.memory_space<semaphore_mem>>, %arg14: memref<!tpu.dma_semaphore, #tpu.memory_space<semaphore_mem>>, %arg15: memref<!tpu.dma_semaphore, #tpu.memory_space<semaphore_mem>>, %arg16: memref<!tpu.dma_semaphore, #tpu.memory_space<semaphore_mem>>, %arg17: memref<!tpu.dma_semaphore, #tpu.memory_space<semaphore_mem>>, %arg18: memref<!tpu.dma_semaphore, #tpu.memory_space<semaphore_mem>>) attributes {dimension_semantics = [#tpu.dimension_semantics<core_parallel>, #tpu.dimension_semantics<subcore_parallel>], iteration_bounds = array<i64: 2, 16>, scalar_prefetch = 0 : i64, scratch_operands = 13 : i64, tpu.core_type = #tpu.core_type<sc_vector_subcore>, window_params = [{transform_indices = #map}, {transform_indices = #map1}, {transform_indices = #map1}, {transform_indices = #map1}]} {
    %mul3A = arith.constant 2 : i32
    %mul3A_0 = arith.muli %arg1, %mul3A : i32
    %add3A = arith.addi %mul3A_0, %arg0 : i32
    %mul3A_1 = arith.constant 2048 : i32
    %mul3A_2 = arith.muli %add3A, %mul3A_1 : i32
    "tpu.region"() ({
      %run_scoped3A = tpu.sem_alloc : memref<!tpu.dma_semaphore, #tpu.memory_space<semaphore_mem>>
      %dma_start3A_360 = tpu.memref_slice %arg2[%mul3A_2] : memref<65536xi32, #tpu.memory_space<hbm>> -> memref<2048xi32, #tpu.memory_space<hbm>>
      %dma_start3A_361 = tpu.memref_slice %arg2[%mul3A_2] : memref<65536xi32, #tpu.memory_space<hbm>> -> memref<2048xi32, #tpu.memory_space<hbm>>
      tpu.enqueue_dma source(%dma_start3A_361 : memref<2048xi32, #tpu.memory_space<hbm>>) target(%arg6 : memref<2048xi32, #tpu.memory_space<vmem>>) target_semaphore(%run_scoped3A : memref<!tpu.dma_semaphore, #tpu.memory_space<semaphore_mem>>)
      %dma_wait3A_362 = tpu.memref_slice %arg2[%mul3A_2] : memref<65536xi32, #tpu.memory_space<hbm>> -> memref<2048xi32, #tpu.memory_space<hbm>>
      %dma_wait3A_363 = tpu.memref_slice %arg2[%mul3A_2] : memref<65536xi32, #tpu.memory_space<hbm>> -> memref<2048xi32, #tpu.memory_space<hbm>>
      tpu.wait_dma2 semaphore(%run_scoped3A : memref<!tpu.dma_semaphore, #tpu.memory_space<semaphore_mem>>) src(%dma_wait3A_363 : memref<2048xi32, #tpu.memory_space<hbm>>) dst(%arg6 : memref<2048xi32, #tpu.memory_space<vmem>>)
      tpu.yield
    }) : () -> ()
    %iota3A = tpu.iota {dimensions = array<i32: 0>} : vector<16xi32>
    %mul3A_3 = arith.constant 8 : i32
    %mul3A_4 = vector.broadcast %mul3A_3 : i32 to vector<16xi32>
    %mul3A_5 = arith.muli %iota3A, %mul3A_4 : vector<16xi32>
    %get3A = arith.constant 0 : index
    %get3A_6 = tpu.vector_load %arg6[%get3A] {strides = array<i32>} : memref<2048xi32, #tpu.memory_space<vmem>>, vector<16xi32>,
    %add3A_7 = arith.constant 0 : i32
    %add3A_8 = vector.broadcast %add3A_7 : i32 to vector<16xi32>
    %add3A_9 = arith.addi %mul3A_5, %add3A_8 : vector<16xi32>
    %add3A_10 = arith.constant 0 : i32
    %add3A_11 = vector.broadcast %add3A_10 : i32 to vector<16xi32>
    %add3A_12 = arith.addi %get3A_6, %add3A_11 : vector<16xi32>
    tpu.vector_store_idx %arg7[%add3A_9], %add3A_12 : memref<512xi32, #tpu.memory_space<vmem>>[vector<16xi32>], vector<16xi32>,
    %add3A_13 = arith.constant 1 : i32
    %add3A_14 = vector.broadcast %add3A_13 : i32 to vector<16xi32>
    %add3A_15 = arith.addi %mul3A_5, %add3A_14 : vector<16xi32>
    %add3A_16 = arith.constant 1 : i32
    %add3A_17 = vector.broadcast %add3A_16 : i32 to vector<16xi32>
    %add3A_18 = arith.addi %get3A_6, %add3A_17 : vector<16xi32>
    tpu.vector_store_idx %arg7[%add3A_15], %add3A_18 : memref<512xi32, #tpu.memory_space<vmem>>[vector<16xi32>], vector<16xi32>,
    %add3A_19 = arith.constant 2 : i32
    %add3A_20 = vector.broadcast %add3A_19 : i32 to vector<16xi32>
    %add3A_21 = arith.addi %mul3A_5, %add3A_20 : vector<16xi32>
    %add3A_22 = arith.constant 2 : i32
    %add3A_23 = vector.broadcast %add3A_22 : i32 to vector<16xi32>
    %add3A_24 = arith.addi %get3A_6, %add3A_23 : vector<16xi32>
    tpu.vector_store_idx %arg7[%add3A_21], %add3A_24 : memref<512xi32, #tpu.memory_space<vmem>>[vector<16xi32>], vector<16xi32>,
    %add3A_25 = arith.constant 3 : i32
    %add3A_26 = vector.broadcast %add3A_25 : i32 to vector<16xi32>
    %add3A_27 = arith.addi %mul3A_5, %add3A_26 : vector<16xi32>
    %add3A_28 = arith.constant 3 : i32
    %add3A_29 = vector.broadcast %add3A_28 : i32 to vector<16xi32>
    %add3A_30 = arith.addi %get3A_6, %add3A_29 : vector<16xi32>
    tpu.vector_store_idx %arg7[%add3A_27], %add3A_30 : memref<512xi32, #tpu.memory_space<vmem>>[vector<16xi32>], vector<16xi32>,
    %add3A_31 = arith.constant 4 : i32
    %add3A_32 = vector.broadcast %add3A_31 : i32 to vector<16xi32>
    %add3A_33 = arith.addi %mul3A_5, %add3A_32 : vector<16xi32>
    %add3A_34 = arith.constant 4 : i32
    %add3A_35 = vector.broadcast %add3A_34 : i32 to vector<16xi32>
    %add3A_36 = arith.addi %get3A_6, %add3A_35 : vector<16xi32>
    tpu.vector_store_idx %arg7[%add3A_33], %add3A_36 : memref<512xi32, #tpu.memory_space<vmem>>[vector<16xi32>], vector<16xi32>,
    %add3A_37 = arith.constant 5 : i32
    %add3A_38 = vector.broadcast %add3A_37 : i32 to vector<16xi32>
    %add3A_39 = arith.addi %mul3A_5, %add3A_38 : vector<16xi32>
    %add3A_40 = arith.constant 5 : i32
    %add3A_41 = vector.broadcast %add3A_40 : i32 to vector<16xi32>
    %add3A_42 = arith.addi %get3A_6, %add3A_41 : vector<16xi32>
    tpu.vector_store_idx %arg7[%add3A_39], %add3A_42 : memref<512xi32, #tpu.memory_space<vmem>>[vector<16xi32>], vector<16xi32>,
    %add3A_43 = arith.constant 6 : i32
    %add3A_44 = vector.broadcast %add3A_43 : i32 to vector<16xi32>
    %add3A_45 = arith.addi %mul3A_5, %add3A_44 : vector<16xi32>
    %add3A_46 = arith.constant 6 : i32
    %add3A_47 = vector.broadcast %add3A_46 : i32 to vector<16xi32>
    %add3A_48 = arith.addi %get3A_6, %add3A_47 : vector<16xi32>
    tpu.vector_store_idx %arg7[%add3A_45], %add3A_48 : memref<512xi32, #tpu.memory_space<vmem>>[vector<16xi32>], vector<16xi32>,
    %add3A_49 = arith.constant 7 : i32
    %add3A_50 = vector.broadcast %add3A_49 : i32 to vector<16xi32>
    %add3A_51 = arith.addi %mul3A_5, %add3A_50 : vector<16xi32>
    %add3A_52 = arith.constant 7 : i32
    %add3A_53 = vector.broadcast %add3A_52 : i32 to vector<16xi32>
    %add3A_54 = arith.addi %get3A_6, %add3A_53 : vector<16xi32>
    tpu.vector_store_idx %arg7[%add3A_51], %add3A_54 : memref<512xi32, #tpu.memory_space<vmem>>[vector<16xi32>], vector<16xi32>,
    %dma_start3A = arith.constant 0 : i32
    %dma_start3A_55 = arith.constant 0 : i32
    %dma_start3A_56 = arith.constant 0 : i32
    %dma_start3A_57 = tpu.memref_slice %arg8[%dma_start3A, %dma_start3A_55, %dma_start3A_56] : memref<4x128x128xf32, #tpu.memory_space<vmem>> -> memref<1x128x128xf32, #tpu.memory_space<vmem>>
    %dma_start3A_58 = tpu.memref_squeeze %dma_start3A_57 : memref<1x128x128xf32, #tpu.memory_space<vmem>> -> memref<128x128xf32, #tpu.memory_space<vmem>>
    %dma_start3A_59 = arith.constant 0 : i32
    %dma_start3A_60 = tpu.memref_slice %arg7[%dma_start3A_59] : memref<512xi32, #tpu.memory_space<vmem>> -> memref<128xi32, #tpu.memory_space<vmem>>
    %dma_start3A_61 = arith.constant 0 : i32
    %dma_start3A_62 = arith.constant 0 : i32
    %dma_start3A_63 = tpu.memref_slice %arg4[%dma_start3A_61, %dma_start3A_62] : memref<65536x128xf32, #tpu.memory_space<hbm>> -> memref<65536x128xf32, #tpu.memory_space<hbm>>
    tpu.enqueue_indirect_dma source(%dma_start3A_63 : memref<65536x128xf32, #tpu.memory_space<hbm>>) target(%dma_start3A_58 : memref<128x128xf32, #tpu.memory_space<vmem>>) offsets(%dma_start3A_60 : memref<128xi32, #tpu.memory_space<vmem>>) semaphore(%arg11 : memref<!tpu.dma_semaphore, #tpu.memory_space<semaphore_mem>>)
    %add3A_64 = arith.constant 0 : i32
    %add3A_65 = arith.addi %mul3A_2, %add3A_64 : i32
    %dma_start3A_66 = arith.constant 0 : i32
    %dma_start3A_67 = arith.constant 0 : i32
    %dma_start3A_68 = arith.constant 0 : i32
    %dma_start3A_69 = tpu.memref_slice %arg9[%dma_start3A_66, %dma_start3A_67, %dma_start3A_68] : memref<4x16x128xf32, #tpu.memory_space<vmem>> -> memref<1x16x128xf32, #tpu.memory_space<vmem>>
    %dma_start3A_70 = tpu.memref_squeeze %dma_start3A_69 : memref<1x16x128xf32, #tpu.memory_space<vmem>> -> memref<16x128xf32, #tpu.memory_space<vmem>>
    %dma_start3A_71 = arith.constant 0 : i32
    %dma_start3A_72 = tpu.memref_slice %arg3[%add3A_65, %dma_start3A_71] : memref<65536x128xf32, #tpu.memory_space<hbm>> -> memref<16x128xf32, #tpu.memory_space<hbm>>
    %dma_start3A_73 = arith.constant 0 : i32
    %dma_start3A_74 = arith.constant 0 : i32
    %dma_start3A_75 = tpu.memref_slice %arg9[%dma_start3A_66, %dma_start3A_73, %dma_start3A_74] : memref<4x16x128xf32, #tpu.memory_space<vmem>> -> memref<1x16x128xf32, #tpu.memory_space<vmem>>
    %dma_start3A_76 = tpu.memref_squeeze %dma_start3A_75 : memref<1x16x128xf32, #tpu.memory_space<vmem>> -> memref<16x128xf32, #tpu.memory_space<vmem>>
    %dma_start3A_77 = arith.constant 0 : i32
    %dma_start3A_78 = tpu.memref_slice %arg3[%add3A_65, %dma_start3A_77] : memref<65536x128xf32, #tpu.memory_space<hbm>> -> memref<16x128xf32, #tpu.memory_space<hbm>>
    tpu.enqueue_dma source(%dma_start3A_78 : memref<16x128xf32, #tpu.memory_space<hbm>>) target(%dma_start3A_76 : memref<16x128xf32, #tpu.memory_space<vmem>>) target_semaphore(%arg11 : memref<!tpu.dma_semaphore, #tpu.memory_space<semaphore_mem>>)
    %get3A_79 = arith.constant 16 : index
    %get3A_80 = tpu.vector_load %arg6[%get3A_79] {strides = array<i32>} : memref<2048xi32, #tpu.memory_space<vmem>>, vector<16xi32>,
    %add3A_81 = arith.constant 128 : i32
    %add3A_82 = vector.broadcast %add3A_81 : i32 to vector<16xi32>
    %add3A_83 = arith.addi %mul3A_5, %add3A_82 : vector<16xi32>
    %add3A_84 = arith.constant 0 : i32
    %add3A_85 = vector.broadcast %add3A_84 : i32 to vector<16xi32>
    %add3A_86 = arith.addi %get3A_80, %add3A_85 : vector<16xi32>
    tpu.vector_store_idx %arg7[%add3A_83], %add3A_86 : memref<512xi32, #tpu.memory_space<vmem>>[vector<16xi32>], vector<16xi32>,
    %add3A_87 = arith.constant 129 : i32
    %add3A_88 = vector.broadcast %add3A_87 : i32 to vector<16xi32>
    %add3A_89 = arith.addi %mul3A_5, %add3A_88 : vector<16xi32>
    %add3A_90 = arith.constant 1 : i32
    %add3A_91 = vector.broadcast %add3A_90 : i32 to vector<16xi32>
    %add3A_92 = arith.addi %get3A_80, %add3A_91 : vector<16xi32>
    tpu.vector_store_idx %arg7[%add3A_89], %add3A_92 : memref<512xi32, #tpu.memory_space<vmem>>[vector<16xi32>], vector<16xi32>,
    %add3A_93 = arith.constant 130 : i32
    %add3A_94 = vector.broadcast %add3A_93 : i32 to vector<16xi32>
    %add3A_95 = arith.addi %mul3A_5, %add3A_94 : vector<16xi32>
    %add3A_96 = arith.constant 2 : i32
    %add3A_97 = vector.broadcast %add3A_96 : i32 to vector<16xi32>
    %add3A_98 = arith.addi %get3A_80, %add3A_97 : vector<16xi32>
    tpu.vector_store_idx %arg7[%add3A_95], %add3A_98 : memref<512xi32, #tpu.memory_space<vmem>>[vector<16xi32>], vector<16xi32>,
    %add3A_99 = arith.constant 131 : i32
    %add3A_100 = vector.broadcast %add3A_99 : i32 to vector<16xi32>
    %add3A_101 = arith.addi %mul3A_5, %add3A_100 : vector<16xi32>
    %add3A_102 = arith.constant 3 : i32
    %add3A_103 = vector.broadcast %add3A_102 : i32 to vector<16xi32>
    %add3A_104 = arith.addi %get3A_80, %add3A_103 : vector<16xi32>
    tpu.vector_store_idx %arg7[%add3A_101], %add3A_104 : memref<512xi32, #tpu.memory_space<vmem>>[vector<16xi32>], vector<16xi32>,
    %add3A_105 = arith.constant 132 : i32
    %add3A_106 = vector.broadcast %add3A_105 : i32 to vector<16xi32>
    %add3A_107 = arith.addi %mul3A_5, %add3A_106 : vector<16xi32>
    %add3A_108 = arith.constant 4 : i32
    %add3A_109 = vector.broadcast %add3A_108 : i32 to vector<16xi32>
    %add3A_110 = arith.addi %get3A_80, %add3A_109 : vector<16xi32>
    tpu.vector_store_idx %arg7[%add3A_107], %add3A_110 : memref<512xi32, #tpu.memory_space<vmem>>[vector<16xi32>], vector<16xi32>,
    %add3A_111 = arith.constant 133 : i32
    %add3A_112 = vector.broadcast %add3A_111 : i32 to vector<16xi32>
    %add3A_113 = arith.addi %mul3A_5, %add3A_112 : vector<16xi32>
    %add3A_114 = arith.constant 5 : i32
    %add3A_115 = vector.broadcast %add3A_114 : i32 to vector<16xi32>
    %add3A_116 = arith.addi %get3A_80, %add3A_115 : vector<16xi32>
    tpu.vector_store_idx %arg7[%add3A_113], %add3A_116 : memref<512xi32, #tpu.memory_space<vmem>>[vector<16xi32>], vector<16xi32>,
    %add3A_117 = arith.constant 134 : i32
    %add3A_118 = vector.broadcast %add3A_117 : i32 to vector<16xi32>
    %add3A_119 = arith.addi %mul3A_5, %add3A_118 : vector<16xi32>
    %add3A_120 = arith.constant 6 : i32
    %add3A_121 = vector.broadcast %add3A_120 : i32 to vector<16xi32>
    %add3A_122 = arith.addi %get3A_80, %add3A_121 : vector<16xi32>
    tpu.vector_store_idx %arg7[%add3A_119], %add3A_122 : memref<512xi32, #tpu.memory_space<vmem>>[vector<16xi32>], vector<16xi32>,
    %add3A_123 = arith.constant 135 : i32
    %add3A_124 = vector.broadcast %add3A_123 : i32 to vector<16xi32>
    %add3A_125 = arith.addi %mul3A_5, %add3A_124 : vector<16xi32>
    %add3A_126 = arith.constant 7 : i32
    %add3A_127 = vector.broadcast %add3A_126 : i32 to vector<16xi32>
    %add3A_128 = arith.addi %get3A_80, %add3A_127 : vector<16xi32>
    tpu.vector_store_idx %arg7[%add3A_125], %add3A_128 : memref<512xi32, #tpu.memory_space<vmem>>[vector<16xi32>], vector<16xi32>,
    %dma_start3A_129 = arith.constant 1 : i32
    %dma_start3A_130 = arith.constant 0 : i32
    %dma_start3A_131 = arith.constant 0 : i32
    %dma_start3A_132 = tpu.memref_slice %arg8[%dma_start3A_129, %dma_start3A_130, %dma_start3A_131] : memref<4x128x128xf32, #tpu.memory_space<vmem>> -> memref<1x128x128xf32, #tpu.memory_space<vmem>>
    %dma_start3A_133 = tpu.memref_squeeze %dma_start3A_132 : memref<1x128x128xf32, #tpu.memory_space<vmem>> -> memref<128x128xf32, #tpu.memory_space<vmem>>
    %dma_start3A_134 = arith.constant 128 : i32
    %dma_start3A_135 = tpu.memref_slice %arg7[%dma_start3A_134] : memref<512xi32, #tpu.memory_space<vmem>> -> memref<128xi32, #tpu.memory_space<vmem>>
    %dma_start3A_136 = arith.constant 0 : i32
    %dma_start3A_137 = arith.constant 0 : i32
    %dma_start3A_138 = tpu.memref_slice %arg4[%dma_start3A_136, %dma_start3A_137] : memref<65536x128xf32, #tpu.memory_space<hbm>> -> memref<65536x128xf32, #tpu.memory_space<hbm>>
    tpu.enqueue_indirect_dma source(%dma_start3A_138 : memref<65536x128xf32, #tpu.memory_space<hbm>>) target(%dma_start3A_133 : memref<128x128xf32, #tpu.memory_space<vmem>>) offsets(%dma_start3A_135 : memref<128xi32, #tpu.memory_space<vmem>>) semaphore(%arg12 : memref<!tpu.dma_semaphore, #tpu.memory_space<semaphore_mem>>)
    %add3A_139 = arith.constant 16 : i32
    %add3A_140 = arith.addi %mul3A_2, %add3A_139 : i32
    %dma_start3A_141 = arith.constant 1 : i32
    %dma_start3A_142 = arith.constant 0 : i32
    %dma_start3A_143 = arith.constant 0 : i32
    %dma_start3A_144 = tpu.memref_slice %arg9[%dma_start3A_141, %dma_start3A_142, %dma_start3A_143] : memref<4x16x128xf32, #tpu.memory_space<vmem>> -> memref<1x16x128xf32, #tpu.memory_space<vmem>>
    %dma_start3A_145 = tpu.memref_squeeze %dma_start3A_144 : memref<1x16x128xf32, #tpu.memory_space<vmem>> -> memref<16x128xf32, #tpu.memory_space<vmem>>
    %dma_start3A_146 = arith.constant 0 : i32
    %dma_start3A_147 = tpu.memref_slice %arg3[%add3A_140, %dma_start3A_146] : memref<65536x128xf32, #tpu.memory_space<hbm>> -> memref<16x128xf32, #tpu.memory_space<hbm>>
    %dma_start3A_148 = arith.constant 0 : i32
    %dma_start3A_149 = arith.constant 0 : i32
    %dma_start3A_150 = tpu.memref_slice %arg9[%dma_start3A_141, %dma_start3A_148, %dma_start3A_149] : memref<4x16x128xf32, #tpu.memory_space<vmem>> -> memref<1x16x128xf32, #tpu.memory_space<vmem>>
    %dma_start3A_151 = tpu.memref_squeeze %dma_start3A_150 : memref<1x16x128xf32, #tpu.memory_space<vmem>> -> memref<16x128xf32, #tpu.memory_space<vmem>>
    %dma_start3A_152 = arith.constant 0 : i32
    %dma_start3A_153 = tpu.memref_slice %arg3[%add3A_140, %dma_start3A_152] : memref<65536x128xf32, #tpu.memory_space<hbm>> -> memref<16x128xf32, #tpu.memory_space<hbm>>
    tpu.enqueue_dma source(%dma_start3A_153 : memref<16x128xf32, #tpu.memory_space<hbm>>) target(%dma_start3A_151 : memref<16x128xf32, #tpu.memory_space<vmem>>) target_semaphore(%arg12 : memref<!tpu.dma_semaphore, #tpu.memory_space<semaphore_mem>>)
    %get3A_154 = arith.constant 32 : index
    %get3A_155 = tpu.vector_load %arg6[%get3A_154] {strides = array<i32>} : memref<2048xi32, #tpu.memory_space<vmem>>, vector<16xi32>,
    %add3A_156 = arith.constant 256 : i32
    %add3A_157 = vector.broadcast %add3A_156 : i32 to vector<16xi32>
    %add3A_158 = arith.addi %mul3A_5, %add3A_157 : vector<16xi32>
    %add3A_159 = arith.constant 0 : i32
    %add3A_160 = vector.broadcast %add3A_159 : i32 to vector<16xi32>
    %add3A_161 = arith.addi %get3A_155, %add3A_160 : vector<16xi32>
    tpu.vector_store_idx %arg7[%add3A_158], %add3A_161 : memref<512xi32, #tpu.memory_space<vmem>>[vector<16xi32>], vector<16xi32>,
    %add3A_162 = arith.constant 257 : i32
    %add3A_163 = vector.broadcast %add3A_162 : i32 to vector<16xi32>
    %add3A_164 = arith.addi %mul3A_5, %add3A_163 : vector<16xi32>
    %add3A_165 = arith.constant 1 : i32
    %add3A_166 = vector.broadcast %add3A_165 : i32 to vector<16xi32>
    %add3A_167 = arith.addi %get3A_155, %add3A_166 : vector<16xi32>
    tpu.vector_store_idx %arg7[%add3A_164], %add3A_167 : memref<512xi32, #tpu.memory_space<vmem>>[vector<16xi32>], vector<16xi32>,
    %add3A_168 = arith.constant 258 : i32
    %add3A_169 = vector.broadcast %add3A_168 : i32 to vector<16xi32>
    %add3A_170 = arith.addi %mul3A_5, %add3A_169 : vector<16xi32>
    %add3A_171 = arith.constant 2 : i32
    %add3A_172 = vector.broadcast %add3A_171 : i32 to vector<16xi32>
    %add3A_173 = arith.addi %get3A_155, %add3A_172 : vector<16xi32>
    tpu.vector_store_idx %arg7[%add3A_170], %add3A_173 : memref<512xi32, #tpu.memory_space<vmem>>[vector<16xi32>], vector<16xi32>,
    %add3A_174 = arith.constant 259 : i32
    %add3A_175 = vector.broadcast %add3A_174 : i32 to vector<16xi32>
    %add3A_176 = arith.addi %mul3A_5, %add3A_175 : vector<16xi32>
    %add3A_177 = arith.constant 3 : i32
    %add3A_178 = vector.broadcast %add3A_177 : i32 to vector<16xi32>
    %add3A_179 = arith.addi %get3A_155, %add3A_178 : vector<16xi32>
    tpu.vector_store_idx %arg7[%add3A_176], %add3A_179 : memref<512xi32, #tpu.memory_space<vmem>>[vector<16xi32>], vector<16xi32>,
    %add3A_180 = arith.constant 260 : i32
    %add3A_181 = vector.broadcast %add3A_180 : i32 to vector<16xi32>
    %add3A_182 = arith.addi %mul3A_5, %add3A_181 : vector<16xi32>
    %add3A_183 = arith.constant 4 : i32
    %add3A_184 = vector.broadcast %add3A_183 : i32 to vector<16xi32>
    %add3A_185 = arith.addi %get3A_155, %add3A_184 : vector<16xi32>
    tpu.vector_store_idx %arg7[%add3A_182], %add3A_185 : memref<512xi32, #tpu.memory_space<vmem>>[vector<16xi32>], vector<16xi32>,
    %add3A_186 = arith.constant 261 : i32
    %add3A_187 = vector.broadcast %add3A_186 : i32 to vector<16xi32>
    %add3A_188 = arith.addi %mul3A_5, %add3A_187 : vector<16xi32>
    %add3A_189 = arith.constant 5 : i32
    %add3A_190 = vector.broadcast %add3A_189 : i32 to vector<16xi32>
    %add3A_191 = arith.addi %get3A_155, %add3A_190 : vector<16xi32>
    tpu.vector_store_idx %arg7[%add3A_188], %add3A_191 : memref<512xi32, #tpu.memory_space<vmem>>[vector<16xi32>], vector<16xi32>,
    %add3A_192 = arith.constant 262 : i32
    %add3A_193 = vector.broadcast %add3A_192 : i32 to vector<16xi32>
    %add3A_194 = arith.addi %mul3A_5, %add3A_193 : vector<16xi32>
    %add3A_195 = arith.constant 6 : i32
    %add3A_196 = vector.broadcast %add3A_195 : i32 to vector<16xi32>
    %add3A_197 = arith.addi %get3A_155, %add3A_196 : vector<16xi32>
    tpu.vector_store_idx %arg7[%add3A_194], %add3A_197 : memref<512xi32, #tpu.memory_space<vmem>>[vector<16xi32>], vector<16xi32>,
    %add3A_198 = arith.constant 263 : i32
    %add3A_199 = vector.broadcast %add3A_198 : i32 to vector<16xi32>
    %add3A_200 = arith.addi %mul3A_5, %add3A_199 : vector<16xi32>
    %add3A_201 = arith.constant 7 : i32
    %add3A_202 = vector.broadcast %add3A_201 : i32 to vector<16xi32>
    %add3A_203 = arith.addi %get3A_155, %add3A_202 : vector<16xi32>
    tpu.vector_store_idx %arg7[%add3A_200], %add3A_203 : memref<512xi32, #tpu.memory_space<vmem>>[vector<16xi32>], vector<16xi32>,
    %dma_start3A_204 = arith.constant 2 : i32
    %dma_start3A_205 = arith.constant 0 : i32
    %dma_start3A_206 = arith.constant 0 : i32
    %dma_start3A_207 = tpu.memref_slice %arg8[%dma_start3A_204, %dma_start3A_205, %dma_start3A_206] : memref<4x128x128xf32, #tpu.memory_space<vmem>> -> memref<1x128x128xf32, #tpu.memory_space<vmem>>
    %dma_start3A_208 = tpu.memref_squeeze %dma_start3A_207 : memref<1x128x128xf32, #tpu.memory_space<vmem>> -> memref<128x128xf32, #tpu.memory_space<vmem>>
    %dma_start3A_209 = arith.constant 256 : i32
    %dma_start3A_210 = tpu.memref_slice %arg7[%dma_start3A_209] : memref<512xi32, #tpu.memory_space<vmem>> -> memref<128xi32, #tpu.memory_space<vmem>>
    %dma_start3A_211 = arith.constant 0 : i32
    %dma_start3A_212 = arith.constant 0 : i32
    %dma_start3A_213 = tpu.memref_slice %arg4[%dma_start3A_211, %dma_start3A_212] : memref<65536x128xf32, #tpu.memory_space<hbm>> -> memref<65536x128xf32, #tpu.memory_space<hbm>>
    tpu.enqueue_indirect_dma source(%dma_start3A_213 : memref<65536x128xf32, #tpu.memory_space<hbm>>) target(%dma_start3A_208 : memref<128x128xf32, #tpu.memory_space<vmem>>) offsets(%dma_start3A_210 : memref<128xi32, #tpu.memory_space<vmem>>) semaphore(%arg13 : memref<!tpu.dma_semaphore, #tpu.memory_space<semaphore_mem>>)
    %add3A_214 = arith.constant 32 : i32
    %add3A_215 = arith.addi %mul3A_2, %add3A_214 : i32
    %dma_start3A_216 = arith.constant 2 : i32
    %dma_start3A_217 = arith.constant 0 : i32
    %dma_start3A_218 = arith.constant 0 : i32
    %dma_start3A_219 = tpu.memref_slice %arg9[%dma_start3A_216, %dma_start3A_217, %dma_start3A_218] : memref<4x16x128xf32, #tpu.memory_space<vmem>> -> memref<1x16x128xf32, #tpu.memory_space<vmem>>
    %dma_start3A_220 = tpu.memref_squeeze %dma_start3A_219 : memref<1x16x128xf32, #tpu.memory_space<vmem>> -> memref<16x128xf32, #tpu.memory_space<vmem>>
    %dma_start3A_221 = arith.constant 0 : i32
    %dma_start3A_222 = tpu.memref_slice %arg3[%add3A_215, %dma_start3A_221] : memref<65536x128xf32, #tpu.memory_space<hbm>> -> memref<16x128xf32, #tpu.memory_space<hbm>>
    %dma_start3A_223 = arith.constant 0 : i32
    %dma_start3A_224 = arith.constant 0 : i32
    %dma_start3A_225 = tpu.memref_slice %arg9[%dma_start3A_216, %dma_start3A_223, %dma_start3A_224] : memref<4x16x128xf32, #tpu.memory_space<vmem>> -> memref<1x16x128xf32, #tpu.memory_space<vmem>>
    %dma_start3A_226 = tpu.memref_squeeze %dma_start3A_225 : memref<1x16x128xf32, #tpu.memory_space<vmem>> -> memref<16x128xf32, #tpu.memory_space<vmem>>
    %dma_start3A_227 = arith.constant 0 : i32
    %dma_start3A_228 = tpu.memref_slice %arg3[%add3A_215, %dma_start3A_227] : memref<65536x128xf32, #tpu.memory_space<hbm>> -> memref<16x128xf32, #tpu.memory_space<hbm>>
    tpu.enqueue_dma source(%dma_start3A_228 : memref<16x128xf32, #tpu.memory_space<hbm>>) target(%dma_start3A_226 : memref<16x128xf32, #tpu.memory_space<vmem>>) target_semaphore(%arg13 : memref<!tpu.dma_semaphore, #tpu.memory_space<semaphore_mem>>)
    %get3A_229 = arith.constant 48 : index
    %get3A_230 = tpu.vector_load %arg6[%get3A_229] {strides = array<i32>} : memref<2048xi32, #tpu.memory_space<vmem>>, vector<16xi32>,
    %add3A_231 = arith.constant 384 : i32
    %add3A_232 = vector.broadcast %add3A_231 : i32 to vector<16xi32>
    %add3A_233 = arith.addi %mul3A_5, %add3A_232 : vector<16xi32>
    %add3A_234 = arith.constant 0 : i32
    %add3A_235 = vector.broadcast %add3A_234 : i32 to vector<16xi32>
    %add3A_236 = arith.addi %get3A_230, %add3A_235 : vector<16xi32>
    tpu.vector_store_idx %arg7[%add3A_233], %add3A_236 : memref<512xi32, #tpu.memory_space<vmem>>[vector<16xi32>], vector<16xi32>,
    %add3A_237 = arith.constant 385 : i32
    %add3A_238 = vector.broadcast %add3A_237 : i32 to vector<16xi32>
    %add3A_239 = arith.addi %mul3A_5, %add3A_238 : vector<16xi32>
    %add3A_240 = arith.constant 1 : i32
    %add3A_241 = vector.broadcast %add3A_240 : i32 to vector<16xi32>
    %add3A_242 = arith.addi %get3A_230, %add3A_241 : vector<16xi32>
    tpu.vector_store_idx %arg7[%add3A_239], %add3A_242 : memref<512xi32, #tpu.memory_space<vmem>>[vector<16xi32>], vector<16xi32>,
    %add3A_243 = arith.constant 386 : i32
    %add3A_244 = vector.broadcast %add3A_243 : i32 to vector<16xi32>
    %add3A_245 = arith.addi %mul3A_5, %add3A_244 : vector<16xi32>
    %add3A_246 = arith.constant 2 : i32
    %add3A_247 = vector.broadcast %add3A_246 : i32 to vector<16xi32>
    %add3A_248 = arith.addi %get3A_230, %add3A_247 : vector<16xi32>
    tpu.vector_store_idx %arg7[%add3A_245], %add3A_248 : memref<512xi32, #tpu.memory_space<vmem>>[vector<16xi32>], vector<16xi32>,
    %add3A_249 = arith.constant 387 : i32
    %add3A_250 = vector.broadcast %add3A_249 : i32 to vector<16xi32>
    %add3A_251 = arith.addi %mul3A_5, %add3A_250 : vector<16xi32>
    %add3A_252 = arith.constant 3 : i32
    %add3A_253 = vector.broadcast %add3A_252 : i32 to vector<16xi32>
    %add3A_254 = arith.addi %get3A_230, %add3A_253 : vector<16xi32>
    tpu.vector_store_idx %arg7[%add3A_251], %add3A_254 : memref<512xi32, #tpu.memory_space<vmem>>[vector<16xi32>], vector<16xi32>,
    %add3A_255 = arith.constant 388 : i32
    %add3A_256 = vector.broadcast %add3A_255 : i32 to vector<16xi32>
    %add3A_257 = arith.addi %mul3A_5, %add3A_256 : vector<16xi32>
    %add3A_258 = arith.constant 4 : i32
    %add3A_259 = vector.broadcast %add3A_258 : i32 to vector<16xi32>
    %add3A_260 = arith.addi %get3A_230, %add3A_259 : vector<16xi32>
    tpu.vector_store_idx %arg7[%add3A_257], %add3A_260 : memref<512xi32, #tpu.memory_space<vmem>>[vector<16xi32>], vector<16xi32>,
    %add3A_261 = arith.constant 389 : i32
    %add3A_262 = vector.broadcast %add3A_261 : i32 to vector<16xi32>
    %add3A_263 = arith.addi %mul3A_5, %add3A_262 : vector<16xi32>
    %add3A_264 = arith.constant 5 : i32
    %add3A_265 = vector.broadcast %add3A_264 : i32 to vector<16xi32>
    %add3A_266 = arith.addi %get3A_230, %add3A_265 : vector<16xi32>
    tpu.vector_store_idx %arg7[%add3A_263], %add3A_266 : memref<512xi32, #tpu.memory_space<vmem>>[vector<16xi32>], vector<16xi32>,
    %add3A_267 = arith.constant 390 : i32
    %add3A_268 = vector.broadcast %add3A_267 : i32 to vector<16xi32>
    %add3A_269 = arith.addi %mul3A_5, %add3A_268 : vector<16xi32>
    %add3A_270 = arith.constant 6 : i32
    %add3A_271 = vector.broadcast %add3A_270 : i32 to vector<16xi32>
    %add3A_272 = arith.addi %get3A_230, %add3A_271 : vector<16xi32>
    tpu.vector_store_idx %arg7[%add3A_269], %add3A_272 : memref<512xi32, #tpu.memory_space<vmem>>[vector<16xi32>], vector<16xi32>,
    %add3A_273 = arith.constant 391 : i32
    %add3A_274 = vector.broadcast %add3A_273 : i32 to vector<16xi32>
    %add3A_275 = arith.addi %mul3A_5, %add3A_274 : vector<16xi32>
    %add3A_276 = arith.constant 7 : i32
    %add3A_277 = vector.broadcast %add3A_276 : i32 to vector<16xi32>
    %add3A_278 = arith.addi %get3A_230, %add3A_277 : vector<16xi32>
    tpu.vector_store_idx %arg7[%add3A_275], %add3A_278 : memref<512xi32, #tpu.memory_space<vmem>>[vector<16xi32>], vector<16xi32>,
    %dma_start3A_279 = arith.constant 3 : i32
    %dma_start3A_280 = arith.constant 0 : i32
    %dma_start3A_281 = arith.constant 0 : i32
    %dma_start3A_282 = tpu.memref_slice %arg8[%dma_start3A_279, %dma_start3A_280, %dma_start3A_281] : memref<4x128x128xf32, #tpu.memory_space<vmem>> -> memref<1x128x128xf32, #tpu.memory_space<vmem>>
    %dma_start3A_283 = tpu.memref_squeeze %dma_start3A_282 : memref<1x128x128xf32, #tpu.memory_space<vmem>> -> memref<128x128xf32, #tpu.memory_space<vmem>>
    %dma_start3A_284 = arith.constant 384 : i32
    %dma_start3A_285 = tpu.memref_slice %arg7[%dma_start3A_284] : memref<512xi32, #tpu.memory_space<vmem>> -> memref<128xi32, #tpu.memory_space<vmem>>
    %dma_start3A_286 = arith.constant 0 : i32
    %dma_start3A_287 = arith.constant 0 : i32
    %dma_start3A_288 = tpu.memref_slice %arg4[%dma_start3A_286, %dma_start3A_287] : memref<65536x128xf32, #tpu.memory_space<hbm>> -> memref<65536x128xf32, #tpu.memory_space<hbm>>
    tpu.enqueue_indirect_dma source(%dma_start3A_288 : memref<65536x128xf32, #tpu.memory_space<hbm>>) target(%dma_start3A_283 : memref<128x128xf32, #tpu.memory_space<vmem>>) offsets(%dma_start3A_285 : memref<128xi32, #tpu.memory_space<vmem>>) semaphore(%arg14 : memref<!tpu.dma_semaphore, #tpu.memory_space<semaphore_mem>>)
    %add3A_289 = arith.constant 48 : i32
    %add3A_290 = arith.addi %mul3A_2, %add3A_289 : i32
    %dma_start3A_291 = arith.constant 3 : i32
    %dma_start3A_292 = arith.constant 0 : i32
    %dma_start3A_293 = arith.constant 0 : i32
    %dma_start3A_294 = tpu.memref_slice %arg9[%dma_start3A_291, %dma_start3A_292, %dma_start3A_293] : memref<4x16x128xf32, #tpu.memory_space<vmem>> -> memref<1x16x128xf32, #tpu.memory_space<vmem>>
    %dma_start3A_295 = tpu.memref_squeeze %dma_start3A_294 : memref<1x16x128xf32, #tpu.memory_space<vmem>> -> memref<16x128xf32, #tpu.memory_space<vmem>>
    %dma_start3A_296 = arith.constant 0 : i32
    %dma_start3A_297 = tpu.memref_slice %arg3[%add3A_290, %dma_start3A_296] : memref<65536x128xf32, #tpu.memory_space<hbm>> -> memref<16x128xf32, #tpu.memory_space<hbm>>
    %dma_start3A_298 = arith.constant 0 : i32
    %dma_start3A_299 = arith.constant 0 : i32
    %dma_start3A_300 = tpu.memref_slice %arg9[%dma_start3A_291, %dma_start3A_298, %dma_start3A_299] : memref<4x16x128xf32, #tpu.memory_space<vmem>> -> memref<1x16x128xf32, #tpu.memory_space<vmem>>
    %dma_start3A_301 = tpu.memref_squeeze %dma_start3A_300 : memref<1x16x128xf32, #tpu.memory_space<vmem>> -> memref<16x128xf32, #tpu.memory_space<vmem>>
    %dma_start3A_302 = arith.constant 0 : i32
    %dma_start3A_303 = tpu.memref_slice %arg3[%add3A_290, %dma_start3A_302] : memref<65536x128xf32, #tpu.memory_space<hbm>> -> memref<16x128xf32, #tpu.memory_space<hbm>>
    tpu.enqueue_dma source(%dma_start3A_303 : memref<16x128xf32, #tpu.memory_space<hbm>>) target(%dma_start3A_301 : memref<16x128xf32, #tpu.memory_space<vmem>>) target_semaphore(%arg14 : memref<!tpu.dma_semaphore, #tpu.memory_space<semaphore_mem>>)
    %scan3A = arith.constant 0 : i32
    %scan3A_304 = arith.constant 0 : i32
    %scan3A_305 = arith.constant 32 : i32
    %scan3A_306 = arith.addi %scan3A_304, %scan3A_305 : i32
    %scan3A_307 = arith.constant 1 : i32
    scf.for %scan3A_360 = %scan3A_304 to %scan3A_306 step %scan3A_307  : i32 {
      %mul3A_361 = arith.constant 4 : i32
      %mul3A_362 = arith.muli %mul3A_361, %scan3A_360 : i32
      %add3A_363 = arith.constant 0 : i32
      %add3A_364 = arith.addi %mul3A_362, %add3A_363 : i32
      %dma_wait3A_365 = arith.constant 0 : i32
      %dma_wait3A_366 = arith.constant 0 : i32
      %dma_wait3A_367 = arith.constant 0 : i32
      %dma_wait3A_368 = tpu.memref_slice %arg8[%dma_wait3A_365, %dma_wait3A_366, %dma_wait3A_367] : memref<4x128x128xf32, #tpu.memory_space<vmem>> -> memref<1x128x128xf32, #tpu.memory_space<vmem>>
      %dma_wait3A_369 = tpu.memref_squeeze %dma_wait3A_368 : memref<1x128x128xf32, #tpu.memory_space<vmem>> -> memref<128x128xf32, #tpu.memory_space<vmem>>
      %dma_wait3A_370 = arith.constant 0 : i32
      %dma_wait3A_371 = tpu.memref_slice %arg7[%dma_wait3A_370] : memref<512xi32, #tpu.memory_space<vmem>> -> memref<128xi32, #tpu.memory_space<vmem>>
      %dma_wait3A_372 = arith.constant 0 : i32
      %dma_wait3A_373 = arith.constant 0 : i32
      %dma_wait3A_374 = tpu.memref_slice %arg4[%dma_wait3A_372, %dma_wait3A_373] : memref<65536x128xf32, #tpu.memory_space<hbm>> -> memref<65536x128xf32, #tpu.memory_space<hbm>>
      tpu.wait_indirect_dma semaphore(%arg11 : memref<!tpu.dma_semaphore, #tpu.memory_space<semaphore_mem>>) src(%dma_wait3A_374 : memref<65536x128xf32, #tpu.memory_space<hbm>>) dst(%dma_wait3A_369 : memref<128x128xf32, #tpu.memory_space<vmem>>)
      %dma_wait3A_375 = arith.constant 0 : i32
      %dma_wait3A_376 = arith.constant 0 : i32
      %dma_wait3A_377 = arith.constant 0 : i32
      %dma_wait3A_378 = tpu.memref_slice %arg9[%dma_wait3A_375, %dma_wait3A_376, %dma_wait3A_377] : memref<4x16x128xf32, #tpu.memory_space<vmem>> -> memref<1x16x128xf32, #tpu.memory_space<vmem>>
      %dma_wait3A_379 = tpu.memref_squeeze %dma_wait3A_378 : memref<1x16x128xf32, #tpu.memory_space<vmem>> -> memref<16x128xf32, #tpu.memory_space<vmem>>
      %dma_wait3A_380 = arith.constant 0 : i32
      %dma_wait3A_381 = tpu.memref_slice %arg3[%mul3A_2, %dma_wait3A_380] : memref<65536x128xf32, #tpu.memory_space<hbm>> -> memref<16x128xf32, #tpu.memory_space<hbm>>
      %dma_wait3A_382 = arith.constant 0 : i32
      %dma_wait3A_383 = arith.constant 0 : i32
      %dma_wait3A_384 = tpu.memref_slice %arg9[%dma_wait3A_375, %dma_wait3A_382, %dma_wait3A_383] : memref<4x16x128xf32, #tpu.memory_space<vmem>> -> memref<1x16x128xf32, #tpu.memory_space<vmem>>
      %dma_wait3A_385 = tpu.memref_squeeze %dma_wait3A_384 : memref<1x16x128xf32, #tpu.memory_space<vmem>> -> memref<16x128xf32, #tpu.memory_space<vmem>>
      %dma_wait3A_386 = arith.constant 0 : i32
      %dma_wait3A_387 = tpu.memref_slice %arg3[%mul3A_2, %dma_wait3A_386] : memref<65536x128xf32, #tpu.memory_space<hbm>> -> memref<16x128xf32, #tpu.memory_space<hbm>>
      tpu.wait_dma2 semaphore(%arg11 : memref<!tpu.dma_semaphore, #tpu.memory_space<semaphore_mem>>) src(%dma_wait3A_387 : memref<16x128xf32, #tpu.memory_space<hbm>>) dst(%dma_wait3A_385 : memref<16x128xf32, #tpu.memory_space<vmem>>)
      %ge3A = arith.constant 4 : i32
      %ge3A_388 = arith.cmpi sge, %add3A_364, %ge3A : i32
      %convert_element_type3A = arith.extui %ge3A_388 : i1 to i32
      %cond3A = arith.constant 0 : i32
      %cond3A_389 = arith.cmpi ne, %convert_element_type3A, %cond3A : i32
      scf.if %cond3A_389 {
        %dma_wait3A_601 = arith.constant 0 : i32
        %dma_wait3A_602 = arith.constant 0 : i32
        %dma_wait3A_603 = arith.constant 0 : i32
        %dma_wait3A_604 = tpu.memref_slice %arg10[%dma_wait3A_601, %dma_wait3A_602, %dma_wait3A_603] : memref<4x16x128xf32, #tpu.memory_space<vmem>> -> memref<1x16x128xf32, #tpu.memory_space<vmem>>
        %dma_wait3A_605 = tpu.memref_squeeze %dma_wait3A_604 : memref<1x16x128xf32, #tpu.memory_space<vmem>> -> memref<16x128xf32, #tpu.memory_space<vmem>>
        %dma_wait3A_606 = arith.constant 0 : i32
        %dma_wait3A_607 = tpu.memref_slice %arg5[%mul3A_2, %dma_wait3A_606] : memref<65536x128xf32, #tpu.memory_space<hbm>> -> memref<16x128xf32, #tpu.memory_space<hbm>>
        %dma_wait3A_608 = arith.constant 0 : i32
        %dma_wait3A_609 = tpu.memref_slice %arg5[%mul3A_2, %dma_wait3A_608] : memref<65536x128xf32, #tpu.memory_space<hbm>> -> memref<16x128xf32, #tpu.memory_space<hbm>>
        %dma_wait3A_610 = arith.constant 0 : i32
        %dma_wait3A_611 = arith.constant 0 : i32
        %dma_wait3A_612 = tpu.memref_slice %arg10[%dma_wait3A_601, %dma_wait3A_610, %dma_wait3A_611] : memref<4x16x128xf32, #tpu.memory_space<vmem>> -> memref<1x16x128xf32, #tpu.memory_space<vmem>>
        %dma_wait3A_613 = tpu.memref_squeeze %dma_wait3A_612 : memref<1x16x128xf32, #tpu.memory_space<vmem>> -> memref<16x128xf32, #tpu.memory_space<vmem>>
        tpu.wait_dma2 semaphore(%arg15 : memref<!tpu.dma_semaphore, #tpu.memory_space<semaphore_mem>>) src(%dma_wait3A_613 : memref<16x128xf32, #tpu.memory_space<vmem>>) dst(%dma_wait3A_609 : memref<16x128xf32, #tpu.memory_space<hbm>>)
      } else {
      }
      %scan3A_390 = arith.constant 0 : i32
      %scan3A_391 = arith.constant 0 : i32
      %scan3A_392 = arith.constant 16 : i32
      %scan3A_393 = arith.addi %scan3A_391, %scan3A_392 : i32
      %scan3A_394 = arith.constant 1 : i32
      scf.for %scan3A_601 = %scan3A_391 to %scan3A_393 step %scan3A_394  : i32 {
        %mul3A_602 = arith.constant 8 : i32
        %mul3A_603 = arith.muli %scan3A_601, %mul3A_602 : i32
        %get3A_604 = arith.constant 0 : i32
        %get3A_605 = arith.index_cast %get3A_604 : i32 to index
        %get3A_606 = arith.index_cast %scan3A_601 : i32 to index
        %get3A_607 = arith.constant 0 : index
        %get3A_608 = tpu.vector_load %arg9[%get3A_605, %get3A_606, %get3A_607] {strides = array<i32>} : memref<4x16x128xf32, #tpu.memory_space<vmem>>, vector<16xf32>,
        %get3A_609 = arith.constant 0 : i32
        %get3A_610 = arith.index_cast %get3A_609 : i32 to index
        %get3A_611 = arith.index_cast %scan3A_601 : i32 to index
        %get3A_612 = arith.constant 16 : index
        %get3A_613 = tpu.vector_load %arg9[%get3A_610, %get3A_611, %get3A_612] {strides = array<i32>} : memref<4x16x128xf32, #tpu.memory_space<vmem>>, vector<16xf32>,
        %get3A_614 = arith.constant 0 : i32
        %get3A_615 = arith.index_cast %get3A_614 : i32 to index
        %get3A_616 = arith.index_cast %scan3A_601 : i32 to index
        %get3A_617 = arith.constant 32 : index
        %get3A_618 = tpu.vector_load %arg9[%get3A_615, %get3A_616, %get3A_617] {strides = array<i32>} : memref<4x16x128xf32, #tpu.memory_space<vmem>>, vector<16xf32>,
        %get3A_619 = arith.constant 0 : i32
        %get3A_620 = arith.index_cast %get3A_619 : i32 to index
        %get3A_621 = arith.index_cast %scan3A_601 : i32 to index
        %get3A_622 = arith.constant 48 : index
        %get3A_623 = tpu.vector_load %arg9[%get3A_620, %get3A_621, %get3A_622] {strides = array<i32>} : memref<4x16x128xf32, #tpu.memory_space<vmem>>, vector<16xf32>,
        %get3A_624 = arith.constant 0 : i32
        %get3A_625 = arith.index_cast %get3A_624 : i32 to index
        %get3A_626 = arith.index_cast %scan3A_601 : i32 to index
        %get3A_627 = arith.constant 64 : index
        %get3A_628 = tpu.vector_load %arg9[%get3A_625, %get3A_626, %get3A_627] {strides = array<i32>} : memref<4x16x128xf32, #tpu.memory_space<vmem>>, vector<16xf32>,
        %get3A_629 = arith.constant 0 : i32
        %get3A_630 = arith.index_cast %get3A_629 : i32 to index
        %get3A_631 = arith.index_cast %scan3A_601 : i32 to index
        %get3A_632 = arith.constant 80 : index
        %get3A_633 = tpu.vector_load %arg9[%get3A_630, %get3A_631, %get3A_632] {strides = array<i32>} : memref<4x16x128xf32, #tpu.memory_space<vmem>>, vector<16xf32>,
        %get3A_634 = arith.constant 0 : i32
        %get3A_635 = arith.index_cast %get3A_634 : i32 to index
        %get3A_636 = arith.index_cast %scan3A_601 : i32 to index
        %get3A_637 = arith.constant 96 : index
        %get3A_638 = tpu.vector_load %arg9[%get3A_635, %get3A_636, %get3A_637] {strides = array<i32>} : memref<4x16x128xf32, #tpu.memory_space<vmem>>, vector<16xf32>,
        %get3A_639 = arith.constant 0 : i32
        %get3A_640 = arith.index_cast %get3A_639 : i32 to index
        %get3A_641 = arith.index_cast %scan3A_601 : i32 to index
        %get3A_642 = arith.constant 112 : index
        %get3A_643 = tpu.vector_load %arg9[%get3A_640, %get3A_641, %get3A_642] {strides = array<i32>} : memref<4x16x128xf32, #tpu.memory_space<vmem>>, vector<16xf32>,
        %get3A_644 = arith.constant 0 : i32
        %get3A_645 = arith.index_cast %get3A_644 : i32 to index
        %get3A_646 = arith.index_cast %mul3A_603 : i32 to index
        %get3A_647 = arith.constant 0 : index
        %get3A_648 = tpu.vector_load %arg8[%get3A_645, %get3A_646, %get3A_647] {strides = array<i32>} : memref<4x128x128xf32, #tpu.memory_space<vmem>>, vector<16xf32>,
        %mul3A_649 = arith.mulf %get3A_608, %get3A_648 : vector<16xf32>
        %add3A_650 = arith.constant 1 : i32
        %add3A_651 = arith.addi %mul3A_603, %add3A_650 : i32
        %get3A_652 = arith.constant 0 : i32
        %get3A_653 = arith.index_cast %get3A_652 : i32 to index
        %get3A_654 = arith.index_cast %add3A_651 : i32 to index
        %get3A_655 = arith.constant 0 : index
        %get3A_656 = tpu.vector_load %arg8[%get3A_653, %get3A_654, %get3A_655] {strides = array<i32>} : memref<4x128x128xf32, #tpu.memory_space<vmem>>, vector<16xf32>,
        %mul3A_657 = arith.mulf %get3A_613, %get3A_656 : vector<16xf32>
        %add3A_658 = arith.addf %mul3A_649, %mul3A_657 : vector<16xf32>
        %add3A_659 = arith.constant 2 : i32
        %add3A_660 = arith.addi %mul3A_603, %add3A_659 : i32
        %get3A_661 = arith.constant 0 : i32
        %get3A_662 = arith.index_cast %get3A_661 : i32 to index
        %get3A_663 = arith.index_cast %add3A_660 : i32 to index
        %get3A_664 = arith.constant 0 : index
        %get3A_665 = tpu.vector_load %arg8[%get3A_662, %get3A_663, %get3A_664] {strides = array<i32>} : memref<4x128x128xf32, #tpu.memory_space<vmem>>, vector<16xf32>,
        %mul3A_666 = arith.mulf %get3A_618, %get3A_665 : vector<16xf32>
        %add3A_667 = arith.constant 3 : i32
        %add3A_668 = arith.addi %mul3A_603, %add3A_667 : i32
        %get3A_669 = arith.constant 0 : i32
        %get3A_670 = arith.index_cast %get3A_669 : i32 to index
        %get3A_671 = arith.index_cast %add3A_668 : i32 to index
        %get3A_672 = arith.constant 0 : index
        %get3A_673 = tpu.vector_load %arg8[%get3A_670, %get3A_671, %get3A_672] {strides = array<i32>} : memref<4x128x128xf32, #tpu.memory_space<vmem>>, vector<16xf32>,
        %mul3A_674 = arith.mulf %get3A_623, %get3A_673 : vector<16xf32>
        %add3A_675 = arith.addf %mul3A_666, %mul3A_674 : vector<16xf32>
        %add3A_676 = arith.constant 4 : i32
        %add3A_677 = arith.addi %mul3A_603, %add3A_676 : i32
        %get3A_678 = arith.constant 0 : i32
        %get3A_679 = arith.index_cast %get3A_678 : i32 to index
        %get3A_680 = arith.index_cast %add3A_677 : i32 to index
        %get3A_681 = arith.constant 0 : index
        %get3A_682 = tpu.vector_load %arg8[%get3A_679, %get3A_680, %get3A_681] {strides = array<i32>} : memref<4x128x128xf32, #tpu.memory_space<vmem>>, vector<16xf32>,
        %mul3A_683 = arith.mulf %get3A_628, %get3A_682 : vector<16xf32>
        %add3A_684 = arith.constant 5 : i32
        %add3A_685 = arith.addi %mul3A_603, %add3A_684 : i32
        %get3A_686 = arith.constant 0 : i32
        %get3A_687 = arith.index_cast %get3A_686 : i32 to index
        %get3A_688 = arith.index_cast %add3A_685 : i32 to index
        %get3A_689 = arith.constant 0 : index
        %get3A_690 = tpu.vector_load %arg8[%get3A_687, %get3A_688, %get3A_689] {strides = array<i32>} : memref<4x128x128xf32, #tpu.memory_space<vmem>>, vector<16xf32>,
        %mul3A_691 = arith.mulf %get3A_633, %get3A_690 : vector<16xf32>
        %add3A_692 = arith.addf %mul3A_683, %mul3A_691 : vector<16xf32>
        %add3A_693 = arith.constant 6 : i32
        %add3A_694 = arith.addi %mul3A_603, %add3A_693 : i32
        %get3A_695 = arith.constant 0 : i32
        %get3A_696 = arith.index_cast %get3A_695 : i32 to index
        %get3A_697 = arith.index_cast %add3A_694 : i32 to index
        %get3A_698 = arith.constant 0 : index
        %get3A_699 = tpu.vector_load %arg8[%get3A_696, %get3A_697, %get3A_698] {strides = array<i32>} : memref<4x128x128xf32, #tpu.memory_space<vmem>>, vector<16xf32>,
        %mul3A_700 = arith.mulf %get3A_638, %get3A_699 : vector<16xf32>
        %add3A_701 = arith.constant 7 : i32
        %add3A_702 = arith.addi %mul3A_603, %add3A_701 : i32
        %get3A_703 = arith.constant 0 : i32
        %get3A_704 = arith.index_cast %get3A_703 : i32 to index
        %get3A_705 = arith.index_cast %add3A_702 : i32 to index
        %get3A_706 = arith.constant 0 : index
        %get3A_707 = tpu.vector_load %arg8[%get3A_704, %get3A_705, %get3A_706] {strides = array<i32>} : memref<4x128x128xf32, #tpu.memory_space<vmem>>, vector<16xf32>,
        %mul3A_708 = arith.mulf %get3A_643, %get3A_707 : vector<16xf32>
        %add3A_709 = arith.addf %mul3A_700, %mul3A_708 : vector<16xf32>
        %add3A_710 = arith.addf %add3A_658, %add3A_675 : vector<16xf32>
        %add3A_711 = arith.addf %add3A_692, %add3A_709 : vector<16xf32>
        %add3A_712 = arith.addf %add3A_710, %add3A_711 : vector<16xf32>
        %swap3A = arith.constant 0 : i32
        %swap3A_713 = arith.index_cast %swap3A : i32 to index
        %swap3A_714 = arith.index_cast %scan3A_601 : i32 to index
        %swap3A_715 = arith.constant 0 : index
        %swap3A_716 = tpu.vector_load %arg10[%swap3A_713, %swap3A_714, %swap3A_715] {strides = array<i32>} : memref<4x16x128xf32, #tpu.memory_space<vmem>>, vector<16xf32>,
        tpu.vector_store %arg10[%swap3A_713, %swap3A_714, %swap3A_715], %add3A_712 {strides = array<i32>} : memref<4x16x128xf32, #tpu.memory_space<vmem>>, vector<16xf32>,
        %get3A_717 = arith.constant 0 : i32
        %get3A_718 = arith.index_cast %get3A_717 : i32 to index
        %get3A_719 = arith.index_cast %mul3A_603 : i32 to index
        %get3A_720 = arith.constant 16 : index
        %get3A_721 = tpu.vector_load %arg8[%get3A_718, %get3A_719, %get3A_720] {strides = array<i32>} : memref<4x128x128xf32, #tpu.memory_space<vmem>>, vector<16xf32>,
        %mul3A_722 = arith.mulf %get3A_608, %get3A_721 : vector<16xf32>
        %add3A_723 = arith.constant 1 : i32
        %add3A_724 = arith.addi %mul3A_603, %add3A_723 : i32
        %get3A_725 = arith.constant 0 : i32
        %get3A_726 = arith.index_cast %get3A_725 : i32 to index
        %get3A_727 = arith.index_cast %add3A_724 : i32 to index
        %get3A_728 = arith.constant 16 : index
        %get3A_729 = tpu.vector_load %arg8[%get3A_726, %get3A_727, %get3A_728] {strides = array<i32>} : memref<4x128x128xf32, #tpu.memory_space<vmem>>, vector<16xf32>,
        %mul3A_730 = arith.mulf %get3A_613, %get3A_729 : vector<16xf32>
        %add3A_731 = arith.addf %mul3A_722, %mul3A_730 : vector<16xf32>
        %add3A_732 = arith.constant 2 : i32
        %add3A_733 = arith.addi %mul3A_603, %add3A_732 : i32
        %get3A_734 = arith.constant 0 : i32
        %get3A_735 = arith.index_cast %get3A_734 : i32 to index
        %get3A_736 = arith.index_cast %add3A_733 : i32 to index
        %get3A_737 = arith.constant 16 : index
        %get3A_738 = tpu.vector_load %arg8[%get3A_735, %get3A_736, %get3A_737] {strides = array<i32>} : memref<4x128x128xf32, #tpu.memory_space<vmem>>, vector<16xf32>,
        %mul3A_739 = arith.mulf %get3A_618, %get3A_738 : vector<16xf32>
        %add3A_740 = arith.constant 3 : i32
        %add3A_741 = arith.addi %mul3A_603, %add3A_740 : i32
        %get3A_742 = arith.constant 0 : i32
        %get3A_743 = arith.index_cast %get3A_742 : i32 to index
        %get3A_744 = arith.index_cast %add3A_741 : i32 to index
        %get3A_745 = arith.constant 16 : index
        %get3A_746 = tpu.vector_load %arg8[%get3A_743, %get3A_744, %get3A_745] {strides = array<i32>} : memref<4x128x128xf32, #tpu.memory_space<vmem>>, vector<16xf32>,
        %mul3A_747 = arith.mulf %get3A_623, %get3A_746 : vector<16xf32>
        %add3A_748 = arith.addf %mul3A_739, %mul3A_747 : vector<16xf32>
        %add3A_749 = arith.constant 4 : i32
        %add3A_750 = arith.addi %mul3A_603, %add3A_749 : i32
        %get3A_751 = arith.constant 0 : i32
        %get3A_752 = arith.index_cast %get3A_751 : i32 to index
        %get3A_753 = arith.index_cast %add3A_750 : i32 to index
        %get3A_754 = arith.constant 16 : index
        %get3A_755 = tpu.vector_load %arg8[%get3A_752, %get3A_753, %get3A_754] {strides = array<i32>} : memref<4x128x128xf32, #tpu.memory_space<vmem>>, vector<16xf32>,
        %mul3A_756 = arith.mulf %get3A_628, %get3A_755 : vector<16xf32>
        %add3A_757 = arith.constant 5 : i32
        %add3A_758 = arith.addi %mul3A_603, %add3A_757 : i32
        %get3A_759 = arith.constant 0 : i32
        %get3A_760 = arith.index_cast %get3A_759 : i32 to index
        %get3A_761 = arith.index_cast %add3A_758 : i32 to index
        %get3A_762 = arith.constant 16 : index
        %get3A_763 = tpu.vector_load %arg8[%get3A_760, %get3A_761, %get3A_762] {strides = array<i32>} : memref<4x128x128xf32, #tpu.memory_space<vmem>>, vector<16xf32>,
        %mul3A_764 = arith.mulf %get3A_633, %get3A_763 : vector<16xf32>
        %add3A_765 = arith.addf %mul3A_756, %mul3A_764 : vector<16xf32>
        %add3A_766 = arith.constant 6 : i32
        %add3A_767 = arith.addi %mul3A_603, %add3A_766 : i32
        %get3A_768 = arith.constant 0 : i32
        %get3A_769 = arith.index_cast %get3A_768 : i32 to index
        %get3A_770 = arith.index_cast %add3A_767 : i32 to index
        %get3A_771 = arith.constant 16 : index
        %get3A_772 = tpu.vector_load %arg8[%get3A_769, %get3A_770, %get3A_771] {strides = array<i32>} : memref<4x128x128xf32, #tpu.memory_space<vmem>>, vector<16xf32>,
        %mul3A_773 = arith.mulf %get3A_638, %get3A_772 : vector<16xf32>
        %add3A_774 = arith.constant 7 : i32
        %add3A_775 = arith.addi %mul3A_603, %add3A_774 : i32
        %get3A_776 = arith.constant 0 : i32
        %get3A_777 = arith.index_cast %get3A_776 : i32 to index
        %get3A_778 = arith.index_cast %add3A_775 : i32 to index
        %get3A_779 = arith.constant 16 : index
        %get3A_780 = tpu.vector_load %arg8[%get3A_777, %get3A_778, %get3A_779] {strides = array<i32>} : memref<4x128x128xf32, #tpu.memory_space<vmem>>, vector<16xf32>,
        %mul3A_781 = arith.mulf %get3A_643, %get3A_780 : vector<16xf32>
        %add3A_782 = arith.addf %mul3A_773, %mul3A_781 : vector<16xf32>
        %add3A_783 = arith.addf %add3A_731, %add3A_748 : vector<16xf32>
        %add3A_784 = arith.addf %add3A_765, %add3A_782 : vector<16xf32>
        %add3A_785 = arith.addf %add3A_783, %add3A_784 : vector<16xf32>
        %swap3A_786 = arith.constant 0 : i32
        %swap3A_787 = arith.index_cast %swap3A_786 : i32 to index
        %swap3A_788 = arith.index_cast %scan3A_601 : i32 to index
        %swap3A_789 = arith.constant 16 : index
        %swap3A_790 = tpu.vector_load %arg10[%swap3A_787, %swap3A_788, %swap3A_789] {strides = array<i32>} : memref<4x16x128xf32, #tpu.memory_space<vmem>>, vector<16xf32>,
        tpu.vector_store %arg10[%swap3A_787, %swap3A_788, %swap3A_789], %add3A_785 {strides = array<i32>} : memref<4x16x128xf32, #tpu.memory_space<vmem>>, vector<16xf32>,
        %get3A_791 = arith.constant 0 : i32
        %get3A_792 = arith.index_cast %get3A_791 : i32 to index
        %get3A_793 = arith.index_cast %mul3A_603 : i32 to index
        %get3A_794 = arith.constant 32 : index
        %get3A_795 = tpu.vector_load %arg8[%get3A_792, %get3A_793, %get3A_794] {strides = array<i32>} : memref<4x128x128xf32, #tpu.memory_space<vmem>>, vector<16xf32>,
        %mul3A_796 = arith.mulf %get3A_608, %get3A_795 : vector<16xf32>
        %add3A_797 = arith.constant 1 : i32
        %add3A_798 = arith.addi %mul3A_603, %add3A_797 : i32
        %get3A_799 = arith.constant 0 : i32
        %get3A_800 = arith.index_cast %get3A_799 : i32 to index
        %get3A_801 = arith.index_cast %add3A_798 : i32 to index
        %get3A_802 = arith.constant 32 : index
        %get3A_803 = tpu.vector_load %arg8[%get3A_800, %get3A_801, %get3A_802] {strides = array<i32>} : memref<4x128x128xf32, #tpu.memory_space<vmem>>, vector<16xf32>,
        %mul3A_804 = arith.mulf %get3A_613, %get3A_803 : vector<16xf32>
        %add3A_805 = arith.addf %mul3A_796, %mul3A_804 : vector<16xf32>
        %add3A_806 = arith.constant 2 : i32
        %add3A_807 = arith.addi %mul3A_603, %add3A_806 : i32
        %get3A_808 = arith.constant 0 : i32
        %get3A_809 = arith.index_cast %get3A_808 : i32 to index
        %get3A_810 = arith.index_cast %add3A_807 : i32 to index
        %get3A_811 = arith.constant 32 : index
        %get3A_812 = tpu.vector_load %arg8[%get3A_809, %get3A_810, %get3A_811] {strides = array<i32>} : memref<4x128x128xf32, #tpu.memory_space<vmem>>, vector<16xf32>,
        %mul3A_813 = arith.mulf %get3A_618, %get3A_812 : vector<16xf32>
        %add3A_814 = arith.constant 3 : i32
        %add3A_815 = arith.addi %mul3A_603, %add3A_814 : i32
        %get3A_816 = arith.constant 0 : i32
        %get3A_817 = arith.index_cast %get3A_816 : i32 to index
        %get3A_818 = arith.index_cast %add3A_815 : i32 to index
        %get3A_819 = arith.constant 32 : index
        %get3A_820 = tpu.vector_load %arg8[%get3A_817, %get3A_818, %get3A_819] {strides = array<i32>} : memref<4x128x128xf32, #tpu.memory_space<vmem>>, vector<16xf32>,
        %mul3A_821 = arith.mulf %get3A_623, %get3A_820 : vector<16xf32>
        %add3A_822 = arith.addf %mul3A_813, %mul3A_821 : vector<16xf32>
        %add3A_823 = arith.constant 4 : i32
        %add3A_824 = arith.addi %mul3A_603, %add3A_823 : i32
        %get3A_825 = arith.constant 0 : i32
        %get3A_826 = arith.index_cast %get3A_825 : i32 to index
        %get3A_827 = arith.index_cast %add3A_824 : i32 to index
        %get3A_828 = arith.constant 32 : index
        %get3A_829 = tpu.vector_load %arg8[%get3A_826, %get3A_827, %get3A_828] {strides = array<i32>} : memref<4x128x128xf32, #tpu.memory_space<vmem>>, vector<16xf32>,
        %mul3A_830 = arith.mulf %get3A_628, %get3A_829 : vector<16xf32>
        %add3A_831 = arith.constant 5 : i32
        %add3A_832 = arith.addi %mul3A_603, %add3A_831 : i32
        %get3A_833 = arith.constant 0 : i32
        %get3A_834 = arith.index_cast %get3A_833 : i32 to index
        %get3A_835 = arith.index_cast %add3A_832 : i32 to index
        %get3A_836 = arith.constant 32 : index
        %get3A_837 = tpu.vector_load %arg8[%get3A_834, %get3A_835, %get3A_836] {strides = array<i32>} : memref<4x128x128xf32, #tpu.memory_space<vmem>>, vector<16xf32>,
        %mul3A_838 = arith.mulf %get3A_633, %get3A_837 : vector<16xf32>
        %add3A_839 = arith.addf %mul3A_830, %mul3A_838 : vector<16xf32>
        %add3A_840 = arith.constant 6 : i32
        %add3A_841 = arith.addi %mul3A_603, %add3A_840 : i32
        %get3A_842 = arith.constant 0 : i32
        %get3A_843 = arith.index_cast %get3A_842 : i32 to index
        %get3A_844 = arith.index_cast %add3A_841 : i32 to index
        %get3A_845 = arith.constant 32 : index
        %get3A_846 = tpu.vector_load %arg8[%get3A_843, %get3A_844, %get3A_845] {strides = array<i32>} : memref<4x128x128xf32, #tpu.memory_space<vmem>>, vector<16xf32>,
        %mul3A_847 = arith.mulf %get3A_638, %get3A_846 : vector<16xf32>
        %add3A_848 = arith.constant 7 : i32
        %add3A_849 = arith.addi %mul3A_603, %add3A_848 : i32
        %get3A_850 = arith.constant 0 : i32
        %get3A_851 = arith.index_cast %get3A_850 : i32 to index
        %get3A_852 = arith.index_cast %add3A_849 : i32 to index
        %get3A_853 = arith.constant 32 : index
        %get3A_854 = tpu.vector_load %arg8[%get3A_851, %get3A_852, %get3A_853] {strides = array<i32>} : memref<4x128x128xf32, #tpu.memory_space<vmem>>, vector<16xf32>,
        %mul3A_855 = arith.mulf %get3A_643, %get3A_854 : vector<16xf32>
        %add3A_856 = arith.addf %mul3A_847, %mul3A_855 : vector<16xf32>
        %add3A_857 = arith.addf %add3A_805, %add3A_822 : vector<16xf32>
        %add3A_858 = arith.addf %add3A_839, %add3A_856 : vector<16xf32>
        %add3A_859 = arith.addf %add3A_857, %add3A_858 : vector<16xf32>
        %swap3A_860 = arith.constant 0 : i32
        %swap3A_861 = arith.index_cast %swap3A_860 : i32 to index
        %swap3A_862 = arith.index_cast %scan3A_601 : i32 to index
        %swap3A_863 = arith.constant 32 : index
        %swap3A_864 = tpu.vector_load %arg10[%swap3A_861, %swap3A_862, %swap3A_863] {strides = array<i32>} : memref<4x16x128xf32, #tpu.memory_space<vmem>>, vector<16xf32>,
        tpu.vector_store %arg10[%swap3A_861, %swap3A_862, %swap3A_863], %add3A_859 {strides = array<i32>} : memref<4x16x128xf32, #tpu.memory_space<vmem>>, vector<16xf32>,
        %get3A_865 = arith.constant 0 : i32
        %get3A_866 = arith.index_cast %get3A_865 : i32 to index
        %get3A_867 = arith.index_cast %mul3A_603 : i32 to index
        %get3A_868 = arith.constant 48 : index
        %get3A_869 = tpu.vector_load %arg8[%get3A_866, %get3A_867, %get3A_868] {strides = array<i32>} : memref<4x128x128xf32, #tpu.memory_space<vmem>>, vector<16xf32>,
        %mul3A_870 = arith.mulf %get3A_608, %get3A_869 : vector<16xf32>
        %add3A_871 = arith.constant 1 : i32
        %add3A_872 = arith.addi %mul3A_603, %add3A_871 : i32
        %get3A_873 = arith.constant 0 : i32
        %get3A_874 = arith.index_cast %get3A_873 : i32 to index
        %get3A_875 = arith.index_cast %add3A_872 : i32 to index
        %get3A_876 = arith.constant 48 : index
        %get3A_877 = tpu.vector_load %arg8[%get3A_874, %get3A_875, %get3A_876] {strides = array<i32>} : memref<4x128x128xf32, #tpu.memory_space<vmem>>, vector<16xf32>,
        %mul3A_878 = arith.mulf %get3A_613, %get3A_877 : vector<16xf32>
        %add3A_879 = arith.addf %mul3A_870, %mul3A_878 : vector<16xf32>
        %add3A_880 = arith.constant 2 : i32
        %add3A_881 = arith.addi %mul3A_603, %add3A_880 : i32
        %get3A_882 = arith.constant 0 : i32
        %get3A_883 = arith.index_cast %get3A_882 : i32 to index
        %get3A_884 = arith.index_cast %add3A_881 : i32 to index
        %get3A_885 = arith.constant 48 : index
        %get3A_886 = tpu.vector_load %arg8[%get3A_883, %get3A_884, %get3A_885] {strides = array<i32>} : memref<4x128x128xf32, #tpu.memory_space<vmem>>, vector<16xf32>,
        %mul3A_887 = arith.mulf %get3A_618, %get3A_886 : vector<16xf32>
        %add3A_888 = arith.constant 3 : i32
        %add3A_889 = arith.addi %mul3A_603, %add3A_888 : i32
        %get3A_890 = arith.constant 0 : i32
        %get3A_891 = arith.index_cast %get3A_890 : i32 to index
        %get3A_892 = arith.index_cast %add3A_889 : i32 to index
        %get3A_893 = arith.constant 48 : index
        %get3A_894 = tpu.vector_load %arg8[%get3A_891, %get3A_892, %get3A_893] {strides = array<i32>} : memref<4x128x128xf32, #tpu.memory_space<vmem>>, vector<16xf32>,
        %mul3A_895 = arith.mulf %get3A_623, %get3A_894 : vector<16xf32>
        %add3A_896 = arith.addf %mul3A_887, %mul3A_895 : vector<16xf32>
        %add3A_897 = arith.constant 4 : i32
        %add3A_898 = arith.addi %mul3A_603, %add3A_897 : i32
        %get3A_899 = arith.constant 0 : i32
        %get3A_900 = arith.index_cast %get3A_899 : i32 to index
        %get3A_901 = arith.index_cast %add3A_898 : i32 to index
        %get3A_902 = arith.constant 48 : index
        %get3A_903 = tpu.vector_load %arg8[%get3A_900, %get3A_901, %get3A_902] {strides = array<i32>} : memref<4x128x128xf32, #tpu.memory_space<vmem>>, vector<16xf32>,
        %mul3A_904 = arith.mulf %get3A_628, %get3A_903 : vector<16xf32>
        %add3A_905 = arith.constant 5 : i32
        %add3A_906 = arith.addi %mul3A_603, %add3A_905 : i32
        %get3A_907 = arith.constant 0 : i32
        %get3A_908 = arith.index_cast %get3A_907 : i32 to index
        %get3A_909 = arith.index_cast %add3A_906 : i32 to index
        %get3A_910 = arith.constant 48 : index
        %get3A_911 = tpu.vector_load %arg8[%get3A_908, %get3A_909, %get3A_910] {strides = array<i32>} : memref<4x128x128xf32, #tpu.memory_space<vmem>>, vector<16xf32>,
        %mul3A_912 = arith.mulf %get3A_633, %get3A_911 : vector<16xf32>
        %add3A_913 = arith.addf %mul3A_904, %mul3A_912 : vector<16xf32>
        %add3A_914 = arith.constant 6 : i32
        %add3A_915 = arith.addi %mul3A_603, %add3A_914 : i32
        %get3A_916 = arith.constant 0 : i32
        %get3A_917 = arith.index_cast %get3A_916 : i32 to index
        %get3A_918 = arith.index_cast %add3A_915 : i32 to index
        %get3A_919 = arith.constant 48 : index
        %get3A_920 = tpu.vector_load %arg8[%get3A_917, %get3A_918, %get3A_919] {strides = array<i32>} : memref<4x128x128xf32, #tpu.memory_space<vmem>>, vector<16xf32>,
        %mul3A_921 = arith.mulf %get3A_638, %get3A_920 : vector<16xf32>
        %add3A_922 = arith.constant 7 : i32
        %add3A_923 = arith.addi %mul3A_603, %add3A_922 : i32
        %get3A_924 = arith.constant 0 : i32
        %get3A_925 = arith.index_cast %get3A_924 : i32 to index
        %get3A_926 = arith.index_cast %add3A_923 : i32 to index
        %get3A_927 = arith.constant 48 : index
        %get3A_928 = tpu.vector_load %arg8[%get3A_925, %get3A_926, %get3A_927] {strides = array<i32>} : memref<4x128x128xf32, #tpu.memory_space<vmem>>, vector<16xf32>,
        %mul3A_929 = arith.mulf %get3A_643, %get3A_928 : vector<16xf32>
        %add3A_930 = arith.addf %mul3A_921, %mul3A_929 : vector<16xf32>
        %add3A_931 = arith.addf %add3A_879, %add3A_896 : vector<16xf32>
        %add3A_932 = arith.addf %add3A_913, %add3A_930 : vector<16xf32>
        %add3A_933 = arith.addf %add3A_931, %add3A_932 : vector<16xf32>
        %swap3A_934 = arith.constant 0 : i32
        %swap3A_935 = arith.index_cast %swap3A_934 : i32 to index
        %swap3A_936 = arith.index_cast %scan3A_601 : i32 to index
        %swap3A_937 = arith.constant 48 : index
        %swap3A_938 = tpu.vector_load %arg10[%swap3A_935, %swap3A_936, %swap3A_937] {strides = array<i32>} : memref<4x16x128xf32, #tpu.memory_space<vmem>>, vector<16xf32>,
        tpu.vector_store %arg10[%swap3A_935, %swap3A_936, %swap3A_937], %add3A_933 {strides = array<i32>} : memref<4x16x128xf32, #tpu.memory_space<vmem>>, vector<16xf32>,
        %get3A_939 = arith.constant 0 : i32
        %get3A_940 = arith.index_cast %get3A_939 : i32 to index
        %get3A_941 = arith.index_cast %mul3A_603 : i32 to index
        %get3A_942 = arith.constant 64 : index
        %get3A_943 = tpu.vector_load %arg8[%get3A_940, %get3A_941, %get3A_942] {strides = array<i32>} : memref<4x128x128xf32, #tpu.memory_space<vmem>>, vector<16xf32>,
        %mul3A_944 = arith.mulf %get3A_608, %get3A_943 : vector<16xf32>
        %add3A_945 = arith.constant 1 : i32
        %add3A_946 = arith.addi %mul3A_603, %add3A_945 : i32
        %get3A_947 = arith.constant 0 : i32
        %get3A_948 = arith.index_cast %get3A_947 : i32 to index
        %get3A_949 = arith.index_cast %add3A_946 : i32 to index
        %get3A_950 = arith.constant 64 : index
        %get3A_951 = tpu.vector_load %arg8[%get3A_948, %get3A_949, %get3A_950] {strides = array<i32>} : memref<4x128x128xf32, #tpu.memory_space<vmem>>, vector<16xf32>,
        %mul3A_952 = arith.mulf %get3A_613, %get3A_951 : vector<16xf32>
        %add3A_953 = arith.addf %mul3A_944, %mul3A_952 : vector<16xf32>
        %add3A_954 = arith.constant 2 : i32
        %add3A_955 = arith.addi %mul3A_603, %add3A_954 : i32
        %get3A_956 = arith.constant 0 : i32
        %get3A_957 = arith.index_cast %get3A_956 : i32 to index
        %get3A_958 = arith.index_cast %add3A_955 : i32 to index
        %get3A_959 = arith.constant 64 : index
        %get3A_960 = tpu.vector_load %arg8[%get3A_957, %get3A_958, %get3A_959] {strides = array<i32>} : memref<4x128x128xf32, #tpu.memory_space<vmem>>, vector<16xf32>,
        %mul3A_961 = arith.mulf %get3A_618, %get3A_960 : vector<16xf32>
        %add3A_962 = arith.constant 3 : i32
        %add3A_963 = arith.addi %mul3A_603, %add3A_962 : i32
        %get3A_964 = arith.constant 0 : i32
        %get3A_965 = arith.index_cast %get3A_964 : i32 to index
        %get3A_966 = arith.index_cast %add3A_963 : i32 to index
        %get3A_967 = arith.constant 64 : index
        %get3A_968 = tpu.vector_load %arg8[%get3A_965, %get3A_966, %get3A_967] {strides = array<i32>} : memref<4x128x128xf32, #tpu.memory_space<vmem>>, vector<16xf32>,
        %mul3A_969 = arith.mulf %get3A_623, %get3A_968 : vector<16xf32>
        %add3A_970 = arith.addf %mul3A_961, %mul3A_969 : vector<16xf32>
        %add3A_971 = arith.constant 4 : i32
        %add3A_972 = arith.addi %mul3A_603, %add3A_971 : i32
        %get3A_973 = arith.constant 0 : i32
        %get3A_974 = arith.index_cast %get3A_973 : i32 to index
        %get3A_975 = arith.index_cast %add3A_972 : i32 to index
        %get3A_976 = arith.constant 64 : index
        %get3A_977 = tpu.vector_load %arg8[%get3A_974, %get3A_975, %get3A_976] {strides = array<i32>} : memref<4x128x128xf32, #tpu.memory_space<vmem>>, vector<16xf32>,
        %mul3A_978 = arith.mulf %get3A_628, %get3A_977 : vector<16xf32>
        %add3A_979 = arith.constant 5 : i32
        %add3A_980 = arith.addi %mul3A_603, %add3A_979 : i32
        %get3A_981 = arith.constant 0 : i32
        %get3A_982 = arith.index_cast %get3A_981 : i32 to index
        %get3A_983 = arith.index_cast %add3A_980 : i32 to index
        %get3A_984 = arith.constant 64 : index
        %get3A_985 = tpu.vector_load %arg8[%get3A_982, %get3A_983, %get3A_984] {strides = array<i32>} : memref<4x128x128xf32, #tpu.memory_space<vmem>>, vector<16xf32>,
        %mul3A_986 = arith.mulf %get3A_633, %get3A_985 : vector<16xf32>
        %add3A_987 = arith.addf %mul3A_978, %mul3A_986 : vector<16xf32>
        %add3A_988 = arith.constant 6 : i32
        %add3A_989 = arith.addi %mul3A_603, %add3A_988 : i32
        %get3A_990 = arith.constant 0 : i32
        %get3A_991 = arith.index_cast %get3A_990 : i32 to index
        %get3A_992 = arith.index_cast %add3A_989 : i32 to index
        %get3A_993 = arith.constant 64 : index
        %get3A_994 = tpu.vector_load %arg8[%get3A_991, %get3A_992, %get3A_993] {strides = array<i32>} : memref<4x128x128xf32, #tpu.memory_space<vmem>>, vector<16xf32>,
        %mul3A_995 = arith.mulf %get3A_638, %get3A_994 : vector<16xf32>
        %add3A_996 = arith.constant 7 : i32
        %add3A_997 = arith.addi %mul3A_603, %add3A_996 : i32
        %get3A_998 = arith.constant 0 : i32
        %get3A_999 = arith.index_cast %get3A_998 : i32 to index
        %get3A_1000 = arith.index_cast %add3A_997 : i32 to index
        %get3A_1001 = arith.constant 64 : index
        %get3A_1002 = tpu.vector_load %arg8[%get3A_999, %get3A_1000, %get3A_1001] {strides = array<i32>} : memref<4x128x128xf32, #tpu.memory_space<vmem>>, vector<16xf32>,
        %mul3A_1003 = arith.mulf %get3A_643, %get3A_1002 : vector<16xf32>
        %add3A_1004 = arith.addf %mul3A_995, %mul3A_1003 : vector<16xf32>
        %add3A_1005 = arith.addf %add3A_953, %add3A_970 : vector<16xf32>
        %add3A_1006 = arith.addf %add3A_987, %add3A_1004 : vector<16xf32>
        %add3A_1007 = arith.addf %add3A_1005, %add3A_1006 : vector<16xf32>
        %swap3A_1008 = arith.constant 0 : i32
        %swap3A_1009 = arith.index_cast %swap3A_1008 : i32 to index
        %swap3A_1010 = arith.index_cast %scan3A_601 : i32 to index
        %swap3A_1011 = arith.constant 64 : index
        %swap3A_1012 = tpu.vector_load %arg10[%swap3A_1009, %swap3A_1010, %swap3A_1011] {strides = array<i32>} : memref<4x16x128xf32, #tpu.memory_space<vmem>>, vector<16xf32>,
        tpu.vector_store %arg10[%swap3A_1009, %swap3A_1010, %swap3A_1011], %add3A_1007 {strides = array<i32>} : memref<4x16x128xf32, #tpu.memory_space<vmem>>, vector<16xf32>,
        %get3A_1013 = arith.constant 0 : i32
        %get3A_1014 = arith.index_cast %get3A_1013 : i32 to index
        %get3A_1015 = arith.index_cast %mul3A_603 : i32 to index
        %get3A_1016 = arith.constant 80 : index
        %get3A_1017 = tpu.vector_load %arg8[%get3A_1014, %get3A_1015, %get3A_1016] {strides = array<i32>} : memref<4x128x128xf32, #tpu.memory_space<vmem>>, vector<16xf32>,
        %mul3A_1018 = arith.mulf %get3A_608, %get3A_1017 : vector<16xf32>
        %add3A_1019 = arith.constant 1 : i32
        %add3A_1020 = arith.addi %mul3A_603, %add3A_1019 : i32
        %get3A_1021 = arith.constant 0 : i32
        %get3A_1022 = arith.index_cast %get3A_1021 : i32 to index
        %get3A_1023 = arith.index_cast %add3A_1020 : i32 to index
        %get3A_1024 = arith.constant 80 : index
        %get3A_1025 = tpu.vector_load %arg8[%get3A_1022, %get3A_1023, %get3A_1024] {strides = array<i32>} : memref<4x128x128xf32, #tpu.memory_space<vmem>>, vector<16xf32>,
        %mul3A_1026 = arith.mulf %get3A_613, %get3A_1025 : vector<16xf32>
        %add3A_1027 = arith.addf %mul3A_1018, %mul3A_1026 : vector<16xf32>
        %add3A_1028 = arith.constant 2 : i32
        %add3A_1029 = arith.addi %mul3A_603, %add3A_1028 : i32
        %get3A_1030 = arith.constant 0 : i32
        %get3A_1031 = arith.index_cast %get3A_1030 : i32 to index
        %get3A_1032 = arith.index_cast %add3A_1029 : i32 to index
        %get3A_1033 = arith.constant 80 : index
        %get3A_1034 = tpu.vector_load %arg8[%get3A_1031, %get3A_1032, %get3A_1033] {strides = array<i32>} : memref<4x128x128xf32, #tpu.memory_space<vmem>>, vector<16xf32>,
        %mul3A_1035 = arith.mulf %get3A_618, %get3A_1034 : vector<16xf32>
        %add3A_1036 = arith.constant 3 : i32
        %add3A_1037 = arith.addi %mul3A_603, %add3A_1036 : i32
        %get3A_1038 = arith.constant 0 : i32
        %get3A_1039 = arith.index_cast %get3A_1038 : i32 to index
        %get3A_1040 = arith.index_cast %add3A_1037 : i32 to index
        %get3A_1041 = arith.constant 80 : index
        %get3A_1042 = tpu.vector_load %arg8[%get3A_1039, %get3A_1040, %get3A_1041] {strides = array<i32>} : memref<4x128x128xf32, #tpu.memory_space<vmem>>, vector<16xf32>,
        %mul3A_1043 = arith.mulf %get3A_623, %get3A_1042 : vector<16xf32>
        %add3A_1044 = arith.addf %mul3A_1035, %mul3A_1043 : vector<16xf32>
        %add3A_1045 = arith.constant 4 : i32
        %add3A_1046 = arith.addi %mul3A_603, %add3A_1045 : i32
        %get3A_1047 = arith.constant 0 : i32
        %get3A_1048 = arith.index_cast %get3A_1047 : i32 to index
        %get3A_1049 = arith.index_cast %add3A_1046 : i32 to index
        %get3A_1050 = arith.constant 80 : index
        %get3A_1051 = tpu.vector_load %arg8[%get3A_1048, %get3A_1049, %get3A_1050] {strides = array<i32>} : memref<4x128x128xf32, #tpu.memory_space<vmem>>, vector<16xf32>,
        %mul3A_1052 = arith.mulf %get3A_628, %get3A_1051 : vector<16xf32>
        %add3A_1053 = arith.constant 5 : i32
        %add3A_1054 = arith.addi %mul3A_603, %add3A_1053 : i32
        %get3A_1055 = arith.constant 0 : i32
        %get3A_1056 = arith.index_cast %get3A_1055 : i32 to index
        %get3A_1057 = arith.index_cast %add3A_1054 : i32 to index
        %get3A_1058 = arith.constant 80 : index
        %get3A_1059 = tpu.vector_load %arg8[%get3A_1056, %get3A_1057, %get3A_1058] {strides = array<i32>} : memref<4x128x128xf32, #tpu.memory_space<vmem>>, vector<16xf32>,
        %mul3A_1060 = arith.mulf %get3A_633, %get3A_1059 : vector<16xf32>
        %add3A_1061 = arith.addf %mul3A_1052, %mul3A_1060 : vector<16xf32>
        %add3A_1062 = arith.constant 6 : i32
        %add3A_1063 = arith.addi %mul3A_603, %add3A_1062 : i32
        %get3A_1064 = arith.constant 0 : i32
        %get3A_1065 = arith.index_cast %get3A_1064 : i32 to index
        %get3A_1066 = arith.index_cast %add3A_1063 : i32 to index
        %get3A_1067 = arith.constant 80 : index
        %get3A_1068 = tpu.vector_load %arg8[%get3A_1065, %get3A_1066, %get3A_1067] {strides = array<i32>} : memref<4x128x128xf32, #tpu.memory_space<vmem>>, vector<16xf32>,
        %mul3A_1069 = arith.mulf %get3A_638, %get3A_1068 : vector<16xf32>
        %add3A_1070 = arith.constant 7 : i32
        %add3A_1071 = arith.addi %mul3A_603, %add3A_1070 : i32
        %get3A_1072 = arith.constant 0 : i32
        %get3A_1073 = arith.index_cast %get3A_1072 : i32 to index
        %get3A_1074 = arith.index_cast %add3A_1071 : i32 to index
        %get3A_1075 = arith.constant 80 : index
        %get3A_1076 = tpu.vector_load %arg8[%get3A_1073, %get3A_1074, %get3A_1075] {strides = array<i32>} : memref<4x128x128xf32, #tpu.memory_space<vmem>>, vector<16xf32>,
        %mul3A_1077 = arith.mulf %get3A_643, %get3A_1076 : vector<16xf32>
        %add3A_1078 = arith.addf %mul3A_1069, %mul3A_1077 : vector<16xf32>
        %add3A_1079 = arith.addf %add3A_1027, %add3A_1044 : vector<16xf32>
        %add3A_1080 = arith.addf %add3A_1061, %add3A_1078 : vector<16xf32>
        %add3A_1081 = arith.addf %add3A_1079, %add3A_1080 : vector<16xf32>
        %swap3A_1082 = arith.constant 0 : i32
        %swap3A_1083 = arith.index_cast %swap3A_1082 : i32 to index
        %swap3A_1084 = arith.index_cast %scan3A_601 : i32 to index
        %swap3A_1085 = arith.constant 80 : index
        %swap3A_1086 = tpu.vector_load %arg10[%swap3A_1083, %swap3A_1084, %swap3A_1085] {strides = array<i32>} : memref<4x16x128xf32, #tpu.memory_space<vmem>>, vector<16xf32>,
        tpu.vector_store %arg10[%swap3A_1083, %swap3A_1084, %swap3A_1085], %add3A_1081 {strides = array<i32>} : memref<4x16x128xf32, #tpu.memory_space<vmem>>, vector<16xf32>,
        %get3A_1087 = arith.constant 0 : i32
        %get3A_1088 = arith.index_cast %get3A_1087 : i32 to index
        %get3A_1089 = arith.index_cast %mul3A_603 : i32 to index
        %get3A_1090 = arith.constant 96 : index
        %get3A_1091 = tpu.vector_load %arg8[%get3A_1088, %get3A_1089, %get3A_1090] {strides = array<i32>} : memref<4x128x128xf32, #tpu.memory_space<vmem>>, vector<16xf32>,
        %mul3A_1092 = arith.mulf %get3A_608, %get3A_1091 : vector<16xf32>
        %add3A_1093 = arith.constant 1 : i32
        %add3A_1094 = arith.addi %mul3A_603, %add3A_1093 : i32
        %get3A_1095 = arith.constant 0 : i32
        %get3A_1096 = arith.index_cast %get3A_1095 : i32 to index
        %get3A_1097 = arith.index_cast %add3A_1094 : i32 to index
        %get3A_1098 = arith.constant 96 : index
        %get3A_1099 = tpu.vector_load %arg8[%get3A_1096, %get3A_1097, %get3A_1098] {strides = array<i32>} : memref<4x128x128xf32, #tpu.memory_space<vmem>>, vector<16xf32>,
        %mul3A_1100 = arith.mulf %get3A_613, %get3A_1099 : vector<16xf32>
        %add3A_1101 = arith.addf %mul3A_1092, %mul3A_1100 : vector<16xf32>
        %add3A_1102 = arith.constant 2 : i32
        %add3A_1103 = arith.addi %mul3A_603, %add3A_1102 : i32
        %get3A_1104 = arith.constant 0 : i32
        %get3A_1105 = arith.index_cast %get3A_1104 : i32 to index
        %get3A_1106 = arith.index_cast %add3A_1103 : i32 to index
        %get3A_1107 = arith.constant 96 : index
        %get3A_1108 = tpu.vector_load %arg8[%get3A_1105, %get3A_1106, %get3A_1107] {strides = array<i32>} : memref<4x128x128xf32, #tpu.memory_space<vmem>>, vector<16xf32>,
        %mul3A_1109 = arith.mulf %get3A_618, %get3A_1108 : vector<16xf32>
        %add3A_1110 = arith.constant 3 : i32
        %add3A_1111 = arith.addi %mul3A_603, %add3A_1110 : i32
        %get3A_1112 = arith.constant 0 : i32
        %get3A_1113 = arith.index_cast %get3A_1112 : i32 to index
        %get3A_1114 = arith.index_cast %add3A_1111 : i32 to index
        %get3A_1115 = arith.constant 96 : index
        %get3A_1116 = tpu.vector_load %arg8[%get3A_1113, %get3A_1114, %get3A_1115] {strides = array<i32>} : memref<4x128x128xf32, #tpu.memory_space<vmem>>, vector<16xf32>,
        %mul3A_1117 = arith.mulf %get3A_623, %get3A_1116 : vector<16xf32>
        %add3A_1118 = arith.addf %mul3A_1109, %mul3A_1117 : vector<16xf32>
        %add3A_1119 = arith.constant 4 : i32
        %add3A_1120 = arith.addi %mul3A_603, %add3A_1119 : i32
        %get3A_1121 = arith.constant 0 : i32
        %get3A_1122 = arith.index_cast %get3A_1121 : i32 to index
        %get3A_1123 = arith.index_cast %add3A_1120 : i32 to index
        %get3A_1124 = arith.constant 96 : index
        %get3A_1125 = tpu.vector_load %arg8[%get3A_1122, %get3A_1123, %get3A_1124] {strides = array<i32>} : memref<4x128x128xf32, #tpu.memory_space<vmem>>, vector<16xf32>,
        %mul3A_1126 = arith.mulf %get3A_628, %get3A_1125 : vector<16xf32>
        %add3A_1127 = arith.constant 5 : i32
        %add3A_1128 = arith.addi %mul3A_603, %add3A_1127 : i32
        %get3A_1129 = arith.constant 0 : i32
        %get3A_1130 = arith.index_cast %get3A_1129 : i32 to index
        %get3A_1131 = arith.index_cast %add3A_1128 : i32 to index
        %get3A_1132 = arith.constant 96 : index
        %get3A_1133 = tpu.vector_load %arg8[%get3A_1130, %get3A_1131, %get3A_1132] {strides = array<i32>} : memref<4x128x128xf32, #tpu.memory_space<vmem>>, vector<16xf32>,
        %mul3A_1134 = arith.mulf %get3A_633, %get3A_1133 : vector<16xf32>
        %add3A_1135 = arith.addf %mul3A_1126, %mul3A_1134 : vector<16xf32>
        %add3A_1136 = arith.constant 6 : i32
        %add3A_1137 = arith.addi %mul3A_603, %add3A_1136 : i32
        %get3A_1138 = arith.constant 0 : i32
        %get3A_1139 = arith.index_cast %get3A_1138 : i32 to index
        %get3A_1140 = arith.index_cast %add3A_1137 : i32 to index
        %get3A_1141 = arith.constant 96 : index
        %get3A_1142 = tpu.vector_load %arg8[%get3A_1139, %get3A_1140, %get3A_1141] {strides = array<i32>} : memref<4x128x128xf32, #tpu.memory_space<vmem>>, vector<16xf32>,
        %mul3A_1143 = arith.mulf %get3A_638, %get3A_1142 : vector<16xf32>
        %add3A_1144 = arith.constant 7 : i32
        %add3A_1145 = arith.addi %mul3A_603, %add3A_1144 : i32
        %get3A_1146 = arith.constant 0 : i32
        %get3A_1147 = arith.index_cast %get3A_1146 : i32 to index
        %get3A_1148 = arith.index_cast %add3A_1145 : i32 to index
        %get3A_1149 = arith.constant 96 : index
        %get3A_1150 = tpu.vector_load %arg8[%get3A_1147, %get3A_1148, %get3A_1149] {strides = array<i32>} : memref<4x128x128xf32, #tpu.memory_space<vmem>>, vector<16xf32>,
        %mul3A_1151 = arith.mulf %get3A_643, %get3A_1150 : vector<16xf32>
        %add3A_1152 = arith.addf %mul3A_1143, %mul3A_1151 : vector<16xf32>
        %add3A_1153 = arith.addf %add3A_1101, %add3A_1118 : vector<16xf32>
        %add3A_1154 = arith.addf %add3A_1135, %add3A_1152 : vector<16xf32>
        %add3A_1155 = arith.addf %add3A_1153, %add3A_1154 : vector<16xf32>
        %swap3A_1156 = arith.constant 0 : i32
        %swap3A_1157 = arith.index_cast %swap3A_1156 : i32 to index
        %swap3A_1158 = arith.index_cast %scan3A_601 : i32 to index
        %swap3A_1159 = arith.constant 96 : index
        %swap3A_1160 = tpu.vector_load %arg10[%swap3A_1157, %swap3A_1158, %swap3A_1159] {strides = array<i32>} : memref<4x16x128xf32, #tpu.memory_space<vmem>>, vector<16xf32>,
        tpu.vector_store %arg10[%swap3A_1157, %swap3A_1158, %swap3A_1159], %add3A_1155 {strides = array<i32>} : memref<4x16x128xf32, #tpu.memory_space<vmem>>, vector<16xf32>,
        %get3A_1161 = arith.constant 0 : i32
        %get3A_1162 = arith.index_cast %get3A_1161 : i32 to index
        %get3A_1163 = arith.index_cast %mul3A_603 : i32 to index
        %get3A_1164 = arith.constant 112 : index
        %get3A_1165 = tpu.vector_load %arg8[%get3A_1162, %get3A_1163, %get3A_1164] {strides = array<i32>} : memref<4x128x128xf32, #tpu.memory_space<vmem>>, vector<16xf32>,
        %mul3A_1166 = arith.mulf %get3A_608, %get3A_1165 : vector<16xf32>
        %add3A_1167 = arith.constant 1 : i32
        %add3A_1168 = arith.addi %mul3A_603, %add3A_1167 : i32
        %get3A_1169 = arith.constant 0 : i32
        %get3A_1170 = arith.index_cast %get3A_1169 : i32 to index
        %get3A_1171 = arith.index_cast %add3A_1168 : i32 to index
        %get3A_1172 = arith.constant 112 : index
        %get3A_1173 = tpu.vector_load %arg8[%get3A_1170, %get3A_1171, %get3A_1172] {strides = array<i32>} : memref<4x128x128xf32, #tpu.memory_space<vmem>>, vector<16xf32>,
        %mul3A_1174 = arith.mulf %get3A_613, %get3A_1173 : vector<16xf32>
        %add3A_1175 = arith.addf %mul3A_1166, %mul3A_1174 : vector<16xf32>
        %add3A_1176 = arith.constant 2 : i32
        %add3A_1177 = arith.addi %mul3A_603, %add3A_1176 : i32
        %get3A_1178 = arith.constant 0 : i32
        %get3A_1179 = arith.index_cast %get3A_1178 : i32 to index
        %get3A_1180 = arith.index_cast %add3A_1177 : i32 to index
        %get3A_1181 = arith.constant 112 : index
        %get3A_1182 = tpu.vector_load %arg8[%get3A_1179, %get3A_1180, %get3A_1181] {strides = array<i32>} : memref<4x128x128xf32, #tpu.memory_space<vmem>>, vector<16xf32>,
        %mul3A_1183 = arith.mulf %get3A_618, %get3A_1182 : vector<16xf32>
        %add3A_1184 = arith.constant 3 : i32
        %add3A_1185 = arith.addi %mul3A_603, %add3A_1184 : i32
        %get3A_1186 = arith.constant 0 : i32
        %get3A_1187 = arith.index_cast %get3A_1186 : i32 to index
        %get3A_1188 = arith.index_cast %add3A_1185 : i32 to index
        %get3A_1189 = arith.constant 112 : index
        %get3A_1190 = tpu.vector_load %arg8[%get3A_1187, %get3A_1188, %get3A_1189] {strides = array<i32>} : memref<4x128x128xf32, #tpu.memory_space<vmem>>, vector<16xf32>,
        %mul3A_1191 = arith.mulf %get3A_623, %get3A_1190 : vector<16xf32>
        %add3A_1192 = arith.addf %mul3A_1183, %mul3A_1191 : vector<16xf32>
        %add3A_1193 = arith.constant 4 : i32
        %add3A_1194 = arith.addi %mul3A_603, %add3A_1193 : i32
        %get3A_1195 = arith.constant 0 : i32
        %get3A_1196 = arith.index_cast %get3A_1195 : i32 to index
        %get3A_1197 = arith.index_cast %add3A_1194 : i32 to index
        %get3A_1198 = arith.constant 112 : index
        %get3A_1199 = tpu.vector_load %arg8[%get3A_1196, %get3A_1197, %get3A_1198] {strides = array<i32>} : memref<4x128x128xf32, #tpu.memory_space<vmem>>, vector<16xf32>,
        %mul3A_1200 = arith.mulf %get3A_628, %get3A_1199 : vector<16xf32>
        %add3A_1201 = arith.constant 5 : i32
        %add3A_1202 = arith.addi %mul3A_603, %add3A_1201 : i32
        %get3A_1203 = arith.constant 0 : i32
        %get3A_1204 = arith.index_cast %get3A_1203 : i32 to index
        %get3A_1205 = arith.index_cast %add3A_1202 : i32 to index
        %get3A_1206 = arith.constant 112 : index
        %get3A_1207 = tpu.vector_load %arg8[%get3A_1204, %get3A_1205, %get3A_1206] {strides = array<i32>} : memref<4x128x128xf32, #tpu.memory_space<vmem>>, vector<16xf32>,
        %mul3A_1208 = arith.mulf %get3A_633, %get3A_1207 : vector<16xf32>
        %add3A_1209 = arith.addf %mul3A_1200, %mul3A_1208 : vector<16xf32>
        %add3A_1210 = arith.constant 6 : i32
        %add3A_1211 = arith.addi %mul3A_603, %add3A_1210 : i32
        %get3A_1212 = arith.constant 0 : i32
        %get3A_1213 = arith.index_cast %get3A_1212 : i32 to index
        %get3A_1214 = arith.index_cast %add3A_1211 : i32 to index
        %get3A_1215 = arith.constant 112 : index
        %get3A_1216 = tpu.vector_load %arg8[%get3A_1213, %get3A_1214, %get3A_1215] {strides = array<i32>} : memref<4x128x128xf32, #tpu.memory_space<vmem>>, vector<16xf32>,
        %mul3A_1217 = arith.mulf %get3A_638, %get3A_1216 : vector<16xf32>
        %add3A_1218 = arith.constant 7 : i32
        %add3A_1219 = arith.addi %mul3A_603, %add3A_1218 : i32
        %get3A_1220 = arith.constant 0 : i32
        %get3A_1221 = arith.index_cast %get3A_1220 : i32 to index
        %get3A_1222 = arith.index_cast %add3A_1219 : i32 to index
        %get3A_1223 = arith.constant 112 : index
        %get3A_1224 = tpu.vector_load %arg8[%get3A_1221, %get3A_1222, %get3A_1223] {strides = array<i32>} : memref<4x128x128xf32, #tpu.memory_space<vmem>>, vector<16xf32>,
        %mul3A_1225 = arith.mulf %get3A_643, %get3A_1224 : vector<16xf32>
        %add3A_1226 = arith.addf %mul3A_1217, %mul3A_1225 : vector<16xf32>
        %add3A_1227 = arith.addf %add3A_1175, %add3A_1192 : vector<16xf32>
        %add3A_1228 = arith.addf %add3A_1209, %add3A_1226 : vector<16xf32>
        %add3A_1229 = arith.addf %add3A_1227, %add3A_1228 : vector<16xf32>
        %swap3A_1230 = arith.constant 0 : i32
        %swap3A_1231 = arith.index_cast %swap3A_1230 : i32 to index
        %swap3A_1232 = arith.index_cast %scan3A_601 : i32 to index
        %swap3A_1233 = arith.constant 112 : index
        %swap3A_1234 = tpu.vector_load %arg10[%swap3A_1231, %swap3A_1232, %swap3A_1233] {strides = array<i32>} : memref<4x16x128xf32, #tpu.memory_space<vmem>>, vector<16xf32>,
        tpu.vector_store %arg10[%swap3A_1231, %swap3A_1232, %swap3A_1233], %add3A_1229 {strides = array<i32>} : memref<4x16x128xf32, #tpu.memory_space<vmem>>, vector<16xf32>,
      }
      %scan3A_395 = arith.constant 16 : i32
      %mul3A_396 = arith.constant 16 : i32
      %mul3A_397 = arith.muli %add3A_364, %mul3A_396 : i32
      %add3A_398 = arith.addi %mul3A_2, %mul3A_397 : i32
      %dma_start3A_399 = arith.constant 0 : i32
      %dma_start3A_400 = arith.constant 0 : i32
      %dma_start3A_401 = arith.constant 0 : i32
      %dma_start3A_402 = tpu.memref_slice %arg10[%dma_start3A_399, %dma_start3A_400, %dma_start3A_401] : memref<4x16x128xf32, #tpu.memory_space<vmem>> -> memref<1x16x128xf32, #tpu.memory_space<vmem>>
      %dma_start3A_403 = tpu.memref_squeeze %dma_start3A_402 : memref<1x16x128xf32, #tpu.memory_space<vmem>> -> memref<16x128xf32, #tpu.memory_space<vmem>>
      %dma_start3A_404 = arith.constant 0 : i32
      %dma_start3A_405 = tpu.memref_slice %arg5[%add3A_398, %dma_start3A_404] : memref<65536x128xf32, #tpu.memory_space<hbm>> -> memref<16x128xf32, #tpu.memory_space<hbm>>
      %dma_start3A_406 = arith.constant 0 : i32
      %dma_start3A_407 = tpu.memref_slice %arg5[%add3A_398, %dma_start3A_406] : memref<65536x128xf32, #tpu.memory_space<hbm>> -> memref<16x128xf32, #tpu.memory_space<hbm>>
      %dma_start3A_408 = arith.constant 0 : i32
      %dma_start3A_409 = arith.constant 0 : i32
      %dma_start3A_410 = tpu.memref_slice %arg10[%dma_start3A_399, %dma_start3A_408, %dma_start3A_409] : memref<4x16x128xf32, #tpu.memory_space<vmem>> -> memref<1x16x128xf32, #tpu.memory_space<vmem>>
      %dma_start3A_411 = tpu.memref_squeeze %dma_start3A_410 : memref<1x16x128xf32, #tpu.memory_space<vmem>> -> memref<16x128xf32, #tpu.memory_space<vmem>>
      tpu.enqueue_dma source(%dma_start3A_411 : memref<16x128xf32, #tpu.memory_space<vmem>>) target(%dma_start3A_407 : memref<16x128xf32, #tpu.memory_space<hbm>>) target_semaphore(%arg15 : memref<!tpu.dma_semaphore, #tpu.memory_space<semaphore_mem>>)
      %add3A_412 = arith.constant 4 : i32
      %add3A_413 = arith.addi %add3A_364, %add3A_412 : i32
      %lt3A = arith.constant 128 : i32
      %lt3A_414 = arith.cmpi slt, %add3A_413, %lt3A : i32
      %convert_element_type3A_415 = arith.extui %lt3A_414 : i1 to i32
      %cond3A_416 = arith.constant 0 : i32
      %cond3A_417 = arith.cmpi ne, %convert_element_type3A_415, %cond3A_416 : i32
      scf.if %cond3A_417 {
        %add3A_601 = arith.constant 4 : i32
        %add3A_602 = arith.addi %add3A_364, %add3A_601 : i32
        %mul3A_603 = arith.constant 16 : i32
        %mul3A_604 = arith.muli %add3A_602, %mul3A_603 : i32
        %get3A_605 = arith.index_cast %mul3A_604 : i32 to index
        %get3A_606 = tpu.vector_load %arg6[%get3A_605] {strides = array<i32>} : memref<2048xi32, #tpu.memory_space<vmem>>, vector<16xi32>,
        %add3A_607 = arith.constant 0 : i32
        %add3A_608 = vector.broadcast %add3A_607 : i32 to vector<16xi32>
        %add3A_609 = arith.addi %mul3A_5, %add3A_608 : vector<16xi32>
        %add3A_610 = arith.constant 0 : i32
        %add3A_611 = vector.broadcast %add3A_610 : i32 to vector<16xi32>
        %add3A_612 = arith.addi %get3A_606, %add3A_611 : vector<16xi32>
        tpu.vector_store_idx %arg7[%add3A_609], %add3A_612 : memref<512xi32, #tpu.memory_space<vmem>>[vector<16xi32>], vector<16xi32>,
        %add3A_613 = arith.constant 1 : i32
        %add3A_614 = vector.broadcast %add3A_613 : i32 to vector<16xi32>
        %add3A_615 = arith.addi %mul3A_5, %add3A_614 : vector<16xi32>
        %add3A_616 = arith.constant 1 : i32
        %add3A_617 = vector.broadcast %add3A_616 : i32 to vector<16xi32>
        %add3A_618 = arith.addi %get3A_606, %add3A_617 : vector<16xi32>
        tpu.vector_store_idx %arg7[%add3A_615], %add3A_618 : memref<512xi32, #tpu.memory_space<vmem>>[vector<16xi32>], vector<16xi32>,
        %add3A_619 = arith.constant 2 : i32
        %add3A_620 = vector.broadcast %add3A_619 : i32 to vector<16xi32>
        %add3A_621 = arith.addi %mul3A_5, %add3A_620 : vector<16xi32>
        %add3A_622 = arith.constant 2 : i32
        %add3A_623 = vector.broadcast %add3A_622 : i32 to vector<16xi32>
        %add3A_624 = arith.addi %get3A_606, %add3A_623 : vector<16xi32>
        tpu.vector_store_idx %arg7[%add3A_621], %add3A_624 : memref<512xi32, #tpu.memory_space<vmem>>[vector<16xi32>], vector<16xi32>,
        %add3A_625 = arith.constant 3 : i32
        %add3A_626 = vector.broadcast %add3A_625 : i32 to vector<16xi32>
        %add3A_627 = arith.addi %mul3A_5, %add3A_626 : vector<16xi32>
        %add3A_628 = arith.constant 3 : i32
        %add3A_629 = vector.broadcast %add3A_628 : i32 to vector<16xi32>
        %add3A_630 = arith.addi %get3A_606, %add3A_629 : vector<16xi32>
        tpu.vector_store_idx %arg7[%add3A_627], %add3A_630 : memref<512xi32, #tpu.memory_space<vmem>>[vector<16xi32>], vector<16xi32>,
        %add3A_631 = arith.constant 4 : i32
        %add3A_632 = vector.broadcast %add3A_631 : i32 to vector<16xi32>
        %add3A_633 = arith.addi %mul3A_5, %add3A_632 : vector<16xi32>
        %add3A_634 = arith.constant 4 : i32
        %add3A_635 = vector.broadcast %add3A_634 : i32 to vector<16xi32>
        %add3A_636 = arith.addi %get3A_606, %add3A_635 : vector<16xi32>
        tpu.vector_store_idx %arg7[%add3A_633], %add3A_636 : memref<512xi32, #tpu.memory_space<vmem>>[vector<16xi32>], vector<16xi32>,
        %add3A_637 = arith.constant 5 : i32
        %add3A_638 = vector.broadcast %add3A_637 : i32 to vector<16xi32>
        %add3A_639 = arith.addi %mul3A_5, %add3A_638 : vector<16xi32>
        %add3A_640 = arith.constant 5 : i32
        %add3A_641 = vector.broadcast %add3A_640 : i32 to vector<16xi32>
        %add3A_642 = arith.addi %get3A_606, %add3A_641 : vector<16xi32>
        tpu.vector_store_idx %arg7[%add3A_639], %add3A_642 : memref<512xi32, #tpu.memory_space<vmem>>[vector<16xi32>], vector<16xi32>,
        %add3A_643 = arith.constant 6 : i32
        %add3A_644 = vector.broadcast %add3A_643 : i32 to vector<16xi32>
        %add3A_645 = arith.addi %mul3A_5, %add3A_644 : vector<16xi32>
        %add3A_646 = arith.constant 6 : i32
        %add3A_647 = vector.broadcast %add3A_646 : i32 to vector<16xi32>
        %add3A_648 = arith.addi %get3A_606, %add3A_647 : vector<16xi32>
        tpu.vector_store_idx %arg7[%add3A_645], %add3A_648 : memref<512xi32, #tpu.memory_space<vmem>>[vector<16xi32>], vector<16xi32>,
        %add3A_649 = arith.constant 7 : i32
        %add3A_650 = vector.broadcast %add3A_649 : i32 to vector<16xi32>
        %add3A_651 = arith.addi %mul3A_5, %add3A_650 : vector<16xi32>
        %add3A_652 = arith.constant 7 : i32
        %add3A_653 = vector.broadcast %add3A_652 : i32 to vector<16xi32>
        %add3A_654 = arith.addi %get3A_606, %add3A_653 : vector<16xi32>
        tpu.vector_store_idx %arg7[%add3A_651], %add3A_654 : memref<512xi32, #tpu.memory_space<vmem>>[vector<16xi32>], vector<16xi32>,
        %dma_start3A_655 = arith.constant 0 : i32
        %dma_start3A_656 = arith.constant 0 : i32
        %dma_start3A_657 = arith.constant 0 : i32
        %dma_start3A_658 = tpu.memref_slice %arg8[%dma_start3A_655, %dma_start3A_656, %dma_start3A_657] : memref<4x128x128xf32, #tpu.memory_space<vmem>> -> memref<1x128x128xf32, #tpu.memory_space<vmem>>
        %dma_start3A_659 = tpu.memref_squeeze %dma_start3A_658 : memref<1x128x128xf32, #tpu.memory_space<vmem>> -> memref<128x128xf32, #tpu.memory_space<vmem>>
        %dma_start3A_660 = arith.constant 0 : i32
        %dma_start3A_661 = tpu.memref_slice %arg7[%dma_start3A_660] : memref<512xi32, #tpu.memory_space<vmem>> -> memref<128xi32, #tpu.memory_space<vmem>>
        %dma_start3A_662 = arith.constant 0 : i32
        %dma_start3A_663 = arith.constant 0 : i32
        %dma_start3A_664 = tpu.memref_slice %arg4[%dma_start3A_662, %dma_start3A_663] : memref<65536x128xf32, #tpu.memory_space<hbm>> -> memref<65536x128xf32, #tpu.memory_space<hbm>>
        tpu.enqueue_indirect_dma source(%dma_start3A_664 : memref<65536x128xf32, #tpu.memory_space<hbm>>) target(%dma_start3A_659 : memref<128x128xf32, #tpu.memory_space<vmem>>) offsets(%dma_start3A_661 : memref<128xi32, #tpu.memory_space<vmem>>) semaphore(%arg11 : memref<!tpu.dma_semaphore, #tpu.memory_space<semaphore_mem>>)
        %add3A_665 = arith.addi %mul3A_2, %mul3A_604 : i32
        %dma_start3A_666 = arith.constant 0 : i32
        %dma_start3A_667 = arith.constant 0 : i32
        %dma_start3A_668 = arith.constant 0 : i32
        %dma_start3A_669 = tpu.memref_slice %arg9[%dma_start3A_666, %dma_start3A_667, %dma_start3A_668] : memref<4x16x128xf32, #tpu.memory_space<vmem>> -> memref<1x16x128xf32, #tpu.memory_space<vmem>>
        %dma_start3A_670 = tpu.memref_squeeze %dma_start3A_669 : memref<1x16x128xf32, #tpu.memory_space<vmem>> -> memref<16x128xf32, #tpu.memory_space<vmem>>
        %dma_start3A_671 = arith.constant 0 : i32
        %dma_start3A_672 = tpu.memref_slice %arg3[%add3A_665, %dma_start3A_671] : memref<65536x128xf32, #tpu.memory_space<hbm>> -> memref<16x128xf32, #tpu.memory_space<hbm>>
        %dma_start3A_673 = arith.constant 0 : i32
        %dma_start3A_674 = arith.constant 0 : i32
        %dma_start3A_675 = tpu.memref_slice %arg9[%dma_start3A_666, %dma_start3A_673, %dma_start3A_674] : memref<4x16x128xf32, #tpu.memory_space<vmem>> -> memref<1x16x128xf32, #tpu.memory_space<vmem>>
        %dma_start3A_676 = tpu.memref_squeeze %dma_start3A_675 : memref<1x16x128xf32, #tpu.memory_space<vmem>> -> memref<16x128xf32, #tpu.memory_space<vmem>>
        %dma_start3A_677 = arith.constant 0 : i32
        %dma_start3A_678 = tpu.memref_slice %arg3[%add3A_665, %dma_start3A_677] : memref<65536x128xf32, #tpu.memory_space<hbm>> -> memref<16x128xf32, #tpu.memory_space<hbm>>
        tpu.enqueue_dma source(%dma_start3A_678 : memref<16x128xf32, #tpu.memory_space<hbm>>) target(%dma_start3A_676 : memref<16x128xf32, #tpu.memory_space<vmem>>) target_semaphore(%arg11 : memref<!tpu.dma_semaphore, #tpu.memory_space<semaphore_mem>>)
      } else {
      }
      %mul3A_418 = arith.constant 4 : i32
      %mul3A_419 = arith.muli %mul3A_418, %scan3A_360 : i32
      %add3A_420 = arith.constant 1 : i32
      %add3A_421 = arith.addi %mul3A_419, %add3A_420 : i32
      %dma_wait3A_422 = arith.constant 1 : i32
      %dma_wait3A_423 = arith.constant 0 : i32
      %dma_wait3A_424 = arith.constant 0 : i32
      %dma_wait3A_425 = tpu.memref_slice %arg8[%dma_wait3A_422, %dma_wait3A_423, %dma_wait3A_424] : memref<4x128x128xf32, #tpu.memory_space<vmem>> -> memref<1x128x128xf32, #tpu.memory_space<vmem>>
      %dma_wait3A_426 = tpu.memref_squeeze %dma_wait3A_425 : memref<1x128x128xf32, #tpu.memory_space<vmem>> -> memref<128x128xf32, #tpu.memory_space<vmem>>
      %dma_wait3A_427 = arith.constant 128 : i32
      %dma_wait3A_428 = tpu.memref_slice %arg7[%dma_wait3A_427] : memref<512xi32, #tpu.memory_space<vmem>> -> memref<128xi32, #tpu.memory_space<vmem>>
      %dma_wait3A_429 = arith.constant 0 : i32
      %dma_wait3A_430 = arith.constant 0 : i32
      %dma_wait3A_431 = tpu.memref_slice %arg4[%dma_wait3A_429, %dma_wait3A_430] : memref<65536x128xf32, #tpu.memory_space<hbm>> -> memref<65536x128xf32, #tpu.memory_space<hbm>>
      tpu.wait_indirect_dma semaphore(%arg12 : memref<!tpu.dma_semaphore, #tpu.memory_space<semaphore_mem>>) src(%dma_wait3A_431 : memref<65536x128xf32, #tpu.memory_space<hbm>>) dst(%dma_wait3A_426 : memref<128x128xf32, #tpu.memory_space<vmem>>)
      %dma_wait3A_432 = arith.constant 1 : i32
      %dma_wait3A_433 = arith.constant 0 : i32
      %dma_wait3A_434 = arith.constant 0 : i32
      %dma_wait3A_435 = tpu.memref_slice %arg9[%dma_wait3A_432, %dma_wait3A_433, %dma_wait3A_434] : memref<4x16x128xf32, #tpu.memory_space<vmem>> -> memref<1x16x128xf32, #tpu.memory_space<vmem>>
      %dma_wait3A_436 = tpu.memref_squeeze %dma_wait3A_435 : memref<1x16x128xf32, #tpu.memory_space<vmem>> -> memref<16x128xf32, #tpu.memory_space<vmem>>
      %dma_wait3A_437 = arith.constant 0 : i32
      %dma_wait3A_438 = tpu.memref_slice %arg3[%mul3A_2, %dma_wait3A_437] : memref<65536x128xf32, #tpu.memory_space<hbm>> -> memref<16x128xf32, #tpu.memory_space<hbm>>
      %dma_wait3A_439 = arith.constant 0 : i32
      %dma_wait3A_440 = arith.constant 0 : i32
      %dma_wait3A_441 = tpu.memref_slice %arg9[%dma_wait3A_432, %dma_wait3A_439, %dma_wait3A_440] : memref<4x16x128xf32, #tpu.memory_space<vmem>> -> memref<1x16x128xf32, #tpu.memory_space<vmem>>
      %dma_wait3A_442 = tpu.memref_squeeze %dma_wait3A_441 : memref<1x16x128xf32, #tpu.memory_space<vmem>> -> memref<16x128xf32, #tpu.memory_space<vmem>>
      %dma_wait3A_443 = arith.constant 0 : i32
      %dma_wait3A_444 = tpu.memref_slice %arg3[%mul3A_2, %dma_wait3A_443] : memref<65536x128xf32, #tpu.memory_space<hbm>> -> memref<16x128xf32, #tpu.memory_space<hbm>>
      tpu.wait_dma2 semaphore(%arg12 : memref<!tpu.dma_semaphore, #tpu.memory_space<semaphore_mem>>) src(%dma_wait3A_444 : memref<16x128xf32, #tpu.memory_space<hbm>>) dst(%dma_wait3A_442 : memref<16x128xf32, #tpu.memory_space<vmem>>)
      %ge3A_445 = arith.constant 4 : i32
      %ge3A_446 = arith.cmpi sge, %add3A_421, %ge3A_445 : i32
      %convert_element_type3A_447 = arith.extui %ge3A_446 : i1 to i32
      %cond3A_448 = arith.constant 0 : i32
      %cond3A_449 = arith.cmpi ne, %convert_element_type3A_447, %cond3A_448 : i32
      scf.if %cond3A_449 {
        %dma_wait3A_601 = arith.constant 1 : i32
        %dma_wait3A_602 = arith.constant 0 : i32
        %dma_wait3A_603 = arith.constant 0 : i32
        %dma_wait3A_604 = tpu.memref_slice %arg10[%dma_wait3A_601, %dma_wait3A_602, %dma_wait3A_603] : memref<4x16x128xf32, #tpu.memory_space<vmem>> -> memref<1x16x128xf32, #tpu.memory_space<vmem>>
        %dma_wait3A_605 = tpu.memref_squeeze %dma_wait3A_604 : memref<1x16x128xf32, #tpu.memory_space<vmem>> -> memref<16x128xf32, #tpu.memory_space<vmem>>
        %dma_wait3A_606 = arith.constant 0 : i32
        %dma_wait3A_607 = tpu.memref_slice %arg5[%mul3A_2, %dma_wait3A_606] : memref<65536x128xf32, #tpu.memory_space<hbm>> -> memref<16x128xf32, #tpu.memory_space<hbm>>
        %dma_wait3A_608 = arith.constant 0 : i32
        %dma_wait3A_609 = tpu.memref_slice %arg5[%mul3A_2, %dma_wait3A_608] : memref<65536x128xf32, #tpu.memory_space<hbm>> -> memref<16x128xf32, #tpu.memory_space<hbm>>
        %dma_wait3A_610 = arith.constant 0 : i32
        %dma_wait3A_611 = arith.constant 0 : i32
        %dma_wait3A_612 = tpu.memref_slice %arg10[%dma_wait3A_601, %dma_wait3A_610, %dma_wait3A_611] : memref<4x16x128xf32, #tpu.memory_space<vmem>> -> memref<1x16x128xf32, #tpu.memory_space<vmem>>
        %dma_wait3A_613 = tpu.memref_squeeze %dma_wait3A_612 : memref<1x16x128xf32, #tpu.memory_space<vmem>> -> memref<16x128xf32, #tpu.memory_space<vmem>>
        tpu.wait_dma2 semaphore(%arg16 : memref<!tpu.dma_semaphore, #tpu.memory_space<semaphore_mem>>) src(%dma_wait3A_613 : memref<16x128xf32, #tpu.memory_space<vmem>>) dst(%dma_wait3A_609 : memref<16x128xf32, #tpu.memory_space<hbm>>)
      } else {
      }
      %scan3A_450 = arith.constant 0 : i32
      %scan3A_451 = arith.constant 0 : i32
      %scan3A_452 = arith.constant 16 : i32
      %scan3A_453 = arith.addi %scan3A_451, %scan3A_452 : i32
      %scan3A_454 = arith.constant 1 : i32
      scf.for %scan3A_601 = %scan3A_451 to %scan3A_453 step %scan3A_454  : i32 {
        %mul3A_602 = arith.constant 8 : i32
        %mul3A_603 = arith.muli %scan3A_601, %mul3A_602 : i32
        %get3A_604 = arith.constant 1 : i32
        %get3A_605 = arith.index_cast %get3A_604 : i32 to index
        %get3A_606 = arith.index_cast %scan3A_601 : i32 to index
        %get3A_607 = arith.constant 0 : index
        %get3A_608 = tpu.vector_load %arg9[%get3A_605, %get3A_606, %get3A_607] {strides = array<i32>} : memref<4x16x128xf32, #tpu.memory_space<vmem>>, vector<16xf32>,
        %get3A_609 = arith.constant 1 : i32
        %get3A_610 = arith.index_cast %get3A_609 : i32 to index
        %get3A_611 = arith.index_cast %scan3A_601 : i32 to index
        %get3A_612 = arith.constant 16 : index
        %get3A_613 = tpu.vector_load %arg9[%get3A_610, %get3A_611, %get3A_612] {strides = array<i32>} : memref<4x16x128xf32, #tpu.memory_space<vmem>>, vector<16xf32>,
        %get3A_614 = arith.constant 1 : i32
        %get3A_615 = arith.index_cast %get3A_614 : i32 to index
        %get3A_616 = arith.index_cast %scan3A_601 : i32 to index
        %get3A_617 = arith.constant 32 : index
        %get3A_618 = tpu.vector_load %arg9[%get3A_615, %get3A_616, %get3A_617] {strides = array<i32>} : memref<4x16x128xf32, #tpu.memory_space<vmem>>, vector<16xf32>,
        %get3A_619 = arith.constant 1 : i32
        %get3A_620 = arith.index_cast %get3A_619 : i32 to index
        %get3A_621 = arith.index_cast %scan3A_601 : i32 to index
        %get3A_622 = arith.constant 48 : index
        %get3A_623 = tpu.vector_load %arg9[%get3A_620, %get3A_621, %get3A_622] {strides = array<i32>} : memref<4x16x128xf32, #tpu.memory_space<vmem>>, vector<16xf32>,
        %get3A_624 = arith.constant 1 : i32
        %get3A_625 = arith.index_cast %get3A_624 : i32 to index
        %get3A_626 = arith.index_cast %scan3A_601 : i32 to index
        %get3A_627 = arith.constant 64 : index
        %get3A_628 = tpu.vector_load %arg9[%get3A_625, %get3A_626, %get3A_627] {strides = array<i32>} : memref<4x16x128xf32, #tpu.memory_space<vmem>>, vector<16xf32>,
        %get3A_629 = arith.constant 1 : i32
        %get3A_630 = arith.index_cast %get3A_629 : i32 to index
        %get3A_631 = arith.index_cast %scan3A_601 : i32 to index
        %get3A_632 = arith.constant 80 : index
        %get3A_633 = tpu.vector_load %arg9[%get3A_630, %get3A_631, %get3A_632] {strides = array<i32>} : memref<4x16x128xf32, #tpu.memory_space<vmem>>, vector<16xf32>,
        %get3A_634 = arith.constant 1 : i32
        %get3A_635 = arith.index_cast %get3A_634 : i32 to index
        %get3A_636 = arith.index_cast %scan3A_601 : i32 to index
        %get3A_637 = arith.constant 96 : index
        %get3A_638 = tpu.vector_load %arg9[%get3A_635, %get3A_636, %get3A_637] {strides = array<i32>} : memref<4x16x128xf32, #tpu.memory_space<vmem>>, vector<16xf32>,
        %get3A_639 = arith.constant 1 : i32
        %get3A_640 = arith.index_cast %get3A_639 : i32 to index
        %get3A_641 = arith.index_cast %scan3A_601 : i32 to index
        %get3A_642 = arith.constant 112 : index
        %get3A_643 = tpu.vector_load %arg9[%get3A_640, %get3A_641, %get3A_642] {strides = array<i32>} : memref<4x16x128xf32, #tpu.memory_space<vmem>>, vector<16xf32>,
        %get3A_644 = arith.constant 1 : i32
        %get3A_645 = arith.index_cast %get3A_644 : i32 to index
        %get3A_646 = arith.index_cast %mul3A_603 : i32 to index
        %get3A_647 = arith.constant 0 : index
        %get3A_648 = tpu.vector_load %arg8[%get3A_645, %get3A_646, %get3A_647] {strides = array<i32>} : memref<4x128x128xf32, #tpu.memory_space<vmem>>, vector<16xf32>,
        %mul3A_649 = arith.mulf %get3A_608, %get3A_648 : vector<16xf32>
        %add3A_650 = arith.constant 1 : i32
        %add3A_651 = arith.addi %mul3A_603, %add3A_650 : i32
        %get3A_652 = arith.constant 1 : i32
        %get3A_653 = arith.index_cast %get3A_652 : i32 to index
        %get3A_654 = arith.index_cast %add3A_651 : i32 to index
        %get3A_655 = arith.constant 0 : index
        %get3A_656 = tpu.vector_load %arg8[%get3A_653, %get3A_654, %get3A_655] {strides = array<i32>} : memref<4x128x128xf32, #tpu.memory_space<vmem>>, vector<16xf32>,
        %mul3A_657 = arith.mulf %get3A_613, %get3A_656 : vector<16xf32>
        %add3A_658 = arith.addf %mul3A_649, %mul3A_657 : vector<16xf32>
        %add3A_659 = arith.constant 2 : i32
        %add3A_660 = arith.addi %mul3A_603, %add3A_659 : i32
        %get3A_661 = arith.constant 1 : i32
        %get3A_662 = arith.index_cast %get3A_661 : i32 to index
        %get3A_663 = arith.index_cast %add3A_660 : i32 to index
        %get3A_664 = arith.constant 0 : index
        %get3A_665 = tpu.vector_load %arg8[%get3A_662, %get3A_663, %get3A_664] {strides = array<i32>} : memref<4x128x128xf32, #tpu.memory_space<vmem>>, vector<16xf32>,
        %mul3A_666 = arith.mulf %get3A_618, %get3A_665 : vector<16xf32>
        %add3A_667 = arith.constant 3 : i32
        %add3A_668 = arith.addi %mul3A_603, %add3A_667 : i32
        %get3A_669 = arith.constant 1 : i32
        %get3A_670 = arith.index_cast %get3A_669 : i32 to index
        %get3A_671 = arith.index_cast %add3A_668 : i32 to index
        %get3A_672 = arith.constant 0 : index
        %get3A_673 = tpu.vector_load %arg8[%get3A_670, %get3A_671, %get3A_672] {strides = array<i32>} : memref<4x128x128xf32, #tpu.memory_space<vmem>>, vector<16xf32>,
        %mul3A_674 = arith.mulf %get3A_623, %get3A_673 : vector<16xf32>
        %add3A_675 = arith.addf %mul3A_666, %mul3A_674 : vector<16xf32>
        %add3A_676 = arith.constant 4 : i32
        %add3A_677 = arith.addi %mul3A_603, %add3A_676 : i32
        %get3A_678 = arith.constant 1 : i32
        %get3A_679 = arith.index_cast %get3A_678 : i32 to index
        %get3A_680 = arith.index_cast %add3A_677 : i32 to index
        %get3A_681 = arith.constant 0 : index
        %get3A_682 = tpu.vector_load %arg8[%get3A_679, %get3A_680, %get3A_681] {strides = array<i32>} : memref<4x128x128xf32, #tpu.memory_space<vmem>>, vector<16xf32>,
        %mul3A_683 = arith.mulf %get3A_628, %get3A_682 : vector<16xf32>
        %add3A_684 = arith.constant 5 : i32
        %add3A_685 = arith.addi %mul3A_603, %add3A_684 : i32
        %get3A_686 = arith.constant 1 : i32
        %get3A_687 = arith.index_cast %get3A_686 : i32 to index
        %get3A_688 = arith.index_cast %add3A_685 : i32 to index
        %get3A_689 = arith.constant 0 : index
        %get3A_690 = tpu.vector_load %arg8[%get3A_687, %get3A_688, %get3A_689] {strides = array<i32>} : memref<4x128x128xf32, #tpu.memory_space<vmem>>, vector<16xf32>,
        %mul3A_691 = arith.mulf %get3A_633, %get3A_690 : vector<16xf32>
        %add3A_692 = arith.addf %mul3A_683, %mul3A_691 : vector<16xf32>
        %add3A_693 = arith.constant 6 : i32
        %add3A_694 = arith.addi %mul3A_603, %add3A_693 : i32
        %get3A_695 = arith.constant 1 : i32
        %get3A_696 = arith.index_cast %get3A_695 : i32 to index
        %get3A_697 = arith.index_cast %add3A_694 : i32 to index
        %get3A_698 = arith.constant 0 : index
        %get3A_699 = tpu.vector_load %arg8[%get3A_696, %get3A_697, %get3A_698] {strides = array<i32>} : memref<4x128x128xf32, #tpu.memory_space<vmem>>, vector<16xf32>,
        %mul3A_700 = arith.mulf %get3A_638, %get3A_699 : vector<16xf32>
        %add3A_701 = arith.constant 7 : i32
        %add3A_702 = arith.addi %mul3A_603, %add3A_701 : i32
        %get3A_703 = arith.constant 1 : i32
        %get3A_704 = arith.index_cast %get3A_703 : i32 to index
        %get3A_705 = arith.index_cast %add3A_702 : i32 to index
        %get3A_706 = arith.constant 0 : index
        %get3A_707 = tpu.vector_load %arg8[%get3A_704, %get3A_705, %get3A_706] {strides = array<i32>} : memref<4x128x128xf32, #tpu.memory_space<vmem>>, vector<16xf32>,
        %mul3A_708 = arith.mulf %get3A_643, %get3A_707 : vector<16xf32>
        %add3A_709 = arith.addf %mul3A_700, %mul3A_708 : vector<16xf32>
        %add3A_710 = arith.addf %add3A_658, %add3A_675 : vector<16xf32>
        %add3A_711 = arith.addf %add3A_692, %add3A_709 : vector<16xf32>
        %add3A_712 = arith.addf %add3A_710, %add3A_711 : vector<16xf32>
        %swap3A = arith.constant 1 : i32
        %swap3A_713 = arith.index_cast %swap3A : i32 to index
        %swap3A_714 = arith.index_cast %scan3A_601 : i32 to index
        %swap3A_715 = arith.constant 0 : index
        %swap3A_716 = tpu.vector_load %arg10[%swap3A_713, %swap3A_714, %swap3A_715] {strides = array<i32>} : memref<4x16x128xf32, #tpu.memory_space<vmem>>, vector<16xf32>,
        tpu.vector_store %arg10[%swap3A_713, %swap3A_714, %swap3A_715], %add3A_712 {strides = array<i32>} : memref<4x16x128xf32, #tpu.memory_space<vmem>>, vector<16xf32>,
        %get3A_717 = arith.constant 1 : i32
        %get3A_718 = arith.index_cast %get3A_717 : i32 to index
        %get3A_719 = arith.index_cast %mul3A_603 : i32 to index
        %get3A_720 = arith.constant 16 : index
        %get3A_721 = tpu.vector_load %arg8[%get3A_718, %get3A_719, %get3A_720] {strides = array<i32>} : memref<4x128x128xf32, #tpu.memory_space<vmem>>, vector<16xf32>,
        %mul3A_722 = arith.mulf %get3A_608, %get3A_721 : vector<16xf32>
        %add3A_723 = arith.constant 1 : i32
        %add3A_724 = arith.addi %mul3A_603, %add3A_723 : i32
        %get3A_725 = arith.constant 1 : i32
        %get3A_726 = arith.index_cast %get3A_725 : i32 to index
        %get3A_727 = arith.index_cast %add3A_724 : i32 to index
        %get3A_728 = arith.constant 16 : index
        %get3A_729 = tpu.vector_load %arg8[%get3A_726, %get3A_727, %get3A_728] {strides = array<i32>} : memref<4x128x128xf32, #tpu.memory_space<vmem>>, vector<16xf32>,
        %mul3A_730 = arith.mulf %get3A_613, %get3A_729 : vector<16xf32>
        %add3A_731 = arith.addf %mul3A_722, %mul3A_730 : vector<16xf32>
        %add3A_732 = arith.constant 2 : i32
        %add3A_733 = arith.addi %mul3A_603, %add3A_732 : i32
        %get3A_734 = arith.constant 1 : i32
        %get3A_735 = arith.index_cast %get3A_734 : i32 to index
        %get3A_736 = arith.index_cast %add3A_733 : i32 to index
        %get3A_737 = arith.constant 16 : index
        %get3A_738 = tpu.vector_load %arg8[%get3A_735, %get3A_736, %get3A_737] {strides = array<i32>} : memref<4x128x128xf32, #tpu.memory_space<vmem>>, vector<16xf32>,
        %mul3A_739 = arith.mulf %get3A_618, %get3A_738 : vector<16xf32>
        %add3A_740 = arith.constant 3 : i32
        %add3A_741 = arith.addi %mul3A_603, %add3A_740 : i32
        %get3A_742 = arith.constant 1 : i32
        %get3A_743 = arith.index_cast %get3A_742 : i32 to index
        %get3A_744 = arith.index_cast %add3A_741 : i32 to index
        %get3A_745 = arith.constant 16 : index
        %get3A_746 = tpu.vector_load %arg8[%get3A_743, %get3A_744, %get3A_745] {strides = array<i32>} : memref<4x128x128xf32, #tpu.memory_space<vmem>>, vector<16xf32>,
        %mul3A_747 = arith.mulf %get3A_623, %get3A_746 : vector<16xf32>
        %add3A_748 = arith.addf %mul3A_739, %mul3A_747 : vector<16xf32>
        %add3A_749 = arith.constant 4 : i32
        %add3A_750 = arith.addi %mul3A_603, %add3A_749 : i32
        %get3A_751 = arith.constant 1 : i32
        %get3A_752 = arith.index_cast %get3A_751 : i32 to index
        %get3A_753 = arith.index_cast %add3A_750 : i32 to index
        %get3A_754 = arith.constant 16 : index
        %get3A_755 = tpu.vector_load %arg8[%get3A_752, %get3A_753, %get3A_754] {strides = array<i32>} : memref<4x128x128xf32, #tpu.memory_space<vmem>>, vector<16xf32>,
        %mul3A_756 = arith.mulf %get3A_628, %get3A_755 : vector<16xf32>
        %add3A_757 = arith.constant 5 : i32
        %add3A_758 = arith.addi %mul3A_603, %add3A_757 : i32
        %get3A_759 = arith.constant 1 : i32
        %get3A_760 = arith.index_cast %get3A_759 : i32 to index
        %get3A_761 = arith.index_cast %add3A_758 : i32 to index
        %get3A_762 = arith.constant 16 : index
        %get3A_763 = tpu.vector_load %arg8[%get3A_760, %get3A_761, %get3A_762] {strides = array<i32>} : memref<4x128x128xf32, #tpu.memory_space<vmem>>, vector<16xf32>,
        %mul3A_764 = arith.mulf %get3A_633, %get3A_763 : vector<16xf32>
        %add3A_765 = arith.addf %mul3A_756, %mul3A_764 : vector<16xf32>
        %add3A_766 = arith.constant 6 : i32
        %add3A_767 = arith.addi %mul3A_603, %add3A_766 : i32
        %get3A_768 = arith.constant 1 : i32
        %get3A_769 = arith.index_cast %get3A_768 : i32 to index
        %get3A_770 = arith.index_cast %add3A_767 : i32 to index
        %get3A_771 = arith.constant 16 : index
        %get3A_772 = tpu.vector_load %arg8[%get3A_769, %get3A_770, %get3A_771] {strides = array<i32>} : memref<4x128x128xf32, #tpu.memory_space<vmem>>, vector<16xf32>,
        %mul3A_773 = arith.mulf %get3A_638, %get3A_772 : vector<16xf32>
        %add3A_774 = arith.constant 7 : i32
        %add3A_775 = arith.addi %mul3A_603, %add3A_774 : i32
        %get3A_776 = arith.constant 1 : i32
        %get3A_777 = arith.index_cast %get3A_776 : i32 to index
        %get3A_778 = arith.index_cast %add3A_775 : i32 to index
        %get3A_779 = arith.constant 16 : index
        %get3A_780 = tpu.vector_load %arg8[%get3A_777, %get3A_778, %get3A_779] {strides = array<i32>} : memref<4x128x128xf32, #tpu.memory_space<vmem>>, vector<16xf32>,
        %mul3A_781 = arith.mulf %get3A_643, %get3A_780 : vector<16xf32>
        %add3A_782 = arith.addf %mul3A_773, %mul3A_781 : vector<16xf32>
        %add3A_783 = arith.addf %add3A_731, %add3A_748 : vector<16xf32>
        %add3A_784 = arith.addf %add3A_765, %add3A_782 : vector<16xf32>
        %add3A_785 = arith.addf %add3A_783, %add3A_784 : vector<16xf32>
        %swap3A_786 = arith.constant 1 : i32
        %swap3A_787 = arith.index_cast %swap3A_786 : i32 to index
        %swap3A_788 = arith.index_cast %scan3A_601 : i32 to index
        %swap3A_789 = arith.constant 16 : index
        %swap3A_790 = tpu.vector_load %arg10[%swap3A_787, %swap3A_788, %swap3A_789] {strides = array<i32>} : memref<4x16x128xf32, #tpu.memory_space<vmem>>, vector<16xf32>,
        tpu.vector_store %arg10[%swap3A_787, %swap3A_788, %swap3A_789], %add3A_785 {strides = array<i32>} : memref<4x16x128xf32, #tpu.memory_space<vmem>>, vector<16xf32>,
        %get3A_791 = arith.constant 1 : i32
        %get3A_792 = arith.index_cast %get3A_791 : i32 to index
        %get3A_793 = arith.index_cast %mul3A_603 : i32 to index
        %get3A_794 = arith.constant 32 : index
        %get3A_795 = tpu.vector_load %arg8[%get3A_792, %get3A_793, %get3A_794] {strides = array<i32>} : memref<4x128x128xf32, #tpu.memory_space<vmem>>, vector<16xf32>,
        %mul3A_796 = arith.mulf %get3A_608, %get3A_795 : vector<16xf32>
        %add3A_797 = arith.constant 1 : i32
        %add3A_798 = arith.addi %mul3A_603, %add3A_797 : i32
        %get3A_799 = arith.constant 1 : i32
        %get3A_800 = arith.index_cast %get3A_799 : i32 to index
        %get3A_801 = arith.index_cast %add3A_798 : i32 to index
        %get3A_802 = arith.constant 32 : index
        %get3A_803 = tpu.vector_load %arg8[%get3A_800, %get3A_801, %get3A_802] {strides = array<i32>} : memref<4x128x128xf32, #tpu.memory_space<vmem>>, vector<16xf32>,
        %mul3A_804 = arith.mulf %get3A_613, %get3A_803 : vector<16xf32>
        %add3A_805 = arith.addf %mul3A_796, %mul3A_804 : vector<16xf32>
        %add3A_806 = arith.constant 2 : i32
        %add3A_807 = arith.addi %mul3A_603, %add3A_806 : i32
        %get3A_808 = arith.constant 1 : i32
        %get3A_809 = arith.index_cast %get3A_808 : i32 to index
        %get3A_810 = arith.index_cast %add3A_807 : i32 to index
        %get3A_811 = arith.constant 32 : index
        %get3A_812 = tpu.vector_load %arg8[%get3A_809, %get3A_810, %get3A_811] {strides = array<i32>} : memref<4x128x128xf32, #tpu.memory_space<vmem>>, vector<16xf32>,
        %mul3A_813 = arith.mulf %get3A_618, %get3A_812 : vector<16xf32>
        %add3A_814 = arith.constant 3 : i32
        %add3A_815 = arith.addi %mul3A_603, %add3A_814 : i32
        %get3A_816 = arith.constant 1 : i32
        %get3A_817 = arith.index_cast %get3A_816 : i32 to index
        %get3A_818 = arith.index_cast %add3A_815 : i32 to index
        %get3A_819 = arith.constant 32 : index
        %get3A_820 = tpu.vector_load %arg8[%get3A_817, %get3A_818, %get3A_819] {strides = array<i32>} : memref<4x128x128xf32, #tpu.memory_space<vmem>>, vector<16xf32>,
        %mul3A_821 = arith.mulf %get3A_623, %get3A_820 : vector<16xf32>
        %add3A_822 = arith.addf %mul3A_813, %mul3A_821 : vector<16xf32>
        %add3A_823 = arith.constant 4 : i32
        %add3A_824 = arith.addi %mul3A_603, %add3A_823 : i32
        %get3A_825 = arith.constant 1 : i32
        %get3A_826 = arith.index_cast %get3A_825 : i32 to index
        %get3A_827 = arith.index_cast %add3A_824 : i32 to index
        %get3A_828 = arith.constant 32 : index
        %get3A_829 = tpu.vector_load %arg8[%get3A_826, %get3A_827, %get3A_828] {strides = array<i32>} : memref<4x128x128xf32, #tpu.memory_space<vmem>>, vector<16xf32>,
        %mul3A_830 = arith.mulf %get3A_628, %get3A_829 : vector<16xf32>
        %add3A_831 = arith.constant 5 : i32
        %add3A_832 = arith.addi %mul3A_603, %add3A_831 : i32
        %get3A_833 = arith.constant 1 : i32
        %get3A_834 = arith.index_cast %get3A_833 : i32 to index
        %get3A_835 = arith.index_cast %add3A_832 : i32 to index
        %get3A_836 = arith.constant 32 : index
        %get3A_837 = tpu.vector_load %arg8[%get3A_834, %get3A_835, %get3A_836] {strides = array<i32>} : memref<4x128x128xf32, #tpu.memory_space<vmem>>, vector<16xf32>,
        %mul3A_838 = arith.mulf %get3A_633, %get3A_837 : vector<16xf32>
        %add3A_839 = arith.addf %mul3A_830, %mul3A_838 : vector<16xf32>
        %add3A_840 = arith.constant 6 : i32
        %add3A_841 = arith.addi %mul3A_603, %add3A_840 : i32
        %get3A_842 = arith.constant 1 : i32
        %get3A_843 = arith.index_cast %get3A_842 : i32 to index
        %get3A_844 = arith.index_cast %add3A_841 : i32 to index
        %get3A_845 = arith.constant 32 : index
        %get3A_846 = tpu.vector_load %arg8[%get3A_843, %get3A_844, %get3A_845] {strides = array<i32>} : memref<4x128x128xf32, #tpu.memory_space<vmem>>, vector<16xf32>,
        %mul3A_847 = arith.mulf %get3A_638, %get3A_846 : vector<16xf32>
        %add3A_848 = arith.constant 7 : i32
        %add3A_849 = arith.addi %mul3A_603, %add3A_848 : i32
        %get3A_850 = arith.constant 1 : i32
        %get3A_851 = arith.index_cast %get3A_850 : i32 to index
        %get3A_852 = arith.index_cast %add3A_849 : i32 to index
        %get3A_853 = arith.constant 32 : index
        %get3A_854 = tpu.vector_load %arg8[%get3A_851, %get3A_852, %get3A_853] {strides = array<i32>} : memref<4x128x128xf32, #tpu.memory_space<vmem>>, vector<16xf32>,
        %mul3A_855 = arith.mulf %get3A_643, %get3A_854 : vector<16xf32>
        %add3A_856 = arith.addf %mul3A_847, %mul3A_855 : vector<16xf32>
        %add3A_857 = arith.addf %add3A_805, %add3A_822 : vector<16xf32>
        %add3A_858 = arith.addf %add3A_839, %add3A_856 : vector<16xf32>
        %add3A_859 = arith.addf %add3A_857, %add3A_858 : vector<16xf32>
        %swap3A_860 = arith.constant 1 : i32
        %swap3A_861 = arith.index_cast %swap3A_860 : i32 to index
        %swap3A_862 = arith.index_cast %scan3A_601 : i32 to index
        %swap3A_863 = arith.constant 32 : index
        %swap3A_864 = tpu.vector_load %arg10[%swap3A_861, %swap3A_862, %swap3A_863] {strides = array<i32>} : memref<4x16x128xf32, #tpu.memory_space<vmem>>, vector<16xf32>,
        tpu.vector_store %arg10[%swap3A_861, %swap3A_862, %swap3A_863], %add3A_859 {strides = array<i32>} : memref<4x16x128xf32, #tpu.memory_space<vmem>>, vector<16xf32>,
        %get3A_865 = arith.constant 1 : i32
        %get3A_866 = arith.index_cast %get3A_865 : i32 to index
        %get3A_867 = arith.index_cast %mul3A_603 : i32 to index
        %get3A_868 = arith.constant 48 : index
        %get3A_869 = tpu.vector_load %arg8[%get3A_866, %get3A_867, %get3A_868] {strides = array<i32>} : memref<4x128x128xf32, #tpu.memory_space<vmem>>, vector<16xf32>,
        %mul3A_870 = arith.mulf %get3A_608, %get3A_869 : vector<16xf32>
        %add3A_871 = arith.constant 1 : i32
        %add3A_872 = arith.addi %mul3A_603, %add3A_871 : i32
        %get3A_873 = arith.constant 1 : i32
        %get3A_874 = arith.index_cast %get3A_873 : i32 to index
        %get3A_875 = arith.index_cast %add3A_872 : i32 to index
        %get3A_876 = arith.constant 48 : index
        %get3A_877 = tpu.vector_load %arg8[%get3A_874, %get3A_875, %get3A_876] {strides = array<i32>} : memref<4x128x128xf32, #tpu.memory_space<vmem>>, vector<16xf32>,
        %mul3A_878 = arith.mulf %get3A_613, %get3A_877 : vector<16xf32>
        %add3A_879 = arith.addf %mul3A_870, %mul3A_878 : vector<16xf32>
        %add3A_880 = arith.constant 2 : i32
        %add3A_881 = arith.addi %mul3A_603, %add3A_880 : i32
        %get3A_882 = arith.constant 1 : i32
        %get3A_883 = arith.index_cast %get3A_882 : i32 to index
        %get3A_884 = arith.index_cast %add3A_881 : i32 to index
        %get3A_885 = arith.constant 48 : index
        %get3A_886 = tpu.vector_load %arg8[%get3A_883, %get3A_884, %get3A_885] {strides = array<i32>} : memref<4x128x128xf32, #tpu.memory_space<vmem>>, vector<16xf32>,
        %mul3A_887 = arith.mulf %get3A_618, %get3A_886 : vector<16xf32>
        %add3A_888 = arith.constant 3 : i32
        %add3A_889 = arith.addi %mul3A_603, %add3A_888 : i32
        %get3A_890 = arith.constant 1 : i32
        %get3A_891 = arith.index_cast %get3A_890 : i32 to index
        %get3A_892 = arith.index_cast %add3A_889 : i32 to index
        %get3A_893 = arith.constant 48 : index
        %get3A_894 = tpu.vector_load %arg8[%get3A_891, %get3A_892, %get3A_893] {strides = array<i32>} : memref<4x128x128xf32, #tpu.memory_space<vmem>>, vector<16xf32>,
        %mul3A_895 = arith.mulf %get3A_623, %get3A_894 : vector<16xf32>
        %add3A_896 = arith.addf %mul3A_887, %mul3A_895 : vector<16xf32>
        %add3A_897 = arith.constant 4 : i32
        %add3A_898 = arith.addi %mul3A_603, %add3A_897 : i32
        %get3A_899 = arith.constant 1 : i32
        %get3A_900 = arith.index_cast %get3A_899 : i32 to index
        %get3A_901 = arith.index_cast %add3A_898 : i32 to index
        %get3A_902 = arith.constant 48 : index
        %get3A_903 = tpu.vector_load %arg8[%get3A_900, %get3A_901, %get3A_902] {strides = array<i32>} : memref<4x128x128xf32, #tpu.memory_space<vmem>>, vector<16xf32>,
        %mul3A_904 = arith.mulf %get3A_628, %get3A_903 : vector<16xf32>
        %add3A_905 = arith.constant 5 : i32
        %add3A_906 = arith.addi %mul3A_603, %add3A_905 : i32
        %get3A_907 = arith.constant 1 : i32
        %get3A_908 = arith.index_cast %get3A_907 : i32 to index
        %get3A_909 = arith.index_cast %add3A_906 : i32 to index
        %get3A_910 = arith.constant 48 : index
        %get3A_911 = tpu.vector_load %arg8[%get3A_908, %get3A_909, %get3A_910] {strides = array<i32>} : memref<4x128x128xf32, #tpu.memory_space<vmem>>, vector<16xf32>,
        %mul3A_912 = arith.mulf %get3A_633, %get3A_911 : vector<16xf32>
        %add3A_913 = arith.addf %mul3A_904, %mul3A_912 : vector<16xf32>
        %add3A_914 = arith.constant 6 : i32
        %add3A_915 = arith.addi %mul3A_603, %add3A_914 : i32
        %get3A_916 = arith.constant 1 : i32
        %get3A_917 = arith.index_cast %get3A_916 : i32 to index
        %get3A_918 = arith.index_cast %add3A_915 : i32 to index
        %get3A_919 = arith.constant 48 : index
        %get3A_920 = tpu.vector_load %arg8[%get3A_917, %get3A_918, %get3A_919] {strides = array<i32>} : memref<4x128x128xf32, #tpu.memory_space<vmem>>, vector<16xf32>,
        %mul3A_921 = arith.mulf %get3A_638, %get3A_920 : vector<16xf32>
        %add3A_922 = arith.constant 7 : i32
        %add3A_923 = arith.addi %mul3A_603, %add3A_922 : i32
        %get3A_924 = arith.constant 1 : i32
        %get3A_925 = arith.index_cast %get3A_924 : i32 to index
        %get3A_926 = arith.index_cast %add3A_923 : i32 to index
        %get3A_927 = arith.constant 48 : index
        %get3A_928 = tpu.vector_load %arg8[%get3A_925, %get3A_926, %get3A_927] {strides = array<i32>} : memref<4x128x128xf32, #tpu.memory_space<vmem>>, vector<16xf32>,
        %mul3A_929 = arith.mulf %get3A_643, %get3A_928 : vector<16xf32>
        %add3A_930 = arith.addf %mul3A_921, %mul3A_929 : vector<16xf32>
        %add3A_931 = arith.addf %add3A_879, %add3A_896 : vector<16xf32>
        %add3A_932 = arith.addf %add3A_913, %add3A_930 : vector<16xf32>
        %add3A_933 = arith.addf %add3A_931, %add3A_932 : vector<16xf32>
        %swap3A_934 = arith.constant 1 : i32
        %swap3A_935 = arith.index_cast %swap3A_934 : i32 to index
        %swap3A_936 = arith.index_cast %scan3A_601 : i32 to index
        %swap3A_937 = arith.constant 48 : index
        %swap3A_938 = tpu.vector_load %arg10[%swap3A_935, %swap3A_936, %swap3A_937] {strides = array<i32>} : memref<4x16x128xf32, #tpu.memory_space<vmem>>, vector<16xf32>,
        tpu.vector_store %arg10[%swap3A_935, %swap3A_936, %swap3A_937], %add3A_933 {strides = array<i32>} : memref<4x16x128xf32, #tpu.memory_space<vmem>>, vector<16xf32>,
        %get3A_939 = arith.constant 1 : i32
        %get3A_940 = arith.index_cast %get3A_939 : i32 to index
        %get3A_941 = arith.index_cast %mul3A_603 : i32 to index
        %get3A_942 = arith.constant 64 : index
        %get3A_943 = tpu.vector_load %arg8[%get3A_940, %get3A_941, %get3A_942] {strides = array<i32>} : memref<4x128x128xf32, #tpu.memory_space<vmem>>, vector<16xf32>,
        %mul3A_944 = arith.mulf %get3A_608, %get3A_943 : vector<16xf32>
        %add3A_945 = arith.constant 1 : i32
        %add3A_946 = arith.addi %mul3A_603, %add3A_945 : i32
        %get3A_947 = arith.constant 1 : i32
        %get3A_948 = arith.index_cast %get3A_947 : i32 to index
        %get3A_949 = arith.index_cast %add3A_946 : i32 to index
        %get3A_950 = arith.constant 64 : index
        %get3A_951 = tpu.vector_load %arg8[%get3A_948, %get3A_949, %get3A_950] {strides = array<i32>} : memref<4x128x128xf32, #tpu.memory_space<vmem>>, vector<16xf32>,
        %mul3A_952 = arith.mulf %get3A_613, %get3A_951 : vector<16xf32>
        %add3A_953 = arith.addf %mul3A_944, %mul3A_952 : vector<16xf32>
        %add3A_954 = arith.constant 2 : i32
        %add3A_955 = arith.addi %mul3A_603, %add3A_954 : i32
        %get3A_956 = arith.constant 1 : i32
        %get3A_957 = arith.index_cast %get3A_956 : i32 to index
        %get3A_958 = arith.index_cast %add3A_955 : i32 to index
        %get3A_959 = arith.constant 64 : index
        %get3A_960 = tpu.vector_load %arg8[%get3A_957, %get3A_958, %get3A_959] {strides = array<i32>} : memref<4x128x128xf32, #tpu.memory_space<vmem>>, vector<16xf32>,
        %mul3A_961 = arith.mulf %get3A_618, %get3A_960 : vector<16xf32>
        %add3A_962 = arith.constant 3 : i32
        %add3A_963 = arith.addi %mul3A_603, %add3A_962 : i32
        %get3A_964 = arith.constant 1 : i32
        %get3A_965 = arith.index_cast %get3A_964 : i32 to index
        %get3A_966 = arith.index_cast %add3A_963 : i32 to index
        %get3A_967 = arith.constant 64 : index
        %get3A_968 = tpu.vector_load %arg8[%get3A_965, %get3A_966, %get3A_967] {strides = array<i32>} : memref<4x128x128xf32, #tpu.memory_space<vmem>>, vector<16xf32>,
        %mul3A_969 = arith.mulf %get3A_623, %get3A_968 : vector<16xf32>
        %add3A_970 = arith.addf %mul3A_961, %mul3A_969 : vector<16xf32>
        %add3A_971 = arith.constant 4 : i32
        %add3A_972 = arith.addi %mul3A_603, %add3A_971 : i32
        %get3A_973 = arith.constant 1 : i32
        %get3A_974 = arith.index_cast %get3A_973 : i32 to index
        %get3A_975 = arith.index_cast %add3A_972 : i32 to index
        %get3A_976 = arith.constant 64 : index
        %get3A_977 = tpu.vector_load %arg8[%get3A_974, %get3A_975, %get3A_976] {strides = array<i32>} : memref<4x128x128xf32, #tpu.memory_space<vmem>>, vector<16xf32>,
        %mul3A_978 = arith.mulf %get3A_628, %get3A_977 : vector<16xf32>
        %add3A_979 = arith.constant 5 : i32
        %add3A_980 = arith.addi %mul3A_603, %add3A_979 : i32
        %get3A_981 = arith.constant 1 : i32
        %get3A_982 = arith.index_cast %get3A_981 : i32 to index
        %get3A_983 = arith.index_cast %add3A_980 : i32 to index
        %get3A_984 = arith.constant 64 : index
        %get3A_985 = tpu.vector_load %arg8[%get3A_982, %get3A_983, %get3A_984] {strides = array<i32>} : memref<4x128x128xf32, #tpu.memory_space<vmem>>, vector<16xf32>,
        %mul3A_986 = arith.mulf %get3A_633, %get3A_985 : vector<16xf32>
        %add3A_987 = arith.addf %mul3A_978, %mul3A_986 : vector<16xf32>
        %add3A_988 = arith.constant 6 : i32
        %add3A_989 = arith.addi %mul3A_603, %add3A_988 : i32
        %get3A_990 = arith.constant 1 : i32
        %get3A_991 = arith.index_cast %get3A_990 : i32 to index
        %get3A_992 = arith.index_cast %add3A_989 : i32 to index
        %get3A_993 = arith.constant 64 : index
        %get3A_994 = tpu.vector_load %arg8[%get3A_991, %get3A_992, %get3A_993] {strides = array<i32>} : memref<4x128x128xf32, #tpu.memory_space<vmem>>, vector<16xf32>,
        %mul3A_995 = arith.mulf %get3A_638, %get3A_994 : vector<16xf32>
        %add3A_996 = arith.constant 7 : i32
        %add3A_997 = arith.addi %mul3A_603, %add3A_996 : i32
        %get3A_998 = arith.constant 1 : i32
        %get3A_999 = arith.index_cast %get3A_998 : i32 to index
        %get3A_1000 = arith.index_cast %add3A_997 : i32 to index
        %get3A_1001 = arith.constant 64 : index
        %get3A_1002 = tpu.vector_load %arg8[%get3A_999, %get3A_1000, %get3A_1001] {strides = array<i32>} : memref<4x128x128xf32, #tpu.memory_space<vmem>>, vector<16xf32>,
        %mul3A_1003 = arith.mulf %get3A_643, %get3A_1002 : vector<16xf32>
        %add3A_1004 = arith.addf %mul3A_995, %mul3A_1003 : vector<16xf32>
        %add3A_1005 = arith.addf %add3A_953, %add3A_970 : vector<16xf32>
        %add3A_1006 = arith.addf %add3A_987, %add3A_1004 : vector<16xf32>
        %add3A_1007 = arith.addf %add3A_1005, %add3A_1006 : vector<16xf32>
        %swap3A_1008 = arith.constant 1 : i32
        %swap3A_1009 = arith.index_cast %swap3A_1008 : i32 to index
        %swap3A_1010 = arith.index_cast %scan3A_601 : i32 to index
        %swap3A_1011 = arith.constant 64 : index
        %swap3A_1012 = tpu.vector_load %arg10[%swap3A_1009, %swap3A_1010, %swap3A_1011] {strides = array<i32>} : memref<4x16x128xf32, #tpu.memory_space<vmem>>, vector<16xf32>,
        tpu.vector_store %arg10[%swap3A_1009, %swap3A_1010, %swap3A_1011], %add3A_1007 {strides = array<i32>} : memref<4x16x128xf32, #tpu.memory_space<vmem>>, vector<16xf32>,
        %get3A_1013 = arith.constant 1 : i32
        %get3A_1014 = arith.index_cast %get3A_1013 : i32 to index
        %get3A_1015 = arith.index_cast %mul3A_603 : i32 to index
        %get3A_1016 = arith.constant 80 : index
        %get3A_1017 = tpu.vector_load %arg8[%get3A_1014, %get3A_1015, %get3A_1016] {strides = array<i32>} : memref<4x128x128xf32, #tpu.memory_space<vmem>>, vector<16xf32>,
        %mul3A_1018 = arith.mulf %get3A_608, %get3A_1017 : vector<16xf32>
        %add3A_1019 = arith.constant 1 : i32
        %add3A_1020 = arith.addi %mul3A_603, %add3A_1019 : i32
        %get3A_1021 = arith.constant 1 : i32
        %get3A_1022 = arith.index_cast %get3A_1021 : i32 to index
        %get3A_1023 = arith.index_cast %add3A_1020 : i32 to index
        %get3A_1024 = arith.constant 80 : index
        %get3A_1025 = tpu.vector_load %arg8[%get3A_1022, %get3A_1023, %get3A_1024] {strides = array<i32>} : memref<4x128x128xf32, #tpu.memory_space<vmem>>, vector<16xf32>,
        %mul3A_1026 = arith.mulf %get3A_613, %get3A_1025 : vector<16xf32>
        %add3A_1027 = arith.addf %mul3A_1018, %mul3A_1026 : vector<16xf32>
        %add3A_1028 = arith.constant 2 : i32
        %add3A_1029 = arith.addi %mul3A_603, %add3A_1028 : i32
        %get3A_1030 = arith.constant 1 : i32
        %get3A_1031 = arith.index_cast %get3A_1030 : i32 to index
        %get3A_1032 = arith.index_cast %add3A_1029 : i32 to index
        %get3A_1033 = arith.constant 80 : index
        %get3A_1034 = tpu.vector_load %arg8[%get3A_1031, %get3A_1032, %get3A_1033] {strides = array<i32>} : memref<4x128x128xf32, #tpu.memory_space<vmem>>, vector<16xf32>,
        %mul3A_1035 = arith.mulf %get3A_618, %get3A_1034 : vector<16xf32>
        %add3A_1036 = arith.constant 3 : i32
        %add3A_1037 = arith.addi %mul3A_603, %add3A_1036 : i32
        %get3A_1038 = arith.constant 1 : i32
        %get3A_1039 = arith.index_cast %get3A_1038 : i32 to index
        %get3A_1040 = arith.index_cast %add3A_1037 : i32 to index
        %get3A_1041 = arith.constant 80 : index
        %get3A_1042 = tpu.vector_load %arg8[%get3A_1039, %get3A_1040, %get3A_1041] {strides = array<i32>} : memref<4x128x128xf32, #tpu.memory_space<vmem>>, vector<16xf32>,
        %mul3A_1043 = arith.mulf %get3A_623, %get3A_1042 : vector<16xf32>
        %add3A_1044 = arith.addf %mul3A_1035, %mul3A_1043 : vector<16xf32>
        %add3A_1045 = arith.constant 4 : i32
        %add3A_1046 = arith.addi %mul3A_603, %add3A_1045 : i32
        %get3A_1047 = arith.constant 1 : i32
        %get3A_1048 = arith.index_cast %get3A_1047 : i32 to index
        %get3A_1049 = arith.index_cast %add3A_1046 : i32 to index
        %get3A_1050 = arith.constant 80 : index
        %get3A_1051 = tpu.vector_load %arg8[%get3A_1048, %get3A_1049, %get3A_1050] {strides = array<i32>} : memref<4x128x128xf32, #tpu.memory_space<vmem>>, vector<16xf32>,
        %mul3A_1052 = arith.mulf %get3A_628, %get3A_1051 : vector<16xf32>
        %add3A_1053 = arith.constant 5 : i32
        %add3A_1054 = arith.addi %mul3A_603, %add3A_1053 : i32
        %get3A_1055 = arith.constant 1 : i32
        %get3A_1056 = arith.index_cast %get3A_1055 : i32 to index
        %get3A_1057 = arith.index_cast %add3A_1054 : i32 to index
        %get3A_1058 = arith.constant 80 : index
        %get3A_1059 = tpu.vector_load %arg8[%get3A_1056, %get3A_1057, %get3A_1058] {strides = array<i32>} : memref<4x128x128xf32, #tpu.memory_space<vmem>>, vector<16xf32>,
        %mul3A_1060 = arith.mulf %get3A_633, %get3A_1059 : vector<16xf32>
        %add3A_1061 = arith.addf %mul3A_1052, %mul3A_1060 : vector<16xf32>
        %add3A_1062 = arith.constant 6 : i32
        %add3A_1063 = arith.addi %mul3A_603, %add3A_1062 : i32
        %get3A_1064 = arith.constant 1 : i32
        %get3A_1065 = arith.index_cast %get3A_1064 : i32 to index
        %get3A_1066 = arith.index_cast %add3A_1063 : i32 to index
        %get3A_1067 = arith.constant 80 : index
        %get3A_1068 = tpu.vector_load %arg8[%get3A_1065, %get3A_1066, %get3A_1067] {strides = array<i32>} : memref<4x128x128xf32, #tpu.memory_space<vmem>>, vector<16xf32>,
        %mul3A_1069 = arith.mulf %get3A_638, %get3A_1068 : vector<16xf32>
        %add3A_1070 = arith.constant 7 : i32
        %add3A_1071 = arith.addi %mul3A_603, %add3A_1070 : i32
        %get3A_1072 = arith.constant 1 : i32
        %get3A_1073 = arith.index_cast %get3A_1072 : i32 to index
        %get3A_1074 = arith.index_cast %add3A_1071 : i32 to index
        %get3A_1075 = arith.constant 80 : index
        %get3A_1076 = tpu.vector_load %arg8[%get3A_1073, %get3A_1074, %get3A_1075] {strides = array<i32>} : memref<4x128x128xf32, #tpu.memory_space<vmem>>, vector<16xf32>,
        %mul3A_1077 = arith.mulf %get3A_643, %get3A_1076 : vector<16xf32>
        %add3A_1078 = arith.addf %mul3A_1069, %mul3A_1077 : vector<16xf32>
        %add3A_1079 = arith.addf %add3A_1027, %add3A_1044 : vector<16xf32>
        %add3A_1080 = arith.addf %add3A_1061, %add3A_1078 : vector<16xf32>
        %add3A_1081 = arith.addf %add3A_1079, %add3A_1080 : vector<16xf32>
        %swap3A_1082 = arith.constant 1 : i32
        %swap3A_1083 = arith.index_cast %swap3A_1082 : i32 to index
        %swap3A_1084 = arith.index_cast %scan3A_601 : i32 to index
        %swap3A_1085 = arith.constant 80 : index
        %swap3A_1086 = tpu.vector_load %arg10[%swap3A_1083, %swap3A_1084, %swap3A_1085] {strides = array<i32>} : memref<4x16x128xf32, #tpu.memory_space<vmem>>, vector<16xf32>,
        tpu.vector_store %arg10[%swap3A_1083, %swap3A_1084, %swap3A_1085], %add3A_1081 {strides = array<i32>} : memref<4x16x128xf32, #tpu.memory_space<vmem>>, vector<16xf32>,
        %get3A_1087 = arith.constant 1 : i32
        %get3A_1088 = arith.index_cast %get3A_1087 : i32 to index
        %get3A_1089 = arith.index_cast %mul3A_603 : i32 to index
        %get3A_1090 = arith.constant 96 : index
        %get3A_1091 = tpu.vector_load %arg8[%get3A_1088, %get3A_1089, %get3A_1090] {strides = array<i32>} : memref<4x128x128xf32, #tpu.memory_space<vmem>>, vector<16xf32>,
        %mul3A_1092 = arith.mulf %get3A_608, %get3A_1091 : vector<16xf32>
        %add3A_1093 = arith.constant 1 : i32
        %add3A_1094 = arith.addi %mul3A_603, %add3A_1093 : i32
        %get3A_1095 = arith.constant 1 : i32
        %get3A_1096 = arith.index_cast %get3A_1095 : i32 to index
        %get3A_1097 = arith.index_cast %add3A_1094 : i32 to index
        %get3A_1098 = arith.constant 96 : index
        %get3A_1099 = tpu.vector_load %arg8[%get3A_1096, %get3A_1097, %get3A_1098] {strides = array<i32>} : memref<4x128x128xf32, #tpu.memory_space<vmem>>, vector<16xf32>,
        %mul3A_1100 = arith.mulf %get3A_613, %get3A_1099 : vector<16xf32>
        %add3A_1101 = arith.addf %mul3A_1092, %mul3A_1100 : vector<16xf32>
        %add3A_1102 = arith.constant 2 : i32
        %add3A_1103 = arith.addi %mul3A_603, %add3A_1102 : i32
        %get3A_1104 = arith.constant 1 : i32
        %get3A_1105 = arith.index_cast %get3A_1104 : i32 to index
        %get3A_1106 = arith.index_cast %add3A_1103 : i32 to index
        %get3A_1107 = arith.constant 96 : index
        %get3A_1108 = tpu.vector_load %arg8[%get3A_1105, %get3A_1106, %get3A_1107] {strides = array<i32>} : memref<4x128x128xf32, #tpu.memory_space<vmem>>, vector<16xf32>,
        %mul3A_1109 = arith.mulf %get3A_618, %get3A_1108 : vector<16xf32>
        %add3A_1110 = arith.constant 3 : i32
        %add3A_1111 = arith.addi %mul3A_603, %add3A_1110 : i32
        %get3A_1112 = arith.constant 1 : i32
        %get3A_1113 = arith.index_cast %get3A_1112 : i32 to index
        %get3A_1114 = arith.index_cast %add3A_1111 : i32 to index
        %get3A_1115 = arith.constant 96 : index
        %get3A_1116 = tpu.vector_load %arg8[%get3A_1113, %get3A_1114, %get3A_1115] {strides = array<i32>} : memref<4x128x128xf32, #tpu.memory_space<vmem>>, vector<16xf32>,
        %mul3A_1117 = arith.mulf %get3A_623, %get3A_1116 : vector<16xf32>
        %add3A_1118 = arith.addf %mul3A_1109, %mul3A_1117 : vector<16xf32>
        %add3A_1119 = arith.constant 4 : i32
        %add3A_1120 = arith.addi %mul3A_603, %add3A_1119 : i32
        %get3A_1121 = arith.constant 1 : i32
        %get3A_1122 = arith.index_cast %get3A_1121 : i32 to index
        %get3A_1123 = arith.index_cast %add3A_1120 : i32 to index
        %get3A_1124 = arith.constant 96 : index
        %get3A_1125 = tpu.vector_load %arg8[%get3A_1122, %get3A_1123, %get3A_1124] {strides = array<i32>} : memref<4x128x128xf32, #tpu.memory_space<vmem>>, vector<16xf32>,
        %mul3A_1126 = arith.mulf %get3A_628, %get3A_1125 : vector<16xf32>
        %add3A_1127 = arith.constant 5 : i32
        %add3A_1128 = arith.addi %mul3A_603, %add3A_1127 : i32
        %get3A_1129 = arith.constant 1 : i32
        %get3A_1130 = arith.index_cast %get3A_1129 : i32 to index
        %get3A_1131 = arith.index_cast %add3A_1128 : i32 to index
        %get3A_1132 = arith.constant 96 : index
        %get3A_1133 = tpu.vector_load %arg8[%get3A_1130, %get3A_1131, %get3A_1132] {strides = array<i32>} : memref<4x128x128xf32, #tpu.memory_space<vmem>>, vector<16xf32>,
        %mul3A_1134 = arith.mulf %get3A_633, %get3A_1133 : vector<16xf32>
        %add3A_1135 = arith.addf %mul3A_1126, %mul3A_1134 : vector<16xf32>
        %add3A_1136 = arith.constant 6 : i32
        %add3A_1137 = arith.addi %mul3A_603, %add3A_1136 : i32
        %get3A_1138 = arith.constant 1 : i32
        %get3A_1139 = arith.index_cast %get3A_1138 : i32 to index
        %get3A_1140 = arith.index_cast %add3A_1137 : i32 to index
        %get3A_1141 = arith.constant 96 : index
        %get3A_1142 = tpu.vector_load %arg8[%get3A_1139, %get3A_1140, %get3A_1141] {strides = array<i32>} : memref<4x128x128xf32, #tpu.memory_space<vmem>>, vector<16xf32>,
        %mul3A_1143 = arith.mulf %get3A_638, %get3A_1142 : vector<16xf32>
        %add3A_1144 = arith.constant 7 : i32
        %add3A_1145 = arith.addi %mul3A_603, %add3A_1144 : i32
        %get3A_1146 = arith.constant 1 : i32
        %get3A_1147 = arith.index_cast %get3A_1146 : i32 to index
        %get3A_1148 = arith.index_cast %add3A_1145 : i32 to index
        %get3A_1149 = arith.constant 96 : index
        %get3A_1150 = tpu.vector_load %arg8[%get3A_1147, %get3A_1148, %get3A_1149] {strides = array<i32>} : memref<4x128x128xf32, #tpu.memory_space<vmem>>, vector<16xf32>,
        %mul3A_1151 = arith.mulf %get3A_643, %get3A_1150 : vector<16xf32>
        %add3A_1152 = arith.addf %mul3A_1143, %mul3A_1151 : vector<16xf32>
        %add3A_1153 = arith.addf %add3A_1101, %add3A_1118 : vector<16xf32>
        %add3A_1154 = arith.addf %add3A_1135, %add3A_1152 : vector<16xf32>
        %add3A_1155 = arith.addf %add3A_1153, %add3A_1154 : vector<16xf32>
        %swap3A_1156 = arith.constant 1 : i32
        %swap3A_1157 = arith.index_cast %swap3A_1156 : i32 to index
        %swap3A_1158 = arith.index_cast %scan3A_601 : i32 to index
        %swap3A_1159 = arith.constant 96 : index
        %swap3A_1160 = tpu.vector_load %arg10[%swap3A_1157, %swap3A_1158, %swap3A_1159] {strides = array<i32>} : memref<4x16x128xf32, #tpu.memory_space<vmem>>, vector<16xf32>,
        tpu.vector_store %arg10[%swap3A_1157, %swap3A_1158, %swap3A_1159], %add3A_1155 {strides = array<i32>} : memref<4x16x128xf32, #tpu.memory_space<vmem>>, vector<16xf32>,
        %get3A_1161 = arith.constant 1 : i32
        %get3A_1162 = arith.index_cast %get3A_1161 : i32 to index
        %get3A_1163 = arith.index_cast %mul3A_603 : i32 to index
        %get3A_1164 = arith.constant 112 : index
        %get3A_1165 = tpu.vector_load %arg8[%get3A_1162, %get3A_1163, %get3A_1164] {strides = array<i32>} : memref<4x128x128xf32, #tpu.memory_space<vmem>>, vector<16xf32>,
        %mul3A_1166 = arith.mulf %get3A_608, %get3A_1165 : vector<16xf32>
        %add3A_1167 = arith.constant 1 : i32
        %add3A_1168 = arith.addi %mul3A_603, %add3A_1167 : i32
        %get3A_1169 = arith.constant 1 : i32
        %get3A_1170 = arith.index_cast %get3A_1169 : i32 to index
        %get3A_1171 = arith.index_cast %add3A_1168 : i32 to index
        %get3A_1172 = arith.constant 112 : index
        %get3A_1173 = tpu.vector_load %arg8[%get3A_1170, %get3A_1171, %get3A_1172] {strides = array<i32>} : memref<4x128x128xf32, #tpu.memory_space<vmem>>, vector<16xf32>,
        %mul3A_1174 = arith.mulf %get3A_613, %get3A_1173 : vector<16xf32>
        %add3A_1175 = arith.addf %mul3A_1166, %mul3A_1174 : vector<16xf32>
        %add3A_1176 = arith.constant 2 : i32
        %add3A_1177 = arith.addi %mul3A_603, %add3A_1176 : i32
        %get3A_1178 = arith.constant 1 : i32
        %get3A_1179 = arith.index_cast %get3A_1178 : i32 to index
        %get3A_1180 = arith.index_cast %add3A_1177 : i32 to index
        %get3A_1181 = arith.constant 112 : index
        %get3A_1182 = tpu.vector_load %arg8[%get3A_1179, %get3A_1180, %get3A_1181] {strides = array<i32>} : memref<4x128x128xf32, #tpu.memory_space<vmem>>, vector<16xf32>,
        %mul3A_1183 = arith.mulf %get3A_618, %get3A_1182 : vector<16xf32>
        %add3A_1184 = arith.constant 3 : i32
        %add3A_1185 = arith.addi %mul3A_603, %add3A_1184 : i32
        %get3A_1186 = arith.constant 1 : i32
        %get3A_1187 = arith.index_cast %get3A_1186 : i32 to index
        %get3A_1188 = arith.index_cast %add3A_1185 : i32 to index
        %get3A_1189 = arith.constant 112 : index
        %get3A_1190 = tpu.vector_load %arg8[%get3A_1187, %get3A_1188, %get3A_1189] {strides = array<i32>} : memref<4x128x128xf32, #tpu.memory_space<vmem>>, vector<16xf32>,
        %mul3A_1191 = arith.mulf %get3A_623, %get3A_1190 : vector<16xf32>
        %add3A_1192 = arith.addf %mul3A_1183, %mul3A_1191 : vector<16xf32>
        %add3A_1193 = arith.constant 4 : i32
        %add3A_1194 = arith.addi %mul3A_603, %add3A_1193 : i32
        %get3A_1195 = arith.constant 1 : i32
        %get3A_1196 = arith.index_cast %get3A_1195 : i32 to index
        %get3A_1197 = arith.index_cast %add3A_1194 : i32 to index
        %get3A_1198 = arith.constant 112 : index
        %get3A_1199 = tpu.vector_load %arg8[%get3A_1196, %get3A_1197, %get3A_1198] {strides = array<i32>} : memref<4x128x128xf32, #tpu.memory_space<vmem>>, vector<16xf32>,
        %mul3A_1200 = arith.mulf %get3A_628, %get3A_1199 : vector<16xf32>
        %add3A_1201 = arith.constant 5 : i32
        %add3A_1202 = arith.addi %mul3A_603, %add3A_1201 : i32
        %get3A_1203 = arith.constant 1 : i32
        %get3A_1204 = arith.index_cast %get3A_1203 : i32 to index
        %get3A_1205 = arith.index_cast %add3A_1202 : i32 to index
        %get3A_1206 = arith.constant 112 : index
        %get3A_1207 = tpu.vector_load %arg8[%get3A_1204, %get3A_1205, %get3A_1206] {strides = array<i32>} : memref<4x128x128xf32, #tpu.memory_space<vmem>>, vector<16xf32>,
        %mul3A_1208 = arith.mulf %get3A_633, %get3A_1207 : vector<16xf32>
        %add3A_1209 = arith.addf %mul3A_1200, %mul3A_1208 : vector<16xf32>
        %add3A_1210 = arith.constant 6 : i32
        %add3A_1211 = arith.addi %mul3A_603, %add3A_1210 : i32
        %get3A_1212 = arith.constant 1 : i32
        %get3A_1213 = arith.index_cast %get3A_1212 : i32 to index
        %get3A_1214 = arith.index_cast %add3A_1211 : i32 to index
        %get3A_1215 = arith.constant 112 : index
        %get3A_1216 = tpu.vector_load %arg8[%get3A_1213, %get3A_1214, %get3A_1215] {strides = array<i32>} : memref<4x128x128xf32, #tpu.memory_space<vmem>>, vector<16xf32>,
        %mul3A_1217 = arith.mulf %get3A_638, %get3A_1216 : vector<16xf32>
        %add3A_1218 = arith.constant 7 : i32
        %add3A_1219 = arith.addi %mul3A_603, %add3A_1218 : i32
        %get3A_1220 = arith.constant 1 : i32
        %get3A_1221 = arith.index_cast %get3A_1220 : i32 to index
        %get3A_1222 = arith.index_cast %add3A_1219 : i32 to index
        %get3A_1223 = arith.constant 112 : index
        %get3A_1224 = tpu.vector_load %arg8[%get3A_1221, %get3A_1222, %get3A_1223] {strides = array<i32>} : memref<4x128x128xf32, #tpu.memory_space<vmem>>, vector<16xf32>,
        %mul3A_1225 = arith.mulf %get3A_643, %get3A_1224 : vector<16xf32>
        %add3A_1226 = arith.addf %mul3A_1217, %mul3A_1225 : vector<16xf32>
        %add3A_1227 = arith.addf %add3A_1175, %add3A_1192 : vector<16xf32>
        %add3A_1228 = arith.addf %add3A_1209, %add3A_1226 : vector<16xf32>
        %add3A_1229 = arith.addf %add3A_1227, %add3A_1228 : vector<16xf32>
        %swap3A_1230 = arith.constant 1 : i32
        %swap3A_1231 = arith.index_cast %swap3A_1230 : i32 to index
        %swap3A_1232 = arith.index_cast %scan3A_601 : i32 to index
        %swap3A_1233 = arith.constant 112 : index
        %swap3A_1234 = tpu.vector_load %arg10[%swap3A_1231, %swap3A_1232, %swap3A_1233] {strides = array<i32>} : memref<4x16x128xf32, #tpu.memory_space<vmem>>, vector<16xf32>,
        tpu.vector_store %arg10[%swap3A_1231, %swap3A_1232, %swap3A_1233], %add3A_1229 {strides = array<i32>} : memref<4x16x128xf32, #tpu.memory_space<vmem>>, vector<16xf32>,
      }
      %scan3A_455 = arith.constant 16 : i32
      %mul3A_456 = arith.constant 16 : i32
      %mul3A_457 = arith.muli %add3A_421, %mul3A_456 : i32
      %add3A_458 = arith.addi %mul3A_2, %mul3A_457 : i32
      %dma_start3A_459 = arith.constant 1 : i32
      %dma_start3A_460 = arith.constant 0 : i32
      %dma_start3A_461 = arith.constant 0 : i32
      %dma_start3A_462 = tpu.memref_slice %arg10[%dma_start3A_459, %dma_start3A_460, %dma_start3A_461] : memref<4x16x128xf32, #tpu.memory_space<vmem>> -> memref<1x16x128xf32, #tpu.memory_space<vmem>>
      %dma_start3A_463 = tpu.memref_squeeze %dma_start3A_462 : memref<1x16x128xf32, #tpu.memory_space<vmem>> -> memref<16x128xf32, #tpu.memory_space<vmem>>
      %dma_start3A_464 = arith.constant 0 : i32
      %dma_start3A_465 = tpu.memref_slice %arg5[%add3A_458, %dma_start3A_464] : memref<65536x128xf32, #tpu.memory_space<hbm>> -> memref<16x128xf32, #tpu.memory_space<hbm>>
      %dma_start3A_466 = arith.constant 0 : i32
      %dma_start3A_467 = tpu.memref_slice %arg5[%add3A_458, %dma_start3A_466] : memref<65536x128xf32, #tpu.memory_space<hbm>> -> memref<16x128xf32, #tpu.memory_space<hbm>>
      %dma_start3A_468 = arith.constant 0 : i32
      %dma_start3A_469 = arith.constant 0 : i32
      %dma_start3A_470 = tpu.memref_slice %arg10[%dma_start3A_459, %dma_start3A_468, %dma_start3A_469] : memref<4x16x128xf32, #tpu.memory_space<vmem>> -> memref<1x16x128xf32, #tpu.memory_space<vmem>>
      %dma_start3A_471 = tpu.memref_squeeze %dma_start3A_470 : memref<1x16x128xf32, #tpu.memory_space<vmem>> -> memref<16x128xf32, #tpu.memory_space<vmem>>
      tpu.enqueue_dma source(%dma_start3A_471 : memref<16x128xf32, #tpu.memory_space<vmem>>) target(%dma_start3A_467 : memref<16x128xf32, #tpu.memory_space<hbm>>) target_semaphore(%arg16 : memref<!tpu.dma_semaphore, #tpu.memory_space<semaphore_mem>>)
      %add3A_472 = arith.constant 4 : i32
      %add3A_473 = arith.addi %add3A_421, %add3A_472 : i32
      %lt3A_474 = arith.constant 128 : i32
      %lt3A_475 = arith.cmpi slt, %add3A_473, %lt3A_474 : i32
      %convert_element_type3A_476 = arith.extui %lt3A_475 : i1 to i32
      %cond3A_477 = arith.constant 0 : i32
      %cond3A_478 = arith.cmpi ne, %convert_element_type3A_476, %cond3A_477 : i32
      scf.if %cond3A_478 {
        %add3A_601 = arith.constant 4 : i32
        %add3A_602 = arith.addi %add3A_421, %add3A_601 : i32
        %mul3A_603 = arith.constant 16 : i32
        %mul3A_604 = arith.muli %add3A_602, %mul3A_603 : i32
        %get3A_605 = arith.index_cast %mul3A_604 : i32 to index
        %get3A_606 = tpu.vector_load %arg6[%get3A_605] {strides = array<i32>} : memref<2048xi32, #tpu.memory_space<vmem>>, vector<16xi32>,
        %add3A_607 = arith.constant 128 : i32
        %add3A_608 = vector.broadcast %add3A_607 : i32 to vector<16xi32>
        %add3A_609 = arith.addi %mul3A_5, %add3A_608 : vector<16xi32>
        %add3A_610 = arith.constant 0 : i32
        %add3A_611 = vector.broadcast %add3A_610 : i32 to vector<16xi32>
        %add3A_612 = arith.addi %get3A_606, %add3A_611 : vector<16xi32>
        tpu.vector_store_idx %arg7[%add3A_609], %add3A_612 : memref<512xi32, #tpu.memory_space<vmem>>[vector<16xi32>], vector<16xi32>,
        %add3A_613 = arith.constant 129 : i32
        %add3A_614 = vector.broadcast %add3A_613 : i32 to vector<16xi32>
        %add3A_615 = arith.addi %mul3A_5, %add3A_614 : vector<16xi32>
        %add3A_616 = arith.constant 1 : i32
        %add3A_617 = vector.broadcast %add3A_616 : i32 to vector<16xi32>
        %add3A_618 = arith.addi %get3A_606, %add3A_617 : vector<16xi32>
        tpu.vector_store_idx %arg7[%add3A_615], %add3A_618 : memref<512xi32, #tpu.memory_space<vmem>>[vector<16xi32>], vector<16xi32>,
        %add3A_619 = arith.constant 130 : i32
        %add3A_620 = vector.broadcast %add3A_619 : i32 to vector<16xi32>
        %add3A_621 = arith.addi %mul3A_5, %add3A_620 : vector<16xi32>
        %add3A_622 = arith.constant 2 : i32
        %add3A_623 = vector.broadcast %add3A_622 : i32 to vector<16xi32>
        %add3A_624 = arith.addi %get3A_606, %add3A_623 : vector<16xi32>
        tpu.vector_store_idx %arg7[%add3A_621], %add3A_624 : memref<512xi32, #tpu.memory_space<vmem>>[vector<16xi32>], vector<16xi32>,
        %add3A_625 = arith.constant 131 : i32
        %add3A_626 = vector.broadcast %add3A_625 : i32 to vector<16xi32>
        %add3A_627 = arith.addi %mul3A_5, %add3A_626 : vector<16xi32>
        %add3A_628 = arith.constant 3 : i32
        %add3A_629 = vector.broadcast %add3A_628 : i32 to vector<16xi32>
        %add3A_630 = arith.addi %get3A_606, %add3A_629 : vector<16xi32>
        tpu.vector_store_idx %arg7[%add3A_627], %add3A_630 : memref<512xi32, #tpu.memory_space<vmem>>[vector<16xi32>], vector<16xi32>,
        %add3A_631 = arith.constant 132 : i32
        %add3A_632 = vector.broadcast %add3A_631 : i32 to vector<16xi32>
        %add3A_633 = arith.addi %mul3A_5, %add3A_632 : vector<16xi32>
        %add3A_634 = arith.constant 4 : i32
        %add3A_635 = vector.broadcast %add3A_634 : i32 to vector<16xi32>
        %add3A_636 = arith.addi %get3A_606, %add3A_635 : vector<16xi32>
        tpu.vector_store_idx %arg7[%add3A_633], %add3A_636 : memref<512xi32, #tpu.memory_space<vmem>>[vector<16xi32>], vector<16xi32>,
        %add3A_637 = arith.constant 133 : i32
        %add3A_638 = vector.broadcast %add3A_637 : i32 to vector<16xi32>
        %add3A_639 = arith.addi %mul3A_5, %add3A_638 : vector<16xi32>
        %add3A_640 = arith.constant 5 : i32
        %add3A_641 = vector.broadcast %add3A_640 : i32 to vector<16xi32>
        %add3A_642 = arith.addi %get3A_606, %add3A_641 : vector<16xi32>
        tpu.vector_store_idx %arg7[%add3A_639], %add3A_642 : memref<512xi32, #tpu.memory_space<vmem>>[vector<16xi32>], vector<16xi32>,
        %add3A_643 = arith.constant 134 : i32
        %add3A_644 = vector.broadcast %add3A_643 : i32 to vector<16xi32>
        %add3A_645 = arith.addi %mul3A_5, %add3A_644 : vector<16xi32>
        %add3A_646 = arith.constant 6 : i32
        %add3A_647 = vector.broadcast %add3A_646 : i32 to vector<16xi32>
        %add3A_648 = arith.addi %get3A_606, %add3A_647 : vector<16xi32>
        tpu.vector_store_idx %arg7[%add3A_645], %add3A_648 : memref<512xi32, #tpu.memory_space<vmem>>[vector<16xi32>], vector<16xi32>,
        %add3A_649 = arith.constant 135 : i32
        %add3A_650 = vector.broadcast %add3A_649 : i32 to vector<16xi32>
        %add3A_651 = arith.addi %mul3A_5, %add3A_650 : vector<16xi32>
        %add3A_652 = arith.constant 7 : i32
        %add3A_653 = vector.broadcast %add3A_652 : i32 to vector<16xi32>
        %add3A_654 = arith.addi %get3A_606, %add3A_653 : vector<16xi32>
        tpu.vector_store_idx %arg7[%add3A_651], %add3A_654 : memref<512xi32, #tpu.memory_space<vmem>>[vector<16xi32>], vector<16xi32>,
        %dma_start3A_655 = arith.constant 1 : i32
        %dma_start3A_656 = arith.constant 0 : i32
        %dma_start3A_657 = arith.constant 0 : i32
        %dma_start3A_658 = tpu.memref_slice %arg8[%dma_start3A_655, %dma_start3A_656, %dma_start3A_657] : memref<4x128x128xf32, #tpu.memory_space<vmem>> -> memref<1x128x128xf32, #tpu.memory_space<vmem>>
        %dma_start3A_659 = tpu.memref_squeeze %dma_start3A_658 : memref<1x128x128xf32, #tpu.memory_space<vmem>> -> memref<128x128xf32, #tpu.memory_space<vmem>>
        %dma_start3A_660 = arith.constant 128 : i32
        %dma_start3A_661 = tpu.memref_slice %arg7[%dma_start3A_660] : memref<512xi32, #tpu.memory_space<vmem>> -> memref<128xi32, #tpu.memory_space<vmem>>
        %dma_start3A_662 = arith.constant 0 : i32
        %dma_start3A_663 = arith.constant 0 : i32
        %dma_start3A_664 = tpu.memref_slice %arg4[%dma_start3A_662, %dma_start3A_663] : memref<65536x128xf32, #tpu.memory_space<hbm>> -> memref<65536x128xf32, #tpu.memory_space<hbm>>
        tpu.enqueue_indirect_dma source(%dma_start3A_664 : memref<65536x128xf32, #tpu.memory_space<hbm>>) target(%dma_start3A_659 : memref<128x128xf32, #tpu.memory_space<vmem>>) offsets(%dma_start3A_661 : memref<128xi32, #tpu.memory_space<vmem>>) semaphore(%arg12 : memref<!tpu.dma_semaphore, #tpu.memory_space<semaphore_mem>>)
        %add3A_665 = arith.addi %mul3A_2, %mul3A_604 : i32
        %dma_start3A_666 = arith.constant 1 : i32
        %dma_start3A_667 = arith.constant 0 : i32
        %dma_start3A_668 = arith.constant 0 : i32
        %dma_start3A_669 = tpu.memref_slice %arg9[%dma_start3A_666, %dma_start3A_667, %dma_start3A_668] : memref<4x16x128xf32, #tpu.memory_space<vmem>> -> memref<1x16x128xf32, #tpu.memory_space<vmem>>
        %dma_start3A_670 = tpu.memref_squeeze %dma_start3A_669 : memref<1x16x128xf32, #tpu.memory_space<vmem>> -> memref<16x128xf32, #tpu.memory_space<vmem>>
        %dma_start3A_671 = arith.constant 0 : i32
        %dma_start3A_672 = tpu.memref_slice %arg3[%add3A_665, %dma_start3A_671] : memref<65536x128xf32, #tpu.memory_space<hbm>> -> memref<16x128xf32, #tpu.memory_space<hbm>>
        %dma_start3A_673 = arith.constant 0 : i32
        %dma_start3A_674 = arith.constant 0 : i32
        %dma_start3A_675 = tpu.memref_slice %arg9[%dma_start3A_666, %dma_start3A_673, %dma_start3A_674] : memref<4x16x128xf32, #tpu.memory_space<vmem>> -> memref<1x16x128xf32, #tpu.memory_space<vmem>>
        %dma_start3A_676 = tpu.memref_squeeze %dma_start3A_675 : memref<1x16x128xf32, #tpu.memory_space<vmem>> -> memref<16x128xf32, #tpu.memory_space<vmem>>
        %dma_start3A_677 = arith.constant 0 : i32
        %dma_start3A_678 = tpu.memref_slice %arg3[%add3A_665, %dma_start3A_677] : memref<65536x128xf32, #tpu.memory_space<hbm>> -> memref<16x128xf32, #tpu.memory_space<hbm>>
        tpu.enqueue_dma source(%dma_start3A_678 : memref<16x128xf32, #tpu.memory_space<hbm>>) target(%dma_start3A_676 : memref<16x128xf32, #tpu.memory_space<vmem>>) target_semaphore(%arg12 : memref<!tpu.dma_semaphore, #tpu.memory_space<semaphore_mem>>)
      } else {
      }
      %mul3A_479 = arith.constant 4 : i32
      %mul3A_480 = arith.muli %mul3A_479, %scan3A_360 : i32
      %add3A_481 = arith.constant 2 : i32
      %add3A_482 = arith.addi %mul3A_480, %add3A_481 : i32
      %dma_wait3A_483 = arith.constant 2 : i32
      %dma_wait3A_484 = arith.constant 0 : i32
      %dma_wait3A_485 = arith.constant 0 : i32
      %dma_wait3A_486 = tpu.memref_slice %arg8[%dma_wait3A_483, %dma_wait3A_484, %dma_wait3A_485] : memref<4x128x128xf32, #tpu.memory_space<vmem>> -> memref<1x128x128xf32, #tpu.memory_space<vmem>>
      %dma_wait3A_487 = tpu.memref_squeeze %dma_wait3A_486 : memref<1x128x128xf32, #tpu.memory_space<vmem>> -> memref<128x128xf32, #tpu.memory_space<vmem>>
      %dma_wait3A_488 = arith.constant 256 : i32
      %dma_wait3A_489 = tpu.memref_slice %arg7[%dma_wait3A_488] : memref<512xi32, #tpu.memory_space<vmem>> -> memref<128xi32, #tpu.memory_space<vmem>>
      %dma_wait3A_490 = arith.constant 0 : i32
      %dma_wait3A_491 = arith.constant 0 : i32
      %dma_wait3A_492 = tpu.memref_slice %arg4[%dma_wait3A_490, %dma_wait3A_491] : memref<65536x128xf32, #tpu.memory_space<hbm>> -> memref<65536x128xf32, #tpu.memory_space<hbm>>
      tpu.wait_indirect_dma semaphore(%arg13 : memref<!tpu.dma_semaphore, #tpu.memory_space<semaphore_mem>>) src(%dma_wait3A_492 : memref<65536x128xf32, #tpu.memory_space<hbm>>) dst(%dma_wait3A_487 : memref<128x128xf32, #tpu.memory_space<vmem>>)
      %dma_wait3A_493 = arith.constant 2 : i32
      %dma_wait3A_494 = arith.constant 0 : i32
      %dma_wait3A_495 = arith.constant 0 : i32
      %dma_wait3A_496 = tpu.memref_slice %arg9[%dma_wait3A_493, %dma_wait3A_494, %dma_wait3A_495] : memref<4x16x128xf32, #tpu.memory_space<vmem>> -> memref<1x16x128xf32, #tpu.memory_space<vmem>>
      %dma_wait3A_497 = tpu.memref_squeeze %dma_wait3A_496 : memref<1x16x128xf32, #tpu.memory_space<vmem>> -> memref<16x128xf32, #tpu.memory_space<vmem>>
      %dma_wait3A_498 = arith.constant 0 : i32
      %dma_wait3A_499 = tpu.memref_slice %arg3[%mul3A_2, %dma_wait3A_498] : memref<65536x128xf32, #tpu.memory_space<hbm>> -> memref<16x128xf32, #tpu.memory_space<hbm>>
      %dma_wait3A_500 = arith.constant 0 : i32
      %dma_wait3A_501 = arith.constant 0 : i32
      %dma_wait3A_502 = tpu.memref_slice %arg9[%dma_wait3A_493, %dma_wait3A_500, %dma_wait3A_501] : memref<4x16x128xf32, #tpu.memory_space<vmem>> -> memref<1x16x128xf32, #tpu.memory_space<vmem>>
      %dma_wait3A_503 = tpu.memref_squeeze %dma_wait3A_502 : memref<1x16x128xf32, #tpu.memory_space<vmem>> -> memref<16x128xf32, #tpu.memory_space<vmem>>
      %dma_wait3A_504 = arith.constant 0 : i32
      %dma_wait3A_505 = tpu.memref_slice %arg3[%mul3A_2, %dma_wait3A_504] : memref<65536x128xf32, #tpu.memory_space<hbm>> -> memref<16x128xf32, #tpu.memory_space<hbm>>
      tpu.wait_dma2 semaphore(%arg13 : memref<!tpu.dma_semaphore, #tpu.memory_space<semaphore_mem>>) src(%dma_wait3A_505 : memref<16x128xf32, #tpu.memory_space<hbm>>) dst(%dma_wait3A_503 : memref<16x128xf32, #tpu.memory_space<vmem>>)
      %ge3A_506 = arith.constant 4 : i32
      %ge3A_507 = arith.cmpi sge, %add3A_482, %ge3A_506 : i32
      %convert_element_type3A_508 = arith.extui %ge3A_507 : i1 to i32
      %cond3A_509 = arith.constant 0 : i32
      %cond3A_510 = arith.cmpi ne, %convert_element_type3A_508, %cond3A_509 : i32
      scf.if %cond3A_510 {
        %dma_wait3A_601 = arith.constant 2 : i32
        %dma_wait3A_602 = arith.constant 0 : i32
        %dma_wait3A_603 = arith.constant 0 : i32
        %dma_wait3A_604 = tpu.memref_slice %arg10[%dma_wait3A_601, %dma_wait3A_602, %dma_wait3A_603] : memref<4x16x128xf32, #tpu.memory_space<vmem>> -> memref<1x16x128xf32, #tpu.memory_space<vmem>>
        %dma_wait3A_605 = tpu.memref_squeeze %dma_wait3A_604 : memref<1x16x128xf32, #tpu.memory_space<vmem>> -> memref<16x128xf32, #tpu.memory_space<vmem>>
        %dma_wait3A_606 = arith.constant 0 : i32
        %dma_wait3A_607 = tpu.memref_slice %arg5[%mul3A_2, %dma_wait3A_606] : memref<65536x128xf32, #tpu.memory_space<hbm>> -> memref<16x128xf32, #tpu.memory_space<hbm>>
        %dma_wait3A_608 = arith.constant 0 : i32
        %dma_wait3A_609 = tpu.memref_slice %arg5[%mul3A_2, %dma_wait3A_608] : memref<65536x128xf32, #tpu.memory_space<hbm>> -> memref<16x128xf32, #tpu.memory_space<hbm>>
        %dma_wait3A_610 = arith.constant 0 : i32
        %dma_wait3A_611 = arith.constant 0 : i32
        %dma_wait3A_612 = tpu.memref_slice %arg10[%dma_wait3A_601, %dma_wait3A_610, %dma_wait3A_611] : memref<4x16x128xf32, #tpu.memory_space<vmem>> -> memref<1x16x128xf32, #tpu.memory_space<vmem>>
        %dma_wait3A_613 = tpu.memref_squeeze %dma_wait3A_612 : memref<1x16x128xf32, #tpu.memory_space<vmem>> -> memref<16x128xf32, #tpu.memory_space<vmem>>
        tpu.wait_dma2 semaphore(%arg17 : memref<!tpu.dma_semaphore, #tpu.memory_space<semaphore_mem>>) src(%dma_wait3A_613 : memref<16x128xf32, #tpu.memory_space<vmem>>) dst(%dma_wait3A_609 : memref<16x128xf32, #tpu.memory_space<hbm>>)
      } else {
      }
      %scan3A_511 = arith.constant 0 : i32
      %scan3A_512 = arith.constant 0 : i32
      %scan3A_513 = arith.constant 16 : i32
      %scan3A_514 = arith.addi %scan3A_512, %scan3A_513 : i32
      %scan3A_515 = arith.constant 1 : i32
      scf.for %scan3A_601 = %scan3A_512 to %scan3A_514 step %scan3A_515  : i32 {
        %mul3A_602 = arith.constant 8 : i32
        %mul3A_603 = arith.muli %scan3A_601, %mul3A_602 : i32
        %get3A_604 = arith.constant 2 : i32
        %get3A_605 = arith.index_cast %get3A_604 : i32 to index
        %get3A_606 = arith.index_cast %scan3A_601 : i32 to index
        %get3A_607 = arith.constant 0 : index
        %get3A_608 = tpu.vector_load %arg9[%get3A_605, %get3A_606, %get3A_607] {strides = array<i32>} : memref<4x16x128xf32, #tpu.memory_space<vmem>>, vector<16xf32>,
        %get3A_609 = arith.constant 2 : i32
        %get3A_610 = arith.index_cast %get3A_609 : i32 to index
        %get3A_611 = arith.index_cast %scan3A_601 : i32 to index
        %get3A_612 = arith.constant 16 : index
        %get3A_613 = tpu.vector_load %arg9[%get3A_610, %get3A_611, %get3A_612] {strides = array<i32>} : memref<4x16x128xf32, #tpu.memory_space<vmem>>, vector<16xf32>,
        %get3A_614 = arith.constant 2 : i32
        %get3A_615 = arith.index_cast %get3A_614 : i32 to index
        %get3A_616 = arith.index_cast %scan3A_601 : i32 to index
        %get3A_617 = arith.constant 32 : index
        %get3A_618 = tpu.vector_load %arg9[%get3A_615, %get3A_616, %get3A_617] {strides = array<i32>} : memref<4x16x128xf32, #tpu.memory_space<vmem>>, vector<16xf32>,
        %get3A_619 = arith.constant 2 : i32
        %get3A_620 = arith.index_cast %get3A_619 : i32 to index
        %get3A_621 = arith.index_cast %scan3A_601 : i32 to index
        %get3A_622 = arith.constant 48 : index
        %get3A_623 = tpu.vector_load %arg9[%get3A_620, %get3A_621, %get3A_622] {strides = array<i32>} : memref<4x16x128xf32, #tpu.memory_space<vmem>>, vector<16xf32>,
        %get3A_624 = arith.constant 2 : i32
        %get3A_625 = arith.index_cast %get3A_624 : i32 to index
        %get3A_626 = arith.index_cast %scan3A_601 : i32 to index
        %get3A_627 = arith.constant 64 : index
        %get3A_628 = tpu.vector_load %arg9[%get3A_625, %get3A_626, %get3A_627] {strides = array<i32>} : memref<4x16x128xf32, #tpu.memory_space<vmem>>, vector<16xf32>,
        %get3A_629 = arith.constant 2 : i32
        %get3A_630 = arith.index_cast %get3A_629 : i32 to index
        %get3A_631 = arith.index_cast %scan3A_601 : i32 to index
        %get3A_632 = arith.constant 80 : index
        %get3A_633 = tpu.vector_load %arg9[%get3A_630, %get3A_631, %get3A_632] {strides = array<i32>} : memref<4x16x128xf32, #tpu.memory_space<vmem>>, vector<16xf32>,
        %get3A_634 = arith.constant 2 : i32
        %get3A_635 = arith.index_cast %get3A_634 : i32 to index
        %get3A_636 = arith.index_cast %scan3A_601 : i32 to index
        %get3A_637 = arith.constant 96 : index
        %get3A_638 = tpu.vector_load %arg9[%get3A_635, %get3A_636, %get3A_637] {strides = array<i32>} : memref<4x16x128xf32, #tpu.memory_space<vmem>>, vector<16xf32>,
        %get3A_639 = arith.constant 2 : i32
        %get3A_640 = arith.index_cast %get3A_639 : i32 to index
        %get3A_641 = arith.index_cast %scan3A_601 : i32 to index
        %get3A_642 = arith.constant 112 : index
        %get3A_643 = tpu.vector_load %arg9[%get3A_640, %get3A_641, %get3A_642] {strides = array<i32>} : memref<4x16x128xf32, #tpu.memory_space<vmem>>, vector<16xf32>,
        %get3A_644 = arith.constant 2 : i32
        %get3A_645 = arith.index_cast %get3A_644 : i32 to index
        %get3A_646 = arith.index_cast %mul3A_603 : i32 to index
        %get3A_647 = arith.constant 0 : index
        %get3A_648 = tpu.vector_load %arg8[%get3A_645, %get3A_646, %get3A_647] {strides = array<i32>} : memref<4x128x128xf32, #tpu.memory_space<vmem>>, vector<16xf32>,
        %mul3A_649 = arith.mulf %get3A_608, %get3A_648 : vector<16xf32>
        %add3A_650 = arith.constant 1 : i32
        %add3A_651 = arith.addi %mul3A_603, %add3A_650 : i32
        %get3A_652 = arith.constant 2 : i32
        %get3A_653 = arith.index_cast %get3A_652 : i32 to index
        %get3A_654 = arith.index_cast %add3A_651 : i32 to index
        %get3A_655 = arith.constant 0 : index
        %get3A_656 = tpu.vector_load %arg8[%get3A_653, %get3A_654, %get3A_655] {strides = array<i32>} : memref<4x128x128xf32, #tpu.memory_space<vmem>>, vector<16xf32>,
        %mul3A_657 = arith.mulf %get3A_613, %get3A_656 : vector<16xf32>
        %add3A_658 = arith.addf %mul3A_649, %mul3A_657 : vector<16xf32>
        %add3A_659 = arith.constant 2 : i32
        %add3A_660 = arith.addi %mul3A_603, %add3A_659 : i32
        %get3A_661 = arith.constant 2 : i32
        %get3A_662 = arith.index_cast %get3A_661 : i32 to index
        %get3A_663 = arith.index_cast %add3A_660 : i32 to index
        %get3A_664 = arith.constant 0 : index
        %get3A_665 = tpu.vector_load %arg8[%get3A_662, %get3A_663, %get3A_664] {strides = array<i32>} : memref<4x128x128xf32, #tpu.memory_space<vmem>>, vector<16xf32>,
        %mul3A_666 = arith.mulf %get3A_618, %get3A_665 : vector<16xf32>
        %add3A_667 = arith.constant 3 : i32
        %add3A_668 = arith.addi %mul3A_603, %add3A_667 : i32
        %get3A_669 = arith.constant 2 : i32
        %get3A_670 = arith.index_cast %get3A_669 : i32 to index
        %get3A_671 = arith.index_cast %add3A_668 : i32 to index
        %get3A_672 = arith.constant 0 : index
        %get3A_673 = tpu.vector_load %arg8[%get3A_670, %get3A_671, %get3A_672] {strides = array<i32>} : memref<4x128x128xf32, #tpu.memory_space<vmem>>, vector<16xf32>,
        %mul3A_674 = arith.mulf %get3A_623, %get3A_673 : vector<16xf32>
        %add3A_675 = arith.addf %mul3A_666, %mul3A_674 : vector<16xf32>
        %add3A_676 = arith.constant 4 : i32
        %add3A_677 = arith.addi %mul3A_603, %add3A_676 : i32
        %get3A_678 = arith.constant 2 : i32
        %get3A_679 = arith.index_cast %get3A_678 : i32 to index
        %get3A_680 = arith.index_cast %add3A_677 : i32 to index
        %get3A_681 = arith.constant 0 : index
        %get3A_682 = tpu.vector_load %arg8[%get3A_679, %get3A_680, %get3A_681] {strides = array<i32>} : memref<4x128x128xf32, #tpu.memory_space<vmem>>, vector<16xf32>,
        %mul3A_683 = arith.mulf %get3A_628, %get3A_682 : vector<16xf32>
        %add3A_684 = arith.constant 5 : i32
        %add3A_685 = arith.addi %mul3A_603, %add3A_684 : i32
        %get3A_686 = arith.constant 2 : i32
        %get3A_687 = arith.index_cast %get3A_686 : i32 to index
        %get3A_688 = arith.index_cast %add3A_685 : i32 to index
        %get3A_689 = arith.constant 0 : index
        %get3A_690 = tpu.vector_load %arg8[%get3A_687, %get3A_688, %get3A_689] {strides = array<i32>} : memref<4x128x128xf32, #tpu.memory_space<vmem>>, vector<16xf32>,
        %mul3A_691 = arith.mulf %get3A_633, %get3A_690 : vector<16xf32>
        %add3A_692 = arith.addf %mul3A_683, %mul3A_691 : vector<16xf32>
        %add3A_693 = arith.constant 6 : i32
        %add3A_694 = arith.addi %mul3A_603, %add3A_693 : i32
        %get3A_695 = arith.constant 2 : i32
        %get3A_696 = arith.index_cast %get3A_695 : i32 to index
        %get3A_697 = arith.index_cast %add3A_694 : i32 to index
        %get3A_698 = arith.constant 0 : index
        %get3A_699 = tpu.vector_load %arg8[%get3A_696, %get3A_697, %get3A_698] {strides = array<i32>} : memref<4x128x128xf32, #tpu.memory_space<vmem>>, vector<16xf32>,
        %mul3A_700 = arith.mulf %get3A_638, %get3A_699 : vector<16xf32>
        %add3A_701 = arith.constant 7 : i32
        %add3A_702 = arith.addi %mul3A_603, %add3A_701 : i32
        %get3A_703 = arith.constant 2 : i32
        %get3A_704 = arith.index_cast %get3A_703 : i32 to index
        %get3A_705 = arith.index_cast %add3A_702 : i32 to index
        %get3A_706 = arith.constant 0 : index
        %get3A_707 = tpu.vector_load %arg8[%get3A_704, %get3A_705, %get3A_706] {strides = array<i32>} : memref<4x128x128xf32, #tpu.memory_space<vmem>>, vector<16xf32>,
        %mul3A_708 = arith.mulf %get3A_643, %get3A_707 : vector<16xf32>
        %add3A_709 = arith.addf %mul3A_700, %mul3A_708 : vector<16xf32>
        %add3A_710 = arith.addf %add3A_658, %add3A_675 : vector<16xf32>
        %add3A_711 = arith.addf %add3A_692, %add3A_709 : vector<16xf32>
        %add3A_712 = arith.addf %add3A_710, %add3A_711 : vector<16xf32>
        %swap3A = arith.constant 2 : i32
        %swap3A_713 = arith.index_cast %swap3A : i32 to index
        %swap3A_714 = arith.index_cast %scan3A_601 : i32 to index
        %swap3A_715 = arith.constant 0 : index
        %swap3A_716 = tpu.vector_load %arg10[%swap3A_713, %swap3A_714, %swap3A_715] {strides = array<i32>} : memref<4x16x128xf32, #tpu.memory_space<vmem>>, vector<16xf32>,
        tpu.vector_store %arg10[%swap3A_713, %swap3A_714, %swap3A_715], %add3A_712 {strides = array<i32>} : memref<4x16x128xf32, #tpu.memory_space<vmem>>, vector<16xf32>,
        %get3A_717 = arith.constant 2 : i32
        %get3A_718 = arith.index_cast %get3A_717 : i32 to index
        %get3A_719 = arith.index_cast %mul3A_603 : i32 to index
        %get3A_720 = arith.constant 16 : index
        %get3A_721 = tpu.vector_load %arg8[%get3A_718, %get3A_719, %get3A_720] {strides = array<i32>} : memref<4x128x128xf32, #tpu.memory_space<vmem>>, vector<16xf32>,
        %mul3A_722 = arith.mulf %get3A_608, %get3A_721 : vector<16xf32>
        %add3A_723 = arith.constant 1 : i32
        %add3A_724 = arith.addi %mul3A_603, %add3A_723 : i32
        %get3A_725 = arith.constant 2 : i32
        %get3A_726 = arith.index_cast %get3A_725 : i32 to index
        %get3A_727 = arith.index_cast %add3A_724 : i32 to index
        %get3A_728 = arith.constant 16 : index
        %get3A_729 = tpu.vector_load %arg8[%get3A_726, %get3A_727, %get3A_728] {strides = array<i32>} : memref<4x128x128xf32, #tpu.memory_space<vmem>>, vector<16xf32>,
        %mul3A_730 = arith.mulf %get3A_613, %get3A_729 : vector<16xf32>
        %add3A_731 = arith.addf %mul3A_722, %mul3A_730 : vector<16xf32>
        %add3A_732 = arith.constant 2 : i32
        %add3A_733 = arith.addi %mul3A_603, %add3A_732 : i32
        %get3A_734 = arith.constant 2 : i32
        %get3A_735 = arith.index_cast %get3A_734 : i32 to index
        %get3A_736 = arith.index_cast %add3A_733 : i32 to index
        %get3A_737 = arith.constant 16 : index
        %get3A_738 = tpu.vector_load %arg8[%get3A_735, %get3A_736, %get3A_737] {strides = array<i32>} : memref<4x128x128xf32, #tpu.memory_space<vmem>>, vector<16xf32>,
        %mul3A_739 = arith.mulf %get3A_618, %get3A_738 : vector<16xf32>
        %add3A_740 = arith.constant 3 : i32
        %add3A_741 = arith.addi %mul3A_603, %add3A_740 : i32
        %get3A_742 = arith.constant 2 : i32
        %get3A_743 = arith.index_cast %get3A_742 : i32 to index
        %get3A_744 = arith.index_cast %add3A_741 : i32 to index
        %get3A_745 = arith.constant 16 : index
        %get3A_746 = tpu.vector_load %arg8[%get3A_743, %get3A_744, %get3A_745] {strides = array<i32>} : memref<4x128x128xf32, #tpu.memory_space<vmem>>, vector<16xf32>,
        %mul3A_747 = arith.mulf %get3A_623, %get3A_746 : vector<16xf32>
        %add3A_748 = arith.addf %mul3A_739, %mul3A_747 : vector<16xf32>
        %add3A_749 = arith.constant 4 : i32
        %add3A_750 = arith.addi %mul3A_603, %add3A_749 : i32
        %get3A_751 = arith.constant 2 : i32
        %get3A_752 = arith.index_cast %get3A_751 : i32 to index
        %get3A_753 = arith.index_cast %add3A_750 : i32 to index
        %get3A_754 = arith.constant 16 : index
        %get3A_755 = tpu.vector_load %arg8[%get3A_752, %get3A_753, %get3A_754] {strides = array<i32>} : memref<4x128x128xf32, #tpu.memory_space<vmem>>, vector<16xf32>,
        %mul3A_756 = arith.mulf %get3A_628, %get3A_755 : vector<16xf32>
        %add3A_757 = arith.constant 5 : i32
        %add3A_758 = arith.addi %mul3A_603, %add3A_757 : i32
        %get3A_759 = arith.constant 2 : i32
        %get3A_760 = arith.index_cast %get3A_759 : i32 to index
        %get3A_761 = arith.index_cast %add3A_758 : i32 to index
        %get3A_762 = arith.constant 16 : index
        %get3A_763 = tpu.vector_load %arg8[%get3A_760, %get3A_761, %get3A_762] {strides = array<i32>} : memref<4x128x128xf32, #tpu.memory_space<vmem>>, vector<16xf32>,
        %mul3A_764 = arith.mulf %get3A_633, %get3A_763 : vector<16xf32>
        %add3A_765 = arith.addf %mul3A_756, %mul3A_764 : vector<16xf32>
        %add3A_766 = arith.constant 6 : i32
        %add3A_767 = arith.addi %mul3A_603, %add3A_766 : i32
        %get3A_768 = arith.constant 2 : i32
        %get3A_769 = arith.index_cast %get3A_768 : i32 to index
        %get3A_770 = arith.index_cast %add3A_767 : i32 to index
        %get3A_771 = arith.constant 16 : index
        %get3A_772 = tpu.vector_load %arg8[%get3A_769, %get3A_770, %get3A_771] {strides = array<i32>} : memref<4x128x128xf32, #tpu.memory_space<vmem>>, vector<16xf32>,
        %mul3A_773 = arith.mulf %get3A_638, %get3A_772 : vector<16xf32>
        %add3A_774 = arith.constant 7 : i32
        %add3A_775 = arith.addi %mul3A_603, %add3A_774 : i32
        %get3A_776 = arith.constant 2 : i32
        %get3A_777 = arith.index_cast %get3A_776 : i32 to index
        %get3A_778 = arith.index_cast %add3A_775 : i32 to index
        %get3A_779 = arith.constant 16 : index
        %get3A_780 = tpu.vector_load %arg8[%get3A_777, %get3A_778, %get3A_779] {strides = array<i32>} : memref<4x128x128xf32, #tpu.memory_space<vmem>>, vector<16xf32>,
        %mul3A_781 = arith.mulf %get3A_643, %get3A_780 : vector<16xf32>
        %add3A_782 = arith.addf %mul3A_773, %mul3A_781 : vector<16xf32>
        %add3A_783 = arith.addf %add3A_731, %add3A_748 : vector<16xf32>
        %add3A_784 = arith.addf %add3A_765, %add3A_782 : vector<16xf32>
        %add3A_785 = arith.addf %add3A_783, %add3A_784 : vector<16xf32>
        %swap3A_786 = arith.constant 2 : i32
        %swap3A_787 = arith.index_cast %swap3A_786 : i32 to index
        %swap3A_788 = arith.index_cast %scan3A_601 : i32 to index
        %swap3A_789 = arith.constant 16 : index
        %swap3A_790 = tpu.vector_load %arg10[%swap3A_787, %swap3A_788, %swap3A_789] {strides = array<i32>} : memref<4x16x128xf32, #tpu.memory_space<vmem>>, vector<16xf32>,
        tpu.vector_store %arg10[%swap3A_787, %swap3A_788, %swap3A_789], %add3A_785 {strides = array<i32>} : memref<4x16x128xf32, #tpu.memory_space<vmem>>, vector<16xf32>,
        %get3A_791 = arith.constant 2 : i32
        %get3A_792 = arith.index_cast %get3A_791 : i32 to index
        %get3A_793 = arith.index_cast %mul3A_603 : i32 to index
        %get3A_794 = arith.constant 32 : index
        %get3A_795 = tpu.vector_load %arg8[%get3A_792, %get3A_793, %get3A_794] {strides = array<i32>} : memref<4x128x128xf32, #tpu.memory_space<vmem>>, vector<16xf32>,
        %mul3A_796 = arith.mulf %get3A_608, %get3A_795 : vector<16xf32>
        %add3A_797 = arith.constant 1 : i32
        %add3A_798 = arith.addi %mul3A_603, %add3A_797 : i32
        %get3A_799 = arith.constant 2 : i32
        %get3A_800 = arith.index_cast %get3A_799 : i32 to index
        %get3A_801 = arith.index_cast %add3A_798 : i32 to index
        %get3A_802 = arith.constant 32 : index
        %get3A_803 = tpu.vector_load %arg8[%get3A_800, %get3A_801, %get3A_802] {strides = array<i32>} : memref<4x128x128xf32, #tpu.memory_space<vmem>>, vector<16xf32>,
        %mul3A_804 = arith.mulf %get3A_613, %get3A_803 : vector<16xf32>
        %add3A_805 = arith.addf %mul3A_796, %mul3A_804 : vector<16xf32>
        %add3A_806 = arith.constant 2 : i32
        %add3A_807 = arith.addi %mul3A_603, %add3A_806 : i32
        %get3A_808 = arith.constant 2 : i32
        %get3A_809 = arith.index_cast %get3A_808 : i32 to index
        %get3A_810 = arith.index_cast %add3A_807 : i32 to index
        %get3A_811 = arith.constant 32 : index
        %get3A_812 = tpu.vector_load %arg8[%get3A_809, %get3A_810, %get3A_811] {strides = array<i32>} : memref<4x128x128xf32, #tpu.memory_space<vmem>>, vector<16xf32>,
        %mul3A_813 = arith.mulf %get3A_618, %get3A_812 : vector<16xf32>
        %add3A_814 = arith.constant 3 : i32
        %add3A_815 = arith.addi %mul3A_603, %add3A_814 : i32
        %get3A_816 = arith.constant 2 : i32
        %get3A_817 = arith.index_cast %get3A_816 : i32 to index
        %get3A_818 = arith.index_cast %add3A_815 : i32 to index
        %get3A_819 = arith.constant 32 : index
        %get3A_820 = tpu.vector_load %arg8[%get3A_817, %get3A_818, %get3A_819] {strides = array<i32>} : memref<4x128x128xf32, #tpu.memory_space<vmem>>, vector<16xf32>,
        %mul3A_821 = arith.mulf %get3A_623, %get3A_820 : vector<16xf32>
        %add3A_822 = arith.addf %mul3A_813, %mul3A_821 : vector<16xf32>
        %add3A_823 = arith.constant 4 : i32
        %add3A_824 = arith.addi %mul3A_603, %add3A_823 : i32
        %get3A_825 = arith.constant 2 : i32
        %get3A_826 = arith.index_cast %get3A_825 : i32 to index
        %get3A_827 = arith.index_cast %add3A_824 : i32 to index
        %get3A_828 = arith.constant 32 : index
        %get3A_829 = tpu.vector_load %arg8[%get3A_826, %get3A_827, %get3A_828] {strides = array<i32>} : memref<4x128x128xf32, #tpu.memory_space<vmem>>, vector<16xf32>,
        %mul3A_830 = arith.mulf %get3A_628, %get3A_829 : vector<16xf32>
        %add3A_831 = arith.constant 5 : i32
        %add3A_832 = arith.addi %mul3A_603, %add3A_831 : i32
        %get3A_833 = arith.constant 2 : i32
        %get3A_834 = arith.index_cast %get3A_833 : i32 to index
        %get3A_835 = arith.index_cast %add3A_832 : i32 to index
        %get3A_836 = arith.constant 32 : index
        %get3A_837 = tpu.vector_load %arg8[%get3A_834, %get3A_835, %get3A_836] {strides = array<i32>} : memref<4x128x128xf32, #tpu.memory_space<vmem>>, vector<16xf32>,
        %mul3A_838 = arith.mulf %get3A_633, %get3A_837 : vector<16xf32>
        %add3A_839 = arith.addf %mul3A_830, %mul3A_838 : vector<16xf32>
        %add3A_840 = arith.constant 6 : i32
        %add3A_841 = arith.addi %mul3A_603, %add3A_840 : i32
        %get3A_842 = arith.constant 2 : i32
        %get3A_843 = arith.index_cast %get3A_842 : i32 to index
        %get3A_844 = arith.index_cast %add3A_841 : i32 to index
        %get3A_845 = arith.constant 32 : index
        %get3A_846 = tpu.vector_load %arg8[%get3A_843, %get3A_844, %get3A_845] {strides = array<i32>} : memref<4x128x128xf32, #tpu.memory_space<vmem>>, vector<16xf32>,
        %mul3A_847 = arith.mulf %get3A_638, %get3A_846 : vector<16xf32>
        %add3A_848 = arith.constant 7 : i32
        %add3A_849 = arith.addi %mul3A_603, %add3A_848 : i32
        %get3A_850 = arith.constant 2 : i32
        %get3A_851 = arith.index_cast %get3A_850 : i32 to index
        %get3A_852 = arith.index_cast %add3A_849 : i32 to index
        %get3A_853 = arith.constant 32 : index
        %get3A_854 = tpu.vector_load %arg8[%get3A_851, %get3A_852, %get3A_853] {strides = array<i32>} : memref<4x128x128xf32, #tpu.memory_space<vmem>>, vector<16xf32>,
        %mul3A_855 = arith.mulf %get3A_643, %get3A_854 : vector<16xf32>
        %add3A_856 = arith.addf %mul3A_847, %mul3A_855 : vector<16xf32>
        %add3A_857 = arith.addf %add3A_805, %add3A_822 : vector<16xf32>
        %add3A_858 = arith.addf %add3A_839, %add3A_856 : vector<16xf32>
        %add3A_859 = arith.addf %add3A_857, %add3A_858 : vector<16xf32>
        %swap3A_860 = arith.constant 2 : i32
        %swap3A_861 = arith.index_cast %swap3A_860 : i32 to index
        %swap3A_862 = arith.index_cast %scan3A_601 : i32 to index
        %swap3A_863 = arith.constant 32 : index
        %swap3A_864 = tpu.vector_load %arg10[%swap3A_861, %swap3A_862, %swap3A_863] {strides = array<i32>} : memref<4x16x128xf32, #tpu.memory_space<vmem>>, vector<16xf32>,
        tpu.vector_store %arg10[%swap3A_861, %swap3A_862, %swap3A_863], %add3A_859 {strides = array<i32>} : memref<4x16x128xf32, #tpu.memory_space<vmem>>, vector<16xf32>,
        %get3A_865 = arith.constant 2 : i32
        %get3A_866 = arith.index_cast %get3A_865 : i32 to index
        %get3A_867 = arith.index_cast %mul3A_603 : i32 to index
        %get3A_868 = arith.constant 48 : index
        %get3A_869 = tpu.vector_load %arg8[%get3A_866, %get3A_867, %get3A_868] {strides = array<i32>} : memref<4x128x128xf32, #tpu.memory_space<vmem>>, vector<16xf32>,
        %mul3A_870 = arith.mulf %get3A_608, %get3A_869 : vector<16xf32>
        %add3A_871 = arith.constant 1 : i32
        %add3A_872 = arith.addi %mul3A_603, %add3A_871 : i32
        %get3A_873 = arith.constant 2 : i32
        %get3A_874 = arith.index_cast %get3A_873 : i32 to index
        %get3A_875 = arith.index_cast %add3A_872 : i32 to index
        %get3A_876 = arith.constant 48 : index
        %get3A_877 = tpu.vector_load %arg8[%get3A_874, %get3A_875, %get3A_876] {strides = array<i32>} : memref<4x128x128xf32, #tpu.memory_space<vmem>>, vector<16xf32>,
        %mul3A_878 = arith.mulf %get3A_613, %get3A_877 : vector<16xf32>
        %add3A_879 = arith.addf %mul3A_870, %mul3A_878 : vector<16xf32>
        %add3A_880 = arith.constant 2 : i32
        %add3A_881 = arith.addi %mul3A_603, %add3A_880 : i32
        %get3A_882 = arith.constant 2 : i32
        %get3A_883 = arith.index_cast %get3A_882 : i32 to index
        %get3A_884 = arith.index_cast %add3A_881 : i32 to index
        %get3A_885 = arith.constant 48 : index
        %get3A_886 = tpu.vector_load %arg8[%get3A_883, %get3A_884, %get3A_885] {strides = array<i32>} : memref<4x128x128xf32, #tpu.memory_space<vmem>>, vector<16xf32>,
        %mul3A_887 = arith.mulf %get3A_618, %get3A_886 : vector<16xf32>
        %add3A_888 = arith.constant 3 : i32
        %add3A_889 = arith.addi %mul3A_603, %add3A_888 : i32
        %get3A_890 = arith.constant 2 : i32
        %get3A_891 = arith.index_cast %get3A_890 : i32 to index
        %get3A_892 = arith.index_cast %add3A_889 : i32 to index
        %get3A_893 = arith.constant 48 : index
        %get3A_894 = tpu.vector_load %arg8[%get3A_891, %get3A_892, %get3A_893] {strides = array<i32>} : memref<4x128x128xf32, #tpu.memory_space<vmem>>, vector<16xf32>,
        %mul3A_895 = arith.mulf %get3A_623, %get3A_894 : vector<16xf32>
        %add3A_896 = arith.addf %mul3A_887, %mul3A_895 : vector<16xf32>
        %add3A_897 = arith.constant 4 : i32
        %add3A_898 = arith.addi %mul3A_603, %add3A_897 : i32
        %get3A_899 = arith.constant 2 : i32
        %get3A_900 = arith.index_cast %get3A_899 : i32 to index
        %get3A_901 = arith.index_cast %add3A_898 : i32 to index
        %get3A_902 = arith.constant 48 : index
        %get3A_903 = tpu.vector_load %arg8[%get3A_900, %get3A_901, %get3A_902] {strides = array<i32>} : memref<4x128x128xf32, #tpu.memory_space<vmem>>, vector<16xf32>,
        %mul3A_904 = arith.mulf %get3A_628, %get3A_903 : vector<16xf32>
        %add3A_905 = arith.constant 5 : i32
        %add3A_906 = arith.addi %mul3A_603, %add3A_905 : i32
        %get3A_907 = arith.constant 2 : i32
        %get3A_908 = arith.index_cast %get3A_907 : i32 to index
        %get3A_909 = arith.index_cast %add3A_906 : i32 to index
        %get3A_910 = arith.constant 48 : index
        %get3A_911 = tpu.vector_load %arg8[%get3A_908, %get3A_909, %get3A_910] {strides = array<i32>} : memref<4x128x128xf32, #tpu.memory_space<vmem>>, vector<16xf32>,
        %mul3A_912 = arith.mulf %get3A_633, %get3A_911 : vector<16xf32>
        %add3A_913 = arith.addf %mul3A_904, %mul3A_912 : vector<16xf32>
        %add3A_914 = arith.constant 6 : i32
        %add3A_915 = arith.addi %mul3A_603, %add3A_914 : i32
        %get3A_916 = arith.constant 2 : i32
        %get3A_917 = arith.index_cast %get3A_916 : i32 to index
        %get3A_918 = arith.index_cast %add3A_915 : i32 to index
        %get3A_919 = arith.constant 48 : index
        %get3A_920 = tpu.vector_load %arg8[%get3A_917, %get3A_918, %get3A_919] {strides = array<i32>} : memref<4x128x128xf32, #tpu.memory_space<vmem>>, vector<16xf32>,
        %mul3A_921 = arith.mulf %get3A_638, %get3A_920 : vector<16xf32>
        %add3A_922 = arith.constant 7 : i32
        %add3A_923 = arith.addi %mul3A_603, %add3A_922 : i32
        %get3A_924 = arith.constant 2 : i32
        %get3A_925 = arith.index_cast %get3A_924 : i32 to index
        %get3A_926 = arith.index_cast %add3A_923 : i32 to index
        %get3A_927 = arith.constant 48 : index
        %get3A_928 = tpu.vector_load %arg8[%get3A_925, %get3A_926, %get3A_927] {strides = array<i32>} : memref<4x128x128xf32, #tpu.memory_space<vmem>>, vector<16xf32>,
        %mul3A_929 = arith.mulf %get3A_643, %get3A_928 : vector<16xf32>
        %add3A_930 = arith.addf %mul3A_921, %mul3A_929 : vector<16xf32>
        %add3A_931 = arith.addf %add3A_879, %add3A_896 : vector<16xf32>
        %add3A_932 = arith.addf %add3A_913, %add3A_930 : vector<16xf32>
        %add3A_933 = arith.addf %add3A_931, %add3A_932 : vector<16xf32>
        %swap3A_934 = arith.constant 2 : i32
        %swap3A_935 = arith.index_cast %swap3A_934 : i32 to index
        %swap3A_936 = arith.index_cast %scan3A_601 : i32 to index
        %swap3A_937 = arith.constant 48 : index
        %swap3A_938 = tpu.vector_load %arg10[%swap3A_935, %swap3A_936, %swap3A_937] {strides = array<i32>} : memref<4x16x128xf32, #tpu.memory_space<vmem>>, vector<16xf32>,
        tpu.vector_store %arg10[%swap3A_935, %swap3A_936, %swap3A_937], %add3A_933 {strides = array<i32>} : memref<4x16x128xf32, #tpu.memory_space<vmem>>, vector<16xf32>,
        %get3A_939 = arith.constant 2 : i32
        %get3A_940 = arith.index_cast %get3A_939 : i32 to index
        %get3A_941 = arith.index_cast %mul3A_603 : i32 to index
        %get3A_942 = arith.constant 64 : index
        %get3A_943 = tpu.vector_load %arg8[%get3A_940, %get3A_941, %get3A_942] {strides = array<i32>} : memref<4x128x128xf32, #tpu.memory_space<vmem>>, vector<16xf32>,
        %mul3A_944 = arith.mulf %get3A_608, %get3A_943 : vector<16xf32>
        %add3A_945 = arith.constant 1 : i32
        %add3A_946 = arith.addi %mul3A_603, %add3A_945 : i32
        %get3A_947 = arith.constant 2 : i32
        %get3A_948 = arith.index_cast %get3A_947 : i32 to index
        %get3A_949 = arith.index_cast %add3A_946 : i32 to index
        %get3A_950 = arith.constant 64 : index
        %get3A_951 = tpu.vector_load %arg8[%get3A_948, %get3A_949, %get3A_950] {strides = array<i32>} : memref<4x128x128xf32, #tpu.memory_space<vmem>>, vector<16xf32>,
        %mul3A_952 = arith.mulf %get3A_613, %get3A_951 : vector<16xf32>
        %add3A_953 = arith.addf %mul3A_944, %mul3A_952 : vector<16xf32>
        %add3A_954 = arith.constant 2 : i32
        %add3A_955 = arith.addi %mul3A_603, %add3A_954 : i32
        %get3A_956 = arith.constant 2 : i32
        %get3A_957 = arith.index_cast %get3A_956 : i32 to index
        %get3A_958 = arith.index_cast %add3A_955 : i32 to index
        %get3A_959 = arith.constant 64 : index
        %get3A_960 = tpu.vector_load %arg8[%get3A_957, %get3A_958, %get3A_959] {strides = array<i32>} : memref<4x128x128xf32, #tpu.memory_space<vmem>>, vector<16xf32>,
        %mul3A_961 = arith.mulf %get3A_618, %get3A_960 : vector<16xf32>
        %add3A_962 = arith.constant 3 : i32
        %add3A_963 = arith.addi %mul3A_603, %add3A_962 : i32
        %get3A_964 = arith.constant 2 : i32
        %get3A_965 = arith.index_cast %get3A_964 : i32 to index
        %get3A_966 = arith.index_cast %add3A_963 : i32 to index
        %get3A_967 = arith.constant 64 : index
        %get3A_968 = tpu.vector_load %arg8[%get3A_965, %get3A_966, %get3A_967] {strides = array<i32>} : memref<4x128x128xf32, #tpu.memory_space<vmem>>, vector<16xf32>,
        %mul3A_969 = arith.mulf %get3A_623, %get3A_968 : vector<16xf32>
        %add3A_970 = arith.addf %mul3A_961, %mul3A_969 : vector<16xf32>
        %add3A_971 = arith.constant 4 : i32
        %add3A_972 = arith.addi %mul3A_603, %add3A_971 : i32
        %get3A_973 = arith.constant 2 : i32
        %get3A_974 = arith.index_cast %get3A_973 : i32 to index
        %get3A_975 = arith.index_cast %add3A_972 : i32 to index
        %get3A_976 = arith.constant 64 : index
        %get3A_977 = tpu.vector_load %arg8[%get3A_974, %get3A_975, %get3A_976] {strides = array<i32>} : memref<4x128x128xf32, #tpu.memory_space<vmem>>, vector<16xf32>,
        %mul3A_978 = arith.mulf %get3A_628, %get3A_977 : vector<16xf32>
        %add3A_979 = arith.constant 5 : i32
        %add3A_980 = arith.addi %mul3A_603, %add3A_979 : i32
        %get3A_981 = arith.constant 2 : i32
        %get3A_982 = arith.index_cast %get3A_981 : i32 to index
        %get3A_983 = arith.index_cast %add3A_980 : i32 to index
        %get3A_984 = arith.constant 64 : index
        %get3A_985 = tpu.vector_load %arg8[%get3A_982, %get3A_983, %get3A_984] {strides = array<i32>} : memref<4x128x128xf32, #tpu.memory_space<vmem>>, vector<16xf32>,
        %mul3A_986 = arith.mulf %get3A_633, %get3A_985 : vector<16xf32>
        %add3A_987 = arith.addf %mul3A_978, %mul3A_986 : vector<16xf32>
        %add3A_988 = arith.constant 6 : i32
        %add3A_989 = arith.addi %mul3A_603, %add3A_988 : i32
        %get3A_990 = arith.constant 2 : i32
        %get3A_991 = arith.index_cast %get3A_990 : i32 to index
        %get3A_992 = arith.index_cast %add3A_989 : i32 to index
        %get3A_993 = arith.constant 64 : index
        %get3A_994 = tpu.vector_load %arg8[%get3A_991, %get3A_992, %get3A_993] {strides = array<i32>} : memref<4x128x128xf32, #tpu.memory_space<vmem>>, vector<16xf32>,
        %mul3A_995 = arith.mulf %get3A_638, %get3A_994 : vector<16xf32>
        %add3A_996 = arith.constant 7 : i32
        %add3A_997 = arith.addi %mul3A_603, %add3A_996 : i32
        %get3A_998 = arith.constant 2 : i32
        %get3A_999 = arith.index_cast %get3A_998 : i32 to index
        %get3A_1000 = arith.index_cast %add3A_997 : i32 to index
        %get3A_1001 = arith.constant 64 : index
        %get3A_1002 = tpu.vector_load %arg8[%get3A_999, %get3A_1000, %get3A_1001] {strides = array<i32>} : memref<4x128x128xf32, #tpu.memory_space<vmem>>, vector<16xf32>,
        %mul3A_1003 = arith.mulf %get3A_643, %get3A_1002 : vector<16xf32>
        %add3A_1004 = arith.addf %mul3A_995, %mul3A_1003 : vector<16xf32>
        %add3A_1005 = arith.addf %add3A_953, %add3A_970 : vector<16xf32>
        %add3A_1006 = arith.addf %add3A_987, %add3A_1004 : vector<16xf32>
        %add3A_1007 = arith.addf %add3A_1005, %add3A_1006 : vector<16xf32>
        %swap3A_1008 = arith.constant 2 : i32
        %swap3A_1009 = arith.index_cast %swap3A_1008 : i32 to index
        %swap3A_1010 = arith.index_cast %scan3A_601 : i32 to index
        %swap3A_1011 = arith.constant 64 : index
        %swap3A_1012 = tpu.vector_load %arg10[%swap3A_1009, %swap3A_1010, %swap3A_1011] {strides = array<i32>} : memref<4x16x128xf32, #tpu.memory_space<vmem>>, vector<16xf32>,
        tpu.vector_store %arg10[%swap3A_1009, %swap3A_1010, %swap3A_1011], %add3A_1007 {strides = array<i32>} : memref<4x16x128xf32, #tpu.memory_space<vmem>>, vector<16xf32>,
        %get3A_1013 = arith.constant 2 : i32
        %get3A_1014 = arith.index_cast %get3A_1013 : i32 to index
        %get3A_1015 = arith.index_cast %mul3A_603 : i32 to index
        %get3A_1016 = arith.constant 80 : index
        %get3A_1017 = tpu.vector_load %arg8[%get3A_1014, %get3A_1015, %get3A_1016] {strides = array<i32>} : memref<4x128x128xf32, #tpu.memory_space<vmem>>, vector<16xf32>,
        %mul3A_1018 = arith.mulf %get3A_608, %get3A_1017 : vector<16xf32>
        %add3A_1019 = arith.constant 1 : i32
        %add3A_1020 = arith.addi %mul3A_603, %add3A_1019 : i32
        %get3A_1021 = arith.constant 2 : i32
        %get3A_1022 = arith.index_cast %get3A_1021 : i32 to index
        %get3A_1023 = arith.index_cast %add3A_1020 : i32 to index
        %get3A_1024 = arith.constant 80 : index
        %get3A_1025 = tpu.vector_load %arg8[%get3A_1022, %get3A_1023, %get3A_1024] {strides = array<i32>} : memref<4x128x128xf32, #tpu.memory_space<vmem>>, vector<16xf32>,
        %mul3A_1026 = arith.mulf %get3A_613, %get3A_1025 : vector<16xf32>
        %add3A_1027 = arith.addf %mul3A_1018, %mul3A_1026 : vector<16xf32>
        %add3A_1028 = arith.constant 2 : i32
        %add3A_1029 = arith.addi %mul3A_603, %add3A_1028 : i32
        %get3A_1030 = arith.constant 2 : i32
        %get3A_1031 = arith.index_cast %get3A_1030 : i32 to index
        %get3A_1032 = arith.index_cast %add3A_1029 : i32 to index
        %get3A_1033 = arith.constant 80 : index
        %get3A_1034 = tpu.vector_load %arg8[%get3A_1031, %get3A_1032, %get3A_1033] {strides = array<i32>} : memref<4x128x128xf32, #tpu.memory_space<vmem>>, vector<16xf32>,
        %mul3A_1035 = arith.mulf %get3A_618, %get3A_1034 : vector<16xf32>
        %add3A_1036 = arith.constant 3 : i32
        %add3A_1037 = arith.addi %mul3A_603, %add3A_1036 : i32
        %get3A_1038 = arith.constant 2 : i32
        %get3A_1039 = arith.index_cast %get3A_1038 : i32 to index
        %get3A_1040 = arith.index_cast %add3A_1037 : i32 to index
        %get3A_1041 = arith.constant 80 : index
        %get3A_1042 = tpu.vector_load %arg8[%get3A_1039, %get3A_1040, %get3A_1041] {strides = array<i32>} : memref<4x128x128xf32, #tpu.memory_space<vmem>>, vector<16xf32>,
        %mul3A_1043 = arith.mulf %get3A_623, %get3A_1042 : vector<16xf32>
        %add3A_1044 = arith.addf %mul3A_1035, %mul3A_1043 : vector<16xf32>
        %add3A_1045 = arith.constant 4 : i32
        %add3A_1046 = arith.addi %mul3A_603, %add3A_1045 : i32
        %get3A_1047 = arith.constant 2 : i32
        %get3A_1048 = arith.index_cast %get3A_1047 : i32 to index
        %get3A_1049 = arith.index_cast %add3A_1046 : i32 to index
        %get3A_1050 = arith.constant 80 : index
        %get3A_1051 = tpu.vector_load %arg8[%get3A_1048, %get3A_1049, %get3A_1050] {strides = array<i32>} : memref<4x128x128xf32, #tpu.memory_space<vmem>>, vector<16xf32>,
        %mul3A_1052 = arith.mulf %get3A_628, %get3A_1051 : vector<16xf32>
        %add3A_1053 = arith.constant 5 : i32
        %add3A_1054 = arith.addi %mul3A_603, %add3A_1053 : i32
        %get3A_1055 = arith.constant 2 : i32
        %get3A_1056 = arith.index_cast %get3A_1055 : i32 to index
        %get3A_1057 = arith.index_cast %add3A_1054 : i32 to index
        %get3A_1058 = arith.constant 80 : index
        %get3A_1059 = tpu.vector_load %arg8[%get3A_1056, %get3A_1057, %get3A_1058] {strides = array<i32>} : memref<4x128x128xf32, #tpu.memory_space<vmem>>, vector<16xf32>,
        %mul3A_1060 = arith.mulf %get3A_633, %get3A_1059 : vector<16xf32>
        %add3A_1061 = arith.addf %mul3A_1052, %mul3A_1060 : vector<16xf32>
        %add3A_1062 = arith.constant 6 : i32
        %add3A_1063 = arith.addi %mul3A_603, %add3A_1062 : i32
        %get3A_1064 = arith.constant 2 : i32
        %get3A_1065 = arith.index_cast %get3A_1064 : i32 to index
        %get3A_1066 = arith.index_cast %add3A_1063 : i32 to index
        %get3A_1067 = arith.constant 80 : index
        %get3A_1068 = tpu.vector_load %arg8[%get3A_1065, %get3A_1066, %get3A_1067] {strides = array<i32>} : memref<4x128x128xf32, #tpu.memory_space<vmem>>, vector<16xf32>,
        %mul3A_1069 = arith.mulf %get3A_638, %get3A_1068 : vector<16xf32>
        %add3A_1070 = arith.constant 7 : i32
        %add3A_1071 = arith.addi %mul3A_603, %add3A_1070 : i32
        %get3A_1072 = arith.constant 2 : i32
        %get3A_1073 = arith.index_cast %get3A_1072 : i32 to index
        %get3A_1074 = arith.index_cast %add3A_1071 : i32 to index
        %get3A_1075 = arith.constant 80 : index
        %get3A_1076 = tpu.vector_load %arg8[%get3A_1073, %get3A_1074, %get3A_1075] {strides = array<i32>} : memref<4x128x128xf32, #tpu.memory_space<vmem>>, vector<16xf32>,
        %mul3A_1077 = arith.mulf %get3A_643, %get3A_1076 : vector<16xf32>
        %add3A_1078 = arith.addf %mul3A_1069, %mul3A_1077 : vector<16xf32>
        %add3A_1079 = arith.addf %add3A_1027, %add3A_1044 : vector<16xf32>
        %add3A_1080 = arith.addf %add3A_1061, %add3A_1078 : vector<16xf32>
        %add3A_1081 = arith.addf %add3A_1079, %add3A_1080 : vector<16xf32>
        %swap3A_1082 = arith.constant 2 : i32
        %swap3A_1083 = arith.index_cast %swap3A_1082 : i32 to index
        %swap3A_1084 = arith.index_cast %scan3A_601 : i32 to index
        %swap3A_1085 = arith.constant 80 : index
        %swap3A_1086 = tpu.vector_load %arg10[%swap3A_1083, %swap3A_1084, %swap3A_1085] {strides = array<i32>} : memref<4x16x128xf32, #tpu.memory_space<vmem>>, vector<16xf32>,
        tpu.vector_store %arg10[%swap3A_1083, %swap3A_1084, %swap3A_1085], %add3A_1081 {strides = array<i32>} : memref<4x16x128xf32, #tpu.memory_space<vmem>>, vector<16xf32>,
        %get3A_1087 = arith.constant 2 : i32
        %get3A_1088 = arith.index_cast %get3A_1087 : i32 to index
        %get3A_1089 = arith.index_cast %mul3A_603 : i32 to index
        %get3A_1090 = arith.constant 96 : index
        %get3A_1091 = tpu.vector_load %arg8[%get3A_1088, %get3A_1089, %get3A_1090] {strides = array<i32>} : memref<4x128x128xf32, #tpu.memory_space<vmem>>, vector<16xf32>,
        %mul3A_1092 = arith.mulf %get3A_608, %get3A_1091 : vector<16xf32>
        %add3A_1093 = arith.constant 1 : i32
        %add3A_1094 = arith.addi %mul3A_603, %add3A_1093 : i32
        %get3A_1095 = arith.constant 2 : i32
        %get3A_1096 = arith.index_cast %get3A_1095 : i32 to index
        %get3A_1097 = arith.index_cast %add3A_1094 : i32 to index
        %get3A_1098 = arith.constant 96 : index
        %get3A_1099 = tpu.vector_load %arg8[%get3A_1096, %get3A_1097, %get3A_1098] {strides = array<i32>} : memref<4x128x128xf32, #tpu.memory_space<vmem>>, vector<16xf32>,
        %mul3A_1100 = arith.mulf %get3A_613, %get3A_1099 : vector<16xf32>
        %add3A_1101 = arith.addf %mul3A_1092, %mul3A_1100 : vector<16xf32>
        %add3A_1102 = arith.constant 2 : i32
        %add3A_1103 = arith.addi %mul3A_603, %add3A_1102 : i32
        %get3A_1104 = arith.constant 2 : i32
        %get3A_1105 = arith.index_cast %get3A_1104 : i32 to index
        %get3A_1106 = arith.index_cast %add3A_1103 : i32 to index
        %get3A_1107 = arith.constant 96 : index
        %get3A_1108 = tpu.vector_load %arg8[%get3A_1105, %get3A_1106, %get3A_1107] {strides = array<i32>} : memref<4x128x128xf32, #tpu.memory_space<vmem>>, vector<16xf32>,
        %mul3A_1109 = arith.mulf %get3A_618, %get3A_1108 : vector<16xf32>
        %add3A_1110 = arith.constant 3 : i32
        %add3A_1111 = arith.addi %mul3A_603, %add3A_1110 : i32
        %get3A_1112 = arith.constant 2 : i32
        %get3A_1113 = arith.index_cast %get3A_1112 : i32 to index
        %get3A_1114 = arith.index_cast %add3A_1111 : i32 to index
        %get3A_1115 = arith.constant 96 : index
        %get3A_1116 = tpu.vector_load %arg8[%get3A_1113, %get3A_1114, %get3A_1115] {strides = array<i32>} : memref<4x128x128xf32, #tpu.memory_space<vmem>>, vector<16xf32>,
        %mul3A_1117 = arith.mulf %get3A_623, %get3A_1116 : vector<16xf32>
        %add3A_1118 = arith.addf %mul3A_1109, %mul3A_1117 : vector<16xf32>
        %add3A_1119 = arith.constant 4 : i32
        %add3A_1120 = arith.addi %mul3A_603, %add3A_1119 : i32
        %get3A_1121 = arith.constant 2 : i32
        %get3A_1122 = arith.index_cast %get3A_1121 : i32 to index
        %get3A_1123 = arith.index_cast %add3A_1120 : i32 to index
        %get3A_1124 = arith.constant 96 : index
        %get3A_1125 = tpu.vector_load %arg8[%get3A_1122, %get3A_1123, %get3A_1124] {strides = array<i32>} : memref<4x128x128xf32, #tpu.memory_space<vmem>>, vector<16xf32>,
        %mul3A_1126 = arith.mulf %get3A_628, %get3A_1125 : vector<16xf32>
        %add3A_1127 = arith.constant 5 : i32
        %add3A_1128 = arith.addi %mul3A_603, %add3A_1127 : i32
        %get3A_1129 = arith.constant 2 : i32
        %get3A_1130 = arith.index_cast %get3A_1129 : i32 to index
        %get3A_1131 = arith.index_cast %add3A_1128 : i32 to index
        %get3A_1132 = arith.constant 96 : index
        %get3A_1133 = tpu.vector_load %arg8[%get3A_1130, %get3A_1131, %get3A_1132] {strides = array<i32>} : memref<4x128x128xf32, #tpu.memory_space<vmem>>, vector<16xf32>,
        %mul3A_1134 = arith.mulf %get3A_633, %get3A_1133 : vector<16xf32>
        %add3A_1135 = arith.addf %mul3A_1126, %mul3A_1134 : vector<16xf32>
        %add3A_1136 = arith.constant 6 : i32
        %add3A_1137 = arith.addi %mul3A_603, %add3A_1136 : i32
        %get3A_1138 = arith.constant 2 : i32
        %get3A_1139 = arith.index_cast %get3A_1138 : i32 to index
        %get3A_1140 = arith.index_cast %add3A_1137 : i32 to index
        %get3A_1141 = arith.constant 96 : index
        %get3A_1142 = tpu.vector_load %arg8[%get3A_1139, %get3A_1140, %get3A_1141] {strides = array<i32>} : memref<4x128x128xf32, #tpu.memory_space<vmem>>, vector<16xf32>,
        %mul3A_1143 = arith.mulf %get3A_638, %get3A_1142 : vector<16xf32>
        %add3A_1144 = arith.constant 7 : i32
        %add3A_1145 = arith.addi %mul3A_603, %add3A_1144 : i32
        %get3A_1146 = arith.constant 2 : i32
        %get3A_1147 = arith.index_cast %get3A_1146 : i32 to index
        %get3A_1148 = arith.index_cast %add3A_1145 : i32 to index
        %get3A_1149 = arith.constant 96 : index
        %get3A_1150 = tpu.vector_load %arg8[%get3A_1147, %get3A_1148, %get3A_1149] {strides = array<i32>} : memref<4x128x128xf32, #tpu.memory_space<vmem>>, vector<16xf32>,
        %mul3A_1151 = arith.mulf %get3A_643, %get3A_1150 : vector<16xf32>
        %add3A_1152 = arith.addf %mul3A_1143, %mul3A_1151 : vector<16xf32>
        %add3A_1153 = arith.addf %add3A_1101, %add3A_1118 : vector<16xf32>
        %add3A_1154 = arith.addf %add3A_1135, %add3A_1152 : vector<16xf32>
        %add3A_1155 = arith.addf %add3A_1153, %add3A_1154 : vector<16xf32>
        %swap3A_1156 = arith.constant 2 : i32
        %swap3A_1157 = arith.index_cast %swap3A_1156 : i32 to index
        %swap3A_1158 = arith.index_cast %scan3A_601 : i32 to index
        %swap3A_1159 = arith.constant 96 : index
        %swap3A_1160 = tpu.vector_load %arg10[%swap3A_1157, %swap3A_1158, %swap3A_1159] {strides = array<i32>} : memref<4x16x128xf32, #tpu.memory_space<vmem>>, vector<16xf32>,
        tpu.vector_store %arg10[%swap3A_1157, %swap3A_1158, %swap3A_1159], %add3A_1155 {strides = array<i32>} : memref<4x16x128xf32, #tpu.memory_space<vmem>>, vector<16xf32>,
        %get3A_1161 = arith.constant 2 : i32
        %get3A_1162 = arith.index_cast %get3A_1161 : i32 to index
        %get3A_1163 = arith.index_cast %mul3A_603 : i32 to index
        %get3A_1164 = arith.constant 112 : index
        %get3A_1165 = tpu.vector_load %arg8[%get3A_1162, %get3A_1163, %get3A_1164] {strides = array<i32>} : memref<4x128x128xf32, #tpu.memory_space<vmem>>, vector<16xf32>,
        %mul3A_1166 = arith.mulf %get3A_608, %get3A_1165 : vector<16xf32>
        %add3A_1167 = arith.constant 1 : i32
        %add3A_1168 = arith.addi %mul3A_603, %add3A_1167 : i32
        %get3A_1169 = arith.constant 2 : i32
        %get3A_1170 = arith.index_cast %get3A_1169 : i32 to index
        %get3A_1171 = arith.index_cast %add3A_1168 : i32 to index
        %get3A_1172 = arith.constant 112 : index
        %get3A_1173 = tpu.vector_load %arg8[%get3A_1170, %get3A_1171, %get3A_1172] {strides = array<i32>} : memref<4x128x128xf32, #tpu.memory_space<vmem>>, vector<16xf32>,
        %mul3A_1174 = arith.mulf %get3A_613, %get3A_1173 : vector<16xf32>
        %add3A_1175 = arith.addf %mul3A_1166, %mul3A_1174 : vector<16xf32>
        %add3A_1176 = arith.constant 2 : i32
        %add3A_1177 = arith.addi %mul3A_603, %add3A_1176 : i32
        %get3A_1178 = arith.constant 2 : i32
        %get3A_1179 = arith.index_cast %get3A_1178 : i32 to index
        %get3A_1180 = arith.index_cast %add3A_1177 : i32 to index
        %get3A_1181 = arith.constant 112 : index
        %get3A_1182 = tpu.vector_load %arg8[%get3A_1179, %get3A_1180, %get3A_1181] {strides = array<i32>} : memref<4x128x128xf32, #tpu.memory_space<vmem>>, vector<16xf32>,
        %mul3A_1183 = arith.mulf %get3A_618, %get3A_1182 : vector<16xf32>
        %add3A_1184 = arith.constant 3 : i32
        %add3A_1185 = arith.addi %mul3A_603, %add3A_1184 : i32
        %get3A_1186 = arith.constant 2 : i32
        %get3A_1187 = arith.index_cast %get3A_1186 : i32 to index
        %get3A_1188 = arith.index_cast %add3A_1185 : i32 to index
        %get3A_1189 = arith.constant 112 : index
        %get3A_1190 = tpu.vector_load %arg8[%get3A_1187, %get3A_1188, %get3A_1189] {strides = array<i32>} : memref<4x128x128xf32, #tpu.memory_space<vmem>>, vector<16xf32>,
        %mul3A_1191 = arith.mulf %get3A_623, %get3A_1190 : vector<16xf32>
        %add3A_1192 = arith.addf %mul3A_1183, %mul3A_1191 : vector<16xf32>
        %add3A_1193 = arith.constant 4 : i32
        %add3A_1194 = arith.addi %mul3A_603, %add3A_1193 : i32
        %get3A_1195 = arith.constant 2 : i32
        %get3A_1196 = arith.index_cast %get3A_1195 : i32 to index
        %get3A_1197 = arith.index_cast %add3A_1194 : i32 to index
        %get3A_1198 = arith.constant 112 : index
        %get3A_1199 = tpu.vector_load %arg8[%get3A_1196, %get3A_1197, %get3A_1198] {strides = array<i32>} : memref<4x128x128xf32, #tpu.memory_space<vmem>>, vector<16xf32>,
        %mul3A_1200 = arith.mulf %get3A_628, %get3A_1199 : vector<16xf32>
        %add3A_1201 = arith.constant 5 : i32
        %add3A_1202 = arith.addi %mul3A_603, %add3A_1201 : i32
        %get3A_1203 = arith.constant 2 : i32
        %get3A_1204 = arith.index_cast %get3A_1203 : i32 to index
        %get3A_1205 = arith.index_cast %add3A_1202 : i32 to index
        %get3A_1206 = arith.constant 112 : index
        %get3A_1207 = tpu.vector_load %arg8[%get3A_1204, %get3A_1205, %get3A_1206] {strides = array<i32>} : memref<4x128x128xf32, #tpu.memory_space<vmem>>, vector<16xf32>,
        %mul3A_1208 = arith.mulf %get3A_633, %get3A_1207 : vector<16xf32>
        %add3A_1209 = arith.addf %mul3A_1200, %mul3A_1208 : vector<16xf32>
        %add3A_1210 = arith.constant 6 : i32
        %add3A_1211 = arith.addi %mul3A_603, %add3A_1210 : i32
        %get3A_1212 = arith.constant 2 : i32
        %get3A_1213 = arith.index_cast %get3A_1212 : i32 to index
        %get3A_1214 = arith.index_cast %add3A_1211 : i32 to index
        %get3A_1215 = arith.constant 112 : index
        %get3A_1216 = tpu.vector_load %arg8[%get3A_1213, %get3A_1214, %get3A_1215] {strides = array<i32>} : memref<4x128x128xf32, #tpu.memory_space<vmem>>, vector<16xf32>,
        %mul3A_1217 = arith.mulf %get3A_638, %get3A_1216 : vector<16xf32>
        %add3A_1218 = arith.constant 7 : i32
        %add3A_1219 = arith.addi %mul3A_603, %add3A_1218 : i32
        %get3A_1220 = arith.constant 2 : i32
        %get3A_1221 = arith.index_cast %get3A_1220 : i32 to index
        %get3A_1222 = arith.index_cast %add3A_1219 : i32 to index
        %get3A_1223 = arith.constant 112 : index
        %get3A_1224 = tpu.vector_load %arg8[%get3A_1221, %get3A_1222, %get3A_1223] {strides = array<i32>} : memref<4x128x128xf32, #tpu.memory_space<vmem>>, vector<16xf32>,
        %mul3A_1225 = arith.mulf %get3A_643, %get3A_1224 : vector<16xf32>
        %add3A_1226 = arith.addf %mul3A_1217, %mul3A_1225 : vector<16xf32>
        %add3A_1227 = arith.addf %add3A_1175, %add3A_1192 : vector<16xf32>
        %add3A_1228 = arith.addf %add3A_1209, %add3A_1226 : vector<16xf32>
        %add3A_1229 = arith.addf %add3A_1227, %add3A_1228 : vector<16xf32>
        %swap3A_1230 = arith.constant 2 : i32
        %swap3A_1231 = arith.index_cast %swap3A_1230 : i32 to index
        %swap3A_1232 = arith.index_cast %scan3A_601 : i32 to index
        %swap3A_1233 = arith.constant 112 : index
        %swap3A_1234 = tpu.vector_load %arg10[%swap3A_1231, %swap3A_1232, %swap3A_1233] {strides = array<i32>} : memref<4x16x128xf32, #tpu.memory_space<vmem>>, vector<16xf32>,
        tpu.vector_store %arg10[%swap3A_1231, %swap3A_1232, %swap3A_1233], %add3A_1229 {strides = array<i32>} : memref<4x16x128xf32, #tpu.memory_space<vmem>>, vector<16xf32>,
      }
      %scan3A_516 = arith.constant 16 : i32
      %mul3A_517 = arith.constant 16 : i32
      %mul3A_518 = arith.muli %add3A_482, %mul3A_517 : i32
      %add3A_519 = arith.addi %mul3A_2, %mul3A_518 : i32
      %dma_start3A_520 = arith.constant 2 : i32
      %dma_start3A_521 = arith.constant 0 : i32
      %dma_start3A_522 = arith.constant 0 : i32
      %dma_start3A_523 = tpu.memref_slice %arg10[%dma_start3A_520, %dma_start3A_521, %dma_start3A_522] : memref<4x16x128xf32, #tpu.memory_space<vmem>> -> memref<1x16x128xf32, #tpu.memory_space<vmem>>
      %dma_start3A_524 = tpu.memref_squeeze %dma_start3A_523 : memref<1x16x128xf32, #tpu.memory_space<vmem>> -> memref<16x128xf32, #tpu.memory_space<vmem>>
      %dma_start3A_525 = arith.constant 0 : i32
      %dma_start3A_526 = tpu.memref_slice %arg5[%add3A_519, %dma_start3A_525] : memref<65536x128xf32, #tpu.memory_space<hbm>> -> memref<16x128xf32, #tpu.memory_space<hbm>>
      %dma_start3A_527 = arith.constant 0 : i32
      %dma_start3A_528 = tpu.memref_slice %arg5[%add3A_519, %dma_start3A_527] : memref<65536x128xf32, #tpu.memory_space<hbm>> -> memref<16x128xf32, #tpu.memory_space<hbm>>
      %dma_start3A_529 = arith.constant 0 : i32
      %dma_start3A_530 = arith.constant 0 : i32
      %dma_start3A_531 = tpu.memref_slice %arg10[%dma_start3A_520, %dma_start3A_529, %dma_start3A_530] : memref<4x16x128xf32, #tpu.memory_space<vmem>> -> memref<1x16x128xf32, #tpu.memory_space<vmem>>
      %dma_start3A_532 = tpu.memref_squeeze %dma_start3A_531 : memref<1x16x128xf32, #tpu.memory_space<vmem>> -> memref<16x128xf32, #tpu.memory_space<vmem>>
      tpu.enqueue_dma source(%dma_start3A_532 : memref<16x128xf32, #tpu.memory_space<vmem>>) target(%dma_start3A_528 : memref<16x128xf32, #tpu.memory_space<hbm>>) target_semaphore(%arg17 : memref<!tpu.dma_semaphore, #tpu.memory_space<semaphore_mem>>)
      %add3A_533 = arith.constant 4 : i32
      %add3A_534 = arith.addi %add3A_482, %add3A_533 : i32
      %lt3A_535 = arith.constant 128 : i32
      %lt3A_536 = arith.cmpi slt, %add3A_534, %lt3A_535 : i32
      %convert_element_type3A_537 = arith.extui %lt3A_536 : i1 to i32
      %cond3A_538 = arith.constant 0 : i32
      %cond3A_539 = arith.cmpi ne, %convert_element_type3A_537, %cond3A_538 : i32
      scf.if %cond3A_539 {
        %add3A_601 = arith.constant 4 : i32
        %add3A_602 = arith.addi %add3A_482, %add3A_601 : i32
        %mul3A_603 = arith.constant 16 : i32
        %mul3A_604 = arith.muli %add3A_602, %mul3A_603 : i32
        %get3A_605 = arith.index_cast %mul3A_604 : i32 to index
        %get3A_606 = tpu.vector_load %arg6[%get3A_605] {strides = array<i32>} : memref<2048xi32, #tpu.memory_space<vmem>>, vector<16xi32>,
        %add3A_607 = arith.constant 256 : i32
        %add3A_608 = vector.broadcast %add3A_607 : i32 to vector<16xi32>
        %add3A_609 = arith.addi %mul3A_5, %add3A_608 : vector<16xi32>
        %add3A_610 = arith.constant 0 : i32
        %add3A_611 = vector.broadcast %add3A_610 : i32 to vector<16xi32>
        %add3A_612 = arith.addi %get3A_606, %add3A_611 : vector<16xi32>
        tpu.vector_store_idx %arg7[%add3A_609], %add3A_612 : memref<512xi32, #tpu.memory_space<vmem>>[vector<16xi32>], vector<16xi32>,
        %add3A_613 = arith.constant 257 : i32
        %add3A_614 = vector.broadcast %add3A_613 : i32 to vector<16xi32>
        %add3A_615 = arith.addi %mul3A_5, %add3A_614 : vector<16xi32>
        %add3A_616 = arith.constant 1 : i32
        %add3A_617 = vector.broadcast %add3A_616 : i32 to vector<16xi32>
        %add3A_618 = arith.addi %get3A_606, %add3A_617 : vector<16xi32>
        tpu.vector_store_idx %arg7[%add3A_615], %add3A_618 : memref<512xi32, #tpu.memory_space<vmem>>[vector<16xi32>], vector<16xi32>,
        %add3A_619 = arith.constant 258 : i32
        %add3A_620 = vector.broadcast %add3A_619 : i32 to vector<16xi32>
        %add3A_621 = arith.addi %mul3A_5, %add3A_620 : vector<16xi32>
        %add3A_622 = arith.constant 2 : i32
        %add3A_623 = vector.broadcast %add3A_622 : i32 to vector<16xi32>
        %add3A_624 = arith.addi %get3A_606, %add3A_623 : vector<16xi32>
        tpu.vector_store_idx %arg7[%add3A_621], %add3A_624 : memref<512xi32, #tpu.memory_space<vmem>>[vector<16xi32>], vector<16xi32>,
        %add3A_625 = arith.constant 259 : i32
        %add3A_626 = vector.broadcast %add3A_625 : i32 to vector<16xi32>
        %add3A_627 = arith.addi %mul3A_5, %add3A_626 : vector<16xi32>
        %add3A_628 = arith.constant 3 : i32
        %add3A_629 = vector.broadcast %add3A_628 : i32 to vector<16xi32>
        %add3A_630 = arith.addi %get3A_606, %add3A_629 : vector<16xi32>
        tpu.vector_store_idx %arg7[%add3A_627], %add3A_630 : memref<512xi32, #tpu.memory_space<vmem>>[vector<16xi32>], vector<16xi32>,
        %add3A_631 = arith.constant 260 : i32
        %add3A_632 = vector.broadcast %add3A_631 : i32 to vector<16xi32>
        %add3A_633 = arith.addi %mul3A_5, %add3A_632 : vector<16xi32>
        %add3A_634 = arith.constant 4 : i32
        %add3A_635 = vector.broadcast %add3A_634 : i32 to vector<16xi32>
        %add3A_636 = arith.addi %get3A_606, %add3A_635 : vector<16xi32>
        tpu.vector_store_idx %arg7[%add3A_633], %add3A_636 : memref<512xi32, #tpu.memory_space<vmem>>[vector<16xi32>], vector<16xi32>,
        %add3A_637 = arith.constant 261 : i32
        %add3A_638 = vector.broadcast %add3A_637 : i32 to vector<16xi32>
        %add3A_639 = arith.addi %mul3A_5, %add3A_638 : vector<16xi32>
        %add3A_640 = arith.constant 5 : i32
        %add3A_641 = vector.broadcast %add3A_640 : i32 to vector<16xi32>
        %add3A_642 = arith.addi %get3A_606, %add3A_641 : vector<16xi32>
        tpu.vector_store_idx %arg7[%add3A_639], %add3A_642 : memref<512xi32, #tpu.memory_space<vmem>>[vector<16xi32>], vector<16xi32>,
        %add3A_643 = arith.constant 262 : i32
        %add3A_644 = vector.broadcast %add3A_643 : i32 to vector<16xi32>
        %add3A_645 = arith.addi %mul3A_5, %add3A_644 : vector<16xi32>
        %add3A_646 = arith.constant 6 : i32
        %add3A_647 = vector.broadcast %add3A_646 : i32 to vector<16xi32>
        %add3A_648 = arith.addi %get3A_606, %add3A_647 : vector<16xi32>
        tpu.vector_store_idx %arg7[%add3A_645], %add3A_648 : memref<512xi32, #tpu.memory_space<vmem>>[vector<16xi32>], vector<16xi32>,
        %add3A_649 = arith.constant 263 : i32
        %add3A_650 = vector.broadcast %add3A_649 : i32 to vector<16xi32>
        %add3A_651 = arith.addi %mul3A_5, %add3A_650 : vector<16xi32>
        %add3A_652 = arith.constant 7 : i32
        %add3A_653 = vector.broadcast %add3A_652 : i32 to vector<16xi32>
        %add3A_654 = arith.addi %get3A_606, %add3A_653 : vector<16xi32>
        tpu.vector_store_idx %arg7[%add3A_651], %add3A_654 : memref<512xi32, #tpu.memory_space<vmem>>[vector<16xi32>], vector<16xi32>,
        %dma_start3A_655 = arith.constant 2 : i32
        %dma_start3A_656 = arith.constant 0 : i32
        %dma_start3A_657 = arith.constant 0 : i32
        %dma_start3A_658 = tpu.memref_slice %arg8[%dma_start3A_655, %dma_start3A_656, %dma_start3A_657] : memref<4x128x128xf32, #tpu.memory_space<vmem>> -> memref<1x128x128xf32, #tpu.memory_space<vmem>>
        %dma_start3A_659 = tpu.memref_squeeze %dma_start3A_658 : memref<1x128x128xf32, #tpu.memory_space<vmem>> -> memref<128x128xf32, #tpu.memory_space<vmem>>
        %dma_start3A_660 = arith.constant 256 : i32
        %dma_start3A_661 = tpu.memref_slice %arg7[%dma_start3A_660] : memref<512xi32, #tpu.memory_space<vmem>> -> memref<128xi32, #tpu.memory_space<vmem>>
        %dma_start3A_662 = arith.constant 0 : i32
        %dma_start3A_663 = arith.constant 0 : i32
        %dma_start3A_664 = tpu.memref_slice %arg4[%dma_start3A_662, %dma_start3A_663] : memref<65536x128xf32, #tpu.memory_space<hbm>> -> memref<65536x128xf32, #tpu.memory_space<hbm>>
        tpu.enqueue_indirect_dma source(%dma_start3A_664 : memref<65536x128xf32, #tpu.memory_space<hbm>>) target(%dma_start3A_659 : memref<128x128xf32, #tpu.memory_space<vmem>>) offsets(%dma_start3A_661 : memref<128xi32, #tpu.memory_space<vmem>>) semaphore(%arg13 : memref<!tpu.dma_semaphore, #tpu.memory_space<semaphore_mem>>)
        %add3A_665 = arith.addi %mul3A_2, %mul3A_604 : i32
        %dma_start3A_666 = arith.constant 2 : i32
        %dma_start3A_667 = arith.constant 0 : i32
        %dma_start3A_668 = arith.constant 0 : i32
        %dma_start3A_669 = tpu.memref_slice %arg9[%dma_start3A_666, %dma_start3A_667, %dma_start3A_668] : memref<4x16x128xf32, #tpu.memory_space<vmem>> -> memref<1x16x128xf32, #tpu.memory_space<vmem>>
        %dma_start3A_670 = tpu.memref_squeeze %dma_start3A_669 : memref<1x16x128xf32, #tpu.memory_space<vmem>> -> memref<16x128xf32, #tpu.memory_space<vmem>>
        %dma_start3A_671 = arith.constant 0 : i32
        %dma_start3A_672 = tpu.memref_slice %arg3[%add3A_665, %dma_start3A_671] : memref<65536x128xf32, #tpu.memory_space<hbm>> -> memref<16x128xf32, #tpu.memory_space<hbm>>
        %dma_start3A_673 = arith.constant 0 : i32
        %dma_start3A_674 = arith.constant 0 : i32
        %dma_start3A_675 = tpu.memref_slice %arg9[%dma_start3A_666, %dma_start3A_673, %dma_start3A_674] : memref<4x16x128xf32, #tpu.memory_space<vmem>> -> memref<1x16x128xf32, #tpu.memory_space<vmem>>
        %dma_start3A_676 = tpu.memref_squeeze %dma_start3A_675 : memref<1x16x128xf32, #tpu.memory_space<vmem>> -> memref<16x128xf32, #tpu.memory_space<vmem>>
        %dma_start3A_677 = arith.constant 0 : i32
        %dma_start3A_678 = tpu.memref_slice %arg3[%add3A_665, %dma_start3A_677] : memref<65536x128xf32, #tpu.memory_space<hbm>> -> memref<16x128xf32, #tpu.memory_space<hbm>>
        tpu.enqueue_dma source(%dma_start3A_678 : memref<16x128xf32, #tpu.memory_space<hbm>>) target(%dma_start3A_676 : memref<16x128xf32, #tpu.memory_space<vmem>>) target_semaphore(%arg13 : memref<!tpu.dma_semaphore, #tpu.memory_space<semaphore_mem>>)
      } else {
      }
      %mul3A_540 = arith.constant 4 : i32
      %mul3A_541 = arith.muli %mul3A_540, %scan3A_360 : i32
      %add3A_542 = arith.constant 3 : i32
      %add3A_543 = arith.addi %mul3A_541, %add3A_542 : i32
      %dma_wait3A_544 = arith.constant 3 : i32
      %dma_wait3A_545 = arith.constant 0 : i32
      %dma_wait3A_546 = arith.constant 0 : i32
      %dma_wait3A_547 = tpu.memref_slice %arg8[%dma_wait3A_544, %dma_wait3A_545, %dma_wait3A_546] : memref<4x128x128xf32, #tpu.memory_space<vmem>> -> memref<1x128x128xf32, #tpu.memory_space<vmem>>
      %dma_wait3A_548 = tpu.memref_squeeze %dma_wait3A_547 : memref<1x128x128xf32, #tpu.memory_space<vmem>> -> memref<128x128xf32, #tpu.memory_space<vmem>>
      %dma_wait3A_549 = arith.constant 384 : i32
      %dma_wait3A_550 = tpu.memref_slice %arg7[%dma_wait3A_549] : memref<512xi32, #tpu.memory_space<vmem>> -> memref<128xi32, #tpu.memory_space<vmem>>
      %dma_wait3A_551 = arith.constant 0 : i32
      %dma_wait3A_552 = arith.constant 0 : i32
      %dma_wait3A_553 = tpu.memref_slice %arg4[%dma_wait3A_551, %dma_wait3A_552] : memref<65536x128xf32, #tpu.memory_space<hbm>> -> memref<65536x128xf32, #tpu.memory_space<hbm>>
      tpu.wait_indirect_dma semaphore(%arg14 : memref<!tpu.dma_semaphore, #tpu.memory_space<semaphore_mem>>) src(%dma_wait3A_553 : memref<65536x128xf32, #tpu.memory_space<hbm>>) dst(%dma_wait3A_548 : memref<128x128xf32, #tpu.memory_space<vmem>>)
      %dma_wait3A_554 = arith.constant 3 : i32
      %dma_wait3A_555 = arith.constant 0 : i32
      %dma_wait3A_556 = arith.constant 0 : i32
      %dma_wait3A_557 = tpu.memref_slice %arg9[%dma_wait3A_554, %dma_wait3A_555, %dma_wait3A_556] : memref<4x16x128xf32, #tpu.memory_space<vmem>> -> memref<1x16x128xf32, #tpu.memory_space<vmem>>
      %dma_wait3A_558 = tpu.memref_squeeze %dma_wait3A_557 : memref<1x16x128xf32, #tpu.memory_space<vmem>> -> memref<16x128xf32, #tpu.memory_space<vmem>>
      %dma_wait3A_559 = arith.constant 0 : i32
      %dma_wait3A_560 = tpu.memref_slice %arg3[%mul3A_2, %dma_wait3A_559] : memref<65536x128xf32, #tpu.memory_space<hbm>> -> memref<16x128xf32, #tpu.memory_space<hbm>>
      %dma_wait3A_561 = arith.constant 0 : i32
      %dma_wait3A_562 = arith.constant 0 : i32
      %dma_wait3A_563 = tpu.memref_slice %arg9[%dma_wait3A_554, %dma_wait3A_561, %dma_wait3A_562] : memref<4x16x128xf32, #tpu.memory_space<vmem>> -> memref<1x16x128xf32, #tpu.memory_space<vmem>>
      %dma_wait3A_564 = tpu.memref_squeeze %dma_wait3A_563 : memref<1x16x128xf32, #tpu.memory_space<vmem>> -> memref<16x128xf32, #tpu.memory_space<vmem>>
      %dma_wait3A_565 = arith.constant 0 : i32
      %dma_wait3A_566 = tpu.memref_slice %arg3[%mul3A_2, %dma_wait3A_565] : memref<65536x128xf32, #tpu.memory_space<hbm>> -> memref<16x128xf32, #tpu.memory_space<hbm>>
      tpu.wait_dma2 semaphore(%arg14 : memref<!tpu.dma_semaphore, #tpu.memory_space<semaphore_mem>>) src(%dma_wait3A_566 : memref<16x128xf32, #tpu.memory_space<hbm>>) dst(%dma_wait3A_564 : memref<16x128xf32, #tpu.memory_space<vmem>>)
      %ge3A_567 = arith.constant 4 : i32
      %ge3A_568 = arith.cmpi sge, %add3A_543, %ge3A_567 : i32
      %convert_element_type3A_569 = arith.extui %ge3A_568 : i1 to i32
      %cond3A_570 = arith.constant 0 : i32
      %cond3A_571 = arith.cmpi ne, %convert_element_type3A_569, %cond3A_570 : i32
      scf.if %cond3A_571 {
        %dma_wait3A_601 = arith.constant 3 : i32
        %dma_wait3A_602 = arith.constant 0 : i32
        %dma_wait3A_603 = arith.constant 0 : i32
        %dma_wait3A_604 = tpu.memref_slice %arg10[%dma_wait3A_601, %dma_wait3A_602, %dma_wait3A_603] : memref<4x16x128xf32, #tpu.memory_space<vmem>> -> memref<1x16x128xf32, #tpu.memory_space<vmem>>
        %dma_wait3A_605 = tpu.memref_squeeze %dma_wait3A_604 : memref<1x16x128xf32, #tpu.memory_space<vmem>> -> memref<16x128xf32, #tpu.memory_space<vmem>>
        %dma_wait3A_606 = arith.constant 0 : i32
        %dma_wait3A_607 = tpu.memref_slice %arg5[%mul3A_2, %dma_wait3A_606] : memref<65536x128xf32, #tpu.memory_space<hbm>> -> memref<16x128xf32, #tpu.memory_space<hbm>>
        %dma_wait3A_608 = arith.constant 0 : i32
        %dma_wait3A_609 = tpu.memref_slice %arg5[%mul3A_2, %dma_wait3A_608] : memref<65536x128xf32, #tpu.memory_space<hbm>> -> memref<16x128xf32, #tpu.memory_space<hbm>>
        %dma_wait3A_610 = arith.constant 0 : i32
        %dma_wait3A_611 = arith.constant 0 : i32
        %dma_wait3A_612 = tpu.memref_slice %arg10[%dma_wait3A_601, %dma_wait3A_610, %dma_wait3A_611] : memref<4x16x128xf32, #tpu.memory_space<vmem>> -> memref<1x16x128xf32, #tpu.memory_space<vmem>>
        %dma_wait3A_613 = tpu.memref_squeeze %dma_wait3A_612 : memref<1x16x128xf32, #tpu.memory_space<vmem>> -> memref<16x128xf32, #tpu.memory_space<vmem>>
        tpu.wait_dma2 semaphore(%arg18 : memref<!tpu.dma_semaphore, #tpu.memory_space<semaphore_mem>>) src(%dma_wait3A_613 : memref<16x128xf32, #tpu.memory_space<vmem>>) dst(%dma_wait3A_609 : memref<16x128xf32, #tpu.memory_space<hbm>>)
      } else {
      }
      %scan3A_572 = arith.constant 0 : i32
      %scan3A_573 = arith.constant 0 : i32
      %scan3A_574 = arith.constant 16 : i32
      %scan3A_575 = arith.addi %scan3A_573, %scan3A_574 : i32
      %scan3A_576 = arith.constant 1 : i32
      scf.for %scan3A_601 = %scan3A_573 to %scan3A_575 step %scan3A_576  : i32 {
        %mul3A_602 = arith.constant 8 : i32
        %mul3A_603 = arith.muli %scan3A_601, %mul3A_602 : i32
        %get3A_604 = arith.constant 3 : i32
        %get3A_605 = arith.index_cast %get3A_604 : i32 to index
        %get3A_606 = arith.index_cast %scan3A_601 : i32 to index
        %get3A_607 = arith.constant 0 : index
        %get3A_608 = tpu.vector_load %arg9[%get3A_605, %get3A_606, %get3A_607] {strides = array<i32>} : memref<4x16x128xf32, #tpu.memory_space<vmem>>, vector<16xf32>,
        %get3A_609 = arith.constant 3 : i32
        %get3A_610 = arith.index_cast %get3A_609 : i32 to index
        %get3A_611 = arith.index_cast %scan3A_601 : i32 to index
        %get3A_612 = arith.constant 16 : index
        %get3A_613 = tpu.vector_load %arg9[%get3A_610, %get3A_611, %get3A_612] {strides = array<i32>} : memref<4x16x128xf32, #tpu.memory_space<vmem>>, vector<16xf32>,
        %get3A_614 = arith.constant 3 : i32
        %get3A_615 = arith.index_cast %get3A_614 : i32 to index
        %get3A_616 = arith.index_cast %scan3A_601 : i32 to index
        %get3A_617 = arith.constant 32 : index
        %get3A_618 = tpu.vector_load %arg9[%get3A_615, %get3A_616, %get3A_617] {strides = array<i32>} : memref<4x16x128xf32, #tpu.memory_space<vmem>>, vector<16xf32>,
        %get3A_619 = arith.constant 3 : i32
        %get3A_620 = arith.index_cast %get3A_619 : i32 to index
        %get3A_621 = arith.index_cast %scan3A_601 : i32 to index
        %get3A_622 = arith.constant 48 : index
        %get3A_623 = tpu.vector_load %arg9[%get3A_620, %get3A_621, %get3A_622] {strides = array<i32>} : memref<4x16x128xf32, #tpu.memory_space<vmem>>, vector<16xf32>,
        %get3A_624 = arith.constant 3 : i32
        %get3A_625 = arith.index_cast %get3A_624 : i32 to index
        %get3A_626 = arith.index_cast %scan3A_601 : i32 to index
        %get3A_627 = arith.constant 64 : index
        %get3A_628 = tpu.vector_load %arg9[%get3A_625, %get3A_626, %get3A_627] {strides = array<i32>} : memref<4x16x128xf32, #tpu.memory_space<vmem>>, vector<16xf32>,
        %get3A_629 = arith.constant 3 : i32
        %get3A_630 = arith.index_cast %get3A_629 : i32 to index
        %get3A_631 = arith.index_cast %scan3A_601 : i32 to index
        %get3A_632 = arith.constant 80 : index
        %get3A_633 = tpu.vector_load %arg9[%get3A_630, %get3A_631, %get3A_632] {strides = array<i32>} : memref<4x16x128xf32, #tpu.memory_space<vmem>>, vector<16xf32>,
        %get3A_634 = arith.constant 3 : i32
        %get3A_635 = arith.index_cast %get3A_634 : i32 to index
        %get3A_636 = arith.index_cast %scan3A_601 : i32 to index
        %get3A_637 = arith.constant 96 : index
        %get3A_638 = tpu.vector_load %arg9[%get3A_635, %get3A_636, %get3A_637] {strides = array<i32>} : memref<4x16x128xf32, #tpu.memory_space<vmem>>, vector<16xf32>,
        %get3A_639 = arith.constant 3 : i32
        %get3A_640 = arith.index_cast %get3A_639 : i32 to index
        %get3A_641 = arith.index_cast %scan3A_601 : i32 to index
        %get3A_642 = arith.constant 112 : index
        %get3A_643 = tpu.vector_load %arg9[%get3A_640, %get3A_641, %get3A_642] {strides = array<i32>} : memref<4x16x128xf32, #tpu.memory_space<vmem>>, vector<16xf32>,
        %get3A_644 = arith.constant 3 : i32
        %get3A_645 = arith.index_cast %get3A_644 : i32 to index
        %get3A_646 = arith.index_cast %mul3A_603 : i32 to index
        %get3A_647 = arith.constant 0 : index
        %get3A_648 = tpu.vector_load %arg8[%get3A_645, %get3A_646, %get3A_647] {strides = array<i32>} : memref<4x128x128xf32, #tpu.memory_space<vmem>>, vector<16xf32>,
        %mul3A_649 = arith.mulf %get3A_608, %get3A_648 : vector<16xf32>
        %add3A_650 = arith.constant 1 : i32
        %add3A_651 = arith.addi %mul3A_603, %add3A_650 : i32
        %get3A_652 = arith.constant 3 : i32
        %get3A_653 = arith.index_cast %get3A_652 : i32 to index
        %get3A_654 = arith.index_cast %add3A_651 : i32 to index
        %get3A_655 = arith.constant 0 : index
        %get3A_656 = tpu.vector_load %arg8[%get3A_653, %get3A_654, %get3A_655] {strides = array<i32>} : memref<4x128x128xf32, #tpu.memory_space<vmem>>, vector<16xf32>,
        %mul3A_657 = arith.mulf %get3A_613, %get3A_656 : vector<16xf32>
        %add3A_658 = arith.addf %mul3A_649, %mul3A_657 : vector<16xf32>
        %add3A_659 = arith.constant 2 : i32
        %add3A_660 = arith.addi %mul3A_603, %add3A_659 : i32
        %get3A_661 = arith.constant 3 : i32
        %get3A_662 = arith.index_cast %get3A_661 : i32 to index
        %get3A_663 = arith.index_cast %add3A_660 : i32 to index
        %get3A_664 = arith.constant 0 : index
        %get3A_665 = tpu.vector_load %arg8[%get3A_662, %get3A_663, %get3A_664] {strides = array<i32>} : memref<4x128x128xf32, #tpu.memory_space<vmem>>, vector<16xf32>,
        %mul3A_666 = arith.mulf %get3A_618, %get3A_665 : vector<16xf32>
        %add3A_667 = arith.constant 3 : i32
        %add3A_668 = arith.addi %mul3A_603, %add3A_667 : i32
        %get3A_669 = arith.constant 3 : i32
        %get3A_670 = arith.index_cast %get3A_669 : i32 to index
        %get3A_671 = arith.index_cast %add3A_668 : i32 to index
        %get3A_672 = arith.constant 0 : index
        %get3A_673 = tpu.vector_load %arg8[%get3A_670, %get3A_671, %get3A_672] {strides = array<i32>} : memref<4x128x128xf32, #tpu.memory_space<vmem>>, vector<16xf32>,
        %mul3A_674 = arith.mulf %get3A_623, %get3A_673 : vector<16xf32>
        %add3A_675 = arith.addf %mul3A_666, %mul3A_674 : vector<16xf32>
        %add3A_676 = arith.constant 4 : i32
        %add3A_677 = arith.addi %mul3A_603, %add3A_676 : i32
        %get3A_678 = arith.constant 3 : i32
        %get3A_679 = arith.index_cast %get3A_678 : i32 to index
        %get3A_680 = arith.index_cast %add3A_677 : i32 to index
        %get3A_681 = arith.constant 0 : index
        %get3A_682 = tpu.vector_load %arg8[%get3A_679, %get3A_680, %get3A_681] {strides = array<i32>} : memref<4x128x128xf32, #tpu.memory_space<vmem>>, vector<16xf32>,
        %mul3A_683 = arith.mulf %get3A_628, %get3A_682 : vector<16xf32>
        %add3A_684 = arith.constant 5 : i32
        %add3A_685 = arith.addi %mul3A_603, %add3A_684 : i32
        %get3A_686 = arith.constant 3 : i32
        %get3A_687 = arith.index_cast %get3A_686 : i32 to index
        %get3A_688 = arith.index_cast %add3A_685 : i32 to index
        %get3A_689 = arith.constant 0 : index
        %get3A_690 = tpu.vector_load %arg8[%get3A_687, %get3A_688, %get3A_689] {strides = array<i32>} : memref<4x128x128xf32, #tpu.memory_space<vmem>>, vector<16xf32>,
        %mul3A_691 = arith.mulf %get3A_633, %get3A_690 : vector<16xf32>
        %add3A_692 = arith.addf %mul3A_683, %mul3A_691 : vector<16xf32>
        %add3A_693 = arith.constant 6 : i32
        %add3A_694 = arith.addi %mul3A_603, %add3A_693 : i32
        %get3A_695 = arith.constant 3 : i32
        %get3A_696 = arith.index_cast %get3A_695 : i32 to index
        %get3A_697 = arith.index_cast %add3A_694 : i32 to index
        %get3A_698 = arith.constant 0 : index
        %get3A_699 = tpu.vector_load %arg8[%get3A_696, %get3A_697, %get3A_698] {strides = array<i32>} : memref<4x128x128xf32, #tpu.memory_space<vmem>>, vector<16xf32>,
        %mul3A_700 = arith.mulf %get3A_638, %get3A_699 : vector<16xf32>
        %add3A_701 = arith.constant 7 : i32
        %add3A_702 = arith.addi %mul3A_603, %add3A_701 : i32
        %get3A_703 = arith.constant 3 : i32
        %get3A_704 = arith.index_cast %get3A_703 : i32 to index
        %get3A_705 = arith.index_cast %add3A_702 : i32 to index
        %get3A_706 = arith.constant 0 : index
        %get3A_707 = tpu.vector_load %arg8[%get3A_704, %get3A_705, %get3A_706] {strides = array<i32>} : memref<4x128x128xf32, #tpu.memory_space<vmem>>, vector<16xf32>,
        %mul3A_708 = arith.mulf %get3A_643, %get3A_707 : vector<16xf32>
        %add3A_709 = arith.addf %mul3A_700, %mul3A_708 : vector<16xf32>
        %add3A_710 = arith.addf %add3A_658, %add3A_675 : vector<16xf32>
        %add3A_711 = arith.addf %add3A_692, %add3A_709 : vector<16xf32>
        %add3A_712 = arith.addf %add3A_710, %add3A_711 : vector<16xf32>
        %swap3A = arith.constant 3 : i32
        %swap3A_713 = arith.index_cast %swap3A : i32 to index
        %swap3A_714 = arith.index_cast %scan3A_601 : i32 to index
        %swap3A_715 = arith.constant 0 : index
        %swap3A_716 = tpu.vector_load %arg10[%swap3A_713, %swap3A_714, %swap3A_715] {strides = array<i32>} : memref<4x16x128xf32, #tpu.memory_space<vmem>>, vector<16xf32>,
        tpu.vector_store %arg10[%swap3A_713, %swap3A_714, %swap3A_715], %add3A_712 {strides = array<i32>} : memref<4x16x128xf32, #tpu.memory_space<vmem>>, vector<16xf32>,
        %get3A_717 = arith.constant 3 : i32
        %get3A_718 = arith.index_cast %get3A_717 : i32 to index
        %get3A_719 = arith.index_cast %mul3A_603 : i32 to index
        %get3A_720 = arith.constant 16 : index
        %get3A_721 = tpu.vector_load %arg8[%get3A_718, %get3A_719, %get3A_720] {strides = array<i32>} : memref<4x128x128xf32, #tpu.memory_space<vmem>>, vector<16xf32>,
        %mul3A_722 = arith.mulf %get3A_608, %get3A_721 : vector<16xf32>
        %add3A_723 = arith.constant 1 : i32
        %add3A_724 = arith.addi %mul3A_603, %add3A_723 : i32
        %get3A_725 = arith.constant 3 : i32
        %get3A_726 = arith.index_cast %get3A_725 : i32 to index
        %get3A_727 = arith.index_cast %add3A_724 : i32 to index
        %get3A_728 = arith.constant 16 : index
        %get3A_729 = tpu.vector_load %arg8[%get3A_726, %get3A_727, %get3A_728] {strides = array<i32>} : memref<4x128x128xf32, #tpu.memory_space<vmem>>, vector<16xf32>,
        %mul3A_730 = arith.mulf %get3A_613, %get3A_729 : vector<16xf32>
        %add3A_731 = arith.addf %mul3A_722, %mul3A_730 : vector<16xf32>
        %add3A_732 = arith.constant 2 : i32
        %add3A_733 = arith.addi %mul3A_603, %add3A_732 : i32
        %get3A_734 = arith.constant 3 : i32
        %get3A_735 = arith.index_cast %get3A_734 : i32 to index
        %get3A_736 = arith.index_cast %add3A_733 : i32 to index
        %get3A_737 = arith.constant 16 : index
        %get3A_738 = tpu.vector_load %arg8[%get3A_735, %get3A_736, %get3A_737] {strides = array<i32>} : memref<4x128x128xf32, #tpu.memory_space<vmem>>, vector<16xf32>,
        %mul3A_739 = arith.mulf %get3A_618, %get3A_738 : vector<16xf32>
        %add3A_740 = arith.constant 3 : i32
        %add3A_741 = arith.addi %mul3A_603, %add3A_740 : i32
        %get3A_742 = arith.constant 3 : i32
        %get3A_743 = arith.index_cast %get3A_742 : i32 to index
        %get3A_744 = arith.index_cast %add3A_741 : i32 to index
        %get3A_745 = arith.constant 16 : index
        %get3A_746 = tpu.vector_load %arg8[%get3A_743, %get3A_744, %get3A_745] {strides = array<i32>} : memref<4x128x128xf32, #tpu.memory_space<vmem>>, vector<16xf32>,
        %mul3A_747 = arith.mulf %get3A_623, %get3A_746 : vector<16xf32>
        %add3A_748 = arith.addf %mul3A_739, %mul3A_747 : vector<16xf32>
        %add3A_749 = arith.constant 4 : i32
        %add3A_750 = arith.addi %mul3A_603, %add3A_749 : i32
        %get3A_751 = arith.constant 3 : i32
        %get3A_752 = arith.index_cast %get3A_751 : i32 to index
        %get3A_753 = arith.index_cast %add3A_750 : i32 to index
        %get3A_754 = arith.constant 16 : index
        %get3A_755 = tpu.vector_load %arg8[%get3A_752, %get3A_753, %get3A_754] {strides = array<i32>} : memref<4x128x128xf32, #tpu.memory_space<vmem>>, vector<16xf32>,
        %mul3A_756 = arith.mulf %get3A_628, %get3A_755 : vector<16xf32>
        %add3A_757 = arith.constant 5 : i32
        %add3A_758 = arith.addi %mul3A_603, %add3A_757 : i32
        %get3A_759 = arith.constant 3 : i32
        %get3A_760 = arith.index_cast %get3A_759 : i32 to index
        %get3A_761 = arith.index_cast %add3A_758 : i32 to index
        %get3A_762 = arith.constant 16 : index
        %get3A_763 = tpu.vector_load %arg8[%get3A_760, %get3A_761, %get3A_762] {strides = array<i32>} : memref<4x128x128xf32, #tpu.memory_space<vmem>>, vector<16xf32>,
        %mul3A_764 = arith.mulf %get3A_633, %get3A_763 : vector<16xf32>
        %add3A_765 = arith.addf %mul3A_756, %mul3A_764 : vector<16xf32>
        %add3A_766 = arith.constant 6 : i32
        %add3A_767 = arith.addi %mul3A_603, %add3A_766 : i32
        %get3A_768 = arith.constant 3 : i32
        %get3A_769 = arith.index_cast %get3A_768 : i32 to index
        %get3A_770 = arith.index_cast %add3A_767 : i32 to index
        %get3A_771 = arith.constant 16 : index
        %get3A_772 = tpu.vector_load %arg8[%get3A_769, %get3A_770, %get3A_771] {strides = array<i32>} : memref<4x128x128xf32, #tpu.memory_space<vmem>>, vector<16xf32>,
        %mul3A_773 = arith.mulf %get3A_638, %get3A_772 : vector<16xf32>
        %add3A_774 = arith.constant 7 : i32
        %add3A_775 = arith.addi %mul3A_603, %add3A_774 : i32
        %get3A_776 = arith.constant 3 : i32
        %get3A_777 = arith.index_cast %get3A_776 : i32 to index
        %get3A_778 = arith.index_cast %add3A_775 : i32 to index
        %get3A_779 = arith.constant 16 : index
        %get3A_780 = tpu.vector_load %arg8[%get3A_777, %get3A_778, %get3A_779] {strides = array<i32>} : memref<4x128x128xf32, #tpu.memory_space<vmem>>, vector<16xf32>,
        %mul3A_781 = arith.mulf %get3A_643, %get3A_780 : vector<16xf32>
        %add3A_782 = arith.addf %mul3A_773, %mul3A_781 : vector<16xf32>
        %add3A_783 = arith.addf %add3A_731, %add3A_748 : vector<16xf32>
        %add3A_784 = arith.addf %add3A_765, %add3A_782 : vector<16xf32>
        %add3A_785 = arith.addf %add3A_783, %add3A_784 : vector<16xf32>
        %swap3A_786 = arith.constant 3 : i32
        %swap3A_787 = arith.index_cast %swap3A_786 : i32 to index
        %swap3A_788 = arith.index_cast %scan3A_601 : i32 to index
        %swap3A_789 = arith.constant 16 : index
        %swap3A_790 = tpu.vector_load %arg10[%swap3A_787, %swap3A_788, %swap3A_789] {strides = array<i32>} : memref<4x16x128xf32, #tpu.memory_space<vmem>>, vector<16xf32>,
        tpu.vector_store %arg10[%swap3A_787, %swap3A_788, %swap3A_789], %add3A_785 {strides = array<i32>} : memref<4x16x128xf32, #tpu.memory_space<vmem>>, vector<16xf32>,
        %get3A_791 = arith.constant 3 : i32
        %get3A_792 = arith.index_cast %get3A_791 : i32 to index
        %get3A_793 = arith.index_cast %mul3A_603 : i32 to index
        %get3A_794 = arith.constant 32 : index
        %get3A_795 = tpu.vector_load %arg8[%get3A_792, %get3A_793, %get3A_794] {strides = array<i32>} : memref<4x128x128xf32, #tpu.memory_space<vmem>>, vector<16xf32>,
        %mul3A_796 = arith.mulf %get3A_608, %get3A_795 : vector<16xf32>
        %add3A_797 = arith.constant 1 : i32
        %add3A_798 = arith.addi %mul3A_603, %add3A_797 : i32
        %get3A_799 = arith.constant 3 : i32
        %get3A_800 = arith.index_cast %get3A_799 : i32 to index
        %get3A_801 = arith.index_cast %add3A_798 : i32 to index
        %get3A_802 = arith.constant 32 : index
        %get3A_803 = tpu.vector_load %arg8[%get3A_800, %get3A_801, %get3A_802] {strides = array<i32>} : memref<4x128x128xf32, #tpu.memory_space<vmem>>, vector<16xf32>,
        %mul3A_804 = arith.mulf %get3A_613, %get3A_803 : vector<16xf32>
        %add3A_805 = arith.addf %mul3A_796, %mul3A_804 : vector<16xf32>
        %add3A_806 = arith.constant 2 : i32
        %add3A_807 = arith.addi %mul3A_603, %add3A_806 : i32
        %get3A_808 = arith.constant 3 : i32
        %get3A_809 = arith.index_cast %get3A_808 : i32 to index
        %get3A_810 = arith.index_cast %add3A_807 : i32 to index
        %get3A_811 = arith.constant 32 : index
        %get3A_812 = tpu.vector_load %arg8[%get3A_809, %get3A_810, %get3A_811] {strides = array<i32>} : memref<4x128x128xf32, #tpu.memory_space<vmem>>, vector<16xf32>,
        %mul3A_813 = arith.mulf %get3A_618, %get3A_812 : vector<16xf32>
        %add3A_814 = arith.constant 3 : i32
        %add3A_815 = arith.addi %mul3A_603, %add3A_814 : i32
        %get3A_816 = arith.constant 3 : i32
        %get3A_817 = arith.index_cast %get3A_816 : i32 to index
        %get3A_818 = arith.index_cast %add3A_815 : i32 to index
        %get3A_819 = arith.constant 32 : index
        %get3A_820 = tpu.vector_load %arg8[%get3A_817, %get3A_818, %get3A_819] {strides = array<i32>} : memref<4x128x128xf32, #tpu.memory_space<vmem>>, vector<16xf32>,
        %mul3A_821 = arith.mulf %get3A_623, %get3A_820 : vector<16xf32>
        %add3A_822 = arith.addf %mul3A_813, %mul3A_821 : vector<16xf32>
        %add3A_823 = arith.constant 4 : i32
        %add3A_824 = arith.addi %mul3A_603, %add3A_823 : i32
        %get3A_825 = arith.constant 3 : i32
        %get3A_826 = arith.index_cast %get3A_825 : i32 to index
        %get3A_827 = arith.index_cast %add3A_824 : i32 to index
        %get3A_828 = arith.constant 32 : index
        %get3A_829 = tpu.vector_load %arg8[%get3A_826, %get3A_827, %get3A_828] {strides = array<i32>} : memref<4x128x128xf32, #tpu.memory_space<vmem>>, vector<16xf32>,
        %mul3A_830 = arith.mulf %get3A_628, %get3A_829 : vector<16xf32>
        %add3A_831 = arith.constant 5 : i32
        %add3A_832 = arith.addi %mul3A_603, %add3A_831 : i32
        %get3A_833 = arith.constant 3 : i32
        %get3A_834 = arith.index_cast %get3A_833 : i32 to index
        %get3A_835 = arith.index_cast %add3A_832 : i32 to index
        %get3A_836 = arith.constant 32 : index
        %get3A_837 = tpu.vector_load %arg8[%get3A_834, %get3A_835, %get3A_836] {strides = array<i32>} : memref<4x128x128xf32, #tpu.memory_space<vmem>>, vector<16xf32>,
        %mul3A_838 = arith.mulf %get3A_633, %get3A_837 : vector<16xf32>
        %add3A_839 = arith.addf %mul3A_830, %mul3A_838 : vector<16xf32>
        %add3A_840 = arith.constant 6 : i32
        %add3A_841 = arith.addi %mul3A_603, %add3A_840 : i32
        %get3A_842 = arith.constant 3 : i32
        %get3A_843 = arith.index_cast %get3A_842 : i32 to index
        %get3A_844 = arith.index_cast %add3A_841 : i32 to index
        %get3A_845 = arith.constant 32 : index
        %get3A_846 = tpu.vector_load %arg8[%get3A_843, %get3A_844, %get3A_845] {strides = array<i32>} : memref<4x128x128xf32, #tpu.memory_space<vmem>>, vector<16xf32>,
        %mul3A_847 = arith.mulf %get3A_638, %get3A_846 : vector<16xf32>
        %add3A_848 = arith.constant 7 : i32
        %add3A_849 = arith.addi %mul3A_603, %add3A_848 : i32
        %get3A_850 = arith.constant 3 : i32
        %get3A_851 = arith.index_cast %get3A_850 : i32 to index
        %get3A_852 = arith.index_cast %add3A_849 : i32 to index
        %get3A_853 = arith.constant 32 : index
        %get3A_854 = tpu.vector_load %arg8[%get3A_851, %get3A_852, %get3A_853] {strides = array<i32>} : memref<4x128x128xf32, #tpu.memory_space<vmem>>, vector<16xf32>,
        %mul3A_855 = arith.mulf %get3A_643, %get3A_854 : vector<16xf32>
        %add3A_856 = arith.addf %mul3A_847, %mul3A_855 : vector<16xf32>
        %add3A_857 = arith.addf %add3A_805, %add3A_822 : vector<16xf32>
        %add3A_858 = arith.addf %add3A_839, %add3A_856 : vector<16xf32>
        %add3A_859 = arith.addf %add3A_857, %add3A_858 : vector<16xf32>
        %swap3A_860 = arith.constant 3 : i32
        %swap3A_861 = arith.index_cast %swap3A_860 : i32 to index
        %swap3A_862 = arith.index_cast %scan3A_601 : i32 to index
        %swap3A_863 = arith.constant 32 : index
        %swap3A_864 = tpu.vector_load %arg10[%swap3A_861, %swap3A_862, %swap3A_863] {strides = array<i32>} : memref<4x16x128xf32, #tpu.memory_space<vmem>>, vector<16xf32>,
        tpu.vector_store %arg10[%swap3A_861, %swap3A_862, %swap3A_863], %add3A_859 {strides = array<i32>} : memref<4x16x128xf32, #tpu.memory_space<vmem>>, vector<16xf32>,
        %get3A_865 = arith.constant 3 : i32
        %get3A_866 = arith.index_cast %get3A_865 : i32 to index
        %get3A_867 = arith.index_cast %mul3A_603 : i32 to index
        %get3A_868 = arith.constant 48 : index
        %get3A_869 = tpu.vector_load %arg8[%get3A_866, %get3A_867, %get3A_868] {strides = array<i32>} : memref<4x128x128xf32, #tpu.memory_space<vmem>>, vector<16xf32>,
        %mul3A_870 = arith.mulf %get3A_608, %get3A_869 : vector<16xf32>
        %add3A_871 = arith.constant 1 : i32
        %add3A_872 = arith.addi %mul3A_603, %add3A_871 : i32
        %get3A_873 = arith.constant 3 : i32
        %get3A_874 = arith.index_cast %get3A_873 : i32 to index
        %get3A_875 = arith.index_cast %add3A_872 : i32 to index
        %get3A_876 = arith.constant 48 : index
        %get3A_877 = tpu.vector_load %arg8[%get3A_874, %get3A_875, %get3A_876] {strides = array<i32>} : memref<4x128x128xf32, #tpu.memory_space<vmem>>, vector<16xf32>,
        %mul3A_878 = arith.mulf %get3A_613, %get3A_877 : vector<16xf32>
        %add3A_879 = arith.addf %mul3A_870, %mul3A_878 : vector<16xf32>
        %add3A_880 = arith.constant 2 : i32
        %add3A_881 = arith.addi %mul3A_603, %add3A_880 : i32
        %get3A_882 = arith.constant 3 : i32
        %get3A_883 = arith.index_cast %get3A_882 : i32 to index
        %get3A_884 = arith.index_cast %add3A_881 : i32 to index
        %get3A_885 = arith.constant 48 : index
        %get3A_886 = tpu.vector_load %arg8[%get3A_883, %get3A_884, %get3A_885] {strides = array<i32>} : memref<4x128x128xf32, #tpu.memory_space<vmem>>, vector<16xf32>,
        %mul3A_887 = arith.mulf %get3A_618, %get3A_886 : vector<16xf32>
        %add3A_888 = arith.constant 3 : i32
        %add3A_889 = arith.addi %mul3A_603, %add3A_888 : i32
        %get3A_890 = arith.constant 3 : i32
        %get3A_891 = arith.index_cast %get3A_890 : i32 to index
        %get3A_892 = arith.index_cast %add3A_889 : i32 to index
        %get3A_893 = arith.constant 48 : index
        %get3A_894 = tpu.vector_load %arg8[%get3A_891, %get3A_892, %get3A_893] {strides = array<i32>} : memref<4x128x128xf32, #tpu.memory_space<vmem>>, vector<16xf32>,
        %mul3A_895 = arith.mulf %get3A_623, %get3A_894 : vector<16xf32>
        %add3A_896 = arith.addf %mul3A_887, %mul3A_895 : vector<16xf32>
        %add3A_897 = arith.constant 4 : i32
        %add3A_898 = arith.addi %mul3A_603, %add3A_897 : i32
        %get3A_899 = arith.constant 3 : i32
        %get3A_900 = arith.index_cast %get3A_899 : i32 to index
        %get3A_901 = arith.index_cast %add3A_898 : i32 to index
        %get3A_902 = arith.constant 48 : index
        %get3A_903 = tpu.vector_load %arg8[%get3A_900, %get3A_901, %get3A_902] {strides = array<i32>} : memref<4x128x128xf32, #tpu.memory_space<vmem>>, vector<16xf32>,
        %mul3A_904 = arith.mulf %get3A_628, %get3A_903 : vector<16xf32>
        %add3A_905 = arith.constant 5 : i32
        %add3A_906 = arith.addi %mul3A_603, %add3A_905 : i32
        %get3A_907 = arith.constant 3 : i32
        %get3A_908 = arith.index_cast %get3A_907 : i32 to index
        %get3A_909 = arith.index_cast %add3A_906 : i32 to index
        %get3A_910 = arith.constant 48 : index
        %get3A_911 = tpu.vector_load %arg8[%get3A_908, %get3A_909, %get3A_910] {strides = array<i32>} : memref<4x128x128xf32, #tpu.memory_space<vmem>>, vector<16xf32>,
        %mul3A_912 = arith.mulf %get3A_633, %get3A_911 : vector<16xf32>
        %add3A_913 = arith.addf %mul3A_904, %mul3A_912 : vector<16xf32>
        %add3A_914 = arith.constant 6 : i32
        %add3A_915 = arith.addi %mul3A_603, %add3A_914 : i32
        %get3A_916 = arith.constant 3 : i32
        %get3A_917 = arith.index_cast %get3A_916 : i32 to index
        %get3A_918 = arith.index_cast %add3A_915 : i32 to index
        %get3A_919 = arith.constant 48 : index
        %get3A_920 = tpu.vector_load %arg8[%get3A_917, %get3A_918, %get3A_919] {strides = array<i32>} : memref<4x128x128xf32, #tpu.memory_space<vmem>>, vector<16xf32>,
        %mul3A_921 = arith.mulf %get3A_638, %get3A_920 : vector<16xf32>
        %add3A_922 = arith.constant 7 : i32
        %add3A_923 = arith.addi %mul3A_603, %add3A_922 : i32
        %get3A_924 = arith.constant 3 : i32
        %get3A_925 = arith.index_cast %get3A_924 : i32 to index
        %get3A_926 = arith.index_cast %add3A_923 : i32 to index
        %get3A_927 = arith.constant 48 : index
        %get3A_928 = tpu.vector_load %arg8[%get3A_925, %get3A_926, %get3A_927] {strides = array<i32>} : memref<4x128x128xf32, #tpu.memory_space<vmem>>, vector<16xf32>,
        %mul3A_929 = arith.mulf %get3A_643, %get3A_928 : vector<16xf32>
        %add3A_930 = arith.addf %mul3A_921, %mul3A_929 : vector<16xf32>
        %add3A_931 = arith.addf %add3A_879, %add3A_896 : vector<16xf32>
        %add3A_932 = arith.addf %add3A_913, %add3A_930 : vector<16xf32>
        %add3A_933 = arith.addf %add3A_931, %add3A_932 : vector<16xf32>
        %swap3A_934 = arith.constant 3 : i32
        %swap3A_935 = arith.index_cast %swap3A_934 : i32 to index
        %swap3A_936 = arith.index_cast %scan3A_601 : i32 to index
        %swap3A_937 = arith.constant 48 : index
        %swap3A_938 = tpu.vector_load %arg10[%swap3A_935, %swap3A_936, %swap3A_937] {strides = array<i32>} : memref<4x16x128xf32, #tpu.memory_space<vmem>>, vector<16xf32>,
        tpu.vector_store %arg10[%swap3A_935, %swap3A_936, %swap3A_937], %add3A_933 {strides = array<i32>} : memref<4x16x128xf32, #tpu.memory_space<vmem>>, vector<16xf32>,
        %get3A_939 = arith.constant 3 : i32
        %get3A_940 = arith.index_cast %get3A_939 : i32 to index
        %get3A_941 = arith.index_cast %mul3A_603 : i32 to index
        %get3A_942 = arith.constant 64 : index
        %get3A_943 = tpu.vector_load %arg8[%get3A_940, %get3A_941, %get3A_942] {strides = array<i32>} : memref<4x128x128xf32, #tpu.memory_space<vmem>>, vector<16xf32>,
        %mul3A_944 = arith.mulf %get3A_608, %get3A_943 : vector<16xf32>
        %add3A_945 = arith.constant 1 : i32
        %add3A_946 = arith.addi %mul3A_603, %add3A_945 : i32
        %get3A_947 = arith.constant 3 : i32
        %get3A_948 = arith.index_cast %get3A_947 : i32 to index
        %get3A_949 = arith.index_cast %add3A_946 : i32 to index
        %get3A_950 = arith.constant 64 : index
        %get3A_951 = tpu.vector_load %arg8[%get3A_948, %get3A_949, %get3A_950] {strides = array<i32>} : memref<4x128x128xf32, #tpu.memory_space<vmem>>, vector<16xf32>,
        %mul3A_952 = arith.mulf %get3A_613, %get3A_951 : vector<16xf32>
        %add3A_953 = arith.addf %mul3A_944, %mul3A_952 : vector<16xf32>
        %add3A_954 = arith.constant 2 : i32
        %add3A_955 = arith.addi %mul3A_603, %add3A_954 : i32
        %get3A_956 = arith.constant 3 : i32
        %get3A_957 = arith.index_cast %get3A_956 : i32 to index
        %get3A_958 = arith.index_cast %add3A_955 : i32 to index
        %get3A_959 = arith.constant 64 : index
        %get3A_960 = tpu.vector_load %arg8[%get3A_957, %get3A_958, %get3A_959] {strides = array<i32>} : memref<4x128x128xf32, #tpu.memory_space<vmem>>, vector<16xf32>,
        %mul3A_961 = arith.mulf %get3A_618, %get3A_960 : vector<16xf32>
        %add3A_962 = arith.constant 3 : i32
        %add3A_963 = arith.addi %mul3A_603, %add3A_962 : i32
        %get3A_964 = arith.constant 3 : i32
        %get3A_965 = arith.index_cast %get3A_964 : i32 to index
        %get3A_966 = arith.index_cast %add3A_963 : i32 to index
        %get3A_967 = arith.constant 64 : index
        %get3A_968 = tpu.vector_load %arg8[%get3A_965, %get3A_966, %get3A_967] {strides = array<i32>} : memref<4x128x128xf32, #tpu.memory_space<vmem>>, vector<16xf32>,
        %mul3A_969 = arith.mulf %get3A_623, %get3A_968 : vector<16xf32>
        %add3A_970 = arith.addf %mul3A_961, %mul3A_969 : vector<16xf32>
        %add3A_971 = arith.constant 4 : i32
        %add3A_972 = arith.addi %mul3A_603, %add3A_971 : i32
        %get3A_973 = arith.constant 3 : i32
        %get3A_974 = arith.index_cast %get3A_973 : i32 to index
        %get3A_975 = arith.index_cast %add3A_972 : i32 to index
        %get3A_976 = arith.constant 64 : index
        %get3A_977 = tpu.vector_load %arg8[%get3A_974, %get3A_975, %get3A_976] {strides = array<i32>} : memref<4x128x128xf32, #tpu.memory_space<vmem>>, vector<16xf32>,
        %mul3A_978 = arith.mulf %get3A_628, %get3A_977 : vector<16xf32>
        %add3A_979 = arith.constant 5 : i32
        %add3A_980 = arith.addi %mul3A_603, %add3A_979 : i32
        %get3A_981 = arith.constant 3 : i32
        %get3A_982 = arith.index_cast %get3A_981 : i32 to index
        %get3A_983 = arith.index_cast %add3A_980 : i32 to index
        %get3A_984 = arith.constant 64 : index
        %get3A_985 = tpu.vector_load %arg8[%get3A_982, %get3A_983, %get3A_984] {strides = array<i32>} : memref<4x128x128xf32, #tpu.memory_space<vmem>>, vector<16xf32>,
        %mul3A_986 = arith.mulf %get3A_633, %get3A_985 : vector<16xf32>
        %add3A_987 = arith.addf %mul3A_978, %mul3A_986 : vector<16xf32>
        %add3A_988 = arith.constant 6 : i32
        %add3A_989 = arith.addi %mul3A_603, %add3A_988 : i32
        %get3A_990 = arith.constant 3 : i32
        %get3A_991 = arith.index_cast %get3A_990 : i32 to index
        %get3A_992 = arith.index_cast %add3A_989 : i32 to index
        %get3A_993 = arith.constant 64 : index
        %get3A_994 = tpu.vector_load %arg8[%get3A_991, %get3A_992, %get3A_993] {strides = array<i32>} : memref<4x128x128xf32, #tpu.memory_space<vmem>>, vector<16xf32>,
        %mul3A_995 = arith.mulf %get3A_638, %get3A_994 : vector<16xf32>
        %add3A_996 = arith.constant 7 : i32
        %add3A_997 = arith.addi %mul3A_603, %add3A_996 : i32
        %get3A_998 = arith.constant 3 : i32
        %get3A_999 = arith.index_cast %get3A_998 : i32 to index
        %get3A_1000 = arith.index_cast %add3A_997 : i32 to index
        %get3A_1001 = arith.constant 64 : index
        %get3A_1002 = tpu.vector_load %arg8[%get3A_999, %get3A_1000, %get3A_1001] {strides = array<i32>} : memref<4x128x128xf32, #tpu.memory_space<vmem>>, vector<16xf32>,
        %mul3A_1003 = arith.mulf %get3A_643, %get3A_1002 : vector<16xf32>
        %add3A_1004 = arith.addf %mul3A_995, %mul3A_1003 : vector<16xf32>
        %add3A_1005 = arith.addf %add3A_953, %add3A_970 : vector<16xf32>
        %add3A_1006 = arith.addf %add3A_987, %add3A_1004 : vector<16xf32>
        %add3A_1007 = arith.addf %add3A_1005, %add3A_1006 : vector<16xf32>
        %swap3A_1008 = arith.constant 3 : i32
        %swap3A_1009 = arith.index_cast %swap3A_1008 : i32 to index
        %swap3A_1010 = arith.index_cast %scan3A_601 : i32 to index
        %swap3A_1011 = arith.constant 64 : index
        %swap3A_1012 = tpu.vector_load %arg10[%swap3A_1009, %swap3A_1010, %swap3A_1011] {strides = array<i32>} : memref<4x16x128xf32, #tpu.memory_space<vmem>>, vector<16xf32>,
        tpu.vector_store %arg10[%swap3A_1009, %swap3A_1010, %swap3A_1011], %add3A_1007 {strides = array<i32>} : memref<4x16x128xf32, #tpu.memory_space<vmem>>, vector<16xf32>,
        %get3A_1013 = arith.constant 3 : i32
        %get3A_1014 = arith.index_cast %get3A_1013 : i32 to index
        %get3A_1015 = arith.index_cast %mul3A_603 : i32 to index
        %get3A_1016 = arith.constant 80 : index
        %get3A_1017 = tpu.vector_load %arg8[%get3A_1014, %get3A_1015, %get3A_1016] {strides = array<i32>} : memref<4x128x128xf32, #tpu.memory_space<vmem>>, vector<16xf32>,
        %mul3A_1018 = arith.mulf %get3A_608, %get3A_1017 : vector<16xf32>
        %add3A_1019 = arith.constant 1 : i32
        %add3A_1020 = arith.addi %mul3A_603, %add3A_1019 : i32
        %get3A_1021 = arith.constant 3 : i32
        %get3A_1022 = arith.index_cast %get3A_1021 : i32 to index
        %get3A_1023 = arith.index_cast %add3A_1020 : i32 to index
        %get3A_1024 = arith.constant 80 : index
        %get3A_1025 = tpu.vector_load %arg8[%get3A_1022, %get3A_1023, %get3A_1024] {strides = array<i32>} : memref<4x128x128xf32, #tpu.memory_space<vmem>>, vector<16xf32>,
        %mul3A_1026 = arith.mulf %get3A_613, %get3A_1025 : vector<16xf32>
        %add3A_1027 = arith.addf %mul3A_1018, %mul3A_1026 : vector<16xf32>
        %add3A_1028 = arith.constant 2 : i32
        %add3A_1029 = arith.addi %mul3A_603, %add3A_1028 : i32
        %get3A_1030 = arith.constant 3 : i32
        %get3A_1031 = arith.index_cast %get3A_1030 : i32 to index
        %get3A_1032 = arith.index_cast %add3A_1029 : i32 to index
        %get3A_1033 = arith.constant 80 : index
        %get3A_1034 = tpu.vector_load %arg8[%get3A_1031, %get3A_1032, %get3A_1033] {strides = array<i32>} : memref<4x128x128xf32, #tpu.memory_space<vmem>>, vector<16xf32>,
        %mul3A_1035 = arith.mulf %get3A_618, %get3A_1034 : vector<16xf32>
        %add3A_1036 = arith.constant 3 : i32
        %add3A_1037 = arith.addi %mul3A_603, %add3A_1036 : i32
        %get3A_1038 = arith.constant 3 : i32
        %get3A_1039 = arith.index_cast %get3A_1038 : i32 to index
        %get3A_1040 = arith.index_cast %add3A_1037 : i32 to index
        %get3A_1041 = arith.constant 80 : index
        %get3A_1042 = tpu.vector_load %arg8[%get3A_1039, %get3A_1040, %get3A_1041] {strides = array<i32>} : memref<4x128x128xf32, #tpu.memory_space<vmem>>, vector<16xf32>,
        %mul3A_1043 = arith.mulf %get3A_623, %get3A_1042 : vector<16xf32>
        %add3A_1044 = arith.addf %mul3A_1035, %mul3A_1043 : vector<16xf32>
        %add3A_1045 = arith.constant 4 : i32
        %add3A_1046 = arith.addi %mul3A_603, %add3A_1045 : i32
        %get3A_1047 = arith.constant 3 : i32
        %get3A_1048 = arith.index_cast %get3A_1047 : i32 to index
        %get3A_1049 = arith.index_cast %add3A_1046 : i32 to index
        %get3A_1050 = arith.constant 80 : index
        %get3A_1051 = tpu.vector_load %arg8[%get3A_1048, %get3A_1049, %get3A_1050] {strides = array<i32>} : memref<4x128x128xf32, #tpu.memory_space<vmem>>, vector<16xf32>,
        %mul3A_1052 = arith.mulf %get3A_628, %get3A_1051 : vector<16xf32>
        %add3A_1053 = arith.constant 5 : i32
        %add3A_1054 = arith.addi %mul3A_603, %add3A_1053 : i32
        %get3A_1055 = arith.constant 3 : i32
        %get3A_1056 = arith.index_cast %get3A_1055 : i32 to index
        %get3A_1057 = arith.index_cast %add3A_1054 : i32 to index
        %get3A_1058 = arith.constant 80 : index
        %get3A_1059 = tpu.vector_load %arg8[%get3A_1056, %get3A_1057, %get3A_1058] {strides = array<i32>} : memref<4x128x128xf32, #tpu.memory_space<vmem>>, vector<16xf32>,
        %mul3A_1060 = arith.mulf %get3A_633, %get3A_1059 : vector<16xf32>
        %add3A_1061 = arith.addf %mul3A_1052, %mul3A_1060 : vector<16xf32>
        %add3A_1062 = arith.constant 6 : i32
        %add3A_1063 = arith.addi %mul3A_603, %add3A_1062 : i32
        %get3A_1064 = arith.constant 3 : i32
        %get3A_1065 = arith.index_cast %get3A_1064 : i32 to index
        %get3A_1066 = arith.index_cast %add3A_1063 : i32 to index
        %get3A_1067 = arith.constant 80 : index
        %get3A_1068 = tpu.vector_load %arg8[%get3A_1065, %get3A_1066, %get3A_1067] {strides = array<i32>} : memref<4x128x128xf32, #tpu.memory_space<vmem>>, vector<16xf32>,
        %mul3A_1069 = arith.mulf %get3A_638, %get3A_1068 : vector<16xf32>
        %add3A_1070 = arith.constant 7 : i32
        %add3A_1071 = arith.addi %mul3A_603, %add3A_1070 : i32
        %get3A_1072 = arith.constant 3 : i32
        %get3A_1073 = arith.index_cast %get3A_1072 : i32 to index
        %get3A_1074 = arith.index_cast %add3A_1071 : i32 to index
        %get3A_1075 = arith.constant 80 : index
        %get3A_1076 = tpu.vector_load %arg8[%get3A_1073, %get3A_1074, %get3A_1075] {strides = array<i32>} : memref<4x128x128xf32, #tpu.memory_space<vmem>>, vector<16xf32>,
        %mul3A_1077 = arith.mulf %get3A_643, %get3A_1076 : vector<16xf32>
        %add3A_1078 = arith.addf %mul3A_1069, %mul3A_1077 : vector<16xf32>
        %add3A_1079 = arith.addf %add3A_1027, %add3A_1044 : vector<16xf32>
        %add3A_1080 = arith.addf %add3A_1061, %add3A_1078 : vector<16xf32>
        %add3A_1081 = arith.addf %add3A_1079, %add3A_1080 : vector<16xf32>
        %swap3A_1082 = arith.constant 3 : i32
        %swap3A_1083 = arith.index_cast %swap3A_1082 : i32 to index
        %swap3A_1084 = arith.index_cast %scan3A_601 : i32 to index
        %swap3A_1085 = arith.constant 80 : index
        %swap3A_1086 = tpu.vector_load %arg10[%swap3A_1083, %swap3A_1084, %swap3A_1085] {strides = array<i32>} : memref<4x16x128xf32, #tpu.memory_space<vmem>>, vector<16xf32>,
        tpu.vector_store %arg10[%swap3A_1083, %swap3A_1084, %swap3A_1085], %add3A_1081 {strides = array<i32>} : memref<4x16x128xf32, #tpu.memory_space<vmem>>, vector<16xf32>,
        %get3A_1087 = arith.constant 3 : i32
        %get3A_1088 = arith.index_cast %get3A_1087 : i32 to index
        %get3A_1089 = arith.index_cast %mul3A_603 : i32 to index
        %get3A_1090 = arith.constant 96 : index
        %get3A_1091 = tpu.vector_load %arg8[%get3A_1088, %get3A_1089, %get3A_1090] {strides = array<i32>} : memref<4x128x128xf32, #tpu.memory_space<vmem>>, vector<16xf32>,
        %mul3A_1092 = arith.mulf %get3A_608, %get3A_1091 : vector<16xf32>
        %add3A_1093 = arith.constant 1 : i32
        %add3A_1094 = arith.addi %mul3A_603, %add3A_1093 : i32
        %get3A_1095 = arith.constant 3 : i32
        %get3A_1096 = arith.index_cast %get3A_1095 : i32 to index
        %get3A_1097 = arith.index_cast %add3A_1094 : i32 to index
        %get3A_1098 = arith.constant 96 : index
        %get3A_1099 = tpu.vector_load %arg8[%get3A_1096, %get3A_1097, %get3A_1098] {strides = array<i32>} : memref<4x128x128xf32, #tpu.memory_space<vmem>>, vector<16xf32>,
        %mul3A_1100 = arith.mulf %get3A_613, %get3A_1099 : vector<16xf32>
        %add3A_1101 = arith.addf %mul3A_1092, %mul3A_1100 : vector<16xf32>
        %add3A_1102 = arith.constant 2 : i32
        %add3A_1103 = arith.addi %mul3A_603, %add3A_1102 : i32
        %get3A_1104 = arith.constant 3 : i32
        %get3A_1105 = arith.index_cast %get3A_1104 : i32 to index
        %get3A_1106 = arith.index_cast %add3A_1103 : i32 to index
        %get3A_1107 = arith.constant 96 : index
        %get3A_1108 = tpu.vector_load %arg8[%get3A_1105, %get3A_1106, %get3A_1107] {strides = array<i32>} : memref<4x128x128xf32, #tpu.memory_space<vmem>>, vector<16xf32>,
        %mul3A_1109 = arith.mulf %get3A_618, %get3A_1108 : vector<16xf32>
        %add3A_1110 = arith.constant 3 : i32
        %add3A_1111 = arith.addi %mul3A_603, %add3A_1110 : i32
        %get3A_1112 = arith.constant 3 : i32
        %get3A_1113 = arith.index_cast %get3A_1112 : i32 to index
        %get3A_1114 = arith.index_cast %add3A_1111 : i32 to index
        %get3A_1115 = arith.constant 96 : index
        %get3A_1116 = tpu.vector_load %arg8[%get3A_1113, %get3A_1114, %get3A_1115] {strides = array<i32>} : memref<4x128x128xf32, #tpu.memory_space<vmem>>, vector<16xf32>,
        %mul3A_1117 = arith.mulf %get3A_623, %get3A_1116 : vector<16xf32>
        %add3A_1118 = arith.addf %mul3A_1109, %mul3A_1117 : vector<16xf32>
        %add3A_1119 = arith.constant 4 : i32
        %add3A_1120 = arith.addi %mul3A_603, %add3A_1119 : i32
        %get3A_1121 = arith.constant 3 : i32
        %get3A_1122 = arith.index_cast %get3A_1121 : i32 to index
        %get3A_1123 = arith.index_cast %add3A_1120 : i32 to index
        %get3A_1124 = arith.constant 96 : index
        %get3A_1125 = tpu.vector_load %arg8[%get3A_1122, %get3A_1123, %get3A_1124] {strides = array<i32>} : memref<4x128x128xf32, #tpu.memory_space<vmem>>, vector<16xf32>,
        %mul3A_1126 = arith.mulf %get3A_628, %get3A_1125 : vector<16xf32>
        %add3A_1127 = arith.constant 5 : i32
        %add3A_1128 = arith.addi %mul3A_603, %add3A_1127 : i32
        %get3A_1129 = arith.constant 3 : i32
        %get3A_1130 = arith.index_cast %get3A_1129 : i32 to index
        %get3A_1131 = arith.index_cast %add3A_1128 : i32 to index
        %get3A_1132 = arith.constant 96 : index
        %get3A_1133 = tpu.vector_load %arg8[%get3A_1130, %get3A_1131, %get3A_1132] {strides = array<i32>} : memref<4x128x128xf32, #tpu.memory_space<vmem>>, vector<16xf32>,
        %mul3A_1134 = arith.mulf %get3A_633, %get3A_1133 : vector<16xf32>
        %add3A_1135 = arith.addf %mul3A_1126, %mul3A_1134 : vector<16xf32>
        %add3A_1136 = arith.constant 6 : i32
        %add3A_1137 = arith.addi %mul3A_603, %add3A_1136 : i32
        %get3A_1138 = arith.constant 3 : i32
        %get3A_1139 = arith.index_cast %get3A_1138 : i32 to index
        %get3A_1140 = arith.index_cast %add3A_1137 : i32 to index
        %get3A_1141 = arith.constant 96 : index
        %get3A_1142 = tpu.vector_load %arg8[%get3A_1139, %get3A_1140, %get3A_1141] {strides = array<i32>} : memref<4x128x128xf32, #tpu.memory_space<vmem>>, vector<16xf32>,
        %mul3A_1143 = arith.mulf %get3A_638, %get3A_1142 : vector<16xf32>
        %add3A_1144 = arith.constant 7 : i32
        %add3A_1145 = arith.addi %mul3A_603, %add3A_1144 : i32
        %get3A_1146 = arith.constant 3 : i32
        %get3A_1147 = arith.index_cast %get3A_1146 : i32 to index
        %get3A_1148 = arith.index_cast %add3A_1145 : i32 to index
        %get3A_1149 = arith.constant 96 : index
        %get3A_1150 = tpu.vector_load %arg8[%get3A_1147, %get3A_1148, %get3A_1149] {strides = array<i32>} : memref<4x128x128xf32, #tpu.memory_space<vmem>>, vector<16xf32>,
        %mul3A_1151 = arith.mulf %get3A_643, %get3A_1150 : vector<16xf32>
        %add3A_1152 = arith.addf %mul3A_1143, %mul3A_1151 : vector<16xf32>
        %add3A_1153 = arith.addf %add3A_1101, %add3A_1118 : vector<16xf32>
        %add3A_1154 = arith.addf %add3A_1135, %add3A_1152 : vector<16xf32>
        %add3A_1155 = arith.addf %add3A_1153, %add3A_1154 : vector<16xf32>
        %swap3A_1156 = arith.constant 3 : i32
        %swap3A_1157 = arith.index_cast %swap3A_1156 : i32 to index
        %swap3A_1158 = arith.index_cast %scan3A_601 : i32 to index
        %swap3A_1159 = arith.constant 96 : index
        %swap3A_1160 = tpu.vector_load %arg10[%swap3A_1157, %swap3A_1158, %swap3A_1159] {strides = array<i32>} : memref<4x16x128xf32, #tpu.memory_space<vmem>>, vector<16xf32>,
        tpu.vector_store %arg10[%swap3A_1157, %swap3A_1158, %swap3A_1159], %add3A_1155 {strides = array<i32>} : memref<4x16x128xf32, #tpu.memory_space<vmem>>, vector<16xf32>,
        %get3A_1161 = arith.constant 3 : i32
        %get3A_1162 = arith.index_cast %get3A_1161 : i32 to index
        %get3A_1163 = arith.index_cast %mul3A_603 : i32 to index
        %get3A_1164 = arith.constant 112 : index
        %get3A_1165 = tpu.vector_load %arg8[%get3A_1162, %get3A_1163, %get3A_1164] {strides = array<i32>} : memref<4x128x128xf32, #tpu.memory_space<vmem>>, vector<16xf32>,
        %mul3A_1166 = arith.mulf %get3A_608, %get3A_1165 : vector<16xf32>
        %add3A_1167 = arith.constant 1 : i32
        %add3A_1168 = arith.addi %mul3A_603, %add3A_1167 : i32
        %get3A_1169 = arith.constant 3 : i32
        %get3A_1170 = arith.index_cast %get3A_1169 : i32 to index
        %get3A_1171 = arith.index_cast %add3A_1168 : i32 to index
        %get3A_1172 = arith.constant 112 : index
        %get3A_1173 = tpu.vector_load %arg8[%get3A_1170, %get3A_1171, %get3A_1172] {strides = array<i32>} : memref<4x128x128xf32, #tpu.memory_space<vmem>>, vector<16xf32>,
        %mul3A_1174 = arith.mulf %get3A_613, %get3A_1173 : vector<16xf32>
        %add3A_1175 = arith.addf %mul3A_1166, %mul3A_1174 : vector<16xf32>
        %add3A_1176 = arith.constant 2 : i32
        %add3A_1177 = arith.addi %mul3A_603, %add3A_1176 : i32
        %get3A_1178 = arith.constant 3 : i32
        %get3A_1179 = arith.index_cast %get3A_1178 : i32 to index
        %get3A_1180 = arith.index_cast %add3A_1177 : i32 to index
        %get3A_1181 = arith.constant 112 : index
        %get3A_1182 = tpu.vector_load %arg8[%get3A_1179, %get3A_1180, %get3A_1181] {strides = array<i32>} : memref<4x128x128xf32, #tpu.memory_space<vmem>>, vector<16xf32>,
        %mul3A_1183 = arith.mulf %get3A_618, %get3A_1182 : vector<16xf32>
        %add3A_1184 = arith.constant 3 : i32
        %add3A_1185 = arith.addi %mul3A_603, %add3A_1184 : i32
        %get3A_1186 = arith.constant 3 : i32
        %get3A_1187 = arith.index_cast %get3A_1186 : i32 to index
        %get3A_1188 = arith.index_cast %add3A_1185 : i32 to index
        %get3A_1189 = arith.constant 112 : index
        %get3A_1190 = tpu.vector_load %arg8[%get3A_1187, %get3A_1188, %get3A_1189] {strides = array<i32>} : memref<4x128x128xf32, #tpu.memory_space<vmem>>, vector<16xf32>,
        %mul3A_1191 = arith.mulf %get3A_623, %get3A_1190 : vector<16xf32>
        %add3A_1192 = arith.addf %mul3A_1183, %mul3A_1191 : vector<16xf32>
        %add3A_1193 = arith.constant 4 : i32
        %add3A_1194 = arith.addi %mul3A_603, %add3A_1193 : i32
        %get3A_1195 = arith.constant 3 : i32
        %get3A_1196 = arith.index_cast %get3A_1195 : i32 to index
        %get3A_1197 = arith.index_cast %add3A_1194 : i32 to index
        %get3A_1198 = arith.constant 112 : index
        %get3A_1199 = tpu.vector_load %arg8[%get3A_1196, %get3A_1197, %get3A_1198] {strides = array<i32>} : memref<4x128x128xf32, #tpu.memory_space<vmem>>, vector<16xf32>,
        %mul3A_1200 = arith.mulf %get3A_628, %get3A_1199 : vector<16xf32>
        %add3A_1201 = arith.constant 5 : i32
        %add3A_1202 = arith.addi %mul3A_603, %add3A_1201 : i32
        %get3A_1203 = arith.constant 3 : i32
        %get3A_1204 = arith.index_cast %get3A_1203 : i32 to index
        %get3A_1205 = arith.index_cast %add3A_1202 : i32 to index
        %get3A_1206 = arith.constant 112 : index
        %get3A_1207 = tpu.vector_load %arg8[%get3A_1204, %get3A_1205, %get3A_1206] {strides = array<i32>} : memref<4x128x128xf32, #tpu.memory_space<vmem>>, vector<16xf32>,
        %mul3A_1208 = arith.mulf %get3A_633, %get3A_1207 : vector<16xf32>
        %add3A_1209 = arith.addf %mul3A_1200, %mul3A_1208 : vector<16xf32>
        %add3A_1210 = arith.constant 6 : i32
        %add3A_1211 = arith.addi %mul3A_603, %add3A_1210 : i32
        %get3A_1212 = arith.constant 3 : i32
        %get3A_1213 = arith.index_cast %get3A_1212 : i32 to index
        %get3A_1214 = arith.index_cast %add3A_1211 : i32 to index
        %get3A_1215 = arith.constant 112 : index
        %get3A_1216 = tpu.vector_load %arg8[%get3A_1213, %get3A_1214, %get3A_1215] {strides = array<i32>} : memref<4x128x128xf32, #tpu.memory_space<vmem>>, vector<16xf32>,
        %mul3A_1217 = arith.mulf %get3A_638, %get3A_1216 : vector<16xf32>
        %add3A_1218 = arith.constant 7 : i32
        %add3A_1219 = arith.addi %mul3A_603, %add3A_1218 : i32
        %get3A_1220 = arith.constant 3 : i32
        %get3A_1221 = arith.index_cast %get3A_1220 : i32 to index
        %get3A_1222 = arith.index_cast %add3A_1219 : i32 to index
        %get3A_1223 = arith.constant 112 : index
        %get3A_1224 = tpu.vector_load %arg8[%get3A_1221, %get3A_1222, %get3A_1223] {strides = array<i32>} : memref<4x128x128xf32, #tpu.memory_space<vmem>>, vector<16xf32>,
        %mul3A_1225 = arith.mulf %get3A_643, %get3A_1224 : vector<16xf32>
        %add3A_1226 = arith.addf %mul3A_1217, %mul3A_1225 : vector<16xf32>
        %add3A_1227 = arith.addf %add3A_1175, %add3A_1192 : vector<16xf32>
        %add3A_1228 = arith.addf %add3A_1209, %add3A_1226 : vector<16xf32>
        %add3A_1229 = arith.addf %add3A_1227, %add3A_1228 : vector<16xf32>
        %swap3A_1230 = arith.constant 3 : i32
        %swap3A_1231 = arith.index_cast %swap3A_1230 : i32 to index
        %swap3A_1232 = arith.index_cast %scan3A_601 : i32 to index
        %swap3A_1233 = arith.constant 112 : index
        %swap3A_1234 = tpu.vector_load %arg10[%swap3A_1231, %swap3A_1232, %swap3A_1233] {strides = array<i32>} : memref<4x16x128xf32, #tpu.memory_space<vmem>>, vector<16xf32>,
        tpu.vector_store %arg10[%swap3A_1231, %swap3A_1232, %swap3A_1233], %add3A_1229 {strides = array<i32>} : memref<4x16x128xf32, #tpu.memory_space<vmem>>, vector<16xf32>,
      }
      %scan3A_577 = arith.constant 16 : i32
      %mul3A_578 = arith.constant 16 : i32
      %mul3A_579 = arith.muli %add3A_543, %mul3A_578 : i32
      %add3A_580 = arith.addi %mul3A_2, %mul3A_579 : i32
      %dma_start3A_581 = arith.constant 3 : i32
      %dma_start3A_582 = arith.constant 0 : i32
      %dma_start3A_583 = arith.constant 0 : i32
      %dma_start3A_584 = tpu.memref_slice %arg10[%dma_start3A_581, %dma_start3A_582, %dma_start3A_583] : memref<4x16x128xf32, #tpu.memory_space<vmem>> -> memref<1x16x128xf32, #tpu.memory_space<vmem>>
      %dma_start3A_585 = tpu.memref_squeeze %dma_start3A_584 : memref<1x16x128xf32, #tpu.memory_space<vmem>> -> memref<16x128xf32, #tpu.memory_space<vmem>>
      %dma_start3A_586 = arith.constant 0 : i32
      %dma_start3A_587 = tpu.memref_slice %arg5[%add3A_580, %dma_start3A_586] : memref<65536x128xf32, #tpu.memory_space<hbm>> -> memref<16x128xf32, #tpu.memory_space<hbm>>
      %dma_start3A_588 = arith.constant 0 : i32
      %dma_start3A_589 = tpu.memref_slice %arg5[%add3A_580, %dma_start3A_588] : memref<65536x128xf32, #tpu.memory_space<hbm>> -> memref<16x128xf32, #tpu.memory_space<hbm>>
      %dma_start3A_590 = arith.constant 0 : i32
      %dma_start3A_591 = arith.constant 0 : i32
      %dma_start3A_592 = tpu.memref_slice %arg10[%dma_start3A_581, %dma_start3A_590, %dma_start3A_591] : memref<4x16x128xf32, #tpu.memory_space<vmem>> -> memref<1x16x128xf32, #tpu.memory_space<vmem>>
      %dma_start3A_593 = tpu.memref_squeeze %dma_start3A_592 : memref<1x16x128xf32, #tpu.memory_space<vmem>> -> memref<16x128xf32, #tpu.memory_space<vmem>>
      tpu.enqueue_dma source(%dma_start3A_593 : memref<16x128xf32, #tpu.memory_space<vmem>>) target(%dma_start3A_589 : memref<16x128xf32, #tpu.memory_space<hbm>>) target_semaphore(%arg18 : memref<!tpu.dma_semaphore, #tpu.memory_space<semaphore_mem>>)
      %add3A_594 = arith.constant 4 : i32
      %add3A_595 = arith.addi %add3A_543, %add3A_594 : i32
      %lt3A_596 = arith.constant 128 : i32
      %lt3A_597 = arith.cmpi slt, %add3A_595, %lt3A_596 : i32
      %convert_element_type3A_598 = arith.extui %lt3A_597 : i1 to i32
      %cond3A_599 = arith.constant 0 : i32
      %cond3A_600 = arith.cmpi ne, %convert_element_type3A_598, %cond3A_599 : i32
      scf.if %cond3A_600 {
        %add3A_601 = arith.constant 4 : i32
        %add3A_602 = arith.addi %add3A_543, %add3A_601 : i32
        %mul3A_603 = arith.constant 16 : i32
        %mul3A_604 = arith.muli %add3A_602, %mul3A_603 : i32
        %get3A_605 = arith.index_cast %mul3A_604 : i32 to index
        %get3A_606 = tpu.vector_load %arg6[%get3A_605] {strides = array<i32>} : memref<2048xi32, #tpu.memory_space<vmem>>, vector<16xi32>,
        %add3A_607 = arith.constant 384 : i32
        %add3A_608 = vector.broadcast %add3A_607 : i32 to vector<16xi32>
        %add3A_609 = arith.addi %mul3A_5, %add3A_608 : vector<16xi32>
        %add3A_610 = arith.constant 0 : i32
        %add3A_611 = vector.broadcast %add3A_610 : i32 to vector<16xi32>
        %add3A_612 = arith.addi %get3A_606, %add3A_611 : vector<16xi32>
        tpu.vector_store_idx %arg7[%add3A_609], %add3A_612 : memref<512xi32, #tpu.memory_space<vmem>>[vector<16xi32>], vector<16xi32>,
        %add3A_613 = arith.constant 385 : i32
        %add3A_614 = vector.broadcast %add3A_613 : i32 to vector<16xi32>
        %add3A_615 = arith.addi %mul3A_5, %add3A_614 : vector<16xi32>
        %add3A_616 = arith.constant 1 : i32
        %add3A_617 = vector.broadcast %add3A_616 : i32 to vector<16xi32>
        %add3A_618 = arith.addi %get3A_606, %add3A_617 : vector<16xi32>
        tpu.vector_store_idx %arg7[%add3A_615], %add3A_618 : memref<512xi32, #tpu.memory_space<vmem>>[vector<16xi32>], vector<16xi32>,
        %add3A_619 = arith.constant 386 : i32
        %add3A_620 = vector.broadcast %add3A_619 : i32 to vector<16xi32>
        %add3A_621 = arith.addi %mul3A_5, %add3A_620 : vector<16xi32>
        %add3A_622 = arith.constant 2 : i32
        %add3A_623 = vector.broadcast %add3A_622 : i32 to vector<16xi32>
        %add3A_624 = arith.addi %get3A_606, %add3A_623 : vector<16xi32>
        tpu.vector_store_idx %arg7[%add3A_621], %add3A_624 : memref<512xi32, #tpu.memory_space<vmem>>[vector<16xi32>], vector<16xi32>,
        %add3A_625 = arith.constant 387 : i32
        %add3A_626 = vector.broadcast %add3A_625 : i32 to vector<16xi32>
        %add3A_627 = arith.addi %mul3A_5, %add3A_626 : vector<16xi32>
        %add3A_628 = arith.constant 3 : i32
        %add3A_629 = vector.broadcast %add3A_628 : i32 to vector<16xi32>
        %add3A_630 = arith.addi %get3A_606, %add3A_629 : vector<16xi32>
        tpu.vector_store_idx %arg7[%add3A_627], %add3A_630 : memref<512xi32, #tpu.memory_space<vmem>>[vector<16xi32>], vector<16xi32>,
        %add3A_631 = arith.constant 388 : i32
        %add3A_632 = vector.broadcast %add3A_631 : i32 to vector<16xi32>
        %add3A_633 = arith.addi %mul3A_5, %add3A_632 : vector<16xi32>
        %add3A_634 = arith.constant 4 : i32
        %add3A_635 = vector.broadcast %add3A_634 : i32 to vector<16xi32>
        %add3A_636 = arith.addi %get3A_606, %add3A_635 : vector<16xi32>
        tpu.vector_store_idx %arg7[%add3A_633], %add3A_636 : memref<512xi32, #tpu.memory_space<vmem>>[vector<16xi32>], vector<16xi32>,
        %add3A_637 = arith.constant 389 : i32
        %add3A_638 = vector.broadcast %add3A_637 : i32 to vector<16xi32>
        %add3A_639 = arith.addi %mul3A_5, %add3A_638 : vector<16xi32>
        %add3A_640 = arith.constant 5 : i32
        %add3A_641 = vector.broadcast %add3A_640 : i32 to vector<16xi32>
        %add3A_642 = arith.addi %get3A_606, %add3A_641 : vector<16xi32>
        tpu.vector_store_idx %arg7[%add3A_639], %add3A_642 : memref<512xi32, #tpu.memory_space<vmem>>[vector<16xi32>], vector<16xi32>,
        %add3A_643 = arith.constant 390 : i32
        %add3A_644 = vector.broadcast %add3A_643 : i32 to vector<16xi32>
        %add3A_645 = arith.addi %mul3A_5, %add3A_644 : vector<16xi32>
        %add3A_646 = arith.constant 6 : i32
        %add3A_647 = vector.broadcast %add3A_646 : i32 to vector<16xi32>
        %add3A_648 = arith.addi %get3A_606, %add3A_647 : vector<16xi32>
        tpu.vector_store_idx %arg7[%add3A_645], %add3A_648 : memref<512xi32, #tpu.memory_space<vmem>>[vector<16xi32>], vector<16xi32>,
        %add3A_649 = arith.constant 391 : i32
        %add3A_650 = vector.broadcast %add3A_649 : i32 to vector<16xi32>
        %add3A_651 = arith.addi %mul3A_5, %add3A_650 : vector<16xi32>
        %add3A_652 = arith.constant 7 : i32
        %add3A_653 = vector.broadcast %add3A_652 : i32 to vector<16xi32>
        %add3A_654 = arith.addi %get3A_606, %add3A_653 : vector<16xi32>
        tpu.vector_store_idx %arg7[%add3A_651], %add3A_654 : memref<512xi32, #tpu.memory_space<vmem>>[vector<16xi32>], vector<16xi32>,
        %dma_start3A_655 = arith.constant 3 : i32
        %dma_start3A_656 = arith.constant 0 : i32
        %dma_start3A_657 = arith.constant 0 : i32
        %dma_start3A_658 = tpu.memref_slice %arg8[%dma_start3A_655, %dma_start3A_656, %dma_start3A_657] : memref<4x128x128xf32, #tpu.memory_space<vmem>> -> memref<1x128x128xf32, #tpu.memory_space<vmem>>
        %dma_start3A_659 = tpu.memref_squeeze %dma_start3A_658 : memref<1x128x128xf32, #tpu.memory_space<vmem>> -> memref<128x128xf32, #tpu.memory_space<vmem>>
        %dma_start3A_660 = arith.constant 384 : i32
        %dma_start3A_661 = tpu.memref_slice %arg7[%dma_start3A_660] : memref<512xi32, #tpu.memory_space<vmem>> -> memref<128xi32, #tpu.memory_space<vmem>>
        %dma_start3A_662 = arith.constant 0 : i32
        %dma_start3A_663 = arith.constant 0 : i32
        %dma_start3A_664 = tpu.memref_slice %arg4[%dma_start3A_662, %dma_start3A_663] : memref<65536x128xf32, #tpu.memory_space<hbm>> -> memref<65536x128xf32, #tpu.memory_space<hbm>>
        tpu.enqueue_indirect_dma source(%dma_start3A_664 : memref<65536x128xf32, #tpu.memory_space<hbm>>) target(%dma_start3A_659 : memref<128x128xf32, #tpu.memory_space<vmem>>) offsets(%dma_start3A_661 : memref<128xi32, #tpu.memory_space<vmem>>) semaphore(%arg14 : memref<!tpu.dma_semaphore, #tpu.memory_space<semaphore_mem>>)
        %add3A_665 = arith.addi %mul3A_2, %mul3A_604 : i32
        %dma_start3A_666 = arith.constant 3 : i32
        %dma_start3A_667 = arith.constant 0 : i32
        %dma_start3A_668 = arith.constant 0 : i32
        %dma_start3A_669 = tpu.memref_slice %arg9[%dma_start3A_666, %dma_start3A_667, %dma_start3A_668] : memref<4x16x128xf32, #tpu.memory_space<vmem>> -> memref<1x16x128xf32, #tpu.memory_space<vmem>>
        %dma_start3A_670 = tpu.memref_squeeze %dma_start3A_669 : memref<1x16x128xf32, #tpu.memory_space<vmem>> -> memref<16x128xf32, #tpu.memory_space<vmem>>
        %dma_start3A_671 = arith.constant 0 : i32
        %dma_start3A_672 = tpu.memref_slice %arg3[%add3A_665, %dma_start3A_671] : memref<65536x128xf32, #tpu.memory_space<hbm>> -> memref<16x128xf32, #tpu.memory_space<hbm>>
        %dma_start3A_673 = arith.constant 0 : i32
        %dma_start3A_674 = arith.constant 0 : i32
        %dma_start3A_675 = tpu.memref_slice %arg9[%dma_start3A_666, %dma_start3A_673, %dma_start3A_674] : memref<4x16x128xf32, #tpu.memory_space<vmem>> -> memref<1x16x128xf32, #tpu.memory_space<vmem>>
        %dma_start3A_676 = tpu.memref_squeeze %dma_start3A_675 : memref<1x16x128xf32, #tpu.memory_space<vmem>> -> memref<16x128xf32, #tpu.memory_space<vmem>>
        %dma_start3A_677 = arith.constant 0 : i32
        %dma_start3A_678 = tpu.memref_slice %arg3[%add3A_665, %dma_start3A_677] : memref<65536x128xf32, #tpu.memory_space<hbm>> -> memref<16x128xf32, #tpu.memory_space<hbm>>
        tpu.enqueue_dma source(%dma_start3A_678 : memref<16x128xf32, #tpu.memory_space<hbm>>) target(%dma_start3A_676 : memref<16x128xf32, #tpu.memory_space<vmem>>) target_semaphore(%arg14 : memref<!tpu.dma_semaphore, #tpu.memory_space<semaphore_mem>>)
      } else {
      }
    }
    %scan3A_308 = arith.constant 32 : i32
    %dma_wait3A = arith.constant 0 : i32
    %dma_wait3A_309 = arith.constant 0 : i32
    %dma_wait3A_310 = arith.constant 0 : i32
    %dma_wait3A_311 = tpu.memref_slice %arg10[%dma_wait3A, %dma_wait3A_309, %dma_wait3A_310] : memref<4x16x128xf32, #tpu.memory_space<vmem>> -> memref<1x16x128xf32, #tpu.memory_space<vmem>>
    %dma_wait3A_312 = tpu.memref_squeeze %dma_wait3A_311 : memref<1x16x128xf32, #tpu.memory_space<vmem>> -> memref<16x128xf32, #tpu.memory_space<vmem>>
    %dma_wait3A_313 = arith.constant 0 : i32
    %dma_wait3A_314 = tpu.memref_slice %arg5[%mul3A_2, %dma_wait3A_313] : memref<65536x128xf32, #tpu.memory_space<hbm>> -> memref<16x128xf32, #tpu.memory_space<hbm>>
    %dma_wait3A_315 = arith.constant 0 : i32
    %dma_wait3A_316 = tpu.memref_slice %arg5[%mul3A_2, %dma_wait3A_315] : memref<65536x128xf32, #tpu.memory_space<hbm>> -> memref<16x128xf32, #tpu.memory_space<hbm>>
    %dma_wait3A_317 = arith.constant 0 : i32
    %dma_wait3A_318 = arith.constant 0 : i32
    %dma_wait3A_319 = tpu.memref_slice %arg10[%dma_wait3A, %dma_wait3A_317, %dma_wait3A_318] : memref<4x16x128xf32, #tpu.memory_space<vmem>> -> memref<1x16x128xf32, #tpu.memory_space<vmem>>
    %dma_wait3A_320 = tpu.memref_squeeze %dma_wait3A_319 : memref<1x16x128xf32, #tpu.memory_space<vmem>> -> memref<16x128xf32, #tpu.memory_space<vmem>>
    tpu.wait_dma2 semaphore(%arg15 : memref<!tpu.dma_semaphore, #tpu.memory_space<semaphore_mem>>) src(%dma_wait3A_320 : memref<16x128xf32, #tpu.memory_space<vmem>>) dst(%dma_wait3A_316 : memref<16x128xf32, #tpu.memory_space<hbm>>)
    %dma_wait3A_321 = arith.constant 1 : i32
    %dma_wait3A_322 = arith.constant 0 : i32
    %dma_wait3A_323 = arith.constant 0 : i32
    %dma_wait3A_324 = tpu.memref_slice %arg10[%dma_wait3A_321, %dma_wait3A_322, %dma_wait3A_323] : memref<4x16x128xf32, #tpu.memory_space<vmem>> -> memref<1x16x128xf32, #tpu.memory_space<vmem>>
    %dma_wait3A_325 = tpu.memref_squeeze %dma_wait3A_324 : memref<1x16x128xf32, #tpu.memory_space<vmem>> -> memref<16x128xf32, #tpu.memory_space<vmem>>
    %dma_wait3A_326 = arith.constant 0 : i32
    %dma_wait3A_327 = tpu.memref_slice %arg5[%mul3A_2, %dma_wait3A_326] : memref<65536x128xf32, #tpu.memory_space<hbm>> -> memref<16x128xf32, #tpu.memory_space<hbm>>
    %dma_wait3A_328 = arith.constant 0 : i32
    %dma_wait3A_329 = tpu.memref_slice %arg5[%mul3A_2, %dma_wait3A_328] : memref<65536x128xf32, #tpu.memory_space<hbm>> -> memref<16x128xf32, #tpu.memory_space<hbm>>
    %dma_wait3A_330 = arith.constant 0 : i32
    %dma_wait3A_331 = arith.constant 0 : i32
    %dma_wait3A_332 = tpu.memref_slice %arg10[%dma_wait3A_321, %dma_wait3A_330, %dma_wait3A_331] : memref<4x16x128xf32, #tpu.memory_space<vmem>> -> memref<1x16x128xf32, #tpu.memory_space<vmem>>
    %dma_wait3A_333 = tpu.memref_squeeze %dma_wait3A_332 : memref<1x16x128xf32, #tpu.memory_space<vmem>> -> memref<16x128xf32, #tpu.memory_space<vmem>>
    tpu.wait_dma2 semaphore(%arg16 : memref<!tpu.dma_semaphore, #tpu.memory_space<semaphore_mem>>) src(%dma_wait3A_333 : memref<16x128xf32, #tpu.memory_space<vmem>>) dst(%dma_wait3A_329 : memref<16x128xf32, #tpu.memory_space<hbm>>)
    %dma_wait3A_334 = arith.constant 2 : i32
    %dma_wait3A_335 = arith.constant 0 : i32
    %dma_wait3A_336 = arith.constant 0 : i32
    %dma_wait3A_337 = tpu.memref_slice %arg10[%dma_wait3A_334, %dma_wait3A_335, %dma_wait3A_336] : memref<4x16x128xf32, #tpu.memory_space<vmem>> -> memref<1x16x128xf32, #tpu.memory_space<vmem>>
    %dma_wait3A_338 = tpu.memref_squeeze %dma_wait3A_337 : memref<1x16x128xf32, #tpu.memory_space<vmem>> -> memref<16x128xf32, #tpu.memory_space<vmem>>
    %dma_wait3A_339 = arith.constant 0 : i32
    %dma_wait3A_340 = tpu.memref_slice %arg5[%mul3A_2, %dma_wait3A_339] : memref<65536x128xf32, #tpu.memory_space<hbm>> -> memref<16x128xf32, #tpu.memory_space<hbm>>
    %dma_wait3A_341 = arith.constant 0 : i32
    %dma_wait3A_342 = tpu.memref_slice %arg5[%mul3A_2, %dma_wait3A_341] : memref<65536x128xf32, #tpu.memory_space<hbm>> -> memref<16x128xf32, #tpu.memory_space<hbm>>
    %dma_wait3A_343 = arith.constant 0 : i32
    %dma_wait3A_344 = arith.constant 0 : i32
    %dma_wait3A_345 = tpu.memref_slice %arg10[%dma_wait3A_334, %dma_wait3A_343, %dma_wait3A_344] : memref<4x16x128xf32, #tpu.memory_space<vmem>> -> memref<1x16x128xf32, #tpu.memory_space<vmem>>
    %dma_wait3A_346 = tpu.memref_squeeze %dma_wait3A_345 : memref<1x16x128xf32, #tpu.memory_space<vmem>> -> memref<16x128xf32, #tpu.memory_space<vmem>>
    tpu.wait_dma2 semaphore(%arg17 : memref<!tpu.dma_semaphore, #tpu.memory_space<semaphore_mem>>) src(%dma_wait3A_346 : memref<16x128xf32, #tpu.memory_space<vmem>>) dst(%dma_wait3A_342 : memref<16x128xf32, #tpu.memory_space<hbm>>)
    %dma_wait3A_347 = arith.constant 3 : i32
    %dma_wait3A_348 = arith.constant 0 : i32
    %dma_wait3A_349 = arith.constant 0 : i32
    %dma_wait3A_350 = tpu.memref_slice %arg10[%dma_wait3A_347, %dma_wait3A_348, %dma_wait3A_349] : memref<4x16x128xf32, #tpu.memory_space<vmem>> -> memref<1x16x128xf32, #tpu.memory_space<vmem>>
    %dma_wait3A_351 = tpu.memref_squeeze %dma_wait3A_350 : memref<1x16x128xf32, #tpu.memory_space<vmem>> -> memref<16x128xf32, #tpu.memory_space<vmem>>
    %dma_wait3A_352 = arith.constant 0 : i32
    %dma_wait3A_353 = tpu.memref_slice %arg5[%mul3A_2, %dma_wait3A_352] : memref<65536x128xf32, #tpu.memory_space<hbm>> -> memref<16x128xf32, #tpu.memory_space<hbm>>
    %dma_wait3A_354 = arith.constant 0 : i32
    %dma_wait3A_355 = tpu.memref_slice %arg5[%mul3A_2, %dma_wait3A_354] : memref<65536x128xf32, #tpu.memory_space<hbm>> -> memref<16x128xf32, #tpu.memory_space<hbm>>
    %dma_wait3A_356 = arith.constant 0 : i32
    %dma_wait3A_357 = arith.constant 0 : i32
    %dma_wait3A_358 = tpu.memref_slice %arg10[%dma_wait3A_347, %dma_wait3A_356, %dma_wait3A_357] : memref<4x16x128xf32, #tpu.memory_space<vmem>> -> memref<1x16x128xf32, #tpu.memory_space<vmem>>
    %dma_wait3A_359 = tpu.memref_squeeze %dma_wait3A_358 : memref<1x16x128xf32, #tpu.memory_space<vmem>> -> memref<16x128xf32, #tpu.memory_space<vmem>>
    tpu.wait_dma2 semaphore(%arg18 : memref<!tpu.dma_semaphore, #tpu.memory_space<semaphore_mem>>) src(%dma_wait3A_359 : memref<16x128xf32, #tpu.memory_space<vmem>>) dst(%dma_wait3A_355 : memref<16x128xf32, #tpu.memory_space<hbm>>)
    return
  }
}

#map = affine_map<(d0, d1) -> (0)>
#map1 = affine_map<(d0, d1) -> (0, 0)>
module attributes {stable_mosaic.version = 14 : i64} {
  func.func @_stage_a(%arg0: i32, %arg1: i32, %arg2: memref<65536xf32, #tpu.memory_space<hbm>>, %arg3: memref<65536x128xf32, #tpu.memory_space<hbm>>, %arg4: memref<65536x128xf32, #tpu.memory_space<hbm>>, %arg5: memref<65536x128xf32, #tpu.memory_space<hbm>>, %arg6: memref<2048xf32, #tpu.memory_space<vmem>>, %arg7: memref<128xi32, #tpu.memory_space<vmem>>, %arg8: memref<128xi32, #tpu.memory_space<vmem>>, %arg9: memref<128x128xf32, #tpu.memory_space<vmem>>, %arg10: memref<128x128xf32, #tpu.memory_space<vmem>>, %arg11: memref<!tpu.dma_semaphore, #tpu.memory_space<semaphore_mem>>, %arg12: memref<!tpu.dma_semaphore, #tpu.memory_space<semaphore_mem>>) attributes {dimension_semantics = [#tpu.dimension_semantics<core_parallel>, #tpu.dimension_semantics<subcore_parallel>], iteration_bounds = array<i64: 2, 16>, scalar_prefetch = 0 : i64, scratch_operands = 7 : i64, tpu.core_type = #tpu.core_type<sc_vector_subcore>, window_params = [{transform_indices = #map}, {transform_indices = #map1}, {transform_indices = #map1}, {transform_indices = #map1}]} {
    %mul3A = arith.constant 2 : i32
    %mul3A_0 = arith.muli %arg1, %mul3A : i32
    %add3A = arith.addi %mul3A_0, %arg0 : i32
    %mul3A_1 = arith.constant 2048 : i32
    %mul3A_2 = arith.muli %add3A, %mul3A_1 : i32
    %jit3A = arith.constant 8192 : i32
    %div3A = arith.divsi %mul3A_2, %jit3A : i32
    %sign3A = arith.constant 0 : i32
    %sign3A_3 = arith.cmpi sgt, %mul3A_2, %sign3A : i32
    %sign3A_4 = arith.extui %sign3A_3 : i1 to i32
    %sign3A_5 = arith.constant 0 : i32
    %sign3A_6 = arith.cmpi slt, %mul3A_2, %sign3A_5 : i32
    %sign3A_7 = arith.extui %sign3A_6 : i1 to i32
    %sign3A_8 = arith.subi %sign3A_4, %sign3A_7 : i32
    %sign3A_9 = arith.constant 0 : i32
    %sign3A_10 = arith.cmpi sgt, %jit3A, %sign3A_9 : i32
    %sign3A_11 = arith.extui %sign3A_10 : i1 to i32
    %sign3A_12 = arith.constant 0 : i32
    %sign3A_13 = arith.cmpi slt, %jit3A, %sign3A_12 : i32
    %sign3A_14 = arith.extui %sign3A_13 : i1 to i32
    %sign3A_15 = arith.subi %sign3A_11, %sign3A_14 : i32
    %ne3A = arith.cmpi ne, %sign3A_8, %sign3A_15 : i32
    %rem3A = arith.remsi %mul3A_2, %jit3A : i32
    %ne3A_16 = arith.constant 0 : i32
    %ne3A_17 = arith.cmpi ne, %rem3A, %ne3A_16 : i32
    %and3A = arith.andi %ne3A, %ne3A_17 : i1
    %sub3A = arith.constant 1 : i32
    %sub3A_18 = arith.subi %div3A, %sub3A : i32
    %select_n3A = arith.select %and3A, %sub3A_18, %div3A : i32
    %mul3A_19 = arith.constant 8192 : i32
    %mul3A_20 = arith.muli %select_n3A, %mul3A_19 : i32
    "tpu.region"() ({
      %run_scoped3A = tpu.sem_alloc : memref<!tpu.dma_semaphore, #tpu.memory_space<semaphore_mem>>
      %dma_start3A = tpu.memref_slice %arg2[%mul3A_2] : memref<65536xf32, #tpu.memory_space<hbm>> -> memref<2048xf32, #tpu.memory_space<hbm>>
      %dma_start3A_26 = tpu.memref_slice %arg2[%mul3A_2] : memref<65536xf32, #tpu.memory_space<hbm>> -> memref<2048xf32, #tpu.memory_space<hbm>>
      tpu.enqueue_dma source(%dma_start3A_26 : memref<2048xf32, #tpu.memory_space<hbm>>) target(%arg6 : memref<2048xf32, #tpu.memory_space<vmem>>) target_semaphore(%run_scoped3A : memref<!tpu.dma_semaphore, #tpu.memory_space<semaphore_mem>>)
      %dma_wait3A = tpu.memref_slice %arg2[%mul3A_2] : memref<65536xf32, #tpu.memory_space<hbm>> -> memref<2048xf32, #tpu.memory_space<hbm>>
      %dma_wait3A_27 = tpu.memref_slice %arg2[%mul3A_2] : memref<65536xf32, #tpu.memory_space<hbm>> -> memref<2048xf32, #tpu.memory_space<hbm>>
      tpu.wait_dma2 semaphore(%run_scoped3A : memref<!tpu.dma_semaphore, #tpu.memory_space<semaphore_mem>>) src(%dma_wait3A_27 : memref<2048xf32, #tpu.memory_space<hbm>>) dst(%arg6 : memref<2048xf32, #tpu.memory_space<vmem>>)
      tpu.yield
    }) : () -> ()
    %scan3A = arith.constant 0 : i32
    %scan3A_21 = arith.constant 0 : i32
    %scan3A_22 = arith.constant 16 : i32
    %scan3A_23 = arith.addi %scan3A_21, %scan3A_22 : i32
    %scan3A_24 = arith.constant 1 : i32
    scf.for %scan3A_26 = %scan3A_21 to %scan3A_23 step %scan3A_24  : i32 {
      %mul3A_27 = arith.constant 128 : i32
      %mul3A_28 = arith.muli %scan3A_26, %mul3A_27 : i32
      %add3A_29 = arith.constant 0 : i32
      %add3A_30 = arith.addi %mul3A_28, %add3A_29 : i32
      %get3A = arith.index_cast %add3A_30 : i32 to index
      %get3A_31 = tpu.vector_load %arg6[%get3A] {strides = array<i32>} : memref<2048xf32, #tpu.memory_space<vmem>>, vector<16xf32>,
      %add3A_32 = arith.constant 1.000000e+00 : f32
      %add3A_33 = vector.broadcast %add3A_32 : f32 to vector<16xf32>
      %add3A_34 = arith.addf %get3A_31, %add3A_33 : vector<16xf32>
      %mul3A_35 = arith.constant 5.000000e-01 : f32
      %mul3A_36 = vector.broadcast %mul3A_35 : f32 to vector<16xf32>
      %mul3A_37 = arith.mulf %add3A_34, %mul3A_36 : vector<16xf32>
      %mul3A_38 = arith.constant 8.191000e+03 : f32
      %mul3A_39 = vector.broadcast %mul3A_38 : f32 to vector<16xf32>
      %mul3A_40 = arith.mulf %mul3A_37, %mul3A_39 : vector<16xf32>
      %jit3A_41 = arith.constant 0.000000e+00 : f32
      %jit3A_42 = arith.constant 8.191000e+03 : f32
      %max3A = vector.broadcast %jit3A_41 : f32 to vector<16xf32>
      %max3A_43 = arith.maximumf %max3A, %mul3A_40 : vector<16xf32>
      %min3A = vector.broadcast %jit3A_42 : f32 to vector<16xf32>
      %min3A_44 = arith.minimumf %min3A, %max3A_43 : vector<16xf32>
      %convert_element_type3A = arith.fptosi %min3A_44 : vector<16xf32> to vector<16xi32>
      %add3A_45 = arith.constant 1 : i32
      %add3A_46 = vector.broadcast %add3A_45 : i32 to vector<16xi32>
      %add3A_47 = arith.addi %convert_element_type3A, %add3A_46 : vector<16xi32>
      %min3A_48 = arith.constant 8191 : i32
      %min3A_49 = vector.broadcast %min3A_48 : i32 to vector<16xi32>
      %min3A_50 = arith.minsi %add3A_47, %min3A_49 : vector<16xi32>
      %add3A_51 = vector.broadcast %mul3A_20 : i32 to vector<16xi32>
      %add3A_52 = arith.addi %convert_element_type3A, %add3A_51 : vector<16xi32>
      %swap3A = arith.constant 0 : index
      %swap3A_53 = tpu.vector_load %arg7[%swap3A] {strides = array<i32>} : memref<128xi32, #tpu.memory_space<vmem>>, vector<16xi32>,
      tpu.vector_store %arg7[%swap3A], %add3A_52 {strides = array<i32>} : memref<128xi32, #tpu.memory_space<vmem>>, vector<16xi32>,
      %add3A_54 = vector.broadcast %mul3A_20 : i32 to vector<16xi32>
      %add3A_55 = arith.addi %min3A_50, %add3A_54 : vector<16xi32>
      %swap3A_56 = arith.constant 0 : index
      %swap3A_57 = tpu.vector_load %arg8[%swap3A_56] {strides = array<i32>} : memref<128xi32, #tpu.memory_space<vmem>>, vector<16xi32>,
      tpu.vector_store %arg8[%swap3A_56], %add3A_55 {strides = array<i32>} : memref<128xi32, #tpu.memory_space<vmem>>, vector<16xi32>,
      %add3A_58 = arith.constant 16 : i32
      %add3A_59 = arith.addi %mul3A_28, %add3A_58 : i32
      %get3A_60 = arith.index_cast %add3A_59 : i32 to index
      %get3A_61 = tpu.vector_load %arg6[%get3A_60] {strides = array<i32>} : memref<2048xf32, #tpu.memory_space<vmem>>, vector<16xf32>,
      %add3A_62 = arith.constant 1.000000e+00 : f32
      %add3A_63 = vector.broadcast %add3A_62 : f32 to vector<16xf32>
      %add3A_64 = arith.addf %get3A_61, %add3A_63 : vector<16xf32>
      %mul3A_65 = arith.constant 5.000000e-01 : f32
      %mul3A_66 = vector.broadcast %mul3A_65 : f32 to vector<16xf32>
      %mul3A_67 = arith.mulf %add3A_64, %mul3A_66 : vector<16xf32>
      %mul3A_68 = arith.constant 8.191000e+03 : f32
      %mul3A_69 = vector.broadcast %mul3A_68 : f32 to vector<16xf32>
      %mul3A_70 = arith.mulf %mul3A_67, %mul3A_69 : vector<16xf32>
      %jit3A_71 = arith.constant 0.000000e+00 : f32
      %jit3A_72 = arith.constant 8.191000e+03 : f32
      %max3A_73 = vector.broadcast %jit3A_71 : f32 to vector<16xf32>
      %max3A_74 = arith.maximumf %max3A_73, %mul3A_70 : vector<16xf32>
      %min3A_75 = vector.broadcast %jit3A_72 : f32 to vector<16xf32>
      %min3A_76 = arith.minimumf %min3A_75, %max3A_74 : vector<16xf32>
      %convert_element_type3A_77 = arith.fptosi %min3A_76 : vector<16xf32> to vector<16xi32>
      %add3A_78 = arith.constant 1 : i32
      %add3A_79 = vector.broadcast %add3A_78 : i32 to vector<16xi32>
      %add3A_80 = arith.addi %convert_element_type3A_77, %add3A_79 : vector<16xi32>
      %min3A_81 = arith.constant 8191 : i32
      %min3A_82 = vector.broadcast %min3A_81 : i32 to vector<16xi32>
      %min3A_83 = arith.minsi %add3A_80, %min3A_82 : vector<16xi32>
      %add3A_84 = vector.broadcast %mul3A_20 : i32 to vector<16xi32>
      %add3A_85 = arith.addi %convert_element_type3A_77, %add3A_84 : vector<16xi32>
      %swap3A_86 = arith.constant 16 : index
      %swap3A_87 = tpu.vector_load %arg7[%swap3A_86] {strides = array<i32>} : memref<128xi32, #tpu.memory_space<vmem>>, vector<16xi32>,
      tpu.vector_store %arg7[%swap3A_86], %add3A_85 {strides = array<i32>} : memref<128xi32, #tpu.memory_space<vmem>>, vector<16xi32>,
      %add3A_88 = vector.broadcast %mul3A_20 : i32 to vector<16xi32>
      %add3A_89 = arith.addi %min3A_83, %add3A_88 : vector<16xi32>
      %swap3A_90 = arith.constant 16 : index
      %swap3A_91 = tpu.vector_load %arg8[%swap3A_90] {strides = array<i32>} : memref<128xi32, #tpu.memory_space<vmem>>, vector<16xi32>,
      tpu.vector_store %arg8[%swap3A_90], %add3A_89 {strides = array<i32>} : memref<128xi32, #tpu.memory_space<vmem>>, vector<16xi32>,
      %add3A_92 = arith.constant 32 : i32
      %add3A_93 = arith.addi %mul3A_28, %add3A_92 : i32
      %get3A_94 = arith.index_cast %add3A_93 : i32 to index
      %get3A_95 = tpu.vector_load %arg6[%get3A_94] {strides = array<i32>} : memref<2048xf32, #tpu.memory_space<vmem>>, vector<16xf32>,
      %add3A_96 = arith.constant 1.000000e+00 : f32
      %add3A_97 = vector.broadcast %add3A_96 : f32 to vector<16xf32>
      %add3A_98 = arith.addf %get3A_95, %add3A_97 : vector<16xf32>
      %mul3A_99 = arith.constant 5.000000e-01 : f32
      %mul3A_100 = vector.broadcast %mul3A_99 : f32 to vector<16xf32>
      %mul3A_101 = arith.mulf %add3A_98, %mul3A_100 : vector<16xf32>
      %mul3A_102 = arith.constant 8.191000e+03 : f32
      %mul3A_103 = vector.broadcast %mul3A_102 : f32 to vector<16xf32>
      %mul3A_104 = arith.mulf %mul3A_101, %mul3A_103 : vector<16xf32>
      %jit3A_105 = arith.constant 0.000000e+00 : f32
      %jit3A_106 = arith.constant 8.191000e+03 : f32
      %max3A_107 = vector.broadcast %jit3A_105 : f32 to vector<16xf32>
      %max3A_108 = arith.maximumf %max3A_107, %mul3A_104 : vector<16xf32>
      %min3A_109 = vector.broadcast %jit3A_106 : f32 to vector<16xf32>
      %min3A_110 = arith.minimumf %min3A_109, %max3A_108 : vector<16xf32>
      %convert_element_type3A_111 = arith.fptosi %min3A_110 : vector<16xf32> to vector<16xi32>
      %add3A_112 = arith.constant 1 : i32
      %add3A_113 = vector.broadcast %add3A_112 : i32 to vector<16xi32>
      %add3A_114 = arith.addi %convert_element_type3A_111, %add3A_113 : vector<16xi32>
      %min3A_115 = arith.constant 8191 : i32
      %min3A_116 = vector.broadcast %min3A_115 : i32 to vector<16xi32>
      %min3A_117 = arith.minsi %add3A_114, %min3A_116 : vector<16xi32>
      %add3A_118 = vector.broadcast %mul3A_20 : i32 to vector<16xi32>
      %add3A_119 = arith.addi %convert_element_type3A_111, %add3A_118 : vector<16xi32>
      %swap3A_120 = arith.constant 32 : index
      %swap3A_121 = tpu.vector_load %arg7[%swap3A_120] {strides = array<i32>} : memref<128xi32, #tpu.memory_space<vmem>>, vector<16xi32>,
      tpu.vector_store %arg7[%swap3A_120], %add3A_119 {strides = array<i32>} : memref<128xi32, #tpu.memory_space<vmem>>, vector<16xi32>,
      %add3A_122 = vector.broadcast %mul3A_20 : i32 to vector<16xi32>
      %add3A_123 = arith.addi %min3A_117, %add3A_122 : vector<16xi32>
      %swap3A_124 = arith.constant 32 : index
      %swap3A_125 = tpu.vector_load %arg8[%swap3A_124] {strides = array<i32>} : memref<128xi32, #tpu.memory_space<vmem>>, vector<16xi32>,
      tpu.vector_store %arg8[%swap3A_124], %add3A_123 {strides = array<i32>} : memref<128xi32, #tpu.memory_space<vmem>>, vector<16xi32>,
      %add3A_126 = arith.constant 48 : i32
      %add3A_127 = arith.addi %mul3A_28, %add3A_126 : i32
      %get3A_128 = arith.index_cast %add3A_127 : i32 to index
      %get3A_129 = tpu.vector_load %arg6[%get3A_128] {strides = array<i32>} : memref<2048xf32, #tpu.memory_space<vmem>>, vector<16xf32>,
      %add3A_130 = arith.constant 1.000000e+00 : f32
      %add3A_131 = vector.broadcast %add3A_130 : f32 to vector<16xf32>
      %add3A_132 = arith.addf %get3A_129, %add3A_131 : vector<16xf32>
      %mul3A_133 = arith.constant 5.000000e-01 : f32
      %mul3A_134 = vector.broadcast %mul3A_133 : f32 to vector<16xf32>
      %mul3A_135 = arith.mulf %add3A_132, %mul3A_134 : vector<16xf32>
      %mul3A_136 = arith.constant 8.191000e+03 : f32
      %mul3A_137 = vector.broadcast %mul3A_136 : f32 to vector<16xf32>
      %mul3A_138 = arith.mulf %mul3A_135, %mul3A_137 : vector<16xf32>
      %jit3A_139 = arith.constant 0.000000e+00 : f32
      %jit3A_140 = arith.constant 8.191000e+03 : f32
      %max3A_141 = vector.broadcast %jit3A_139 : f32 to vector<16xf32>
      %max3A_142 = arith.maximumf %max3A_141, %mul3A_138 : vector<16xf32>
      %min3A_143 = vector.broadcast %jit3A_140 : f32 to vector<16xf32>
      %min3A_144 = arith.minimumf %min3A_143, %max3A_142 : vector<16xf32>
      %convert_element_type3A_145 = arith.fptosi %min3A_144 : vector<16xf32> to vector<16xi32>
      %add3A_146 = arith.constant 1 : i32
      %add3A_147 = vector.broadcast %add3A_146 : i32 to vector<16xi32>
      %add3A_148 = arith.addi %convert_element_type3A_145, %add3A_147 : vector<16xi32>
      %min3A_149 = arith.constant 8191 : i32
      %min3A_150 = vector.broadcast %min3A_149 : i32 to vector<16xi32>
      %min3A_151 = arith.minsi %add3A_148, %min3A_150 : vector<16xi32>
      %add3A_152 = vector.broadcast %mul3A_20 : i32 to vector<16xi32>
      %add3A_153 = arith.addi %convert_element_type3A_145, %add3A_152 : vector<16xi32>
      %swap3A_154 = arith.constant 48 : index
      %swap3A_155 = tpu.vector_load %arg7[%swap3A_154] {strides = array<i32>} : memref<128xi32, #tpu.memory_space<vmem>>, vector<16xi32>,
      tpu.vector_store %arg7[%swap3A_154], %add3A_153 {strides = array<i32>} : memref<128xi32, #tpu.memory_space<vmem>>, vector<16xi32>,
      %add3A_156 = vector.broadcast %mul3A_20 : i32 to vector<16xi32>
      %add3A_157 = arith.addi %min3A_151, %add3A_156 : vector<16xi32>
      %swap3A_158 = arith.constant 48 : index
      %swap3A_159 = tpu.vector_load %arg8[%swap3A_158] {strides = array<i32>} : memref<128xi32, #tpu.memory_space<vmem>>, vector<16xi32>,
      tpu.vector_store %arg8[%swap3A_158], %add3A_157 {strides = array<i32>} : memref<128xi32, #tpu.memory_space<vmem>>, vector<16xi32>,
      %add3A_160 = arith.constant 64 : i32
      %add3A_161 = arith.addi %mul3A_28, %add3A_160 : i32
      %get3A_162 = arith.index_cast %add3A_161 : i32 to index
      %get3A_163 = tpu.vector_load %arg6[%get3A_162] {strides = array<i32>} : memref<2048xf32, #tpu.memory_space<vmem>>, vector<16xf32>,
      %add3A_164 = arith.constant 1.000000e+00 : f32
      %add3A_165 = vector.broadcast %add3A_164 : f32 to vector<16xf32>
      %add3A_166 = arith.addf %get3A_163, %add3A_165 : vector<16xf32>
      %mul3A_167 = arith.constant 5.000000e-01 : f32
      %mul3A_168 = vector.broadcast %mul3A_167 : f32 to vector<16xf32>
      %mul3A_169 = arith.mulf %add3A_166, %mul3A_168 : vector<16xf32>
      %mul3A_170 = arith.constant 8.191000e+03 : f32
      %mul3A_171 = vector.broadcast %mul3A_170 : f32 to vector<16xf32>
      %mul3A_172 = arith.mulf %mul3A_169, %mul3A_171 : vector<16xf32>
      %jit3A_173 = arith.constant 0.000000e+00 : f32
      %jit3A_174 = arith.constant 8.191000e+03 : f32
      %max3A_175 = vector.broadcast %jit3A_173 : f32 to vector<16xf32>
      %max3A_176 = arith.maximumf %max3A_175, %mul3A_172 : vector<16xf32>
      %min3A_177 = vector.broadcast %jit3A_174 : f32 to vector<16xf32>
      %min3A_178 = arith.minimumf %min3A_177, %max3A_176 : vector<16xf32>
      %convert_element_type3A_179 = arith.fptosi %min3A_178 : vector<16xf32> to vector<16xi32>
      %add3A_180 = arith.constant 1 : i32
      %add3A_181 = vector.broadcast %add3A_180 : i32 to vector<16xi32>
      %add3A_182 = arith.addi %convert_element_type3A_179, %add3A_181 : vector<16xi32>
      %min3A_183 = arith.constant 8191 : i32
      %min3A_184 = vector.broadcast %min3A_183 : i32 to vector<16xi32>
      %min3A_185 = arith.minsi %add3A_182, %min3A_184 : vector<16xi32>
      %add3A_186 = vector.broadcast %mul3A_20 : i32 to vector<16xi32>
      %add3A_187 = arith.addi %convert_element_type3A_179, %add3A_186 : vector<16xi32>
      %swap3A_188 = arith.constant 64 : index
      %swap3A_189 = tpu.vector_load %arg7[%swap3A_188] {strides = array<i32>} : memref<128xi32, #tpu.memory_space<vmem>>, vector<16xi32>,
      tpu.vector_store %arg7[%swap3A_188], %add3A_187 {strides = array<i32>} : memref<128xi32, #tpu.memory_space<vmem>>, vector<16xi32>,
      %add3A_190 = vector.broadcast %mul3A_20 : i32 to vector<16xi32>
      %add3A_191 = arith.addi %min3A_185, %add3A_190 : vector<16xi32>
      %swap3A_192 = arith.constant 64 : index
      %swap3A_193 = tpu.vector_load %arg8[%swap3A_192] {strides = array<i32>} : memref<128xi32, #tpu.memory_space<vmem>>, vector<16xi32>,
      tpu.vector_store %arg8[%swap3A_192], %add3A_191 {strides = array<i32>} : memref<128xi32, #tpu.memory_space<vmem>>, vector<16xi32>,
      %add3A_194 = arith.constant 80 : i32
      %add3A_195 = arith.addi %mul3A_28, %add3A_194 : i32
      %get3A_196 = arith.index_cast %add3A_195 : i32 to index
      %get3A_197 = tpu.vector_load %arg6[%get3A_196] {strides = array<i32>} : memref<2048xf32, #tpu.memory_space<vmem>>, vector<16xf32>,
      %add3A_198 = arith.constant 1.000000e+00 : f32
      %add3A_199 = vector.broadcast %add3A_198 : f32 to vector<16xf32>
      %add3A_200 = arith.addf %get3A_197, %add3A_199 : vector<16xf32>
      %mul3A_201 = arith.constant 5.000000e-01 : f32
      %mul3A_202 = vector.broadcast %mul3A_201 : f32 to vector<16xf32>
      %mul3A_203 = arith.mulf %add3A_200, %mul3A_202 : vector<16xf32>
      %mul3A_204 = arith.constant 8.191000e+03 : f32
      %mul3A_205 = vector.broadcast %mul3A_204 : f32 to vector<16xf32>
      %mul3A_206 = arith.mulf %mul3A_203, %mul3A_205 : vector<16xf32>
      %jit3A_207 = arith.constant 0.000000e+00 : f32
      %jit3A_208 = arith.constant 8.191000e+03 : f32
      %max3A_209 = vector.broadcast %jit3A_207 : f32 to vector<16xf32>
      %max3A_210 = arith.maximumf %max3A_209, %mul3A_206 : vector<16xf32>
      %min3A_211 = vector.broadcast %jit3A_208 : f32 to vector<16xf32>
      %min3A_212 = arith.minimumf %min3A_211, %max3A_210 : vector<16xf32>
      %convert_element_type3A_213 = arith.fptosi %min3A_212 : vector<16xf32> to vector<16xi32>
      %add3A_214 = arith.constant 1 : i32
      %add3A_215 = vector.broadcast %add3A_214 : i32 to vector<16xi32>
      %add3A_216 = arith.addi %convert_element_type3A_213, %add3A_215 : vector<16xi32>
      %min3A_217 = arith.constant 8191 : i32
      %min3A_218 = vector.broadcast %min3A_217 : i32 to vector<16xi32>
      %min3A_219 = arith.minsi %add3A_216, %min3A_218 : vector<16xi32>
      %add3A_220 = vector.broadcast %mul3A_20 : i32 to vector<16xi32>
      %add3A_221 = arith.addi %convert_element_type3A_213, %add3A_220 : vector<16xi32>
      %swap3A_222 = arith.constant 80 : index
      %swap3A_223 = tpu.vector_load %arg7[%swap3A_222] {strides = array<i32>} : memref<128xi32, #tpu.memory_space<vmem>>, vector<16xi32>,
      tpu.vector_store %arg7[%swap3A_222], %add3A_221 {strides = array<i32>} : memref<128xi32, #tpu.memory_space<vmem>>, vector<16xi32>,
      %add3A_224 = vector.broadcast %mul3A_20 : i32 to vector<16xi32>
      %add3A_225 = arith.addi %min3A_219, %add3A_224 : vector<16xi32>
      %swap3A_226 = arith.constant 80 : index
      %swap3A_227 = tpu.vector_load %arg8[%swap3A_226] {strides = array<i32>} : memref<128xi32, #tpu.memory_space<vmem>>, vector<16xi32>,
      tpu.vector_store %arg8[%swap3A_226], %add3A_225 {strides = array<i32>} : memref<128xi32, #tpu.memory_space<vmem>>, vector<16xi32>,
      %add3A_228 = arith.constant 96 : i32
      %add3A_229 = arith.addi %mul3A_28, %add3A_228 : i32
      %get3A_230 = arith.index_cast %add3A_229 : i32 to index
      %get3A_231 = tpu.vector_load %arg6[%get3A_230] {strides = array<i32>} : memref<2048xf32, #tpu.memory_space<vmem>>, vector<16xf32>,
      %add3A_232 = arith.constant 1.000000e+00 : f32
      %add3A_233 = vector.broadcast %add3A_232 : f32 to vector<16xf32>
      %add3A_234 = arith.addf %get3A_231, %add3A_233 : vector<16xf32>
      %mul3A_235 = arith.constant 5.000000e-01 : f32
      %mul3A_236 = vector.broadcast %mul3A_235 : f32 to vector<16xf32>
      %mul3A_237 = arith.mulf %add3A_234, %mul3A_236 : vector<16xf32>
      %mul3A_238 = arith.constant 8.191000e+03 : f32
      %mul3A_239 = vector.broadcast %mul3A_238 : f32 to vector<16xf32>
      %mul3A_240 = arith.mulf %mul3A_237, %mul3A_239 : vector<16xf32>
      %jit3A_241 = arith.constant 0.000000e+00 : f32
      %jit3A_242 = arith.constant 8.191000e+03 : f32
      %max3A_243 = vector.broadcast %jit3A_241 : f32 to vector<16xf32>
      %max3A_244 = arith.maximumf %max3A_243, %mul3A_240 : vector<16xf32>
      %min3A_245 = vector.broadcast %jit3A_242 : f32 to vector<16xf32>
      %min3A_246 = arith.minimumf %min3A_245, %max3A_244 : vector<16xf32>
      %convert_element_type3A_247 = arith.fptosi %min3A_246 : vector<16xf32> to vector<16xi32>
      %add3A_248 = arith.constant 1 : i32
      %add3A_249 = vector.broadcast %add3A_248 : i32 to vector<16xi32>
      %add3A_250 = arith.addi %convert_element_type3A_247, %add3A_249 : vector<16xi32>
      %min3A_251 = arith.constant 8191 : i32
      %min3A_252 = vector.broadcast %min3A_251 : i32 to vector<16xi32>
      %min3A_253 = arith.minsi %add3A_250, %min3A_252 : vector<16xi32>
      %add3A_254 = vector.broadcast %mul3A_20 : i32 to vector<16xi32>
      %add3A_255 = arith.addi %convert_element_type3A_247, %add3A_254 : vector<16xi32>
      %swap3A_256 = arith.constant 96 : index
      %swap3A_257 = tpu.vector_load %arg7[%swap3A_256] {strides = array<i32>} : memref<128xi32, #tpu.memory_space<vmem>>, vector<16xi32>,
      tpu.vector_store %arg7[%swap3A_256], %add3A_255 {strides = array<i32>} : memref<128xi32, #tpu.memory_space<vmem>>, vector<16xi32>,
      %add3A_258 = vector.broadcast %mul3A_20 : i32 to vector<16xi32>
      %add3A_259 = arith.addi %min3A_253, %add3A_258 : vector<16xi32>
      %swap3A_260 = arith.constant 96 : index
      %swap3A_261 = tpu.vector_load %arg8[%swap3A_260] {strides = array<i32>} : memref<128xi32, #tpu.memory_space<vmem>>, vector<16xi32>,
      tpu.vector_store %arg8[%swap3A_260], %add3A_259 {strides = array<i32>} : memref<128xi32, #tpu.memory_space<vmem>>, vector<16xi32>,
      %add3A_262 = arith.constant 112 : i32
      %add3A_263 = arith.addi %mul3A_28, %add3A_262 : i32
      %get3A_264 = arith.index_cast %add3A_263 : i32 to index
      %get3A_265 = tpu.vector_load %arg6[%get3A_264] {strides = array<i32>} : memref<2048xf32, #tpu.memory_space<vmem>>, vector<16xf32>,
      %add3A_266 = arith.constant 1.000000e+00 : f32
      %add3A_267 = vector.broadcast %add3A_266 : f32 to vector<16xf32>
      %add3A_268 = arith.addf %get3A_265, %add3A_267 : vector<16xf32>
      %mul3A_269 = arith.constant 5.000000e-01 : f32
      %mul3A_270 = vector.broadcast %mul3A_269 : f32 to vector<16xf32>
      %mul3A_271 = arith.mulf %add3A_268, %mul3A_270 : vector<16xf32>
      %mul3A_272 = arith.constant 8.191000e+03 : f32
      %mul3A_273 = vector.broadcast %mul3A_272 : f32 to vector<16xf32>
      %mul3A_274 = arith.mulf %mul3A_271, %mul3A_273 : vector<16xf32>
      %jit3A_275 = arith.constant 0.000000e+00 : f32
      %jit3A_276 = arith.constant 8.191000e+03 : f32
      %max3A_277 = vector.broadcast %jit3A_275 : f32 to vector<16xf32>
      %max3A_278 = arith.maximumf %max3A_277, %mul3A_274 : vector<16xf32>
      %min3A_279 = vector.broadcast %jit3A_276 : f32 to vector<16xf32>
      %min3A_280 = arith.minimumf %min3A_279, %max3A_278 : vector<16xf32>
      %convert_element_type3A_281 = arith.fptosi %min3A_280 : vector<16xf32> to vector<16xi32>
      %add3A_282 = arith.constant 1 : i32
      %add3A_283 = vector.broadcast %add3A_282 : i32 to vector<16xi32>
      %add3A_284 = arith.addi %convert_element_type3A_281, %add3A_283 : vector<16xi32>
      %min3A_285 = arith.constant 8191 : i32
      %min3A_286 = vector.broadcast %min3A_285 : i32 to vector<16xi32>
      %min3A_287 = arith.minsi %add3A_284, %min3A_286 : vector<16xi32>
      %add3A_288 = vector.broadcast %mul3A_20 : i32 to vector<16xi32>
      %add3A_289 = arith.addi %convert_element_type3A_281, %add3A_288 : vector<16xi32>
      %swap3A_290 = arith.constant 112 : index
      %swap3A_291 = tpu.vector_load %arg7[%swap3A_290] {strides = array<i32>} : memref<128xi32, #tpu.memory_space<vmem>>, vector<16xi32>,
      tpu.vector_store %arg7[%swap3A_290], %add3A_289 {strides = array<i32>} : memref<128xi32, #tpu.memory_space<vmem>>, vector<16xi32>,
      %add3A_292 = vector.broadcast %mul3A_20 : i32 to vector<16xi32>
      %add3A_293 = arith.addi %min3A_287, %add3A_292 : vector<16xi32>
      %swap3A_294 = arith.constant 112 : index
      %swap3A_295 = tpu.vector_load %arg8[%swap3A_294] {strides = array<i32>} : memref<128xi32, #tpu.memory_space<vmem>>, vector<16xi32>,
      tpu.vector_store %arg8[%swap3A_294], %add3A_293 {strides = array<i32>} : memref<128xi32, #tpu.memory_space<vmem>>, vector<16xi32>,
      %dma_start3A = arith.constant 0 : i32
      %dma_start3A_296 = arith.constant 0 : i32
      %dma_start3A_297 = tpu.memref_slice %arg3[%dma_start3A, %dma_start3A_296] : memref<65536x128xf32, #tpu.memory_space<hbm>> -> memref<65536x128xf32, #tpu.memory_space<hbm>>
      tpu.enqueue_indirect_dma source(%dma_start3A_297 : memref<65536x128xf32, #tpu.memory_space<hbm>>) target(%arg9 : memref<128x128xf32, #tpu.memory_space<vmem>>) offsets(%arg7 : memref<128xi32, #tpu.memory_space<vmem>>) semaphore(%arg11 : memref<!tpu.dma_semaphore, #tpu.memory_space<semaphore_mem>>)
      %dma_start3A_298 = arith.constant 0 : i32
      %dma_start3A_299 = arith.constant 0 : i32
      %dma_start3A_300 = tpu.memref_slice %arg3[%dma_start3A_298, %dma_start3A_299] : memref<65536x128xf32, #tpu.memory_space<hbm>> -> memref<65536x128xf32, #tpu.memory_space<hbm>>
      tpu.enqueue_indirect_dma source(%dma_start3A_300 : memref<65536x128xf32, #tpu.memory_space<hbm>>) target(%arg10 : memref<128x128xf32, #tpu.memory_space<vmem>>) offsets(%arg8 : memref<128xi32, #tpu.memory_space<vmem>>) semaphore(%arg12 : memref<!tpu.dma_semaphore, #tpu.memory_space<semaphore_mem>>)
      %dma_wait3A = arith.constant 0 : i32
      %dma_wait3A_301 = arith.constant 0 : i32
      %dma_wait3A_302 = tpu.memref_slice %arg3[%dma_wait3A, %dma_wait3A_301] : memref<65536x128xf32, #tpu.memory_space<hbm>> -> memref<65536x128xf32, #tpu.memory_space<hbm>>
      tpu.wait_indirect_dma semaphore(%arg11 : memref<!tpu.dma_semaphore, #tpu.memory_space<semaphore_mem>>) src(%dma_wait3A_302 : memref<65536x128xf32, #tpu.memory_space<hbm>>) dst(%arg9 : memref<128x128xf32, #tpu.memory_space<vmem>>)
      %dma_wait3A_303 = arith.constant 0 : i32
      %dma_wait3A_304 = arith.constant 0 : i32
      %dma_wait3A_305 = tpu.memref_slice %arg3[%dma_wait3A_303, %dma_wait3A_304] : memref<65536x128xf32, #tpu.memory_space<hbm>> -> memref<65536x128xf32, #tpu.memory_space<hbm>>
      tpu.wait_indirect_dma semaphore(%arg12 : memref<!tpu.dma_semaphore, #tpu.memory_space<semaphore_mem>>) src(%dma_wait3A_305 : memref<65536x128xf32, #tpu.memory_space<hbm>>) dst(%arg10 : memref<128x128xf32, #tpu.memory_space<vmem>>)
      %add3A_306 = arith.addi %mul3A_2, %mul3A_28 : i32
      "tpu.region"() ({
        %run_scoped3A = tpu.sem_alloc : memref<!tpu.dma_semaphore, #tpu.memory_space<semaphore_mem>>
        %dma_start3A_308 = arith.constant 0 : i32
        %dma_start3A_309 = tpu.memref_slice %arg4[%add3A_306, %dma_start3A_308] : memref<65536x128xf32, #tpu.memory_space<hbm>> -> memref<128x128xf32, #tpu.memory_space<hbm>>
        %dma_start3A_310 = arith.constant 0 : i32
        %dma_start3A_311 = tpu.memref_slice %arg4[%add3A_306, %dma_start3A_310] : memref<65536x128xf32, #tpu.memory_space<hbm>> -> memref<128x128xf32, #tpu.memory_space<hbm>>
        tpu.enqueue_dma source(%arg9 : memref<128x128xf32, #tpu.memory_space<vmem>>) target(%dma_start3A_311 : memref<128x128xf32, #tpu.memory_space<hbm>>) target_semaphore(%run_scoped3A : memref<!tpu.dma_semaphore, #tpu.memory_space<semaphore_mem>>)
        %dma_wait3A_312 = arith.constant 0 : i32
        %dma_wait3A_313 = tpu.memref_slice %arg4[%add3A_306, %dma_wait3A_312] : memref<65536x128xf32, #tpu.memory_space<hbm>> -> memref<128x128xf32, #tpu.memory_space<hbm>>
        %dma_wait3A_314 = arith.constant 0 : i32
        %dma_wait3A_315 = tpu.memref_slice %arg4[%add3A_306, %dma_wait3A_314] : memref<65536x128xf32, #tpu.memory_space<hbm>> -> memref<128x128xf32, #tpu.memory_space<hbm>>
        tpu.wait_dma2 semaphore(%run_scoped3A : memref<!tpu.dma_semaphore, #tpu.memory_space<semaphore_mem>>) src(%arg9 : memref<128x128xf32, #tpu.memory_space<vmem>>) dst(%dma_wait3A_315 : memref<128x128xf32, #tpu.memory_space<hbm>>)
        tpu.yield
      }) : () -> ()
      %add3A_307 = arith.addi %mul3A_2, %mul3A_28 : i32
      "tpu.region"() ({
        %run_scoped3A = tpu.sem_alloc : memref<!tpu.dma_semaphore, #tpu.memory_space<semaphore_mem>>
        %dma_start3A_308 = arith.constant 0 : i32
        %dma_start3A_309 = tpu.memref_slice %arg5[%add3A_307, %dma_start3A_308] : memref<65536x128xf32, #tpu.memory_space<hbm>> -> memref<128x128xf32, #tpu.memory_space<hbm>>
        %dma_start3A_310 = arith.constant 0 : i32
        %dma_start3A_311 = tpu.memref_slice %arg5[%add3A_307, %dma_start3A_310] : memref<65536x128xf32, #tpu.memory_space<hbm>> -> memref<128x128xf32, #tpu.memory_space<hbm>>
        tpu.enqueue_dma source(%arg10 : memref<128x128xf32, #tpu.memory_space<vmem>>) target(%dma_start3A_311 : memref<128x128xf32, #tpu.memory_space<hbm>>) target_semaphore(%run_scoped3A : memref<!tpu.dma_semaphore, #tpu.memory_space<semaphore_mem>>)
        %dma_wait3A_312 = arith.constant 0 : i32
        %dma_wait3A_313 = tpu.memref_slice %arg5[%add3A_307, %dma_wait3A_312] : memref<65536x128xf32, #tpu.memory_space<hbm>> -> memref<128x128xf32, #tpu.memory_space<hbm>>
        %dma_wait3A_314 = arith.constant 0 : i32
        %dma_wait3A_315 = tpu.memref_slice %arg5[%add3A_307, %dma_wait3A_314] : memref<65536x128xf32, #tpu.memory_space<hbm>> -> memref<128x128xf32, #tpu.memory_space<hbm>>
        tpu.wait_dma2 semaphore(%run_scoped3A : memref<!tpu.dma_semaphore, #tpu.memory_space<semaphore_mem>>) src(%arg10 : memref<128x128xf32, #tpu.memory_space<vmem>>) dst(%dma_wait3A_315 : memref<128x128xf32, #tpu.memory_space<hbm>>)
        tpu.yield
      }) : () -> ()
    }
    %scan3A_25 = arith.constant 16 : i32
    return
  }
}

module attributes {stable_mosaic.version = 14 : i64} {
  func.func @_router_body(%arg0: i32, %arg1: memref<2048x128xf32, #tpu.memory_space<vmem>>, %arg2: memref<2048x128xf32, #tpu.memory_space<vmem>>, %arg3: memref<1x1x2048xf32, #tpu.memory_space<vmem>>, %arg4: memref<64x128xf32, #tpu.memory_space<vmem>>, %arg5: memref<64x2xf32, #tpu.memory_space<vmem>>, %arg6: memref<64x65xf32, #tpu.memory_space<vmem>>, %arg7: memref<10x65xf32, #tpu.memory_space<vmem>>, %arg8: memref<1x1x2048xi32, #tpu.memory_space<vmem>>, %arg9: memref<2048x128xf32, #tpu.memory_space<vmem>>) attributes {dimension_semantics = [#tpu.dimension_semantics<arbitrary>], iteration_bounds = array<i64: 32>, scalar_prefetch = 0 : i64, scratch_operands = 0 : i64, tpu.core_type = #tpu.core_type<tc>, window_params = [{transform_indices = @transform_0, window_bounds = array<i64: 2048, 128>}, {transform_indices = @transform_1, window_bounds = array<i64: 2048, 128>}, {transform_indices = @transform_2, window_bounds = array<i64: 1, 1, 2048>}, {pipeline_mode = #tpu.pipeline_mode<synchronous>, transform_indices = @transform_3, window_bounds = array<i64: 64, 128>}, {pipeline_mode = #tpu.pipeline_mode<synchronous>, transform_indices = @transform_4, window_bounds = array<i64: 64, 2>}, {pipeline_mode = #tpu.pipeline_mode<synchronous>, transform_indices = @transform_5, window_bounds = array<i64: 64, 65>}, {pipeline_mode = #tpu.pipeline_mode<synchronous>, transform_indices = @transform_6, window_bounds = array<i64: 10, 65>}, {transform_indices = @transform_7, window_bounds = array<i64: 1, 1, 2048>}, {transform_indices = @transform_8, window_bounds = array<i64: 2048, 128>}]} {
    %get3A = arith.constant 0 : index
    %get3A_0 = arith.constant 0 : index
    %get3A_1 = arith.constant 0 : index
    %get3A_2 = vector.load %arg3[%get3A, %get3A_0, %get3A_1] : memref<1x1x2048xf32, #tpu.memory_space<vmem>>, vector<1x1x2048xf32>
    %get3A_3 = vector.shape_cast %get3A_2 : vector<1x1x2048xf32> to vector<1x2048xf32>
    %add3A = arith.constant 1.000000e+00 : f32
    %add3A_4 = vector.broadcast %add3A : f32 to vector<1x2048xf32>
    %add3A_5 = arith.addf %get3A_3, %add3A_4 : vector<1x2048xf32>
    %mul3A = arith.constant 5.000000e-01 : f32
    %mul3A_6 = vector.broadcast %mul3A : f32 to vector<1x2048xf32>
    %mul3A_7 = arith.mulf %add3A_5, %mul3A_6 : vector<1x2048xf32>
    %mul3A_8 = arith.constant 8.191000e+03 : f32
    %mul3A_9 = vector.broadcast %mul3A_8 : f32 to vector<1x2048xf32>
    %mul3A_10 = arith.mulf %mul3A_7, %mul3A_9 : vector<1x2048xf32>
    %jit3A = arith.constant 0.000000e+00 : f32
    %jit3A_11 = arith.constant 8.191000e+03 : f32
    %max3A = vector.broadcast %jit3A : f32 to vector<1x2048xf32>
    %max3A_12 = arith.maximumf %max3A, %mul3A_10 : vector<1x2048xf32>
    %min3A = vector.broadcast %jit3A_11 : f32 to vector<1x2048xf32>
    %min3A_13 = arith.minimumf %min3A, %max3A_12 : vector<1x2048xf32>
    %floor3A = math.floor %min3A_13 : vector<1x2048xf32>
    %sub3A = arith.subf %min3A_13, %floor3A : vector<1x2048xf32>
    %get3A_14 = arith.constant 0 : index
    %get3A_15 = arith.constant 0 : index
    %get3A_16 = vector.load %arg4[%get3A_14, %get3A_15] : memref<64x128xf32, #tpu.memory_space<vmem>>, vector<64x128xf32>
    %get3A_17 = arith.constant 0 : index
    %get3A_18 = arith.constant 0 : index
    %get3A_19 = vector.load %arg1[%get3A_17, %get3A_18] : memref<2048x128xf32, #tpu.memory_space<vmem>>, vector<2048x128xf32>
    %dot_general3A = arith.constant dense<0.000000e+00> : vector<64x2048xf32>
    %dot_general3A_20 = tpu.matmul %get3A_16, %get3A_19, %dot_general3A {dimension_numbers = #tpu.dot_dimension_numbers<[1], [1], [0], [0], [0, 0, 1, 0], [], []>, transpose_lhs_hint = false} : vector<64x128xf32>, vector<2048x128xf32>, vector<64x2048xf32> -> vector<64x2048xf32>
    %get3A_21 = arith.constant 0 : index
    %get3A_22 = arith.constant 0 : index
    %get3A_23 = vector.load %arg4[%get3A_21, %get3A_22] : memref<64x128xf32, #tpu.memory_space<vmem>>, vector<64x128xf32>
    %get3A_24 = arith.constant 0 : index
    %get3A_25 = arith.constant 0 : index
    %get3A_26 = vector.load %arg2[%get3A_24, %get3A_25] : memref<2048x128xf32, #tpu.memory_space<vmem>>, vector<2048x128xf32>
    %dot_general3A_27 = arith.constant dense<0.000000e+00> : vector<64x2048xf32>
    %dot_general3A_28 = tpu.matmul %get3A_23, %get3A_26, %dot_general3A_27 {dimension_numbers = #tpu.dot_dimension_numbers<[1], [1], [0], [0], [0, 0, 1, 0], [], []>, transpose_lhs_hint = false} : vector<64x128xf32>, vector<2048x128xf32>, vector<64x2048xf32> -> vector<64x2048xf32>
    %broadcast_in_dim3A = arith.constant 1.000000e+00 : f32
    %broadcast_in_dim3A_29 = vector.broadcast %broadcast_in_dim3A : f32 to vector<1x2048xf32>
    %concatenate3A = tpu.concatenate %get3A_3, %broadcast_in_dim3A_29 in 0 : vector<1x2048xf32>, vector<1x2048xf32> -> vector<2x2048xf32>
    %sub3A_30 = arith.subf %dot_general3A_28, %dot_general3A_20 : vector<64x2048xf32>
    %mul3A_31 = vector.broadcast %sub3A : vector<1x2048xf32> to vector<64x2048xf32>
    %mul3A_32 = arith.mulf %mul3A_31, %sub3A_30 : vector<64x2048xf32>
    %add3A_33 = arith.addf %dot_general3A_20, %mul3A_32 : vector<64x2048xf32>
    %get3A_34 = arith.constant 0 : index
    %get3A_35 = arith.constant 0 : index
    %get3A_36 = vector.load %arg5[%get3A_34, %get3A_35] : memref<64x2xf32, #tpu.memory_space<vmem>>, vector<64x2xf32>
    %dot_general3A_37 = arith.constant dense<0.000000e+00> : vector<64x2048xf32>
    %dot_general3A_38 = tpu.matmul %get3A_36, %concatenate3A, %dot_general3A_37 {dimension_numbers = #tpu.dot_dimension_numbers<[1], [0], [0], [1], [0, 0, 1, 1], [], []>, transpose_lhs_hint = false} : vector<64x2xf32>, vector<2x2048xf32>, vector<64x2048xf32> -> vector<64x2048xf32>
    %add3A_39 = arith.addf %add3A_33, %dot_general3A_38 : vector<64x2048xf32>
    %ge3A = arith.constant 0.000000e+00 : f32
    %ge3A_40 = vector.broadcast %ge3A : f32 to vector<64x2048xf32>
    %ge3A_41 = arith.cmpf oge, %add3A_39, %ge3A_40 : vector<64x2048xf32>
    %mul3A_42 = arith.constant 2.000000e-01 : f32
    %mul3A_43 = vector.broadcast %mul3A_42 : f32 to vector<64x2048xf32>
    %mul3A_44 = arith.mulf %mul3A_43, %add3A_39 : vector<64x2048xf32>
    %select_n3A = arith.select %ge3A_41, %add3A_39, %mul3A_44 : vector<64x2048xi1>, vector<64x2048xf32>
    %concatenate3A_45 = tpu.concatenate %select_n3A, %broadcast_in_dim3A_29 in 0 : vector<64x2048xf32>, vector<1x2048xf32> -> vector<65x2048xf32>
    %get3A_46 = arith.constant 0 : index
    %get3A_47 = arith.constant 0 : index
    %get3A_48 = vector.load %arg6[%get3A_46, %get3A_47] : memref<64x65xf32, #tpu.memory_space<vmem>>, vector<64x65xf32>
    %dot_general3A_49 = arith.constant dense<0.000000e+00> : vector<64x2048xf32>
    %dot_general3A_50 = tpu.matmul %get3A_48, %concatenate3A_45, %dot_general3A_49 {dimension_numbers = #tpu.dot_dimension_numbers<[1], [0], [0], [1], [0, 0, 1, 1], [], []>, transpose_lhs_hint = false} : vector<64x65xf32>, vector<65x2048xf32>, vector<64x2048xf32> -> vector<64x2048xf32>
    %add3A_51 = arith.addf %select_n3A, %dot_general3A_50 : vector<64x2048xf32>
    %ge3A_52 = arith.constant 0.000000e+00 : f32
    %ge3A_53 = vector.broadcast %ge3A_52 : f32 to vector<64x2048xf32>
    %ge3A_54 = arith.cmpf oge, %add3A_51, %ge3A_53 : vector<64x2048xf32>
    %mul3A_55 = arith.constant 2.000000e-01 : f32
    %mul3A_56 = vector.broadcast %mul3A_55 : f32 to vector<64x2048xf32>
    %mul3A_57 = arith.mulf %mul3A_56, %add3A_51 : vector<64x2048xf32>
    %select_n3A_58 = arith.select %ge3A_54, %add3A_51, %mul3A_57 : vector<64x2048xi1>, vector<64x2048xf32>
    %concatenate3A_59 = tpu.concatenate %select_n3A_58, %broadcast_in_dim3A_29 in 0 : vector<64x2048xf32>, vector<1x2048xf32> -> vector<65x2048xf32>
    %get3A_60 = arith.constant 0 : index
    %get3A_61 = arith.constant 0 : index
    %get3A_62 = vector.load %arg7[%get3A_60, %get3A_61] : memref<10x65xf32, #tpu.memory_space<vmem>>, vector<10x65xf32>
    %dot_general3A_63 = arith.constant dense<0.000000e+00> : vector<10x2048xf32>
    %dot_general3A_64 = tpu.matmul %get3A_62, %concatenate3A_59, %dot_general3A_63 {dimension_numbers = #tpu.dot_dimension_numbers<[1], [0], [0], [1], [0, 0, 1, 1], [], []>, transpose_lhs_hint = false} : vector<10x65xf32>, vector<65x2048xf32>, vector<10x2048xf32> -> vector<10x2048xf32>
    %slice3A = vector.extract_strided_slice %dot_general3A_64 {offsets = [0, 0], sizes = [5, 2048], strides = [1, 1]} : vector<10x2048xf32> to vector<5x2048xf32>
    %tanh3A = math.tanh %slice3A : vector<5x2048xf32>
    %mul3A_65 = arith.constant 7.32421875E-4 : f32
    %mul3A_66 = vector.broadcast %mul3A_65 : f32 to vector<5x2048xf32>
    %mul3A_67 = arith.mulf %tanh3A, %mul3A_66 : vector<5x2048xf32>
    %slice3A_68 = vector.extract_strided_slice %dot_general3A_64 {offsets = [5, 0], sizes = [5, 2048], strides = [1, 1]} : vector<10x2048xf32> to vector<5x2048xf32>
    %reduce_max3A = arith.constant dense<0xFF800000> : vector<2048xf32>
    %reduce_max3A_69 = vector.multi_reduction <maximumf>, %slice3A_68, %reduce_max3A [0] : vector<5x2048xf32> to vector<2048xf32>
    %broadcast_in_dim3A_70 = vector.shape_cast %reduce_max3A_69 : vector<2048xf32> to vector<1x2048xf32>
    %sub3A_71 = vector.broadcast %broadcast_in_dim3A_70 : vector<1x2048xf32> to vector<5x2048xf32>
    %sub3A_72 = arith.subf %slice3A_68, %sub3A_71 : vector<5x2048xf32>
    %exp3A = math.exp %sub3A_72 : vector<5x2048xf32>
    %reduce_sum3A = arith.constant dense<0.000000e+00> : vector<2048xf32>
    %reduce_sum3A_73 = vector.multi_reduction <add>, %exp3A, %reduce_sum3A [0] : vector<5x2048xf32> to vector<2048xf32>
    %broadcast_in_dim3A_74 = vector.shape_cast %reduce_sum3A_73 : vector<2048xf32> to vector<1x2048xf32>
    %div3A = vector.broadcast %broadcast_in_dim3A_74 : vector<1x2048xf32> to vector<5x2048xf32>
    %div3A_75 = arith.divf %exp3A, %div3A : vector<5x2048xf32>
    %add3A_76 = vector.broadcast %get3A_3 : vector<1x2048xf32> to vector<5x2048xf32>
    %add3A_77 = arith.addf %add3A_76, %mul3A_67 : vector<5x2048xf32>
    %add3A_78 = arith.constant 1.000000e+00 : f32
    %add3A_79 = vector.broadcast %add3A_78 : f32 to vector<5x2048xf32>
    %add3A_80 = arith.addf %add3A_77, %add3A_79 : vector<5x2048xf32>
    %mul3A_81 = arith.constant 5.000000e-01 : f32
    %mul3A_82 = vector.broadcast %mul3A_81 : f32 to vector<5x2048xf32>
    %mul3A_83 = arith.mulf %add3A_80, %mul3A_82 : vector<5x2048xf32>
    %mul3A_84 = arith.constant 8.191000e+03 : f32
    %mul3A_85 = vector.broadcast %mul3A_84 : f32 to vector<5x2048xf32>
    %mul3A_86 = arith.mulf %mul3A_83, %mul3A_85 : vector<5x2048xf32>
    %jit3A_87 = arith.constant 0.000000e+00 : f32
    %jit3A_88 = arith.constant 8.191000e+03 : f32
    %max3A_89 = vector.broadcast %jit3A_87 : f32 to vector<5x2048xf32>
    %max3A_90 = arith.maximumf %max3A_89, %mul3A_86 : vector<5x2048xf32>
    %min3A_91 = vector.broadcast %jit3A_88 : f32 to vector<5x2048xf32>
    %min3A_92 = arith.minimumf %min3A_91, %max3A_90 : vector<5x2048xf32>
    %floor3A_93 = math.floor %min3A_92 : vector<5x2048xf32>
    %sub3A_94 = arith.subf %min3A_92, %floor3A_93 : vector<5x2048xf32>
    %convert_element_type3A = arith.fptosi %floor3A_93 : vector<5x2048xf32> to vector<5x2048xi32>
    %add3A_95 = arith.constant 1 : i32
    %add3A_96 = vector.broadcast %add3A_95 : i32 to vector<5x2048xi32>
    %add3A_97 = arith.addi %convert_element_type3A, %add3A_96 : vector<5x2048xi32>
    %min3A_98 = arith.constant 8191 : i32
    %min3A_99 = vector.broadcast %min3A_98 : i32 to vector<5x2048xi32>
    %min3A_100 = arith.minsi %add3A_97, %min3A_99 : vector<5x2048xi32>
    %convert_element_type3A_101 = arith.fptosi %floor3A : vector<1x2048xf32> to vector<1x2048xi32>
    %sub3A_102 = arith.constant 3 : i32
    %sub3A_103 = vector.broadcast %sub3A_102 : i32 to vector<1x2048xi32>
    %sub3A_104 = arith.subi %convert_element_type3A_101, %sub3A_103 : vector<1x2048xi32>
    %jit3A_105 = arith.constant 0 : i32
    %jit3A_106 = arith.constant 8184 : i32
    %max3A_107 = vector.broadcast %jit3A_105 : i32 to vector<1x2048xi32>
    %max3A_108 = arith.maxsi %max3A_107, %sub3A_104 : vector<1x2048xi32>
    %min3A_109 = vector.broadcast %jit3A_106 : i32 to vector<1x2048xi32>
    %min3A_110 = arith.minsi %min3A_109, %max3A_108 : vector<1x2048xi32>
    %sub3A_111 = vector.broadcast %min3A_110 : vector<1x2048xi32> to vector<5x2048xi32>
    %sub3A_112 = arith.subi %convert_element_type3A, %sub3A_111 : vector<5x2048xi32>
    %jit3A_113 = arith.constant 0 : i32
    %jit3A_114 = arith.constant 7 : i32
    %max3A_115 = vector.broadcast %jit3A_113 : i32 to vector<5x2048xi32>
    %max3A_116 = arith.maxsi %max3A_115, %sub3A_112 : vector<5x2048xi32>
    %min3A_117 = vector.broadcast %jit3A_114 : i32 to vector<5x2048xi32>
    %min3A_118 = arith.minsi %min3A_117, %max3A_116 : vector<5x2048xi32>
    %sub3A_119 = vector.broadcast %min3A_110 : vector<1x2048xi32> to vector<5x2048xi32>
    %sub3A_120 = arith.subi %min3A_100, %sub3A_119 : vector<5x2048xi32>
    %jit3A_121 = arith.constant 0 : i32
    %jit3A_122 = arith.constant 7 : i32
    %max3A_123 = vector.broadcast %jit3A_121 : i32 to vector<5x2048xi32>
    %max3A_124 = arith.maxsi %max3A_123, %sub3A_120 : vector<5x2048xi32>
    %min3A_125 = vector.broadcast %jit3A_122 : i32 to vector<5x2048xi32>
    %min3A_126 = arith.minsi %min3A_125, %max3A_124 : vector<5x2048xi32>
    %sub3A_127 = arith.constant 1.000000e+00 : f32
    %sub3A_128 = vector.broadcast %sub3A_127 : f32 to vector<5x2048xf32>
    %sub3A_129 = arith.subf %sub3A_128, %sub3A_94 : vector<5x2048xf32>
    %mul3A_130 = arith.mulf %div3A_75, %sub3A_129 : vector<5x2048xf32>
    %mul3A_131 = arith.mulf %div3A_75, %sub3A_94 : vector<5x2048xf32>
    %eq3A = arith.constant 0 : i32
    %eq3A_132 = vector.broadcast %eq3A : i32 to vector<5x2048xi32>
    %eq3A_133 = arith.cmpi eq, %min3A_118, %eq3A_132 : vector<5x2048xi32>
    %jit3A_134 = arith.constant 0.000000e+00 : f32
    %broadcast_in_dim3A_135 = vector.broadcast %jit3A_134 : f32 to vector<5x2048xf32>
    %select_n3A_136 = arith.select %eq3A_133, %mul3A_130, %broadcast_in_dim3A_135 : vector<5x2048xi1>, vector<5x2048xf32>
    %reduce_sum3A_137 = arith.constant dense<0.000000e+00> : vector<2048xf32>
    %reduce_sum3A_138 = vector.multi_reduction <add>, %select_n3A_136, %reduce_sum3A_137 [0] : vector<5x2048xf32> to vector<2048xf32>
    %broadcast_in_dim3A_139 = vector.shape_cast %reduce_sum3A_138 : vector<2048xf32> to vector<1x2048xf32>
    %eq3A_140 = arith.constant 0 : i32
    %eq3A_141 = vector.broadcast %eq3A_140 : i32 to vector<5x2048xi32>
    %eq3A_142 = arith.cmpi eq, %min3A_126, %eq3A_141 : vector<5x2048xi32>
    %jit3A_143 = arith.constant 0.000000e+00 : f32
    %broadcast_in_dim3A_144 = vector.broadcast %jit3A_143 : f32 to vector<5x2048xf32>
    %select_n3A_145 = arith.select %eq3A_142, %mul3A_131, %broadcast_in_dim3A_144 : vector<5x2048xi1>, vector<5x2048xf32>
    %reduce_sum3A_146 = arith.constant dense<0.000000e+00> : vector<2048xf32>
    %reduce_sum3A_147 = vector.multi_reduction <add>, %select_n3A_145, %reduce_sum3A_146 [0] : vector<5x2048xf32> to vector<2048xf32>
    %broadcast_in_dim3A_148 = vector.shape_cast %reduce_sum3A_147 : vector<2048xf32> to vector<1x2048xf32>
    %add3A_149 = arith.addf %broadcast_in_dim3A_139, %broadcast_in_dim3A_148 : vector<1x2048xf32>
    %eq3A_150 = arith.constant 1 : i32
    %eq3A_151 = vector.broadcast %eq3A_150 : i32 to vector<5x2048xi32>
    %eq3A_152 = arith.cmpi eq, %min3A_118, %eq3A_151 : vector<5x2048xi32>
    %jit3A_153 = arith.constant 0.000000e+00 : f32
    %broadcast_in_dim3A_154 = vector.broadcast %jit3A_153 : f32 to vector<5x2048xf32>
    %select_n3A_155 = arith.select %eq3A_152, %mul3A_130, %broadcast_in_dim3A_154 : vector<5x2048xi1>, vector<5x2048xf32>
    %reduce_sum3A_156 = arith.constant dense<0.000000e+00> : vector<2048xf32>
    %reduce_sum3A_157 = vector.multi_reduction <add>, %select_n3A_155, %reduce_sum3A_156 [0] : vector<5x2048xf32> to vector<2048xf32>
    %broadcast_in_dim3A_158 = vector.shape_cast %reduce_sum3A_157 : vector<2048xf32> to vector<1x2048xf32>
    %eq3A_159 = arith.constant 1 : i32
    %eq3A_160 = vector.broadcast %eq3A_159 : i32 to vector<5x2048xi32>
    %eq3A_161 = arith.cmpi eq, %min3A_126, %eq3A_160 : vector<5x2048xi32>
    %jit3A_162 = arith.constant 0.000000e+00 : f32
    %broadcast_in_dim3A_163 = vector.broadcast %jit3A_162 : f32 to vector<5x2048xf32>
    %select_n3A_164 = arith.select %eq3A_161, %mul3A_131, %broadcast_in_dim3A_163 : vector<5x2048xi1>, vector<5x2048xf32>
    %reduce_sum3A_165 = arith.constant dense<0.000000e+00> : vector<2048xf32>
    %reduce_sum3A_166 = vector.multi_reduction <add>, %select_n3A_164, %reduce_sum3A_165 [0] : vector<5x2048xf32> to vector<2048xf32>
    %broadcast_in_dim3A_167 = vector.shape_cast %reduce_sum3A_166 : vector<2048xf32> to vector<1x2048xf32>
    %add3A_168 = arith.addf %broadcast_in_dim3A_158, %broadcast_in_dim3A_167 : vector<1x2048xf32>
    %eq3A_169 = arith.constant 2 : i32
    %eq3A_170 = vector.broadcast %eq3A_169 : i32 to vector<5x2048xi32>
    %eq3A_171 = arith.cmpi eq, %min3A_118, %eq3A_170 : vector<5x2048xi32>
    %jit3A_172 = arith.constant 0.000000e+00 : f32
    %broadcast_in_dim3A_173 = vector.broadcast %jit3A_172 : f32 to vector<5x2048xf32>
    %select_n3A_174 = arith.select %eq3A_171, %mul3A_130, %broadcast_in_dim3A_173 : vector<5x2048xi1>, vector<5x2048xf32>
    %reduce_sum3A_175 = arith.constant dense<0.000000e+00> : vector<2048xf32>
    %reduce_sum3A_176 = vector.multi_reduction <add>, %select_n3A_174, %reduce_sum3A_175 [0] : vector<5x2048xf32> to vector<2048xf32>
    %broadcast_in_dim3A_177 = vector.shape_cast %reduce_sum3A_176 : vector<2048xf32> to vector<1x2048xf32>
    %eq3A_178 = arith.constant 2 : i32
    %eq3A_179 = vector.broadcast %eq3A_178 : i32 to vector<5x2048xi32>
    %eq3A_180 = arith.cmpi eq, %min3A_126, %eq3A_179 : vector<5x2048xi32>
    %jit3A_181 = arith.constant 0.000000e+00 : f32
    %broadcast_in_dim3A_182 = vector.broadcast %jit3A_181 : f32 to vector<5x2048xf32>
    %select_n3A_183 = arith.select %eq3A_180, %mul3A_131, %broadcast_in_dim3A_182 : vector<5x2048xi1>, vector<5x2048xf32>
    %reduce_sum3A_184 = arith.constant dense<0.000000e+00> : vector<2048xf32>
    %reduce_sum3A_185 = vector.multi_reduction <add>, %select_n3A_183, %reduce_sum3A_184 [0] : vector<5x2048xf32> to vector<2048xf32>
    %broadcast_in_dim3A_186 = vector.shape_cast %reduce_sum3A_185 : vector<2048xf32> to vector<1x2048xf32>
    %add3A_187 = arith.addf %broadcast_in_dim3A_177, %broadcast_in_dim3A_186 : vector<1x2048xf32>
    %eq3A_188 = arith.constant 3 : i32
    %eq3A_189 = vector.broadcast %eq3A_188 : i32 to vector<5x2048xi32>
    %eq3A_190 = arith.cmpi eq, %min3A_118, %eq3A_189 : vector<5x2048xi32>
    %jit3A_191 = arith.constant 0.000000e+00 : f32
    %broadcast_in_dim3A_192 = vector.broadcast %jit3A_191 : f32 to vector<5x2048xf32>
    %select_n3A_193 = arith.select %eq3A_190, %mul3A_130, %broadcast_in_dim3A_192 : vector<5x2048xi1>, vector<5x2048xf32>
    %reduce_sum3A_194 = arith.constant dense<0.000000e+00> : vector<2048xf32>
    %reduce_sum3A_195 = vector.multi_reduction <add>, %select_n3A_193, %reduce_sum3A_194 [0] : vector<5x2048xf32> to vector<2048xf32>
    %broadcast_in_dim3A_196 = vector.shape_cast %reduce_sum3A_195 : vector<2048xf32> to vector<1x2048xf32>
    %eq3A_197 = arith.constant 3 : i32
    %eq3A_198 = vector.broadcast %eq3A_197 : i32 to vector<5x2048xi32>
    %eq3A_199 = arith.cmpi eq, %min3A_126, %eq3A_198 : vector<5x2048xi32>
    %jit3A_200 = arith.constant 0.000000e+00 : f32
    %broadcast_in_dim3A_201 = vector.broadcast %jit3A_200 : f32 to vector<5x2048xf32>
    %select_n3A_202 = arith.select %eq3A_199, %mul3A_131, %broadcast_in_dim3A_201 : vector<5x2048xi1>, vector<5x2048xf32>
    %reduce_sum3A_203 = arith.constant dense<0.000000e+00> : vector<2048xf32>
    %reduce_sum3A_204 = vector.multi_reduction <add>, %select_n3A_202, %reduce_sum3A_203 [0] : vector<5x2048xf32> to vector<2048xf32>
    %broadcast_in_dim3A_205 = vector.shape_cast %reduce_sum3A_204 : vector<2048xf32> to vector<1x2048xf32>
    %add3A_206 = arith.addf %broadcast_in_dim3A_196, %broadcast_in_dim3A_205 : vector<1x2048xf32>
    %eq3A_207 = arith.constant 4 : i32
    %eq3A_208 = vector.broadcast %eq3A_207 : i32 to vector<5x2048xi32>
    %eq3A_209 = arith.cmpi eq, %min3A_118, %eq3A_208 : vector<5x2048xi32>
    %jit3A_210 = arith.constant 0.000000e+00 : f32
    %broadcast_in_dim3A_211 = vector.broadcast %jit3A_210 : f32 to vector<5x2048xf32>
    %select_n3A_212 = arith.select %eq3A_209, %mul3A_130, %broadcast_in_dim3A_211 : vector<5x2048xi1>, vector<5x2048xf32>
    %reduce_sum3A_213 = arith.constant dense<0.000000e+00> : vector<2048xf32>
    %reduce_sum3A_214 = vector.multi_reduction <add>, %select_n3A_212, %reduce_sum3A_213 [0] : vector<5x2048xf32> to vector<2048xf32>
    %broadcast_in_dim3A_215 = vector.shape_cast %reduce_sum3A_214 : vector<2048xf32> to vector<1x2048xf32>
    %eq3A_216 = arith.constant 4 : i32
    %eq3A_217 = vector.broadcast %eq3A_216 : i32 to vector<5x2048xi32>
    %eq3A_218 = arith.cmpi eq, %min3A_126, %eq3A_217 : vector<5x2048xi32>
    %jit3A_219 = arith.constant 0.000000e+00 : f32
    %broadcast_in_dim3A_220 = vector.broadcast %jit3A_219 : f32 to vector<5x2048xf32>
    %select_n3A_221 = arith.select %eq3A_218, %mul3A_131, %broadcast_in_dim3A_220 : vector<5x2048xi1>, vector<5x2048xf32>
    %reduce_sum3A_222 = arith.constant dense<0.000000e+00> : vector<2048xf32>
    %reduce_sum3A_223 = vector.multi_reduction <add>, %select_n3A_221, %reduce_sum3A_222 [0] : vector<5x2048xf32> to vector<2048xf32>
    %broadcast_in_dim3A_224 = vector.shape_cast %reduce_sum3A_223 : vector<2048xf32> to vector<1x2048xf32>
    %add3A_225 = arith.addf %broadcast_in_dim3A_215, %broadcast_in_dim3A_224 : vector<1x2048xf32>
    %eq3A_226 = arith.constant 5 : i32
    %eq3A_227 = vector.broadcast %eq3A_226 : i32 to vector<5x2048xi32>
    %eq3A_228 = arith.cmpi eq, %min3A_118, %eq3A_227 : vector<5x2048xi32>
    %jit3A_229 = arith.constant 0.000000e+00 : f32
    %broadcast_in_dim3A_230 = vector.broadcast %jit3A_229 : f32 to vector<5x2048xf32>
    %select_n3A_231 = arith.select %eq3A_228, %mul3A_130, %broadcast_in_dim3A_230 : vector<5x2048xi1>, vector<5x2048xf32>
    %reduce_sum3A_232 = arith.constant dense<0.000000e+00> : vector<2048xf32>
    %reduce_sum3A_233 = vector.multi_reduction <add>, %select_n3A_231, %reduce_sum3A_232 [0] : vector<5x2048xf32> to vector<2048xf32>
    %broadcast_in_dim3A_234 = vector.shape_cast %reduce_sum3A_233 : vector<2048xf32> to vector<1x2048xf32>
    %eq3A_235 = arith.constant 5 : i32
    %eq3A_236 = vector.broadcast %eq3A_235 : i32 to vector<5x2048xi32>
    %eq3A_237 = arith.cmpi eq, %min3A_126, %eq3A_236 : vector<5x2048xi32>
    %jit3A_238 = arith.constant 0.000000e+00 : f32
    %broadcast_in_dim3A_239 = vector.broadcast %jit3A_238 : f32 to vector<5x2048xf32>
    %select_n3A_240 = arith.select %eq3A_237, %mul3A_131, %broadcast_in_dim3A_239 : vector<5x2048xi1>, vector<5x2048xf32>
    %reduce_sum3A_241 = arith.constant dense<0.000000e+00> : vector<2048xf32>
    %reduce_sum3A_242 = vector.multi_reduction <add>, %select_n3A_240, %reduce_sum3A_241 [0] : vector<5x2048xf32> to vector<2048xf32>
    %broadcast_in_dim3A_243 = vector.shape_cast %reduce_sum3A_242 : vector<2048xf32> to vector<1x2048xf32>
    %add3A_244 = arith.addf %broadcast_in_dim3A_234, %broadcast_in_dim3A_243 : vector<1x2048xf32>
    %eq3A_245 = arith.constant 6 : i32
    %eq3A_246 = vector.broadcast %eq3A_245 : i32 to vector<5x2048xi32>
    %eq3A_247 = arith.cmpi eq, %min3A_118, %eq3A_246 : vector<5x2048xi32>
    %jit3A_248 = arith.constant 0.000000e+00 : f32
    %broadcast_in_dim3A_249 = vector.broadcast %jit3A_248 : f32 to vector<5x2048xf32>
    %select_n3A_250 = arith.select %eq3A_247, %mul3A_130, %broadcast_in_dim3A_249 : vector<5x2048xi1>, vector<5x2048xf32>
    %reduce_sum3A_251 = arith.constant dense<0.000000e+00> : vector<2048xf32>
    %reduce_sum3A_252 = vector.multi_reduction <add>, %select_n3A_250, %reduce_sum3A_251 [0] : vector<5x2048xf32> to vector<2048xf32>
    %broadcast_in_dim3A_253 = vector.shape_cast %reduce_sum3A_252 : vector<2048xf32> to vector<1x2048xf32>
    %eq3A_254 = arith.constant 6 : i32
    %eq3A_255 = vector.broadcast %eq3A_254 : i32 to vector<5x2048xi32>
    %eq3A_256 = arith.cmpi eq, %min3A_126, %eq3A_255 : vector<5x2048xi32>
    %jit3A_257 = arith.constant 0.000000e+00 : f32
    %broadcast_in_dim3A_258 = vector.broadcast %jit3A_257 : f32 to vector<5x2048xf32>
    %select_n3A_259 = arith.select %eq3A_256, %mul3A_131, %broadcast_in_dim3A_258 : vector<5x2048xi1>, vector<5x2048xf32>
    %reduce_sum3A_260 = arith.constant dense<0.000000e+00> : vector<2048xf32>
    %reduce_sum3A_261 = vector.multi_reduction <add>, %select_n3A_259, %reduce_sum3A_260 [0] : vector<5x2048xf32> to vector<2048xf32>
    %broadcast_in_dim3A_262 = vector.shape_cast %reduce_sum3A_261 : vector<2048xf32> to vector<1x2048xf32>
    %add3A_263 = arith.addf %broadcast_in_dim3A_253, %broadcast_in_dim3A_262 : vector<1x2048xf32>
    %eq3A_264 = arith.constant 7 : i32
    %eq3A_265 = vector.broadcast %eq3A_264 : i32 to vector<5x2048xi32>
    %eq3A_266 = arith.cmpi eq, %min3A_118, %eq3A_265 : vector<5x2048xi32>
    %jit3A_267 = arith.constant 0.000000e+00 : f32
    %broadcast_in_dim3A_268 = vector.broadcast %jit3A_267 : f32 to vector<5x2048xf32>
    %select_n3A_269 = arith.select %eq3A_266, %mul3A_130, %broadcast_in_dim3A_268 : vector<5x2048xi1>, vector<5x2048xf32>
    %reduce_sum3A_270 = arith.constant dense<0.000000e+00> : vector<2048xf32>
    %reduce_sum3A_271 = vector.multi_reduction <add>, %select_n3A_269, %reduce_sum3A_270 [0] : vector<5x2048xf32> to vector<2048xf32>
    %broadcast_in_dim3A_272 = vector.shape_cast %reduce_sum3A_271 : vector<2048xf32> to vector<1x2048xf32>
    %eq3A_273 = arith.constant 7 : i32
    %eq3A_274 = vector.broadcast %eq3A_273 : i32 to vector<5x2048xi32>
    %eq3A_275 = arith.cmpi eq, %min3A_126, %eq3A_274 : vector<5x2048xi32>
    %jit3A_276 = arith.constant 0.000000e+00 : f32
    %broadcast_in_dim3A_277 = vector.broadcast %jit3A_276 : f32 to vector<5x2048xf32>
    %select_n3A_278 = arith.select %eq3A_275, %mul3A_131, %broadcast_in_dim3A_277 : vector<5x2048xi1>, vector<5x2048xf32>
    %reduce_sum3A_279 = arith.constant dense<0.000000e+00> : vector<2048xf32>
    %reduce_sum3A_280 = vector.multi_reduction <add>, %select_n3A_278, %reduce_sum3A_279 [0] : vector<5x2048xf32> to vector<2048xf32>
    %broadcast_in_dim3A_281 = vector.shape_cast %reduce_sum3A_280 : vector<2048xf32> to vector<1x2048xf32>
    %add3A_282 = arith.addf %broadcast_in_dim3A_272, %broadcast_in_dim3A_281 : vector<1x2048xf32>
    %concatenate3A_283 = tpu.concatenate %add3A_149, %add3A_168, %add3A_187, %add3A_206, %add3A_225, %add3A_244, %add3A_263, %add3A_282 in 0 : vector<1x2048xf32>, vector<1x2048xf32>, vector<1x2048xf32>, vector<1x2048xf32>, vector<1x2048xf32>, vector<1x2048xf32>, vector<1x2048xf32>, vector<1x2048xf32> -> vector<8x2048xf32>
    %iota3A = tpu.iota {dimensions = array<i32: 1>} : vector<8x128xi32>
    %jit3A_284 = arith.constant 16 : i32
    %div3A_285 = vector.broadcast %jit3A_284 : i32 to vector<8x128xi32>
    %div3A_286 = arith.divsi %iota3A, %div3A_285 : vector<8x128xi32>
    %sign3A = arith.constant 0 : i32
    %sign3A_287 = vector.broadcast %sign3A : i32 to vector<8x128xi32>
    %sign3A_288 = arith.cmpi sgt, %iota3A, %sign3A_287 : vector<8x128xi32>
    %sign3A_289 = arith.extui %sign3A_288 : vector<8x128xi1> to vector<8x128xi32>
    %sign3A_290 = arith.constant 0 : i32
    %sign3A_291 = vector.broadcast %sign3A_290 : i32 to vector<8x128xi32>
    %sign3A_292 = arith.cmpi slt, %iota3A, %sign3A_291 : vector<8x128xi32>
    %sign3A_293 = arith.extui %sign3A_292 : vector<8x128xi1> to vector<8x128xi32>
    %sign3A_294 = arith.subi %sign3A_289, %sign3A_293 : vector<8x128xi32>
    %sign3A_295 = arith.constant 0 : i32
    %sign3A_296 = arith.cmpi sgt, %jit3A_284, %sign3A_295 : i32
    %sign3A_297 = arith.extui %sign3A_296 : i1 to i32
    %sign3A_298 = arith.constant 0 : i32
    %sign3A_299 = arith.cmpi slt, %jit3A_284, %sign3A_298 : i32
    %sign3A_300 = arith.extui %sign3A_299 : i1 to i32
    %sign3A_301 = arith.subi %sign3A_297, %sign3A_300 : i32
    %ne3A = vector.broadcast %sign3A_301 : i32 to vector<8x128xi32>
    %ne3A_302 = arith.cmpi ne, %sign3A_294, %ne3A : vector<8x128xi32>
    %rem3A = vector.broadcast %jit3A_284 : i32 to vector<8x128xi32>
    %rem3A_303 = arith.remsi %iota3A, %rem3A : vector<8x128xi32>
    %ne3A_304 = arith.constant 0 : i32
    %ne3A_305 = vector.broadcast %ne3A_304 : i32 to vector<8x128xi32>
    %ne3A_306 = arith.cmpi ne, %rem3A_303, %ne3A_305 : vector<8x128xi32>
    %and3A = arith.andi %ne3A_302, %ne3A_306 : vector<8x128xi1>
    %sub3A_307 = arith.constant 1 : i32
    %sub3A_308 = vector.broadcast %sub3A_307 : i32 to vector<8x128xi32>
    %sub3A_309 = arith.subi %div3A_286, %sub3A_308 : vector<8x128xi32>
    %select_n3A_310 = arith.select %and3A, %sub3A_309, %div3A_286 : vector<8x128xi1>, vector<8x128xi32>
    %iota3A_311 = tpu.iota {dimensions = array<i32: 0>} : vector<8x128xi32>
    %eq3A_312 = arith.cmpi eq, %select_n3A_310, %iota3A_311 : vector<8x128xi32>
    %convert_element_type3A_313 = arith.extui %eq3A_312 : vector<8x128xi1> to vector<8x128xi32>
    %convert_element_type3A_314 = arith.sitofp %convert_element_type3A_313 : vector<8x128xi32> to vector<8x128xf32>
    %dot_general3A_315 = arith.constant dense<0.000000e+00> : vector<2048x128xf32>
    %dot_general3A_316 = tpu.matmul %concatenate3A_283, %convert_element_type3A_314, %dot_general3A_315 {dimension_numbers = #tpu.dot_dimension_numbers<[0], [0], [1], [1], [0, 1, 1, 1], [], []>, transpose_lhs_hint = false} : vector<8x2048xf32>, vector<8x128xf32>, vector<2048x128xf32> -> vector<2048x128xf32>
    %jit3A_317 = arith.constant 4 : i32
    %div3A_318 = arith.divsi %arg0, %jit3A_317 : i32
    %sign3A_319 = arith.constant 0 : i32
    %sign3A_320 = arith.cmpi sgt, %arg0, %sign3A_319 : i32
    %sign3A_321 = arith.extui %sign3A_320 : i1 to i32
    %sign3A_322 = arith.constant 0 : i32
    %sign3A_323 = arith.cmpi slt, %arg0, %sign3A_322 : i32
    %sign3A_324 = arith.extui %sign3A_323 : i1 to i32
    %sign3A_325 = arith.subi %sign3A_321, %sign3A_324 : i32
    %sign3A_326 = arith.constant 0 : i32
    %sign3A_327 = arith.cmpi sgt, %jit3A_317, %sign3A_326 : i32
    %sign3A_328 = arith.extui %sign3A_327 : i1 to i32
    %sign3A_329 = arith.constant 0 : i32
    %sign3A_330 = arith.cmpi slt, %jit3A_317, %sign3A_329 : i32
    %sign3A_331 = arith.extui %sign3A_330 : i1 to i32
    %sign3A_332 = arith.subi %sign3A_328, %sign3A_331 : i32
    %ne3A_333 = arith.cmpi ne, %sign3A_325, %sign3A_332 : i32
    %rem3A_334 = arith.remsi %arg0, %jit3A_317 : i32
    %ne3A_335 = arith.constant 0 : i32
    %ne3A_336 = arith.cmpi ne, %rem3A_334, %ne3A_335 : i32
    %and3A_337 = arith.andi %ne3A_333, %ne3A_336 : i1
    %sub3A_338 = arith.constant 1 : i32
    %sub3A_339 = arith.subi %div3A_318, %sub3A_338 : i32
    %select_n3A_340 = arith.select %and3A_337, %sub3A_339, %div3A_318 : i32
    %mul3A_341 = arith.constant 8192 : i32
    %mul3A_342 = arith.muli %select_n3A_340, %mul3A_341 : i32
    %add3A_343 = vector.broadcast %mul3A_342 : i32 to vector<1x2048xi32>
    %add3A_344 = arith.addi %min3A_110, %add3A_343 : vector<1x2048xi32>
    %swap3A = arith.constant 0 : index
    %swap3A_345 = arith.constant 0 : index
    %swap3A_346 = arith.constant 0 : index
    %swap3A_347 = vector.load %arg8[%swap3A, %swap3A_345, %swap3A_346] : memref<1x1x2048xi32, #tpu.memory_space<vmem>>, vector<1x1x2048xi32>
    %swap3A_348 = vector.shape_cast %swap3A_347 : vector<1x1x2048xi32> to vector<1x2048xi32>
    %swap3A_349 = vector.shape_cast %add3A_344 : vector<1x2048xi32> to vector<1x1x2048xi32>
    tpu.vector_store %arg8[%swap3A, %swap3A_345, %swap3A_346], %swap3A_349 {strides = array<i32>} : memref<1x1x2048xi32, #tpu.memory_space<vmem>>, vector<1x1x2048xi32>,
    %swap3A_350 = arith.constant 0 : index
    %swap3A_351 = arith.constant 0 : index
    %swap3A_352 = vector.load %arg9[%swap3A_350, %swap3A_351] : memref<2048x128xf32, #tpu.memory_space<vmem>>, vector<2048x128xf32>
    tpu.vector_store %arg9[%swap3A_350, %swap3A_351], %dot_general3A_316 {strides = array<i32>} : memref<2048x128xf32, #tpu.memory_space<vmem>>, vector<2048x128xf32>,
    return
  }
  func.func @transform_0(%arg0: i32) -> (i32, i32) {
    %c0_i32 = arith.constant 0 : i32
    %c0_i32_0 = arith.constant 0 : i32
    return %arg0, %c0_i32 : i32, i32
  }
  func.func @transform_1(%arg0: i32) -> (i32, i32) {
    %c0_i32 = arith.constant 0 : i32
    %c0_i32_0 = arith.constant 0 : i32
    return %arg0, %c0_i32 : i32, i32
  }
  func.func @transform_2(%arg0: i32) -> (i32, i32, i32) {
    %c0_i32 = arith.constant 0 : i32
    %c0_i32_0 = arith.constant 0 : i32
    %c0_i32_1 = arith.constant 0 : i32
    return %arg0, %c0_i32, %c0_i32_0 : i32, i32, i32
  }
  func.func @transform_3(%arg0: i32) -> (i32, i32) {
    %c0_i32 = arith.constant 0 : i32
    %c0_i32_0 = arith.constant 0 : i32
    %c0_i32_1 = arith.constant 0 : i32
    return %c0_i32, %c0_i32_0 : i32, i32
  }
  func.func @transform_4(%arg0: i32) -> (i32, i32) {
    %c0_i32 = arith.constant 0 : i32
    %c0_i32_0 = arith.constant 0 : i32
    %c0_i32_1 = arith.constant 0 : i32
    return %c0_i32, %c0_i32_0 : i32, i32
  }
  func.func @transform_5(%arg0: i32) -> (i32, i32) {
    %c0_i32 = arith.constant 0 : i32
    %c0_i32_0 = arith.constant 0 : i32
    %c0_i32_1 = arith.constant 0 : i32
    return %c0_i32, %c0_i32_0 : i32, i32
  }
  func.func @transform_6(%arg0: i32) -> (i32, i32) {
    %c0_i32 = arith.constant 0 : i32
    %c0_i32_0 = arith.constant 0 : i32
    %c0_i32_1 = arith.constant 0 : i32
    return %c0_i32, %c0_i32_0 : i32, i32
  }
  func.func @transform_7(%arg0: i32) -> (i32, i32, i32) {
    %c0_i32 = arith.constant 0 : i32
    %c0_i32_0 = arith.constant 0 : i32
    %c0_i32_1 = arith.constant 0 : i32
    return %arg0, %c0_i32, %c0_i32_0 : i32, i32, i32
  }
  func.func @transform_8(%arg0: i32) -> (i32, i32) {
    %c0_i32 = arith.constant 0 : i32
    %c0_i32_0 = arith.constant 0 : i32
    return %arg0, %c0_i32 : i32, i32
  }
}

</mosaic_0001>

<sc_bundles>
// kernel: kernel.5.cloned.1.call-start
scs
__scs_entry_jumppad:
0x0: {  	(pc) =	sbr.rel $0x88, $3  }
0x1: {  	(tag) =	ssettag $0x0;
	lr =	simm.s32 $0x1  }
0x2: {  	[smem:$0x3F99] =	sst lr;
	_ =	strace $0xD0000000  }
0x3: {  	_ = 	snop  }
0x4: {  	_ = 	snop  }
0x5: {  	_ = 	snop  }
0x6: {  	_ = 	snop  }
0x7: {  	_ = 	snop  }
__scs_overlays_trampoline_lowered:
0x8: {  	[smem:$0x3FA8] =	sst s0  }
0x9: {  	[smem:$0x3FA9] =	sst s1  }
0xa: {  	[smem:$0x3FAA] =	sst s2  }
0xb: {  	[smem:$0x3FAB] =	sst s3  }
0xc: {  	[smem:$0x3FAC] =	sst s4  }
0xd: {  	[smem:$0x3FAD] =	sst s5  }
0xe: {  	[smem:$0x3FAE] =	sst s6  }
0xf: {  	[smem:$0x3FAF] =	sst s7  }
0x10: {  	[smem:$0x3FB0] =	sst s8  }
0x11: {  	[smem:$0x3FB1] =	sst s9;
	s0 =	simm.s32 @!p0 $0x0  }
0x12: {  	s1 =	sld [smem:$0x3F97];
	s0 =	simm.s32 @p0 $0x1  }
0x13: {  	[smem:$0x3FB2] =	sst s0;
	s0 =	simm.s32 @!p1 $0x0  }
0x14: {  	s2 =	sld [smem:$0x3F96];
	s0 =	simm.s32 @p1 $0x1  }
0x15: {  	[smem:$0x3FB3] =	sst s0;
	s0 =	simm.s32 @!p2 $0x0  }
0x16: {  	s3 =	sld [smem:$0x3FDB];
	s0 =	simm.s32 @p2 $0x1  }
0x17: {  	s4 =	simm.s32 $0x1BF5;
	[smem:$0x3FB5] =	sst s0  }
0x18: {  	s0 =	sld [smem:$0x3F98];
	_ =	swait.ge [sflag:s4], $0x0  }
0x19: {  	s7 =	sld [smem:$0x3F99]  }
0x1a: {  	s8 =	sadd.s32 $0xFFFFE003, lr  }
0x1b: {  	s9 =	sadd.s32 $0xFFFFFEF7, lr;
	s5 =	simm.s32 $0xFFFFFFFF;
	p2 =	slt.u32 s8, $0xFFFFF086  }
0x1c: {  	p1 =	slt.u32 s9, $0xF7A;
	s5 =	simm.s32 @!p2 $0x0  }
0x1d: {  	s5 =	simm.s32 @p1 $0x1;
	p0 =	seq.s32 s7, s2  }
0x1e: {  	s7 =	smul.u32 @!p0 $0xF7A, s2;
	p2 =	seq.s32 @!p0 s5, $0x0  }
0x1f: {  	s9 =	smul.u32 $0xF7A, s1;
	s8 =	simm.s32 @!p0 $0x1BF5;
	p2 =	por !p2, p0  }
0x20: {  	[sflag:s8] =	ssyncset.s32 @!p0 $0xFFFFF086;
	s6 =	sadd.s32 @!p0 s3, s7;
	s7 =	simm.s32 @!p0 $0x108  }
0x21: {  	s3 =	sadd.s32 s3, s9;
	s6 =	sadd.s32 @!p0 $0x88, s6;
	s7 =	simm.s32 @p2 $0x1082  }
0x22: {  	[simem:s7], [sflag:s8] =	dma.local @!p0 [hbm:s6], $0xF7A  }
0x23: {  	s9 =	sor.u32 $0xD0000000, s2;
	s6 =	simm.s32 $0x108;
	_ =	swait.ge @!p0 [sflag:s8], $0x0  }
0x24: {  	s3 =	sadd.s32 $0x88, s3;
	s6 =	simm.s32 @!p1 $0x1082;
	[sflag:s4] =	ssyncset.s32 $0xFFFFF086  }
0x25: {  	[simem:s6], [sflag:s4] =	dma.local [hbm:s3], $0xF7A  }
0x26: {  	[smem:$0x3F99] =	sst s1;
	(tag) =	ssettag s2;
	_ =	strace s9  }
0x27: {  	s1 =	sld [smem:$0x3FA9]  }
0x28: {  	s2 =	sld [smem:$0x3FAA]  }
0x29: {  	s4 =	sld [smem:$0x3FAC]  }
0x2a: {  	p0 =	seq.s32 s5, $0x0;
	s5 =	sld [smem:$0x3FAD]  }
0x2b: {  	s6 =	sld [smem:$0x3FAE]  }
0x2c: {  	s7 =	sld [smem:$0x3FAF]  }
0x2d: {  	s3 =	simm.s32 $0x108;
	s8 =	sld [smem:$0x3FB0]  }
0x2e: {  	s3 =	simm.s32 @!p0 $0x1082;
	s9 =	sld [smem:$0x3FB1]  }
0x2f: {  	lr =	sadd.s32 s0, s3;
	s0 =	sld [smem:$0x3FA8]  }
0x30: {  	s3 =	sld [smem:$0x3FAB]  }
0x31: {  	[smem:$0x3FB4] =	sst s10  }
0x32: {  	s10 =	sld [smem:$0x3FB2];
	_ =	sdelay $0x3  }
0x33: {  	p0 =	seq.s32 s10, $0x1;
	s10 =	sld [smem:$0x3FB4];
	_ =	sdelay $0x3  }
0x34: {  	[smem:$0x3FB4] =	sst s10  }
0x35: {  	s10 =	sld [smem:$0x3FB3];
	_ =	sdelay $0x3  }
0x36: {  	p1 =	seq.s32 s10, $0x1;
	s10 =	sld [smem:$0x3FB4];
	_ =	sdelay $0x3  }
0x37: {  	[smem:$0x3FB4] =	sst s10  }
0x38: {  	s10 =	sld [smem:$0x3FB5]  }
0x39: {  	_ = 	snop;
	(pc) =	sbr.ind lr, $3  }
0x3a: {  	_ = 	snop  }
0x3b: {  	_ = 	snop  }
0x3c: {  	p2 =	seq.s32 s10, $0x1;
	s10 =	sld [smem:$0x3FB4]  }
0x3d: {  	_ =	shalt  }
0x3e: {  	_ =	shalt  }
0x3f: {  	_ =	shalt  }
0x40: {  	_ =	shalt  }
0x41: {  	_ =	shalt  }
0x42: {  	_ =	shalt  }
0x43: {  	_ =	shalt  }
0x44: {  	_ =	shalt  }
0x45: {  	_ =	shalt  }
0x46: {  	_ =	shalt  }
0x47: {  	_ =	shalt  }
0x48: {  	_ =	shalt  }
0x49: {  	_ =	shalt  }
0x4a: {  	_ =	shalt  }
0x4b: {  	_ =	shalt  }
0x4c: {  	_ =	shalt  }
0x4d: {  	_ =	shalt  }
0x4e: {  	_ =	shalt  }
0x4f: {  	_ =	shalt  }
0x50: {  	_ =	shalt  }
0x51: {  	_ =	shalt  }
0x52: {  	_ =	shalt  }
0x53: {  	_ =	shalt  }
0x54: {  	_ =	shalt  }
0x55: {  	_ =	shalt  }
0x56: {  	_ =	shalt  }
0x57: {  	_ =	shalt  }
0x58: {  	_ =	shalt  }
0x59: {  	_ =	shalt  }
0x5a: {  	_ =	shalt  }
0x5b: {  	_ =	shalt  }
0x5c: {  	_ =	shalt  }
0x5d: {  	_ =	shalt  }
0x5e: {  	_ =	shalt  }
0x5f: {  	_ =	shalt  }
0x60: {  	_ =	shalt  }
0x61: {  	_ =	shalt  }
0x62: {  	_ =	shalt  }
0x63: {  	_ =	shalt  }
0x64: {  	_ =	shalt  }
0x65: {  	_ =	shalt  }
0x66: {  	_ =	shalt  }
0x67: {  	_ =	shalt  }
0x68: {  	_ =	shalt  }
0x69: {  	_ =	shalt  }
0x6a: {  	_ =	shalt  }
0x6b: {  	_ =	shalt  }
0x6c: {  	_ =	shalt  }
0x6d: {  	_ =	shalt  }
0x6e: {  	_ =	shalt  }
0x6f: {  	_ =	shalt  }
0x70: {  	_ =	shalt  }
0x71: {  	_ =	shalt  }
0x72: {  	_ =	shalt  }
0x73: {  	_ =	shalt  }
0x74: {  	_ =	shalt  }
0x75: {  	_ =	shalt  }
0x76: {  	_ =	shalt  }
0x77: {  	_ =	shalt  }
0x78: {  	_ =	shalt  }
0x79: {  	_ =	shalt  }
0x7a: {  	_ =	shalt  }
0x7b: {  	_ =	shalt  }
0x7c: {  	_ =	shalt  }
0x7d: {  	_ =	shalt  }
0x7e: {  	_ =	shalt  }
0x7f: {  	_ =	shalt  }
0x80: {  	_ =	shalt  }
0x81: {  	_ =	shalt  }
0x82: {  	_ =	shalt  }
0x83: {  	_ =	shalt  }
0x84: {  	_ =	shalt  }
0x85: {  	_ =	shalt  }
0x86: {  	_ =	shalt  }
0x87: {  	_ =	shalt  }
.Lfunc_end0:
.L_simem_size_0:
called_computation.1_lowered:
.L_overlay_start_0:
0x88: {  	s2 =	sld [smem:$0x3FD9]  }
0x89: {  	s3 =	sld [smem:$0x3FFE];
	_ =	sdelay $0x1  }
0x8a: {  	s1 =	srdreg.scid  }
0x8b: {  	s0 =	sand.u32 $0x1, s1  }
0x8c: {  	s17 =	sshll.u32 s0, $0xA;
	s2 =	sadd.s32 s3, s2  }
0x8d: {  	s2 =	sadd.s32 s2, s17  }
0x8e: {  	[smem:$0x3FC0] =	sst s2  }
0x8f: {  	_ = 	snop  }
0x90: {  	s2 =	sld [smem:$0x3FC8]  }
0x91: {  	s18 =	sld [smem:$0x3FD0];
	(tm) =	ssettm $0x1  }
0x92: {  	s4 =	sld [smem:$0x3FFB];
	_ =	sdelay $0x3  }
0x93: {  	_ =	strace s4  }
0x94: {  	s4 =	sld [smem:$0x3FFC];
	_ =	sdelay $0x3  }
0x95: {  	_ =	strace s4  }
0x96: {  	s4 =	sld [smem:$0x3FFD];
	_ =	sdelay $0x3  }
0x97: {  	_ =	strace s4  }
0x98: {  	_ =	strace $0x8FFFFFFF  }
0x99: {  	s19 =	sld [smem:$0x3FDB];
	_ =	sdelay $0x1  }
0x9a: {  	s5 =	simm.s32 $_scs_section_size  }
0x9b: {  	s6 =	simm.s32 $_size__tile_overlayer_lowered;
	s7 =	simm.s32 $_tile_overlayer_lowered  }
0x9c: {  	s22 =	simm.s32 $0x1BFF;
	s21 =	sshll.u32 s7, $0x1;
	s4 =	sadd.s32 s5, s19  }
0x9d: {  	s8 =	simm.s32 $0x0;
	s20 =	sshll.u32 s6, $0x1;
	s6 =	sadd.s32 s21, s4  }
0x9e: {  	[timem:s8], [sflag:s22] =	dma.local [hbm:s6], s20  }
0x9f: {  	_ =	swait.ge [sflag:s22], s20  }
0xa0: {  	s5 =	ssub.s32 $0x0, s20;
	[sflag:s22] =	ssyncset.done $0x0  }
0xa1: {  	[sflag:s22] =	ssyncadd.s32 s5;
	_ =	sdelay $0x1  }
0xa2: {  	s23 =	simm.s32 $0x1B8B  }
0xa3: {  	_ =	swait.ge [sflag:s23], $0x1  }
0xa4: {  	[sflag:s23] =	ssyncset.done $0x0  }
0xa5: {  	s25 =	simm.s32 $0x1B8E;
	s24 =	sld [smem:$0x3FFE];
	[sflag:s23] =	ssyncadd.s32 $0xFFFFFFFF  }
0xa6: {  	s26 =	simm.s32 $execute0_lowered;
	[smem:$0x3FD2] =	sst s25  }
0xa7: {  	s6 =	sshll.u32 s26, $0x1;
	_ =	strace $0x80000049;
	[dreg:$0x1] =	wrdreg $0xFFFFFFFF  }
0xa8: {  	s28 =	simm.s32 $_size_execute0_lowered;
	s4 =	sadd.s32 s4, s6;
	[dreg:$0x0] =	wrdreg $0x0  }
0xa9: {  	s6 =	sshll.u32 s28, $0x1;
	[dreg:$0x2] =	wrdreg s4  }
0xaa: {  	[dreg:$0x3] =	wrdreg s6  }
0xab: {  	[dreg:$0x4] =	wrdreg $0xC0  }
0xac: {  	_ =	task [dreg:s8], $0x5FFFF  }
0xad: {  	[dreg:$0x1] =	wrdreg $0xFFFFFFFF  }
0xae: {  	[dreg:$0x0] =	wrdreg $0x60  }
0xaf: {  	[dreg:$0x2] =	wrdreg s2  }
0xb0: {  	[dreg:$0x3] =	wrdreg s24  }
0xb1: {  	[dreg:$0x4] =	wrdreg s18  }
0xb2: {  	[dreg:$0x5] =	wrdreg $0x9  }
0xb3: {  	_ =	task.clear_ibuf [dreg:s8], $0x6FFFF;
	_ =	strace $0x90000049  }
0xb4: {  	s29 =	simm.s32 $0x9;
	_ =	strace $0x8000004B  }
0xb5: {  	_ =	swait.ge [sflag:s29], $0x1  }
0xb6: {  	[sflag:s29] =	ssyncadd.s32 $0xFFFFFFFF  }
0xb7: {  	_ =	strace $0x9000004B  }
0xb8: {  	_ =	sfence  }
0xb9: {  	s30 =	sld [smem:$0x0];
	_ =	sdelay $0x2  }
0xba: {  	s31 =	sshll.u32 s1, $0xD;
	s1 =	sshrl.u32 s1, $0x2  }
0xbb: {  	s3 =	sand.u32 $0x4000, s31;
	s1 =	sadd.s32 s1, s30  }
0xbc: {  	s0 =	sor.u32 s3, s0;
	s1 =	sshll.u32 s1, $0x11  }
0xbd: {  	s0 =	sor.u32 s1, s0  }
0xbe: {  	s0 =	sadd.s32 $0x8F2B, s0  }
0xbf: {  	[sflag:s0] =	ssyncadd.remote.s32 $0x1  }
0xc0: {  	_ =	sfence.sel $0xFFFF  }
0xc1: {  	[dreg:$0x0] =	wrdreg $0xFFFFFFFF;
	(pc) =	sbr.abs _section_cstart, $3  }
0xc2: {  	[dreg:$0x1] =	wrdreg $0xFFFFFFFF  }
0xc3: {  	_ =	task.clear_ibuf [dreg:s8], $0x2FFFF;
	_ =	strace $0x9FFFFFFF  }
0xc4: {  	(tm) =	ssettm $0x7FFFFFFF  }
0xc5: {  	_ =	shalt  }
tec
execute0_lowered:
.L_overlay_start_1:
0x0: {  	(tag) =	ssettag $0x1  }
0x1: {  	s4 =	rddreg [dreg:$0x0]  }
0x2: {  	s5 =	rddreg [dreg:$0x1]  }
0x3: {  	s6 =	rddreg [dreg:$0x2]  }
0x4: {  	s0 =	rddreg [dreg:$0x3]  }
0x5: {  	s2 =	simm.s32 $0x0;
	s3 =	srdreg.scid;
	s1 =	stileid.u32  }
0x6: {  	s13 =	simm.s32 $0x4900;
	s15 =	simm.s32 $0x2;
	s16 =	simm.s32 $0x0  }
0x7: {  	[smem:$0x7FF] =	sst s2;
	s7 =	sand.u32 $0x1, s3;
	s3 =	sadd.s32 $0x2600, s5  }
0x8: {  	s8 =	sshll.u32 s1, $0x10;
	s11 =	sshll.u32 s1, $0xC;
	_ =	strace $0x8000004A  }
0x9: {  	s9 =	ssub.s32 $0x2, s7;
	s12 =	sshll.u32 s7, $0xB;
	s5 =	sadd.s32 s8, s5  }
0xa: {  	s14 =	sand.u32 $0xE000, s11;
	s7 =	sshll.u32 s7, $0xF;
	s8 =	sadd.s32 s8, s6  }
0xb: {  	s10 =	sshrl.u32 s9, $0x1;
	s30 =	sor.u32 s12, s11;
	s31 =	sadd.s32 s7, s5  }
0xc: {  	s7 =	sadd.s32 s7, s8;
	s8 =	simm.s32 $0x3;
	s11 =	simm.s32 $0x900  }
0xd: {  	s12 =	simm.s32 $0x880;
	s9 =	ssub.s32 s9, s10;
	s10 =	sshrl.u32 s30, $0x3  }
0xe: {  	v0 =	vmov s14;
	s14 =	simm.s32 $0x1;
	s6 =	sadd.s32 $0x102600, s31;
	s4 =	sadd.s32 s4, s10  }
0xf: {  	s5 =	smax.u32 s9, $0x1;
	s9 =	simm.s32 $0x80;
	s10 =	simm.s32 $0x800  }
.LBB2_1:
0x10: {  	[tilespmem:s2], [sflag:$0x3] =	stream.linear.gather [hbm4b:s4+s2], $0x800, $0x38;
	[tilespmem:$0x8900] =	vst v63  }
0x11: {  	_ =	swait.ge [sflag:s8], $0x800  }
0x12: {  	[sflag:s8] =	ssyncset.done $0x0  }
0x13: {  	s17 =	simm.s32 $0x40;
	[sflag:s8] =	ssyncadd.s32 $0xFFFFF800  }
0x14: {  	v1 =	vld [tilespmem:s17+$0xFFFFFFC0];
	_ =	sdelay $0x4  }
0x15: {  	v1 =	vadd.f32 $1.000000000e+00, v1;
	_ =	sdelay $0x1  }
0x16: {  	v1 =	vmul.f32 $5.000000000e-01, v1;
	_ =	sdelay $0x1  }
0x17: {  	v1 =	vmul.f32 $8.191000000e+03, v1;
	_ =	sdelay $0x1  }
0x18: {  	v1 =	vmax.f32 v1, $0.0e+00  }
0x19: {  	v1 =	vmin.f32 v1, $8.191000000e+03  }
0x1a: {  	v1 =	vtrunc.f32 v1  }
0x1b: {  	v1 =	vcvt.f32.s32 v1;
	_ =	sdelay $0x1  }
0x1c: {  	v2 =	vadd.s32 $0x1, v1  }
0x1d: {  	vm0 =	vlt.s32 v2, $0x1FFF  }
0x1e: {  	v1 =	vadd.s32 v1, v0;
	v2 =	vnsel vm0, $0x1FFF, v2  }
0x1f: {  	[tilespmem:$0x800] =	vst v1;
	v1 =	vadd.s32 v0, v2  }
0x20: {  	[tilespmem:$0x880] =	vst v1  }
0x21: {  	v1 =	vld [tilespmem:s17+$0xFFFFFFD0];
	_ =	sdelay $0x4  }
0x22: {  	v1 =	vadd.f32 $1.000000000e+00, v1;
	_ =	sdelay $0x1  }
0x23: {  	v1 =	vmul.f32 $5.000000000e-01, v1;
	_ =	sdelay $0x1  }
0x24: {  	v1 =	vmul.f32 $8.191000000e+03, v1;
	_ =	sdelay $0x1  }
0x25: {  	v1 =	vmax.f32 v1, $0.0e+00  }
0x26: {  	v1 =	vmin.f32 v1, $8.191000000e+03  }
0x27: {  	v1 =	vtrunc.f32 v1  }
0x28: {  	v1 =	vcvt.f32.s32 v1;
	_ =	sdelay $0x1  }
0x29: {  	v2 =	vadd.s32 $0x1, v1  }
0x2a: {  	vm9 =	vlt.s32 v2, $0x1FFF  }
0x2b: {  	v1 =	vadd.s32 v1, v0;
	v2 =	vnsel vm9, $0x1FFF, v2  }
0x2c: {  	[tilespmem:$0x810] =	vst v1;
	v1 =	vadd.s32 v0, v2  }
0x2d: {  	[tilespmem:$0x890] =	vst v1  }
0x2e: {  	v1 =	vld [tilespmem:s17+$0xFFFFFFE0];
	_ =	sdelay $0x4  }
0x2f: {  	v1 =	vadd.f32 $1.000000000e+00, v1;
	_ =	sdelay $0x1  }
0x30: {  	v1 =	vmul.f32 $5.000000000e-01, v1;
	_ =	sdelay $0x1  }
0x31: {  	v1 =	vmul.f32 $8.191000000e+03, v1;
	_ =	sdelay $0x1  }
0x32: {  	v1 =	vmax.f32 v1, $0.0e+00  }
0x33: {  	v1 =	vmin.f32 v1, $8.191000000e+03  }
0x34: {  	v1 =	vtrunc.f32 v1  }
0x35: {  	v1 =	vcvt.f32.s32 v1;
	_ =	sdelay $0x1  }
0x36: {  	v2 =	vadd.s32 $0x1, v1  }
0x37: {  	vm10 =	vlt.s32 v2, $0x1FFF  }
0x38: {  	v1 =	vadd.s32 v1, v0;
	v2 =	vnsel vm10, $0x1FFF, v2  }
0x39: {  	[tilespmem:$0x820] =	vst v1;
	v1 =	vadd.s32 v0, v2  }
0x3a: {  	[tilespmem:$0x8A0] =	vst v1  }
0x3b: {  	v1 =	vld [tilespmem:s17+$0xFFFFFFF0];
	_ =	sdelay $0x4  }
0x3c: {  	v1 =	vadd.f32 $1.000000000e+00, v1;
	_ =	sdelay $0x1  }
0x3d: {  	v1 =	vmul.f32 $5.000000000e-01, v1;
	_ =	sdelay $0x1  }
0x3e: {  	v1 =	vmul.f32 $8.191000000e+03, v1;
	_ =	sdelay $0x1  }
0x3f: {  	v1 =	vmax.f32 v1, $0.0e+00  }
0x40: {  	v1 =	vmin.f32 v1, $8.191000000e+03  }
0x41: {  	v1 =	vtrunc.f32 v1  }
0x42: {  	v1 =	vcvt.f32.s32 v1;
	_ =	sdelay $0x1  }
0x43: {  	v2 =	vadd.s32 $0x1, v1  }
0x44: {  	vm11 =	vlt.s32 v2, $0x1FFF  }
0x45: {  	v1 =	vadd.s32 v1, v0;
	v2 =	vnsel vm11, $0x1FFF, v2  }
0x46: {  	[tilespmem:$0x830] =	vst v1;
	v1 =	vadd.s32 v0, v2  }
0x47: {  	[tilespmem:$0x8B0] =	vst v1  }
0x48: {  	v1 =	vld [tilespmem:s17+$0x0];
	_ =	sdelay $0x4  }
0x49: {  	v1 =	vadd.f32 $1.000000000e+00, v1;
	_ =	sdelay $0x1  }
0x4a: {  	v1 =	vmul.f32 $5.000000000e-01, v1;
	_ =	sdelay $0x1  }
0x4b: {  	v1 =	vmul.f32 $8.191000000e+03, v1;
	_ =	sdelay $0x1  }
0x4c: {  	v1 =	vmax.f32 v1, $0.0e+00  }
0x4d: {  	v1 =	vmin.f32 v1, $8.191000000e+03  }
0x4e: {  	v1 =	vtrunc.f32 v1  }
0x4f: {  	v1 =	vcvt.f32.s32 v1;
	_ =	sdelay $0x1  }
0x50: {  	v2 =	vadd.s32 $0x1, v1  }
0x51: {  	vm12 =	vlt.s32 v2, $0x1FFF  }
0x52: {  	v1 =	vadd.s32 v1, v0;
	v2 =	vnsel vm12, $0x1FFF, v2  }
0x53: {  	[tilespmem:$0x840] =	vst v1;
	v1 =	vadd.s32 v0, v2  }
0x54: {  	[tilespmem:$0x8C0] =	vst v1  }
0x55: {  	v1 =	vld [tilespmem:s17+$0x10];
	_ =	sdelay $0x4  }
0x56: {  	v1 =	vadd.f32 $1.000000000e+00, v1;
	_ =	sdelay $0x1  }
0x57: {  	v1 =	vmul.f32 $5.000000000e-01, v1;
	_ =	sdelay $0x1  }
0x58: {  	v1 =	vmul.f32 $8.191000000e+03, v1;
	_ =	sdelay $0x1  }
0x59: {  	v1 =	vmax.f32 v1, $0.0e+00  }
0x5a: {  	v1 =	vmin.f32 v1, $8.191000000e+03  }
0x5b: {  	v1 =	vtrunc.f32 v1  }
0x5c: {  	v1 =	vcvt.f32.s32 v1;
	_ =	sdelay $0x1  }
0x5d: {  	v2 =	vadd.s32 $0x1, v1  }
0x5e: {  	vm13 =	vlt.s32 v2, $0x1FFF  }
0x5f: {  	v1 =	vadd.s32 v1, v0;
	v2 =	vnsel vm13, $0x1FFF, v2  }
0x60: {  	[tilespmem:$0x850] =	vst v1;
	v1 =	vadd.s32 v0, v2  }
0x61: {  	[tilespmem:$0x8D0] =	vst v1  }
0x62: {  	v1 =	vld [tilespmem:s17+$0x20];
	_ =	sdelay $0x4  }
0x63: {  	v1 =	vadd.f32 $1.000000000e+00, v1;
	_ =	sdelay $0x1  }
0x64: {  	v1 =	vmul.f32 $5.000000000e-01, v1;
	_ =	sdelay $0x1  }
0x65: {  	v1 =	vmul.f32 $8.191000000e+03, v1;
	_ =	sdelay $0x1  }
0x66: {  	v1 =	vmax.f32 v1, $0.0e+00  }
0x67: {  	v1 =	vmin.f32 v1, $8.191000000e+03  }
0x68: {  	v1 =	vtrunc.f32 v1  }
0x69: {  	v1 =	vcvt.f32.s32 v1;
	_ =	sdelay $0x1  }
0x6a: {  	v2 =	vadd.s32 $0x1, v1  }
0x6b: {  	vm14 =	vlt.s32 v2, $0x1FFF  }
0x6c: {  	v1 =	vadd.s32 v1, v0;
	v2 =	vnsel vm14, $0x1FFF, v2  }
0x6d: {  	[tilespmem:$0x860] =	vst v1;
	v1 =	vadd.s32 v0, v2  }
0x6e: {  	[tilespmem:$0x8E0] =	vst v1  }
0x6f: {  	v1 =	vld [tilespmem:s17+$0x30];
	_ =	sdelay $0x4  }
0x70: {  	v1 =	vadd.f32 $1.000000000e+00, v1;
	_ =	sdelay $0x1  }
0x71: {  	v1 =	vmul.f32 $5.000000000e-01, v1;
	_ =	sdelay $0x1  }
0x72: {  	v1 =	vmul.f32 $8.191000000e+03, v1;
	_ =	sdelay $0x1  }
0x73: {  	v1 =	vmax.f32 v1, $0.0e+00  }
0x74: {  	v1 =	vmin.f32 v1, $8.191000000e+03  }
0x75: {  	v1 =	vtrunc.f32 v1  }
0x76: {  	v1 =	vcvt.f32.s32 v1;
	_ =	sdelay $0x1  }
0x77: {  	v2 =	vadd.s32 $0x1, v1  }
0x78: {  	vm15 =	vlt.s32 v2, $0x1FFF  }
0x79: {  	v1 =	vadd.s32 v1, v0;
	v2 =	vnsel vm15, $0x1FFF, v2  }
0x7a: {  	[tilespmem:$0x870] =	vst v1;
	v1 =	vadd.s32 v0, v2  }
0x7b: {  	[tilespmem:$0x8F0] =	vst v1  }
0x7c: {  	[tilespmem:s11], [sflag:$0x1] =	stream.indirect.gather [hbm4b:s3+s9], $0x80, s10, s9, $0xb8;
	[tilespmem:$0x8900] =	vst v63  }
0x7d: {  	_ = 	snop  }
0x7e: {  	[tilespmem:s13], [sflag:$0x2] =	stream.indirect.gather [hbm4b:s3+s9], $0x80, s12, s9, $0xb8;
	[tilespmem:$0x8900] =	vst v63  }
0x7f: {  	_ =	swait.ge [sflag:s14], $0x4000  }
0x80: {  	[sflag:s14] =	ssyncset.done $0x0  }
0x81: {  	[sflag:s14] =	ssyncadd.s32 $0xFFFFC000  }
0x82: {  	_ =	swait.ge [sflag:s15], $0x4000  }
0x83: {  	[sflag:s15] =	ssyncset.done $0x0  }
0x84: {  	s18 =	sadd.s32 $0x0, s7;
	[sflag:s15] =	ssyncadd.s32 $0xFFFFC000  }
0x85: {  	[hbm4b:s18+s2] =	stream.linear.scatter [tilespmem:s11], [sflag:$0x3], $0x4000, $0x38;
	[tilespmem:$0x8900] =	vst v63  }
0x86: {  	_ =	swait.ge [sflag:s8], $0x4000  }
0x87: {  	[sflag:s8] =	ssyncset.done $0x0  }
0x88: {  	s31 =	sadd.s32 $0x0, s6;
	[sflag:s8] =	ssyncadd.s32 $0xFFFFC000  }
0x89: {  	[hbm4b:s31+s2] =	stream.linear.scatter [tilespmem:s13], [sflag:$0x3], $0x4000, $0x38;
	[tilespmem:$0x8900] =	vst v63  }
0x8a: {  	_ =	swait.ge [sflag:s8], $0x4000  }
0x8b: {  	s18 =	simm.s32 $0x800;
	[sflag:s8] =	ssyncset.done $0x0  }
.LBB2_2:
0x8c: {  	p0 =	sne.s32 s18, $0x7800;
	[sflag:s8] =	ssyncadd.s32 $0xFFFFC000;
	s17 =	sadd.s32 $0x80, s17  }
0x8d: {  	s19 =	smov.u32 s18;
	s18 =	sadd.s32 $0x800, s18;
	v1 =	vld [tilespmem:s17+$0xFFFFFFC0];
	_ =	sdelay $0x4  }
0x8e: {  	v1 =	vadd.f32 $1.000000000e+00, v1;
	_ =	sdelay $0x1  }
0x8f: {  	v1 =	vmul.f32 $5.000000000e-01, v1;
	_ =	sdelay $0x1  }
0x90: {  	v1 =	vmul.f32 $8.191000000e+03, v1;
	_ =	sdelay $0x1  }
0x91: {  	v1 =	vmax.f32 v1, $0.0e+00  }
0x92: {  	v1 =	vmin.f32 v1, $8.191000000e+03  }
0x93: {  	v1 =	vtrunc.f32 v1  }
0x94: {  	v1 =	vcvt.f32.s32 v1;
	_ =	sdelay $0x1  }
0x95: {  	v2 =	vadd.s32 $0x1, v1;
	v1 =	vadd.s32 v1, v0  }
0x96: {  	vm0 =	vlt.s32 v2, $0x1FFF  }
0x97: {  	v2 =	vnsel vm0, $0x1FFF, v2  }
0x98: {  	[tilespmem:$0x800] =	vst v1;
	v1 =	vadd.s32 v0, v2  }
0x99: {  	[tilespmem:$0x880] =	vst v1  }
0x9a: {  	v1 =	vld [tilespmem:s17+$0xFFFFFFD0];
	_ =	sdelay $0x4  }
0x9b: {  	v1 =	vadd.f32 $1.000000000e+00, v1;
	_ =	sdelay $0x1  }
0x9c: {  	v1 =	vmul.f32 $5.000000000e-01, v1;
	_ =	sdelay $0x1  }
0x9d: {  	v1 =	vmul.f32 $8.191000000e+03, v1;
	_ =	sdelay $0x1  }
0x9e: {  	v1 =	vmax.f32 v1, $0.0e+00  }
0x9f: {  	v1 =	vmin.f32 v1, $8.191000000e+03  }
0xa0: {  	v1 =	vtrunc.f32 v1  }
0xa1: {  	v1 =	vcvt.f32.s32 v1;
	_ =	sdelay $0x1  }
0xa2: {  	v2 =	vadd.s32 $0x1, v1;
	v1 =	vadd.s32 v1, v0  }
0xa3: {  	vm0 =	vlt.s32 v2, $0x1FFF  }
0xa4: {  	v2 =	vnsel vm0, $0x1FFF, v2  }
0xa5: {  	[tilespmem:$0x810] =	vst v1;
	v1 =	vadd.s32 v0, v2  }
0xa6: {  	[tilespmem:$0x890] =	vst v1  }
0xa7: {  	v1 =	vld [tilespmem:s17+$0xFFFFFFE0];
	_ =	sdelay $0x4  }
0xa8: {  	v1 =	vadd.f32 $1.000000000e+00, v1;
	_ =	sdelay $0x1  }
0xa9: {  	v1 =	vmul.f32 $5.000000000e-01, v1;
	_ =	sdelay $0x1  }
0xaa: {  	v1 =	vmul.f32 $8.191000000e+03, v1;
	_ =	sdelay $0x1  }
0xab: {  	v1 =	vmax.f32 v1, $0.0e+00  }
0xac: {  	v1 =	vmin.f32 v1, $8.191000000e+03  }
0xad: {  	v1 =	vtrunc.f32 v1  }
0xae: {  	v1 =	vcvt.f32.s32 v1;
	_ =	sdelay $0x1  }
0xaf: {  	v2 =	vadd.s32 $0x1, v1;
	v1 =	vadd.s32 v1, v0  }
0xb0: {  	vm0 =	vlt.s32 v2, $0x1FFF  }
0xb1: {  	v2 =	vnsel vm0, $0x1FFF, v2  }
0xb2: {  	[tilespmem:$0x820] =	vst v1;
	v1 =	vadd.s32 v0, v2  }
0xb3: {  	[tilespmem:$0x8A0] =	vst v1  }
0xb4: {  	v1 =	vld [tilespmem:s17+$0xFFFFFFF0];
	_ =	sdelay $0x4  }
0xb5: {  	v1 =	vadd.f32 $1.000000000e+00, v1;
	_ =	sdelay $0x1  }
0xb6: {  	v1 =	vmul.f32 $5.000000000e-01, v1;
	_ =	sdelay $0x1  }
0xb7: {  	v1 =	vmul.f32 $8.191000000e+03, v1;
	_ =	sdelay $0x1  }
0xb8: {  	v1 =	vmax.f32 v1, $0.0e+00  }
0xb9: {  	v1 =	vmin.f32 v1, $8.191000000e+03  }
0xba: {  	v1 =	vtrunc.f32 v1  }
0xbb: {  	v1 =	vcvt.f32.s32 v1;
	_ =	sdelay $0x1  }
0xbc: {  	v2 =	vadd.s32 $0x1, v1;
	v1 =	vadd.s32 v1, v0  }
0xbd: {  	vm0 =	vlt.s32 v2, $0x1FFF  }
0xbe: {  	v2 =	vnsel vm0, $0x1FFF, v2  }
0xbf: {  	[tilespmem:$0x830] =	vst v1;
	v1 =	vadd.s32 v0, v2  }
0xc0: {  	[tilespmem:$0x8B0] =	vst v1  }
0xc1: {  	v1 =	vld [tilespmem:s17+$0x0];
	_ =	sdelay $0x4  }
0xc2: {  	v1 =	vadd.f32 $1.000000000e+00, v1;
	_ =	sdelay $0x1  }
0xc3: {  	v1 =	vmul.f32 $5.000000000e-01, v1;
	_ =	sdelay $0x1  }
0xc4: {  	v1 =	vmul.f32 $8.191000000e+03, v1;
	_ =	sdelay $0x1  }
0xc5: {  	v1 =	vmax.f32 v1, $0.0e+00  }
0xc6: {  	v1 =	vmin.f32 v1, $8.191000000e+03  }
0xc7: {  	v1 =	vtrunc.f32 v1  }
0xc8: {  	v1 =	vcvt.f32.s32 v1;
	_ =	sdelay $0x1  }
0xc9: {  	v2 =	vadd.s32 $0x1, v1;
	v1 =	vadd.s32 v1, v0  }
0xca: {  	vm0 =	vlt.s32 v2, $0x1FFF  }
0xcb: {  	v2 =	vnsel vm0, $0x1FFF, v2  }
0xcc: {  	[tilespmem:$0x840] =	vst v1;
	v1 =	vadd.s32 v0, v2  }
0xcd: {  	[tilespmem:$0x8C0] =	vst v1  }
0xce: {  	v1 =	vld [tilespmem:s17+$0x10];
	_ =	sdelay $0x4  }
0xcf: {  	v1 =	vadd.f32 $1.000000000e+00, v1;
	_ =	sdelay $0x1  }
0xd0: {  	v1 =	vmul.f32 $5.000000000e-01, v1;
	_ =	sdelay $0x1  }
0xd1: {  	v1 =	vmul.f32 $8.191000000e+03, v1;
	_ =	sdelay $0x1  }
0xd2: {  	v1 =	vmax.f32 v1, $0.0e+00  }
0xd3: {  	v1 =	vmin.f32 v1, $8.191000000e+03  }
0xd4: {  	v1 =	vtrunc.f32 v1  }
0xd5: {  	v1 =	vcvt.f32.s32 v1;
	_ =	sdelay $0x1  }
0xd6: {  	v2 =	vadd.s32 $0x1, v1;
	v1 =	vadd.s32 v1, v0  }
0xd7: {  	vm0 =	vlt.s32 v2, $0x1FFF;
	[tilespmem:$0x850] =	vst v1  }
0xd8: {  	v1 =	vnsel vm0, $0x1FFF, v2  }
0xd9: {  	v1 =	vadd.s32 v0, v1  }
0xda: {  	[tilespmem:$0x8D0] =	vst v1  }
0xdb: {  	v1 =	vld [tilespmem:s17+$0x20];
	_ =	sdelay $0x4  }
0xdc: {  	v1 =	vadd.f32 $1.000000000e+00, v1;
	_ =	sdelay $0x1  }
0xdd: {  	v1 =	vmul.f32 $5.000000000e-01, v1;
	_ =	sdelay $0x1  }
0xde: {  	v1 =	vmul.f32 $8.191000000e+03, v1;
	_ =	sdelay $0x1  }
0xdf: {  	v1 =	vmax.f32 v1, $0.0e+00  }
0xe0: {  	v1 =	vmin.f32 v1, $8.191000000e+03  }
0xe1: {  	v1 =	vtrunc.f32 v1  }
0xe2: {  	v1 =	vcvt.f32.s32 v1;
	_ =	sdelay $0x1  }
0xe3: {  	v2 =	vadd.s32 $0x1, v1;
	v1 =	vadd.s32 v1, v0  }
0xe4: {  	vm0 =	vlt.s32 v2, $0x1FFF;
	[tilespmem:$0x860] =	vst v1  }
0xe5: {  	v1 =	vnsel vm0, $0x1FFF, v2  }
0xe6: {  	v1 =	vadd.s32 v0, v1  }
0xe7: {  	[tilespmem:$0x8E0] =	vst v1  }
0xe8: {  	v1 =	vld [tilespmem:s17+$0x30];
	_ =	sdelay $0x4  }
0xe9: {  	v1 =	vadd.f32 $1.000000000e+00, v1;
	_ =	sdelay $0x1  }
0xea: {  	v1 =	vmul.f32 $5.000000000e-01, v1;
	_ =	sdelay $0x1  }
0xeb: {  	v1 =	vmul.f32 $8.191000000e+03, v1;
	_ =	sdelay $0x1  }
0xec: {  	v1 =	vmax.f32 v1, $0.0e+00  }
0xed: {  	v1 =	vmin.f32 v1, $8.191000000e+03  }
0xee: {  	v1 =	vtrunc.f32 v1  }
0xef: {  	v1 =	vcvt.f32.s32 v1;
	_ =	sdelay $0x1  }
0xf0: {  	v2 =	vadd.s32 $0x1, v1;
	v1 =	vadd.s32 v1, v0  }
0xf1: {  	vm0 =	vlt.s32 v2, $0x1FFF;
	[tilespmem:$0x870] =	vst v1  }
0xf2: {  	v1 =	vnsel vm0, $0x1FFF, v2  }
0xf3: {  	v1 =	vadd.s32 v0, v1  }
0xf4: {  	[tilespmem:$0x8F0] =	vst v1  }
0xf5: {  	[tilespmem:s11], [sflag:$0x1] =	stream.indirect.gather [hbm4b:s3+s9], $0x80, s10, s9, $0xb8;
	[tilespmem:$0x8900] =	vst v63  }
0xf6: {  	_ = 	snop  }
0xf7: {  	[tilespmem:s13], [sflag:$0x2] =	stream.indirect.gather [hbm4b:s3+s9], $0x80, s12, s9, $0xb8;
	[tilespmem:$0x8900] =	vst v63  }
0xf8: {  	_ =	swait.ge [sflag:s14], $0x4000  }
0xf9: {  	[sflag:s14] =	ssyncset.done $0x0  }
0xfa: {  	[sflag:s14] =	ssyncadd.s32 $0xFFFFC000  }
0xfb: {  	_ =	swait.ge [sflag:s15], $0x4000  }
0xfc: {  	[sflag:s15] =	ssyncset.done $0x0  }
0xfd: {  	s20 =	sadd.s32 s19, s7;
	[sflag:s15] =	ssyncadd.s32 $0xFFFFC000  }
0xfe: {  	[hbm4b:s20+s2] =	stream.linear.scatter [tilespmem:s11], [sflag:$0x3], $0x4000, $0x38;
	[tilespmem:$0x8900] =	vst v63  }
0xff: {  	_ =	swait.ge [sflag:s8], $0x4000  }
.Ltmp0:
0x100: {  	[sflag:s8] =	ssyncset.done $0x0;
	(pc) =	sbr.rel @p0 .LBB2_2-.Ltmp0, $4  }
0x101: {  	s19 =	sadd.s32 s19, s6;
	[sflag:s8] =	ssyncadd.s32 $0xFFFFC000  }
0x102: {  	[hbm4b:s19+s2] =	stream.linear.scatter [tilespmem:s13], [sflag:$0x3], $0x4000, $0x38;
	[tilespmem:$0x8900] =	vst v63  }
0x103: {  	_ =	swait.ge [sflag:s8], $0x4000  }
0x104: {  	[sflag:s8] =	ssyncset.done $0x0  }
0x105: {  	s16 =	sadd.s32 $0x1, s16  }
0x106: {  	p0 =	sne.s32 s16, s5  }
.Ltmp1:
0x107: {  	_ = 	snop;
	(pc) =	sbr.rel @p0 .LBB2_1-.Ltmp1, $2  }
0x108: {  	_ =	sdelay $0x2  }
0x109: {  	[sflag:s8] =	ssyncadd.s32 $0xFFFFC000  }
0x10a: {  	_ =	sfence.sel $0x180000  }
0x10b: {  	[bflag:$0x0] =	sbarrier.arrive $0xFFFF  }
0x10c: {  	p0 =	sne.s32 s1, $0x0;
	_ =	strace $0x9000004A  }
0x10d: {  	s0 =	sadd.s32 @!p0 $0x100000, s0;
	[bflag:$0x2] =	sbarrier.arrive $0xFFFF  }
0x10e: {  	[sflag:s0] =	ssyncadd.tile.s32 @!p0 $0x1;
	_ =	shalt  }
.Lfunc_end2:
_tile_overlayer_lowered:
.L_overlay_start_2:
0x10f: {  	(tag) =	ssettag $0x2  }
0x110: {  	s0 =	rddreg [dreg:$0x0];
	s2 =	stileid.u32  }
0x111: {  	s1 =	rddreg [dreg:$0x1];
	p0 =	sne.s32 s2, $0x0  }
0x112: {  	s3 =	rddreg [dreg:$0x2];
	[bflag:$0x3] =	sbarrier.arrive $0xFFFF;
	s2 =	simm.s32 @!p0 $0x1C03  }
0x113: {  	[timem:s3], [sflag:s2] =	dma.local @!p0 [hbm:s0], s1  }
0x114: {  	s0 =	simm.s32 @!p0 $0x3  }
0x115: {  	_ =	swait.ge @!p0 [sflag:s0], s1  }
0x116: {  	s1 =	ssub.s32 @!p0 $0x0, s1;
	[sflag:s0] =	ssyncset.done @!p0 $0x0  }
0x117: {  	[sflag:s0] =	ssyncadd.s32 @!p0 s1  }
0x118: {  	[bflag:$0x3] =	sbarrier.arrive $0xFFFF  }
0x119: {  	_ =	shalt  }

// kernel: kernel.8.cloned.1.call-start
scs
__scs_entry_jumppad:
0x0: {  	(pc) =	sbr.rel $0x88, $3  }
0x1: {  	(tag) =	ssettag $0x0;
	lr =	simm.s32 $0x1  }
0x2: {  	[smem:$0x3F99] =	sst lr;
	_ =	strace $0xD0000000  }
0x3: {  	_ = 	snop  }
0x4: {  	_ = 	snop  }
0x5: {  	_ = 	snop  }
0x6: {  	_ = 	snop  }
0x7: {  	_ = 	snop  }
__scs_overlays_trampoline_lowered:
0x8: {  	[smem:$0x3FA8] =	sst s0  }
0x9: {  	[smem:$0x3FA9] =	sst s1  }
0xa: {  	[smem:$0x3FAA] =	sst s2  }
0xb: {  	[smem:$0x3FAB] =	sst s3  }
0xc: {  	[smem:$0x3FAC] =	sst s4  }
0xd: {  	[smem:$0x3FAD] =	sst s5  }
0xe: {  	[smem:$0x3FAE] =	sst s6  }
0xf: {  	[smem:$0x3FAF] =	sst s7  }
0x10: {  	[smem:$0x3FB0] =	sst s8  }
0x11: {  	[smem:$0x3FB1] =	sst s9;
	s0 =	simm.s32 @!p0 $0x0  }
0x12: {  	s1 =	sld [smem:$0x3F97];
	s0 =	simm.s32 @p0 $0x1  }
0x13: {  	[smem:$0x3FB2] =	sst s0;
	s0 =	simm.s32 @!p1 $0x0  }
0x14: {  	s2 =	sld [smem:$0x3F96];
	s0 =	simm.s32 @p1 $0x1  }
0x15: {  	[smem:$0x3FB3] =	sst s0;
	s0 =	simm.s32 @!p2 $0x0  }
0x16: {  	s3 =	sld [smem:$0x3FDB];
	s0 =	simm.s32 @p2 $0x1  }
0x17: {  	s4 =	simm.s32 $0x1BF5;
	[smem:$0x3FB5] =	sst s0  }
0x18: {  	s0 =	sld [smem:$0x3F98];
	_ =	swait.ge [sflag:s4], $0x0  }
0x19: {  	s7 =	sld [smem:$0x3F99]  }
0x1a: {  	s8 =	sadd.s32 $0xFFFFE003, lr  }
0x1b: {  	s9 =	sadd.s32 $0xFFFFFEF7, lr;
	s5 =	simm.s32 $0xFFFFFFFF;
	p2 =	slt.u32 s8, $0xFFFFF086  }
0x1c: {  	p1 =	slt.u32 s9, $0xF7A;
	s5 =	simm.s32 @!p2 $0x0  }
0x1d: {  	s5 =	simm.s32 @p1 $0x1;
	p0 =	seq.s32 s7, s2  }
0x1e: {  	s7 =	smul.u32 @!p0 $0xF7A, s2;
	p2 =	seq.s32 @!p0 s5, $0x0  }
0x1f: {  	s9 =	smul.u32 $0xF7A, s1;
	s8 =	simm.s32 @!p0 $0x1BF5;
	p2 =	por !p2, p0  }
0x20: {  	[sflag:s8] =	ssyncset.s32 @!p0 $0xFFFFF086;
	s6 =	sadd.s32 @!p0 s3, s7;
	s7 =	simm.s32 @!p0 $0x108  }
0x21: {  	s3 =	sadd.s32 s3, s9;
	s6 =	sadd.s32 @!p0 $0x88, s6;
	s7 =	simm.s32 @p2 $0x1082  }
0x22: {  	[simem:s7], [sflag:s8] =	dma.local @!p0 [hbm:s6], $0xF7A  }
0x23: {  	s9 =	sor.u32 $0xD0000000, s2;
	s6 =	simm.s32 $0x108;
	_ =	swait.ge @!p0 [sflag:s8], $0x0  }
0x24: {  	s3 =	sadd.s32 $0x88, s3;
	s6 =	simm.s32 @!p1 $0x1082;
	[sflag:s4] =	ssyncset.s32 $0xFFFFF086  }
0x25: {  	[simem:s6], [sflag:s4] =	dma.local [hbm:s3], $0xF7A  }
0x26: {  	[smem:$0x3F99] =	sst s1;
	(tag) =	ssettag s2;
	_ =	strace s9  }
0x27: {  	s1 =	sld [smem:$0x3FA9]  }
0x28: {  	s2 =	sld [smem:$0x3FAA]  }
0x29: {  	s4 =	sld [smem:$0x3FAC]  }
0x2a: {  	p0 =	seq.s32 s5, $0x0;
	s5 =	sld [smem:$0x3FAD]  }
0x2b: {  	s6 =	sld [smem:$0x3FAE]  }
0x2c: {  	s7 =	sld [smem:$0x3FAF]  }
0x2d: {  	s3 =	simm.s32 $0x108;
	s8 =	sld [smem:$0x3FB0]  }
0x2e: {  	s3 =	simm.s32 @!p0 $0x1082;
	s9 =	sld [smem:$0x3FB1]  }
0x2f: {  	lr =	sadd.s32 s0, s3;
	s0 =	sld [smem:$0x3FA8]  }
0x30: {  	s3 =	sld [smem:$0x3FAB]  }
0x31: {  	[smem:$0x3FB4] =	sst s10  }
0x32: {  	s10 =	sld [smem:$0x3FB2];
	_ =	sdelay $0x3  }
0x33: {  	p0 =	seq.s32 s10, $0x1;
	s10 =	sld [smem:$0x3FB4];
	_ =	sdelay $0x3  }
0x34: {  	[smem:$0x3FB4] =	sst s10  }
0x35: {  	s10 =	sld [smem:$0x3FB3];
	_ =	sdelay $0x3  }
0x36: {  	p1 =	seq.s32 s10, $0x1;
	s10 =	sld [smem:$0x3FB4];
	_ =	sdelay $0x3  }
0x37: {  	[smem:$0x3FB4] =	sst s10  }
0x38: {  	s10 =	sld [smem:$0x3FB5]  }
0x39: {  	_ = 	snop;
	(pc) =	sbr.ind lr, $3  }
0x3a: {  	_ = 	snop  }
0x3b: {  	_ = 	snop  }
0x3c: {  	p2 =	seq.s32 s10, $0x1;
	s10 =	sld [smem:$0x3FB4]  }
0x3d: {  	_ =	shalt  }
0x3e: {  	_ =	shalt  }
0x3f: {  	_ =	shalt  }
0x40: {  	_ =	shalt  }
0x41: {  	_ =	shalt  }
0x42: {  	_ =	shalt  }
0x43: {  	_ =	shalt  }
0x44: {  	_ =	shalt  }
0x45: {  	_ =	shalt  }
0x46: {  	_ =	shalt  }
0x47: {  	_ =	shalt  }
0x48: {  	_ =	shalt  }
0x49: {  	_ =	shalt  }
0x4a: {  	_ =	shalt  }
0x4b: {  	_ =	shalt  }
0x4c: {  	_ =	shalt  }
0x4d: {  	_ =	shalt  }
0x4e: {  	_ =	shalt  }
0x4f: {  	_ =	shalt  }
0x50: {  	_ =	shalt  }
0x51: {  	_ =	shalt  }
0x52: {  	_ =	shalt  }
0x53: {  	_ =	shalt  }
0x54: {  	_ =	shalt  }
0x55: {  	_ =	shalt  }
0x56: {  	_ =	shalt  }
0x57: {  	_ =	shalt  }
0x58: {  	_ =	shalt  }
0x59: {  	_ =	shalt  }
0x5a: {  	_ =	shalt  }
0x5b: {  	_ =	shalt  }
0x5c: {  	_ =	shalt  }
0x5d: {  	_ =	shalt  }
0x5e: {  	_ =	shalt  }
0x5f: {  	_ =	shalt  }
0x60: {  	_ =	shalt  }
0x61: {  	_ =	shalt  }
0x62: {  	_ =	shalt  }
0x63: {  	_ =	shalt  }
0x64: {  	_ =	shalt  }
0x65: {  	_ =	shalt  }
0x66: {  	_ =	shalt  }
0x67: {  	_ =	shalt  }
0x68: {  	_ =	shalt  }
0x69: {  	_ =	shalt  }
0x6a: {  	_ =	shalt  }
0x6b: {  	_ =	shalt  }
0x6c: {  	_ =	shalt  }
0x6d: {  	_ =	shalt  }
0x6e: {  	_ =	shalt  }
0x6f: {  	_ =	shalt  }
0x70: {  	_ =	shalt  }
0x71: {  	_ =	shalt  }
0x72: {  	_ =	shalt  }
0x73: {  	_ =	shalt  }
0x74: {  	_ =	shalt  }
0x75: {  	_ =	shalt  }
0x76: {  	_ =	shalt  }
0x77: {  	_ =	shalt  }
0x78: {  	_ =	shalt  }
0x79: {  	_ =	shalt  }
0x7a: {  	_ =	shalt  }
0x7b: {  	_ =	shalt  }
0x7c: {  	_ =	shalt  }
0x7d: {  	_ =	shalt  }
0x7e: {  	_ =	shalt  }
0x7f: {  	_ =	shalt  }
0x80: {  	_ =	shalt  }
0x81: {  	_ =	shalt  }
0x82: {  	_ =	shalt  }
0x83: {  	_ =	shalt  }
0x84: {  	_ =	shalt  }
0x85: {  	_ =	shalt  }
0x86: {  	_ =	shalt  }
0x87: {  	_ =	shalt  }
.Lfunc_end0:
.L_simem_size_0:
called_computation.2_lowered:
.L_overlay_start_0:
0x88: {  	s2 =	sld [smem:$0x3FD9]  }
0x89: {  	s3 =	sld [smem:$0x3FFE];
	_ =	sdelay $0x1  }
0x8a: {  	s1 =	srdreg.scid  }
0x8b: {  	s0 =	sand.u32 $0x1, s1  }
0x8c: {  	s17 =	sshll.u32 s0, $0xA;
	s2 =	sadd.s32 s3, s2  }
0x8d: {  	s2 =	sadd.s32 s2, s17  }
0x8e: {  	[smem:$0x3FC0] =	sst s2  }
0x8f: {  	_ = 	snop  }
0x90: {  	s2 =	sld [smem:$0x3FD0];
	(tm) =	ssettm $0x1  }
0x91: {  	s18 =	sld [smem:$0x3FFB];
	_ =	sdelay $0x3  }
0x92: {  	_ =	strace s18  }
0x93: {  	s3 =	sld [smem:$0x3FFC];
	_ =	sdelay $0x3  }
0x94: {  	_ =	strace s3  }
0x95: {  	s3 =	sld [smem:$0x3FFD];
	_ =	sdelay $0x3  }
0x96: {  	_ =	strace s3  }
0x97: {  	_ =	strace $0x8FFFFFFF  }
0x98: {  	s19 =	sld [smem:$0x3FDB];
	_ =	sdelay $0x1  }
0x99: {  	s4 =	simm.s32 $_scs_section_size  }
0x9a: {  	s5 =	simm.s32 $_size__tile_overlayer_lowered;
	s6 =	simm.s32 $_tile_overlayer_lowered  }
0x9b: {  	s22 =	simm.s32 $0x1BFF;
	s21 =	sshll.u32 s6, $0x1;
	s3 =	sadd.s32 s4, s19  }
0x9c: {  	s7 =	simm.s32 $0x0;
	s20 =	sshll.u32 s5, $0x1;
	s5 =	sadd.s32 s21, s3  }
0x9d: {  	[timem:s7], [sflag:s22] =	dma.local [hbm:s5], s20  }
0x9e: {  	_ =	swait.ge [sflag:s22], s20  }
0x9f: {  	s4 =	ssub.s32 $0x0, s20;
	[sflag:s22] =	ssyncset.done $0x0  }
0xa0: {  	[sflag:s22] =	ssyncadd.s32 s4;
	_ =	sdelay $0x1  }
0xa1: {  	s23 =	simm.s32 $0x1B8B  }
0xa2: {  	_ =	swait.ge [sflag:s23], $0x1  }
0xa3: {  	[sflag:s23] =	ssyncset.done $0x0  }
0xa4: {  	s25 =	simm.s32 $0x1B8E;
	s24 =	sld [smem:$0x3FFE];
	[sflag:s23] =	ssyncadd.s32 $0xFFFFFFFF  }
0xa5: {  	s26 =	simm.s32 $execute0_lowered;
	[smem:$0x3FD2] =	sst s25  }
0xa6: {  	s5 =	sshll.u32 s26, $0x1;
	_ =	strace $0x8000004C;
	[dreg:$0x1] =	wrdreg $0xFFFFFFFF  }
0xa7: {  	s28 =	simm.s32 $_size_execute0_lowered;
	s3 =	sadd.s32 s3, s5;
	[dreg:$0x0] =	wrdreg $0x0  }
0xa8: {  	s5 =	sshll.u32 s28, $0x1;
	[dreg:$0x2] =	wrdreg s3  }
0xa9: {  	[dreg:$0x3] =	wrdreg s5  }
0xaa: {  	[dreg:$0x4] =	wrdreg $0xC0  }
0xab: {  	_ =	task [dreg:s7], $0x5FFFF  }
0xac: {  	[dreg:$0x1] =	wrdreg $0xFFFFFFFF  }
0xad: {  	[dreg:$0x0] =	wrdreg $0x60  }
0xae: {  	[dreg:$0x2] =	wrdreg s24  }
0xaf: {  	[dreg:$0x3] =	wrdreg s2  }
0xb0: {  	[dreg:$0x4] =	wrdreg $0x9  }
0xb1: {  	_ =	task.clear_ibuf [dreg:s7], $0x5FFFF;
	_ =	strace $0x9000004C  }
0xb2: {  	s29 =	simm.s32 $0x9;
	_ =	strace $0x8000004E  }
0xb3: {  	_ =	swait.ge [sflag:s29], $0x1  }
0xb4: {  	[sflag:s29] =	ssyncadd.s32 $0xFFFFFFFF  }
0xb5: {  	_ =	strace $0x9000004E  }
0xb6: {  	_ =	sfence  }
0xb7: {  	s30 =	sld [smem:$0x0];
	_ =	sdelay $0x2  }
0xb8: {  	s31 =	sshll.u32 s1, $0xD;
	s1 =	sshrl.u32 s1, $0x2  }
0xb9: {  	s3 =	sand.u32 $0x4000, s31;
	s1 =	sadd.s32 s1, s30  }
0xba: {  	s0 =	sor.u32 s3, s0;
	s1 =	sshll.u32 s1, $0x11  }
0xbb: {  	s0 =	sor.u32 s1, s0  }
0xbc: {  	s0 =	sadd.s32 $0x8F2B, s0  }
0xbd: {  	[sflag:s0] =	ssyncadd.remote.s32 $0x1  }
0xbe: {  	_ =	sfence.sel $0xFFFF  }
0xbf: {  	[dreg:$0x0] =	wrdreg $0xFFFFFFFF;
	(pc) =	sbr.abs _section_cstart, $3  }
0xc0: {  	[dreg:$0x1] =	wrdreg $0xFFFFFFFF  }
0xc1: {  	_ =	task.clear_ibuf [dreg:s7], $0x2FFFF;
	_ =	strace $0x9FFFFFFF  }
0xc2: {  	(tm) =	ssettm $0x7FFFFFFF  }
0xc3: {  	_ =	shalt  }
tec
execute0_lowered:
.L_overlay_start_1:
0x0: {  	(tag) =	ssettag $0x1  }
0x1: {  	s0 =	srdreg.scid;
	s1 =	rddreg [dreg:$0x0]  }
0x2: {  	s3 =	stileid.u32;
	s2 =	rddreg [dreg:$0x1];
	s16 =	simm.s32 $0x800  }
0x3: {  	v0 =	vlaneseq.u32;
	s17 =	simm.s32 $0x80;
	s28 =	simm.s32 $0xCA00;
	s29 =	simm.s32 $0x12200  }
0x4: {  	s30 =	simm.s32 $0x1;
	s31 =	simm.s32 $0x12A00;
	s18 =	simm.s32 $0x3;
	v0 =	vmul.u32 $0x8, v0  }
0x5: {  	s19 =	simm.s32 $0x13A00;
	s20 =	simm.s32 $0x4;
	s21 =	simm.s32 $0x14200  }
0x6: {  	s0 =	sand.u32 $0x1, s0;
	s4 =	sshll.u32 s3, $0xC;
	s3 =	simm.s32 $0x0;
	v1 =	vor.u32 $0x1, v0  }
0x7: {  	s7 =	sadd.s32 $0x2600, s1;
	s5 =	sshll.u32 s0, $0xB;
	s0 =	ssub.s32 $0x2, s0;
	v2 =	vor.u32 $0x2, v0;
	v3 =	vor.u32 $0x3, v0;
	v4 =	vor.u32 $0x4, v0  }
0x8: {  	[smem:$0x7FF] =	sst s3;
	s4 =	sor.u32 s5, s4;
	s9 =	sshrl.u32 s0, $0x1;
	v5 =	vor.u32 $0x5, v0;
	v6 =	vor.u32 $0x6, v0;
	v8 =	vor.u32 $0x80, v0  }
0x9: {  	_ =	strace $0x8000004D;
	v9 =	vor.u32 $0x81, v0;
	v10 =	vor.u32 $0x82, v0;
	v11 =	vor.u32 $0x83, v0;
	s5 =	sshrl.u32 s4, $0x3;
	s0 =	ssub.s32 s0, s9  }
0xa: {  	v12 =	vor.u32 $0x84, v0;
	v13 =	vor.u32 $0x85, v0;
	v14 =	vor.u32 $0x86, v0;
	s6 =	sshll.u32 s4, $0x4;
	s8 =	sadd.s32 s5, s1;
	s0 =	smax.u32 s0, $0x1  }
0xb: {  	v7 =	vor.u32 $0x7, v0;
	v15 =	vor.u32 $0x87, v0;
	v16 =	vor.u32 $0x100, v0;
	s5 =	sadd.s32 $0x202600, s1;
	s8 =	sadd.s32 $0x102600, s8;
	[dreg:$0x8] =	wrdreg s0  }
.Ltmp0:
0xc: {  	v17 =	vor.u32 $0x101, v0;
	v18 =	vor.u32 $0x102, v0;
	v19 =	vor.u32 $0x103, v0;
	s24 =	sadd.s32 s5, s6;
	[dreg:$0x4] =	wrdreg s8;
	(pc) =	sbr.rel .LBB2_1-.Ltmp0, $4  }
0xd: {  	s13 =	sadd.s32 $0x200, s2;
	v20 =	vor.u32 $0x104, v0;
	v21 =	vor.u32 $0x105, v0;
	v22 =	vor.u32 $0x106, v0;
	s25 =	sadd.s32 $0x100, s24;
	[dreg:$0x3] =	wrdreg s24  }
0xe: {  	v23 =	vor.u32 $0x107, v0;
	v24 =	vor.u32 $0x180, v0;
	v25 =	vor.u32 $0x181, v0;
	s9 =	simm.s32 $0x0;
	s26 =	sadd.s32 $0x200, s24;
	[dreg:$0x5] =	wrdreg s25  }
0xf: {  	v26 =	vor.u32 $0x182, v0;
	v27 =	vor.u32 $0x183, v0;
	v28 =	vor.u32 $0x184, v0;
	s0 =	simm.s32 $0x13200;
	s1 =	sadd.s32 $0x300, s24;
	[dreg:$0x6] =	wrdreg s26  }
0x10: {  	v29 =	vor.u32 $0x185, v0;
	v30 =	vor.u32 $0x186, v0;
	v31 =	vor.u32 $0x187, v0;
	[dreg:$0x7] =	wrdreg s1;
	s26 =	simm.s32 $0x980;
	s1 =	simm.s32 $0x2  }
.LBB2_12:
0x11: {  	s8 =	simm.s32 $0x5  }
0x12: {  	_ =	swait.ge [sflag:s8], $0x800  }
0x13: {  	[sflag:s8] =	ssyncset.done $0x0  }
0x14: {  	s23 =	simm.s32 $0x6;
	[sflag:s8] =	ssyncadd.s32 $0xFFFFF800  }
0x15: {  	_ =	swait.ge [sflag:s23], $0x800  }
0x16: {  	[sflag:s23] =	ssyncset.done $0x0  }
0x17: {  	s24 =	simm.s32 $0x7;
	[sflag:s23] =	ssyncadd.s32 $0xFFFFF800  }
0x18: {  	_ =	swait.ge [sflag:s24], $0x800  }
0x19: {  	[sflag:s24] =	ssyncset.done $0x0  }
0x1a: {  	s10 =	simm.s32 $0x8;
	[sflag:s24] =	ssyncadd.s32 $0xFFFFF800  }
0x1b: {  	_ =	swait.ge [sflag:s10], $0x800  }
0x1c: {  	s9 =	sadd.s32 $0x1, s9;
	s25 =	rddreg [dreg:$0x8]  }
0x1d: {  	p0 =	sne.s32 s9, s25  }
.Ltmp1:
0x1e: {  	_ = 	snop;
	(pc) =	sbr.rel @!p0 .LBB2_13-.Ltmp1, $3  }
0x1f: {  	_ =	sdelay $0x1  }
0x20: {  	[sflag:s10] =	ssyncset.done $0x0  }
0x21: {  	[sflag:s10] =	ssyncadd.s32 $0xFFFFF800  }
.LBB2_1:
0x22: {  	s8 =	rddreg [dreg:$0x4];
	s23 =	simm.s32 $0x9  }
0x23: {  	[tilespmem:s3], [sflag:$0x9] =	stream.linear.gather [hbm4b:s8+s3], $0x800, $0x38;
	[tilespmem:$0x14A00] =	vst v63  }
0x24: {  	_ =	swait.ge [sflag:s23], $0x800  }
0x25: {  	[sflag:s23] =	ssyncset.done $0x0  }
0x26: {  	[sflag:s23] =	ssyncadd.s32 $0xFFFFF800  }
0x27: {  	v32 =	vld [tilespmem:$0x0];
	_ =	sdelay $0x4  }
0x28: {  	[tilespmem:v0+s16+$0x0] =	vst.idx.msk $0xffff, v32;
	v33 =	vadd.s32 $0x1, v32  }
0x29: {  	v41 =	vadd.s32 $0x2, v32;
	[tilespmem:v1+s16+$0x0] =	vst.idx.msk $0xffff, v33  }
0x2a: {  	v42 =	vadd.s32 $0x3, v32;
	[tilespmem:v2+s16+$0x0] =	vst.idx.msk $0xffff, v41  }
0x2b: {  	v43 =	vadd.s32 $0x4, v32;
	[tilespmem:v3+s16+$0x0] =	vst.idx.msk $0xffff, v42  }
0x2c: {  	v44 =	vadd.s32 $0x5, v32;
	[tilespmem:v4+s16+$0x0] =	vst.idx.msk $0xffff, v43  }
0x2d: {  	v45 =	vadd.s32 $0x6, v32;
	[tilespmem:v5+s16+$0x0] =	vst.idx.msk $0xffff, v44  }
0x2e: {  	v32 =	vadd.s32 $0x7, v32;
	[tilespmem:v6+s16+$0x0] =	vst.idx.msk $0xffff, v45  }
0x2f: {  	s24 =	simm.s32 $0xA00;
	[tilespmem:v7+s16+$0x0] =	vst.idx.msk $0xffff, v32  }
0x30: {  	[tilespmem:s24], [sflag:$0x1] =	stream.indirect.gather [hbm4b:s7+s17], $0x80, s16, s17, $0xb8;
	[tilespmem:$0x14A00] =	vst v63  }
0x31: {  	s10 =	simm.s32 $0x10A00;
	s25 =	rddreg [dreg:$0x3]  }
0x32: {  	[tilespmem:s10], [sflag:$0x1] =	stream.linear.gather [hbm4b:s25+s3], $0x800, $0x38;
	[tilespmem:$0x14A00] =	vst v63  }
0x33: {  	v32 =	vld [tilespmem:$0x10];
	_ =	sdelay $0x4  }
0x34: {  	[tilespmem:v8+s16+$0x0] =	vst.idx.msk $0xffff, v32;
	v46 =	vadd.s32 $0x1, v32  }
0x35: {  	v47 =	vadd.s32 $0x2, v32;
	[tilespmem:v9+s16+$0x0] =	vst.idx.msk $0xffff, v46  }
0x36: {  	v48 =	vadd.s32 $0x3, v32;
	[tilespmem:v10+s16+$0x0] =	vst.idx.msk $0xffff, v47  }
0x37: {  	v49 =	vadd.s32 $0x4, v32;
	[tilespmem:v11+s16+$0x0] =	vst.idx.msk $0xffff, v48  }
0x38: {  	v50 =	vadd.s32 $0x5, v32;
	[tilespmem:v12+s16+$0x0] =	vst.idx.msk $0xffff, v49  }
0x39: {  	v51 =	vadd.s32 $0x6, v32;
	[tilespmem:v13+s16+$0x0] =	vst.idx.msk $0xffff, v50  }
0x3a: {  	v32 =	vadd.s32 $0x7, v32;
	[tilespmem:v14+s16+$0x0] =	vst.idx.msk $0xffff, v51  }
0x3b: {  	s11 =	simm.s32 $0x4A00;
	s10 =	simm.s32 $0x880;
	[tilespmem:v15+s16+$0x0] =	vst.idx.msk $0xffff, v32  }
0x3c: {  	[tilespmem:s11], [sflag:$0x2] =	stream.indirect.gather [hbm4b:s7+s17], $0x80, s10, s17, $0xb8;
	[tilespmem:$0x14A00] =	vst v63  }
0x3d: {  	s14 =	simm.s32 $0x11200;
	s12 =	rddreg [dreg:$0x5]  }
0x3e: {  	[tilespmem:s14], [sflag:$0x2] =	stream.linear.gather [hbm4b:s12+s3], $0x800, $0x38;
	[tilespmem:$0x14A00] =	vst v63  }
0x3f: {  	v32 =	vld [tilespmem:$0x20];
	_ =	sdelay $0x4  }
0x40: {  	[tilespmem:v16+s16+$0x0] =	vst.idx.msk $0xffff, v32;
	v52 =	vadd.s32 $0x1, v32  }
0x41: {  	v53 =	vadd.s32 $0x2, v32;
	[tilespmem:v17+s16+$0x0] =	vst.idx.msk $0xffff, v52  }
0x42: {  	v54 =	vadd.s32 $0x3, v32;
	[tilespmem:v18+s16+$0x0] =	vst.idx.msk $0xffff, v53  }
0x43: {  	v55 =	vadd.s32 $0x4, v32;
	[tilespmem:v19+s16+$0x0] =	vst.idx.msk $0xffff, v54  }
0x44: {  	v56 =	vadd.s32 $0x5, v32;
	[tilespmem:v20+s16+$0x0] =	vst.idx.msk $0xffff, v55  }
0x45: {  	v57 =	vadd.s32 $0x6, v32;
	[tilespmem:v21+s16+$0x0] =	vst.idx.msk $0xffff, v56  }
0x46: {  	v32 =	vadd.s32 $0x7, v32;
	[tilespmem:v22+s16+$0x0] =	vst.idx.msk $0xffff, v57  }
0x47: {  	s15 =	simm.s32 $0x900;
	s22 =	simm.s32 $0x8A00;
	[tilespmem:v23+s16+$0x0] =	vst.idx.msk $0xffff, v32  }
0x48: {  	[tilespmem:s22], [sflag:$0x3] =	stream.indirect.gather [hbm4b:s7+s17], $0x80, s15, s17, $0xb8;
	[tilespmem:$0x14A00] =	vst v63  }
0x49: {  	s23 =	rddreg [dreg:$0x6];
	s24 =	simm.s32 $0x11A00  }
0x4a: {  	[tilespmem:s24], [sflag:$0x3] =	stream.linear.gather [hbm4b:s23+s3], $0x800, $0x38;
	[tilespmem:$0x14A00] =	vst v63  }
0x4b: {  	v32 =	vld [tilespmem:$0x30];
	_ =	sdelay $0x4  }
0x4c: {  	[tilespmem:v24+s16+$0x0] =	vst.idx.msk $0xffff, v32;
	v58 =	vadd.s32 $0x1, v32  }
0x4d: {  	v59 =	vadd.s32 $0x2, v32;
	[tilespmem:v25+s16+$0x0] =	vst.idx.msk $0xffff, v58  }
0x4e: {  	v60 =	vadd.s32 $0x3, v32;
	[tilespmem:v26+s16+$0x0] =	vst.idx.msk $0xffff, v59  }
0x4f: {  	v61 =	vadd.s32 $0x4, v32;
	[tilespmem:v27+s16+$0x0] =	vst.idx.msk $0xffff, v60  }
0x50: {  	v62 =	vadd.s32 $0x5, v32;
	[tilespmem:v28+s16+$0x0] =	vst.idx.msk $0xffff, v61  }
0x51: {  	v63 =	vadd.s32 $0x6, v32;
	[tilespmem:v29+s16+$0x0] =	vst.idx.msk $0xffff, v62  }
0x52: {  	v32 =	vadd.s32 $0x7, v32;
	[tilespmem:v30+s16+$0x0] =	vst.idx.msk $0xffff, v63  }
0x53: {  	[tilespmem:v31+s16+$0x0] =	vst.idx.msk $0xffff, v32  }
0x54: {  	[tilespmem:s28], [sflag:$0x4] =	stream.indirect.gather [hbm4b:s7+s17], $0x80, s26, s17, $0xb8;
	[tilespmem:$0x14A00] =	vst v63  }
0x55: {  	s25 =	rddreg [dreg:$0x7];
	s10 =	simm.s32 $0x0  }
0x56: {  	[tilespmem:s29], [sflag:$0x4] =	stream.linear.gather [hbm4b:s25+s3], $0x800, $0x38;
	[tilespmem:$0x14A00] =	vst v63  }
.LBB2_2:
0x57: {  	_ =	swait.ge [sflag:s30], $0x4000  }
0x58: {  	[sflag:s30] =	ssyncset.done $0x0  }
0x59: {  	[sflag:s30] =	ssyncadd.s32 $0xFFFFC000  }
0x5a: {  	_ =	swait.ge [sflag:s30], $0x800  }
0x5b: {  	p1 =	seq.s32 s10, $0x0;
	[sflag:s30] =	ssyncset.done $0x0  }
0x5c: {  	s8 =	simm.s32 @!p1 $0x5;
	[sflag:s30] =	ssyncadd.s32 $0xFFFFF800  }
0x5d: {  	_ =	swait.ge @!p1 [sflag:s8], $0x800  }
0x5e: {  	s11 =	sshll.u32 s10, $0x6;
	[sflag:s8] =	ssyncset.done @!p1 $0x0  }
0x5f: {  	s12 =	simm.s32 $0xC00;
	[sflag:s8] =	ssyncadd.s32 @!p1 $0xFFFFF800;
	s8 =	simm.s32 $0x0  }
.LBB2_3:
0x60: {  	v40 =	vld [tilespmem:s12+$0xFFFFFE00]  }
0x61: {  	v41 =	vld [tilespmem:s12+$0xFFFFFE80]  }
0x62: {  	v42 =	vld [tilespmem:s12+$0xFFFFFF00]  }
0x63: {  	v43 =	vld [tilespmem:s12+$0xFFFFFF80]  }
0x64: {  	v44 =	vld [tilespmem:s12+$0x0]  }
0x65: {  	v45 =	vld [tilespmem:s12+$0x80]  }
0x66: {  	v46 =	vld [tilespmem:s12+$0x100]  }
0x67: {  	s14 =	sshra.s32 s8, $0x2;
	v47 =	vld [tilespmem:s12+$0x180]  }
0x68: {  	v32 =	vld [tilespmem:s14+$0x10A00]  }
0x69: {  	v33 =	vld [tilespmem:s14+$0x10A10]  }
0x6a: {  	v34 =	vld [tilespmem:s14+$0x10A20]  }
0x6b: {  	v35 =	vld [tilespmem:s14+$0x10A30]  }
0x6c: {  	v36 =	vld [tilespmem:s14+$0x10A40]  }
0x6d: {  	v37 =	vld [tilespmem:s14+$0x10A50]  }
0x6e: {  	v38 =	vld [tilespmem:s14+$0x10A60]  }
0x6f: {  	v39 =	vld [tilespmem:s14+$0x10A70];
	_ =	sdelay $0x1  }
0x70: {  	v40 =	vmul.f32 v40, v32;
	v41 =	vmul.f32 v41, v33  }
0x71: {  	v42 =	vmul.f32 v42, v34;
	v43 =	vmul.f32 v43, v35  }
0x72: {  	v44 =	vmul.f32 v44, v36;
	v45 =	vmul.f32 v45, v37  }
0x73: {  	v46 =	vmul.f32 v46, v38;
	v47 =	vmul.f32 v47, v39  }
0x74: {  	v40 =	vadd.f32 v41, v40;
	v63 =	vadd.f32 v43, v42  }
0x75: {  	v48 =	vadd.f32 v45, v44;
	v49 =	vadd.f32 v47, v46;
	_ =	sdelay $0x1  }
0x76: {  	v40 =	vadd.f32 v63, v40;
	v50 =	vadd.f32 v49, v48;
	_ =	sdelay $0x1  }
0x77: {  	v40 =	vadd.f32 v50, v40;
	_ =	sdelay $0x1  }
0x78: {  	[tilespmem:s14+$0x12A00] =	vst v40  }
0x79: {  	v40 =	vld [tilespmem:s12+$0xFFFFFE10]  }
0x7a: {  	v51 =	vld [tilespmem:s12+$0xFFFFFE90]  }
0x7b: {  	v52 =	vld [tilespmem:s12+$0xFFFFFF10]  }
0x7c: {  	v53 =	vld [tilespmem:s12+$0xFFFFFF90]  }
0x7d: {  	v54 =	vld [tilespmem:s12+$0x10]  }
0x7e: {  	v55 =	vld [tilespmem:s12+$0x90]  }
0x7f: {  	v56 =	vld [tilespmem:s12+$0x110]  }
0x80: {  	v57 =	vld [tilespmem:s12+$0x190];
	_ =	sdelay $0x1  }
0x81: {  	v40 =	vmul.f32 v40, v32;
	v41 =	vmul.f32 v51, v33  }
0x82: {  	v42 =	vmul.f32 v52, v34;
	v43 =	vmul.f32 v53, v35  }
0x83: {  	v44 =	vmul.f32 v54, v36;
	v45 =	vmul.f32 v55, v37  }
0x84: {  	v46 =	vmul.f32 v56, v38;
	v47 =	vmul.f32 v57, v39  }
0x85: {  	v40 =	vadd.f32 v41, v40;
	v58 =	vadd.f32 v43, v42  }
0x86: {  	v59 =	vadd.f32 v45, v44;
	v60 =	vadd.f32 v47, v46;
	_ =	sdelay $0x1  }
0x87: {  	v40 =	vadd.f32 v58, v40;
	v61 =	vadd.f32 v60, v59;
	_ =	sdelay $0x1  }
0x88: {  	v40 =	vadd.f32 v61, v40;
	_ =	sdelay $0x1  }
0x89: {  	[tilespmem:s14+$0x12A10] =	vst v40  }
0x8a: {  	v40 =	vld [tilespmem:s12+$0xFFFFFE20]  }
0x8b: {  	v62 =	vld [tilespmem:s12+$0xFFFFFEA0]  }
0x8c: {  	v63 =	vld [tilespmem:s12+$0xFFFFFF20]  }
0x8d: {  	v48 =	vld [tilespmem:s12+$0xFFFFFFA0]  }
0x8e: {  	v49 =	vld [tilespmem:s12+$0x20]  }
0x8f: {  	v50 =	vld [tilespmem:s12+$0xA0]  }
0x90: {  	v51 =	vld [tilespmem:s12+$0x120]  }
0x91: {  	v52 =	vld [tilespmem:s12+$0x1A0];
	_ =	sdelay $0x1  }
0x92: {  	v40 =	vmul.f32 v40, v32;
	v41 =	vmul.f32 v62, v33  }
0x93: {  	v42 =	vmul.f32 v63, v34;
	v43 =	vmul.f32 v48, v35  }
0x94: {  	v44 =	vmul.f32 v49, v36;
	v45 =	vmul.f32 v50, v37  }
0x95: {  	v46 =	vmul.f32 v51, v38;
	v47 =	vmul.f32 v52, v39  }
0x96: {  	v40 =	vadd.f32 v41, v40;
	v53 =	vadd.f32 v43, v42  }
0x97: {  	v54 =	vadd.f32 v45, v44;
	v55 =	vadd.f32 v47, v46;
	_ =	sdelay $0x1  }
0x98: {  	v40 =	vadd.f32 v53, v40;
	v56 =	vadd.f32 v55, v54;
	_ =	sdelay $0x1  }
0x99: {  	v40 =	vadd.f32 v56, v40;
	_ =	sdelay $0x1  }
0x9a: {  	[tilespmem:s14+$0x12A20] =	vst v40  }
0x9b: {  	v40 =	vld [tilespmem:s12+$0xFFFFFE30]  }
0x9c: {  	v57 =	vld [tilespmem:s12+$0xFFFFFEB0]  }
0x9d: {  	v58 =	vld [tilespmem:s12+$0xFFFFFF30]  }
0x9e: {  	v59 =	vld [tilespmem:s12+$0xFFFFFFB0]  }
0x9f: {  	v60 =	vld [tilespmem:s12+$0x30]  }
0xa0: {  	v61 =	vld [tilespmem:s12+$0xB0]  }
0xa1: {  	v62 =	vld [tilespmem:s12+$0x130]  }
0xa2: {  	v63 =	vld [tilespmem:s12+$0x1B0];
	_ =	sdelay $0x1  }
0xa3: {  	v40 =	vmul.f32 v40, v32;
	v41 =	vmul.f32 v57, v33  }
0xa4: {  	v42 =	vmul.f32 v58, v34;
	v43 =	vmul.f32 v59, v35  }
0xa5: {  	v44 =	vmul.f32 v60, v36;
	v45 =	vmul.f32 v61, v37  }
0xa6: {  	v46 =	vmul.f32 v62, v38;
	v47 =	vmul.f32 v63, v39  }
0xa7: {  	v40 =	vadd.f32 v41, v40;
	v48 =	vadd.f32 v43, v42  }
0xa8: {  	v49 =	vadd.f32 v45, v44;
	v50 =	vadd.f32 v47, v46;
	_ =	sdelay $0x1  }
0xa9: {  	v40 =	vadd.f32 v48, v40;
	v51 =	vadd.f32 v50, v49;
	_ =	sdelay $0x1  }
0xaa: {  	v40 =	vadd.f32 v51, v40;
	_ =	sdelay $0x1  }
0xab: {  	[tilespmem:s14+$0x12A30] =	vst v40  }
0xac: {  	v40 =	vld [tilespmem:s12+$0xFFFFFE40]  }
0xad: {  	v52 =	vld [tilespmem:s12+$0xFFFFFEC0]  }
0xae: {  	v53 =	vld [tilespmem:s12+$0xFFFFFF40]  }
0xaf: {  	v54 =	vld [tilespmem:s12+$0xFFFFFFC0]  }
0xb0: {  	v55 =	vld [tilespmem:s12+$0x40]  }
0xb1: {  	v56 =	vld [tilespmem:s12+$0xC0]  }
0xb2: {  	v57 =	vld [tilespmem:s12+$0x140]  }
0xb3: {  	v58 =	vld [tilespmem:s12+$0x1C0];
	_ =	sdelay $0x1  }
0xb4: {  	v40 =	vmul.f32 v40, v32;
	v41 =	vmul.f32 v52, v33  }
0xb5: {  	v42 =	vmul.f32 v53, v34;
	v43 =	vmul.f32 v54, v35  }
0xb6: {  	v44 =	vmul.f32 v55, v36;
	v45 =	vmul.f32 v56, v37  }
0xb7: {  	v46 =	vmul.f32 v57, v38;
	v47 =	vmul.f32 v58, v39  }
0xb8: {  	v40 =	vadd.f32 v41, v40;
	v59 =	vadd.f32 v43, v42  }
0xb9: {  	v60 =	vadd.f32 v45, v44;
	v61 =	vadd.f32 v47, v46;
	_ =	sdelay $0x1  }
0xba: {  	v40 =	vadd.f32 v59, v40;
	v62 =	vadd.f32 v61, v60;
	_ =	sdelay $0x1  }
0xbb: {  	v40 =	vadd.f32 v62, v40;
	_ =	sdelay $0x1  }
0xbc: {  	[tilespmem:s14+$0x12A40] =	vst v40  }
0xbd: {  	v40 =	vld [tilespmem:s12+$0xFFFFFE50]  }
0xbe: {  	v63 =	vld [tilespmem:s12+$0xFFFFFED0]  }
0xbf: {  	v48 =	vld [tilespmem:s12+$0xFFFFFF50]  }
0xc0: {  	v49 =	vld [tilespmem:s12+$0xFFFFFFD0]  }
0xc1: {  	v50 =	vld [tilespmem:s12+$0x50]  }
0xc2: {  	v51 =	vld [tilespmem:s12+$0xD0]  }
0xc3: {  	v52 =	vld [tilespmem:s12+$0x150]  }
0xc4: {  	v53 =	vld [tilespmem:s12+$0x1D0];
	_ =	sdelay $0x1  }
0xc5: {  	v40 =	vmul.f32 v40, v32;
	v41 =	vmul.f32 v63, v33  }
0xc6: {  	v42 =	vmul.f32 v48, v34;
	v43 =	vmul.f32 v49, v35  }
0xc7: {  	v44 =	vmul.f32 v50, v36;
	v45 =	vmul.f32 v51, v37  }
0xc8: {  	v46 =	vmul.f32 v52, v38;
	v47 =	vmul.f32 v53, v39  }
0xc9: {  	v40 =	vadd.f32 v41, v40;
	v54 =	vadd.f32 v43, v42  }
0xca: {  	v55 =	vadd.f32 v45, v44;
	v56 =	vadd.f32 v47, v46;
	_ =	sdelay $0x1  }
0xcb: {  	v40 =	vadd.f32 v54, v40;
	v57 =	vadd.f32 v56, v55;
	_ =	sdelay $0x1  }
0xcc: {  	v40 =	vadd.f32 v57, v40;
	_ =	sdelay $0x1  }
0xcd: {  	[tilespmem:s14+$0x12A50] =	vst v40  }
0xce: {  	v40 =	vld [tilespmem:s12+$0xFFFFFE60]  }
0xcf: {  	v58 =	vld [tilespmem:s12+$0xFFFFFEE0]  }
0xd0: {  	v59 =	vld [tilespmem:s12+$0xFFFFFF60]  }
0xd1: {  	v60 =	vld [tilespmem:s12+$0xFFFFFFE0]  }
0xd2: {  	v61 =	vld [tilespmem:s12+$0x60]  }
0xd3: {  	v62 =	vld [tilespmem:s12+$0xE0]  }
0xd4: {  	v63 =	vld [tilespmem:s12+$0x160]  }
0xd5: {  	v48 =	vld [tilespmem:s12+$0x1E0];
	_ =	sdelay $0x1  }
0xd6: {  	v40 =	vmul.f32 v40, v32;
	v41 =	vmul.f32 v58, v33  }
0xd7: {  	v42 =	vmul.f32 v59, v34;
	v43 =	vmul.f32 v60, v35  }
0xd8: {  	v44 =	vmul.f32 v61, v36;
	v45 =	vmul.f32 v62, v37  }
0xd9: {  	v46 =	vmul.f32 v63, v38;
	v47 =	vmul.f32 v48, v39  }
0xda: {  	v40 =	vadd.f32 v41, v40;
	v49 =	vadd.f32 v43, v42  }
0xdb: {  	v50 =	vadd.f32 v45, v44;
	v51 =	vadd.f32 v47, v46;
	_ =	sdelay $0x1  }
0xdc: {  	v40 =	vadd.f32 v49, v40;
	v52 =	vadd.f32 v51, v50;
	_ =	sdelay $0x1  }
0xdd: {  	v40 =	vadd.f32 v52, v40;
	_ =	sdelay $0x1  }
0xde: {  	[tilespmem:s14+$0x12A60] =	vst v40  }
0xdf: {  	v40 =	vld [tilespmem:s12+$0xFFFFFE70]  }
0xe0: {  	v53 =	vld [tilespmem:s12+$0xFFFFFEF0]  }
0xe1: {  	v54 =	vld [tilespmem:s12+$0xFFFFFF70]  }
0xe2: {  	v55 =	vld [tilespmem:s12+$0xFFFFFFF0]  }
0xe3: {  	v56 =	vld [tilespmem:s12+$0x70]  }
0xe4: {  	v57 =	vld [tilespmem:s12+$0xF0]  }
0xe5: {  	v58 =	vld [tilespmem:s12+$0x170]  }
0xe6: {  	v59 =	vld [tilespmem:s12+$0x1F0];
	_ =	sdelay $0x1  }
0xe7: {  	v32 =	vmul.f32 v40, v32;
	v33 =	vmul.f32 v53, v33  }
0xe8: {  	v34 =	vmul.f32 v54, v34;
	v35 =	vmul.f32 v55, v35  }
0xe9: {  	v36 =	vmul.f32 v56, v36;
	v37 =	vmul.f32 v57, v37  }
0xea: {  	v38 =	vmul.f32 v58, v38;
	v39 =	vmul.f32 v59, v39  }
0xeb: {  	v32 =	vadd.f32 v33, v32;
	v60 =	vadd.f32 v35, v34  }
0xec: {  	v61 =	vadd.f32 v37, v36;
	v62 =	vadd.f32 v39, v38  }
0xed: {  	p0 =	sne.s32 s8, $0x1E00  }
.Ltmp2:
0xee: {  	v32 =	vadd.f32 v60, v32;
	v63 =	vadd.f32 v62, v61;
	(pc) =	sbr.rel @p0 .LBB2_3-.Ltmp2, $3  }
0xef: {  	_ = 	snop  }
0xf0: {  	v32 =	vadd.f32 v63, v32;
	_ =	sdelay $0x1  }
0xf1: {  	s8 =	sadd.s32 $0x200, s8;
	s12 =	sadd.s32 $0x400, s12;
	[tilespmem:s14+$0x12A70] =	vst v32  }
0xf2: {  	s8 =	sshll.u32 s10, $0xA  }
0xf3: {  	p0 =	seq.s32 s10, $0x1F;
	s12 =	sadd.s32 s6, s8  }
0xf4: {  	v32 =	vlaneseq.u32 @!p0;
	s8 =	sadd.s32 s2, s12  }
0xf5: {  	v32 =	vmul.u32 @!p0 $0x8, v32;
	[hbm4b:s8+s3] =	stream.linear.scatter [tilespmem:s31], [sflag:$0x5], $0x800, $0x38;
	[tilespmem:$0x14A00] =	vst v63  }
0xf6: {  	v33 =	vld @!p0 [tilespmem:s11+$0x40]  }
0xf7: {  	v34 =	vor.u32 @!p0 $0x1, v32  }
0xf8: {  	v35 =	vor.u32 @!p0 $0x2, v32  }
0xf9: {  	v36 =	vor.u32 @!p0 $0x3, v32  }
0xfa: {  	s8 =	simm.s32 @!p0 $0x800;
	v37 =	vor.u32 @!p0 $0x4, v32  }
0xfb: {  	v39 =	vor.u32 @!p0 $0x5, v32;
	[tilespmem:v32+s8+$0x0] =	vst.idx.msk @!p0 $0xffff, v33;
	v38 =	vadd.s32 @!p0 $0x1, v33  }
0xfc: {  	[tilespmem:v34+s8+$0x0] =	vst.idx.msk @!p0 $0xffff, v38;
	v34 =	vadd.s32 @!p0 $0x2, v33;
	v38 =	vor.u32 @!p0 $0x6, v32  }
0xfd: {  	v32 =	vor.u32 @!p0 $0x7, v32;
	[tilespmem:v35+s8+$0x0] =	vst.idx.msk @!p0 $0xffff, v34;
	v34 =	vadd.s32 @!p0 $0x3, v33  }
0xfe: {  	[tilespmem:v36+s8+$0x0] =	vst.idx.msk @!p0 $0xffff, v34;
	v34 =	vadd.s32 @!p0 $0x4, v33  }
0xff: {  	[tilespmem:v37+s8+$0x0] =	vst.idx.msk @!p0 $0xffff, v34;
	v34 =	vadd.s32 @!p0 $0x5, v33  }
0x100: {  	[tilespmem:v39+s8+$0x0] =	vst.idx.msk @!p0 $0xffff, v34;
	v34 =	vadd.s32 @!p0 $0x6, v33  }
0x101: {  	v33 =	vadd.s32 @!p0 $0x7, v33;
	[tilespmem:v38+s8+$0x0] =	vst.idx.msk @!p0 $0xffff, v34  }
0x102: {  	s14 =	sadd.s32 @!p0 $0x40, s11;
	s15 =	simm.s32 @!p0 $0x80;
	s22 =	simm.s32 @!p0 $0xA00;
	[tilespmem:v32+s8+$0x0] =	vst.idx.msk @!p0 $0xffff, v33  }
0x103: {  	[tilespmem:s22], [sflag:$0x1] =	stream.indirect.gather @!p0 [hbm4b:s7+s15], $0x80, s8, s15, $0xb8;
	[tilespmem:$0x14A00] =	vst v63  }
0x104: {  	s8 =	sadd.s32 @!p0 s4, s14  }
0x105: {  	s8 =	sshll.u32 @!p0 s8, $0x4  }
0x106: {  	s14 =	simm.s32 @!p0 $0x0;
	s15 =	simm.s32 @!p0 $0x10A00;
	s8 =	sadd.s32 @!p0 s5, s8  }
0x107: {  	[tilespmem:s15], [sflag:$0x1] =	stream.linear.gather @!p0 [hbm4b:s8+s14], $0x800, $0x38;
	[tilespmem:$0x14A00] =	vst v63  }
0x108: {  	_ =	swait.ge [sflag:s1], $0x4000  }
0x109: {  	[sflag:s1] =	ssyncset.done $0x0  }
0x10a: {  	[sflag:s1] =	ssyncadd.s32 $0xFFFFC000  }
0x10b: {  	_ =	swait.ge [sflag:s1], $0x800  }
0x10c: {  	[sflag:s1] =	ssyncset.done $0x0  }
0x10d: {  	s8 =	simm.s32 @!p1 $0x6;
	[sflag:s1] =	ssyncadd.s32 $0xFFFFF800  }
0x10e: {  	_ =	swait.ge @!p1 [sflag:s8], $0x800  }
0x10f: {  	[sflag:s8] =	ssyncset.done @!p1 $0x0  }
0x110: {  	s14 =	simm.s32 $0x11270;
	[sflag:s8] =	ssyncadd.s32 @!p1 $0xFFFFF800  }
0x111: {  	v36 =	vld [tilespmem:s14+$0xFFFFFF90]  }
0x112: {  	v32 =	vld [tilespmem:s14+$0xFFFFFFF0]  }
0x113: {  	v35 =	vld [tilespmem:s14+$0xFFFFFFD0]  }
0x114: {  	v34 =	vld [tilespmem:s14+$0xFFFFFFC0]  }
0x115: {  	v33 =	vld [tilespmem:s14+$0xFFFFFFE0]  }
0x116: {  	v37 =	vld [tilespmem:s14+$0xFFFFFFA0]  }
0x117: {  	v39 =	vld [tilespmem:s14+$0xFFFFFFB0]  }
0x118: {  	s8 =	simm.s32 $0x0;
	v38 =	vld [tilespmem:s14+$0x0]  }
0x119: {  	v40 =	vld [tilespmem:s8+$0x4D80]  }
0x11a: {  	v41 =	vld [tilespmem:s8+$0x4B00]  }
0x11b: {  	v42 =	vld [tilespmem:s8+$0x4B80]  }
0x11c: {  	v43 =	vld [tilespmem:s8+$0x4C80]  }
0x11d: {  	v44 =	vld [tilespmem:s8+$0x4A80]  }
0x11e: {  	v45 =	vld [tilespmem:s8+$0x4D00]  }
0x11f: {  	v46 =	vld [tilespmem:s8+$0x4C00]  }
0x120: {  	v47 =	vld [tilespmem:s8+$0x4A00];
	_ =	sdelay $0x1  }
0x121: {  	v40 =	vmul.f32 v40, v38;
	v41 =	vmul.f32 v41, v39  }
0x122: {  	v44 =	vmul.f32 v44, v37;
	v43 =	vmul.f32 v43, v33  }
0x123: {  	v42 =	vmul.f32 v42, v34;
	v46 =	vmul.f32 v46, v35  }
0x124: {  	v45 =	vmul.f32 v45, v32;
	v47 =	vmul.f32 v47, v36  }
0x125: {  	v41 =	vadd.f32 v42, v41;
	v59 =	vadd.f32 v43, v46  }
0x126: {  	v40 =	vadd.f32 v40, v45;
	v60 =	vadd.f32 v44, v47;
	_ =	sdelay $0x1  }
0x127: {  	v40 =	vadd.f32 v40, v59;
	v41 =	vadd.f32 v41, v60;
	_ =	sdelay $0x1  }
0x128: {  	v40 =	vadd.f32 v40, v41  }
0x129: {  	s15 =	simm.s32 $0x13270  }
0x12a: {  	[tilespmem:s15+$0xFFFFFF90] =	vst v40  }
0x12b: {  	v40 =	vld [tilespmem:s8+$0x4D90]  }
0x12c: {  	v61 =	vld [tilespmem:s8+$0x4C90]  }
0x12d: {  	v62 =	vld [tilespmem:s8+$0x4C10]  }
0x12e: {  	v63 =	vld [tilespmem:s8+$0x4D10]  }
0x12f: {  	v48 =	vld [tilespmem:s8+$0x4B10]  }
0x130: {  	v49 =	vld [tilespmem:s8+$0x4B90]  }
0x131: {  	v50 =	vld [tilespmem:s8+$0x4A90]  }
0x132: {  	v51 =	vld [tilespmem:s8+$0x4A10];
	_ =	sdelay $0x1  }
0x133: {  	v41 =	vmul.f32 v61, v33;
	v42 =	vmul.f32 v62, v35  }
0x134: {  	v43 =	vmul.f32 v63, v32;
	v40 =	vmul.f32 v40, v38  }
0x135: {  	v44 =	vmul.f32 v48, v39;
	v45 =	vmul.f32 v49, v34  }
0x136: {  	v46 =	vmul.f32 v50, v37;
	v47 =	vmul.f32 v51, v36  }
0x137: {  	v41 =	vadd.f32 v41, v42;
	v40 =	vadd.f32 v40, v43  }
0x138: {  	v52 =	vadd.f32 v45, v44;
	v53 =	vadd.f32 v46, v47;
	_ =	sdelay $0x1  }
0x139: {  	v40 =	vadd.f32 v40, v41;
	v54 =	vadd.f32 v52, v53;
	_ =	sdelay $0x1  }
0x13a: {  	v40 =	vadd.f32 v40, v54;
	_ =	sdelay $0x1  }
0x13b: {  	[tilespmem:s15+$0xFFFFFFA0] =	vst v40  }
0x13c: {  	v40 =	vld [tilespmem:s8+$0x4DA0]  }
0x13d: {  	v55 =	vld [tilespmem:s8+$0x4D20]  }
0x13e: {  	v56 =	vld [tilespmem:s8+$0x4CA0]  }
0x13f: {  	v57 =	vld [tilespmem:s8+$0x4AA0]  }
0x140: {  	v58 =	vld [tilespmem:s8+$0x4B20]  }
0x141: {  	v59 =	vld [tilespmem:s8+$0x4BA0]  }
0x142: {  	v60 =	vld [tilespmem:s8+$0x4A20]  }
0x143: {  	v61 =	vld [tilespmem:s8+$0x4C20];
	_ =	sdelay $0x1  }
0x144: {  	v41 =	vmul.f32 v55, v32;
	v43 =	vmul.f32 v57, v37  }
0x145: {  	v45 =	vmul.f32 v59, v34;
	v42 =	vmul.f32 v56, v33  }
0x146: {  	v46 =	vmul.f32 v60, v36;
	v40 =	vmul.f32 v40, v38  }
0x147: {  	v44 =	vmul.f32 v58, v39;
	v47 =	vmul.f32 v61, v35  }
0x148: {  	v43 =	vadd.f32 v43, v46;
	v40 =	vadd.f32 v40, v41  }
0x149: {  	v62 =	vadd.f32 v45, v44;
	v42 =	vadd.f32 v42, v47;
	_ =	sdelay $0x1  }
0x14a: {  	v41 =	vadd.f32 v62, v43;
	v40 =	vadd.f32 v40, v42;
	_ =	sdelay $0x1  }
0x14b: {  	v40 =	vadd.f32 v40, v41;
	_ =	sdelay $0x1  }
0x14c: {  	[tilespmem:s15+$0xFFFFFFB0] =	vst v40  }
0x14d: {  	v40 =	vld [tilespmem:s8+$0x4DB0]  }
0x14e: {  	v63 =	vld [tilespmem:s8+$0x4D30]  }
0x14f: {  	v48 =	vld [tilespmem:s8+$0x4B30]  }
0x150: {  	v49 =	vld [tilespmem:s8+$0x4CB0]  }
0x151: {  	v50 =	vld [tilespmem:s8+$0x4AB0]  }
0x152: {  	v51 =	vld [tilespmem:s8+$0x4C30]  }
0x153: {  	v52 =	vld [tilespmem:s8+$0x4BB0]  }
0x154: {  	v53 =	vld [tilespmem:s8+$0x4A30];
	_ =	sdelay $0x1  }
0x155: {  	v41 =	vmul.f32 v63, v32;
	v42 =	vmul.f32 v48, v39  }
0x156: {  	v45 =	vmul.f32 v51, v35;
	v43 =	vmul.f32 v49, v33  }
0x157: {  	v46 =	vmul.f32 v52, v34;
	v40 =	vmul.f32 v40, v38  }
0x158: {  	v47 =	vmul.f32 v53, v36;
	v44 =	vmul.f32 v50, v37  }
0x159: {  	v43 =	vadd.f32 v43, v45;
	v42 =	vadd.f32 v46, v42  }
0x15a: {  	v44 =	vadd.f32 v44, v47;
	v40 =	vadd.f32 v40, v41;
	_ =	sdelay $0x1  }
0x15b: {  	v54 =	vadd.f32 v42, v44;
	v40 =	vadd.f32 v40, v43;
	_ =	sdelay $0x1  }
0x15c: {  	v40 =	vadd.f32 v40, v54;
	_ =	sdelay $0x1  }
0x15d: {  	[tilespmem:s15+$0xFFFFFFC0] =	vst v40  }
0x15e: {  	v40 =	vld [tilespmem:s8+$0x4D40]  }
0x15f: {  	v55 =	vld [tilespmem:s8+$0x4BC0]  }
0x160: {  	v56 =	vld [tilespmem:s8+$0x4DC0]  }
0x161: {  	v57 =	vld [tilespmem:s8+$0x4CC0]  }
0x162: {  	v58 =	vld [tilespmem:s8+$0x4AC0]  }
0x163: {  	v59 =	vld [tilespmem:s8+$0x4C40]  }
0x164: {  	v60 =	vld [tilespmem:s8+$0x4B40]  }
0x165: {  	v61 =	vld [tilespmem:s8+$0x4A40];
	_ =	sdelay $0x1  }
0x166: {  	v42 =	vmul.f32 v56, v38;
	v41 =	vmul.f32 v55, v34  }
0x167: {  	v40 =	vmul.f32 v40, v32;
	v43 =	vmul.f32 v57, v33  }
0x168: {  	v44 =	vmul.f32 v58, v37;
	v45 =	vmul.f32 v59, v35  }
0x169: {  	v46 =	vmul.f32 v60, v39;
	v47 =	vmul.f32 v61, v36  }
0x16a: {  	v40 =	vadd.f32 v42, v40;
	v62 =	vadd.f32 v43, v45  }
0x16b: {  	v41 =	vadd.f32 v41, v46;
	v63 =	vadd.f32 v44, v47;
	_ =	sdelay $0x1  }
0x16c: {  	v40 =	vadd.f32 v40, v62;
	v41 =	vadd.f32 v41, v63;
	_ =	sdelay $0x1  }
0x16d: {  	v40 =	vadd.f32 v40, v41;
	_ =	sdelay $0x1  }
0x16e: {  	[tilespmem:s15+$0xFFFFFFD0] =	vst v40  }
0x16f: {  	v40 =	vld [tilespmem:s8+$0x4DD0]  }
0x170: {  	v42 =	vld [tilespmem:s8+$0x4D50]  }
0x171: {  	v43 =	vld [tilespmem:s8+$0x4BD0]  }
0x172: {  	v41 =	vld [tilespmem:s8+$0x4AD0]  }
0x173: {  	v45 =	vld [tilespmem:s8+$0x4B50]  }
0x174: {  	s23 =	simm.s32 $0x1000;
	s22 =	simm.s32 $0x13270;
	v44 =	vld [tilespmem:s8+$0x4CD0]  }
.LBB2_5:
0x175: {  	p2 =	sne.s32 s23, $0xF000;
	v46 =	vld [tilespmem:s8+$0x4C50];
	s14 =	sadd.s32 $0x80, s14;
	s15 =	sadd.s32 $0x80, s15  }
0x176: {  	s24 =	smov.u32 s23;
	s23 =	sadd.s32 $0x1000, s23;
	v47 =	vld [tilespmem:s8+$0x4A50]  }
0x177: {  	v43 =	vmul.f32 v43, v34  }
0x178: {  	v42 =	vmul.f32 v42, v32;
	v45 =	vmul.f32 v45, v39  }
0x179: {  	v40 =	vmul.f32 v40, v38;
	v44 =	vmul.f32 v44, v33  }
0x17a: {  	v43 =	vadd.f32 v43, v45;
	v45 =	vmul.f32 v46, v35  }
0x17b: {  	v41 =	vmul.f32 v41, v37;
	v40 =	vadd.f32 v40, v42;
	v46 =	vmul.f32 v47, v36  }
0x17c: {  	v42 =	vadd.f32 v44, v45  }
0x17d: {  	v41 =	vadd.f32 v41, v46  }
0x17e: {  	v40 =	vadd.f32 v40, v42  }
0x17f: {  	v41 =	vadd.f32 v43, v41;
	_ =	sdelay $0x1  }
0x180: {  	v40 =	vadd.f32 v40, v41;
	_ =	sdelay $0x1  }
0x181: {  	[tilespmem:s22+$0xFFFFFFE0] =	vst v40  }
0x182: {  	v40 =	vld [tilespmem:s8+$0x4DE0]  }
0x183: {  	v41 =	vld [tilespmem:s8+$0x4B60]  }
0x184: {  	v42 =	vld [tilespmem:s8+$0x4AE0]  }
0x185: {  	v43 =	vld [tilespmem:s8+$0x4CE0]  }
0x186: {  	v44 =	vld [tilespmem:s8+$0x4D60]  }
0x187: {  	v45 =	vld [tilespmem:s8+$0x4C60]  }
0x188: {  	v46 =	vld [tilespmem:s8+$0x4BE0]  }
0x189: {  	v41 =	vmul.f32 v41, v39;
	v47 =	vld [tilespmem:s8+$0x4A60]  }
0x18a: {  	v43 =	vmul.f32 v43, v33  }
0x18b: {  	v40 =	vmul.f32 v40, v38;
	v44 =	vmul.f32 v44, v32  }
0x18c: {  	v45 =	vmul.f32 v45, v35  }
0x18d: {  	v42 =	vmul.f32 v42, v37;
	v46 =	vmul.f32 v46, v34;
	v40 =	vadd.f32 v40, v44  }
0x18e: {  	v44 =	vmul.f32 v47, v36  }
0x18f: {  	v43 =	vadd.f32 v43, v45;
	v41 =	vadd.f32 v46, v41  }
0x190: {  	v42 =	vadd.f32 v42, v44  }
0x191: {  	v40 =	vadd.f32 v40, v43  }
0x192: {  	v41 =	vadd.f32 v41, v42;
	_ =	sdelay $0x1  }
0x193: {  	v40 =	vadd.f32 v40, v41;
	_ =	sdelay $0x1  }
0x194: {  	[tilespmem:s22+$0xFFFFFFF0] =	vst v40  }
0x195: {  	v40 =	vld [tilespmem:s8+$0x4A70]  }
0x196: {  	v41 =	vld [tilespmem:s8+$0x4DF0]  }
0x197: {  	v42 =	vld [tilespmem:s8+$0x4B70]  }
0x198: {  	v43 =	vld [tilespmem:s8+$0x4D70]  }
0x199: {  	v44 =	vld [tilespmem:s8+$0x4C70]  }
0x19a: {  	v45 =	vld [tilespmem:s8+$0x4AF0]  }
0x19b: {  	v36 =	vmul.f32 v40, v36;
	v40 =	vld [tilespmem:s8+$0x4BF0]  }
0x19c: {  	v39 =	vmul.f32 v42, v39;
	v42 =	vld [tilespmem:s8+$0x4CF0];
	_ =	sdelay $0x1  }
0x19d: {  	v38 =	vmul.f32 v41, v38;
	v35 =	vmul.f32 v44, v35  }
0x19e: {  	v32 =	vmul.f32 v43, v32;
	v37 =	vmul.f32 v45, v37  }
0x19f: {  	v34 =	vmul.f32 v40, v34  }
0x1a0: {  	v32 =	vadd.f32 v38, v32;
	v36 =	vadd.f32 v37, v36;
	v33 =	vmul.f32 v42, v33  }
0x1a1: {  	v34 =	vadd.f32 v34, v39  }
0x1a2: {  	v33 =	vadd.f32 v33, v35  }
0x1a3: {  	v34 =	vadd.f32 v34, v36  }
0x1a4: {  	v32 =	vadd.f32 v32, v33;
	_ =	sdelay $0x1  }
0x1a5: {  	v32 =	vadd.f32 v32, v34;
	_ =	sdelay $0x1  }
0x1a6: {  	[tilespmem:s22+$0x0] =	vst v32;
	s22 =	smov.u32 s15;
	_ =	sdelay $0x1  }
0x1a7: {  	v36 =	vld [tilespmem:s14+$0xFFFFFF90]  }
0x1a8: {  	v32 =	vld [tilespmem:s14+$0xFFFFFFF0]  }
0x1a9: {  	v35 =	vld [tilespmem:s14+$0xFFFFFFD0]  }
0x1aa: {  	v34 =	vld [tilespmem:s14+$0xFFFFFFC0]  }
0x1ab: {  	v33 =	vld [tilespmem:s14+$0xFFFFFFE0]  }
0x1ac: {  	v37 =	vld [tilespmem:s14+$0xFFFFFFA0]  }
0x1ad: {  	v39 =	vld [tilespmem:s14+$0xFFFFFFB0]  }
0x1ae: {  	s8 =	sshra.s32 s24, $0x2;
	v38 =	vld [tilespmem:s14+$0x0]  }
0x1af: {  	v40 =	vld [tilespmem:s8+$0x4D80]  }
0x1b0: {  	v41 =	vld [tilespmem:s8+$0x4B00]  }
0x1b1: {  	v42 =	vld [tilespmem:s8+$0x4B80]  }
0x1b2: {  	v43 =	vld [tilespmem:s8+$0x4C80]  }
0x1b3: {  	v44 =	vld [tilespmem:s8+$0x4A80]  }
0x1b4: {  	v45 =	vld [tilespmem:s8+$0x4D00];
	v40 =	vmul.f32 v40, v38  }
0x1b5: {  	v41 =	vmul.f32 v41, v39;
	v46 =	vld [tilespmem:s8+$0x4C00]  }
0x1b6: {  	v47 =	vld [tilespmem:s8+$0x4A00];
	_ =	sdelay $0x1  }
0x1b7: {  	v43 =	vmul.f32 v43, v33;
	v44 =	vmul.f32 v44, v37  }
0x1b8: {  	v42 =	vmul.f32 v42, v34  }
0x1b9: {  	v45 =	vmul.f32 v45, v32;
	v46 =	vmul.f32 v46, v35  }
0x1ba: {  	v41 =	vadd.f32 v42, v41;
	v47 =	vmul.f32 v47, v36  }
0x1bb: {  	v40 =	vadd.f32 v40, v45;
	v42 =	vadd.f32 v43, v46  }
0x1bc: {  	v43 =	vadd.f32 v44, v47  }
0x1bd: {  	v40 =	vadd.f32 v40, v42  }
0x1be: {  	v41 =	vadd.f32 v41, v43;
	_ =	sdelay $0x1  }
0x1bf: {  	v40 =	vadd.f32 v40, v41;
	_ =	sdelay $0x1  }
0x1c0: {  	[tilespmem:s15+$0xFFFFFF90] =	vst v40  }
0x1c1: {  	v40 =	vld [tilespmem:s8+$0x4D90]  }
0x1c2: {  	v41 =	vld [tilespmem:s8+$0x4C90]  }
0x1c3: {  	v42 =	vld [tilespmem:s8+$0x4C10]  }
0x1c4: {  	v43 =	vld [tilespmem:s8+$0x4D10]  }
0x1c5: {  	v44 =	vld [tilespmem:s8+$0x4B10]  }
0x1c6: {  	v45 =	vld [tilespmem:s8+$0x4B90]  }
0x1c7: {  	v46 =	vld [tilespmem:s8+$0x4A90];
	v41 =	vmul.f32 v41, v33  }
0x1c8: {  	v47 =	vld [tilespmem:s8+$0x4A10];
	v42 =	vmul.f32 v42, v35  }
0x1c9: {  	v40 =	vmul.f32 v40, v38;
	v43 =	vmul.f32 v43, v32  }
0x1ca: {  	v44 =	vmul.f32 v44, v39;
	v41 =	vadd.f32 v41, v42  }
0x1cb: {  	v42 =	vmul.f32 v45, v34;
	v40 =	vadd.f32 v40, v43  }
0x1cc: {  	v43 =	vmul.f32 v46, v37  }
0x1cd: {  	v45 =	vmul.f32 v47, v36;
	v42 =	vadd.f32 v42, v44;
	_ =	sdelay $0x1  }
0x1ce: {  	v40 =	vadd.f32 v40, v41;
	v43 =	vadd.f32 v43, v45;
	_ =	sdelay $0x1  }
0x1cf: {  	v41 =	vadd.f32 v42, v43;
	_ =	sdelay $0x1  }
0x1d0: {  	v40 =	vadd.f32 v40, v41;
	_ =	sdelay $0x1  }
0x1d1: {  	[tilespmem:s15+$0xFFFFFFA0] =	vst v40  }
0x1d2: {  	v40 =	vld [tilespmem:s8+$0x4DA0]  }
0x1d3: {  	v41 =	vld [tilespmem:s8+$0x4D20]  }
0x1d4: {  	v42 =	vld [tilespmem:s8+$0x4CA0]  }
0x1d5: {  	v43 =	vld [tilespmem:s8+$0x4AA0]  }
0x1d6: {  	v44 =	vld [tilespmem:s8+$0x4B20]  }
0x1d7: {  	v45 =	vld [tilespmem:s8+$0x4BA0]  }
0x1d8: {  	v46 =	vld [tilespmem:s8+$0x4A20];
	v41 =	vmul.f32 v41, v32  }
0x1d9: {  	v47 =	vld [tilespmem:s8+$0x4C20];
	_ =	sdelay $0x1  }
0x1da: {  	v43 =	vmul.f32 v43, v37  }
0x1db: {  	v42 =	vmul.f32 v42, v33;
	v45 =	vmul.f32 v45, v34  }
0x1dc: {  	v40 =	vmul.f32 v40, v38;
	v46 =	vmul.f32 v46, v36  }
0x1dd: {  	v44 =	vmul.f32 v44, v39;
	v47 =	vmul.f32 v47, v35  }
0x1de: {  	v40 =	vadd.f32 v40, v41;
	v43 =	vadd.f32 v43, v46  }
0x1df: {  	v41 =	vadd.f32 v45, v44;
	v42 =	vadd.f32 v42, v47;
	_ =	sdelay $0x1  }
0x1e0: {  	v41 =	vadd.f32 v41, v43;
	v40 =	vadd.f32 v40, v42;
	_ =	sdelay $0x1  }
0x1e1: {  	v40 =	vadd.f32 v40, v41;
	_ =	sdelay $0x1  }
0x1e2: {  	[tilespmem:s15+$0xFFFFFFB0] =	vst v40  }
0x1e3: {  	v40 =	vld [tilespmem:s8+$0x4DB0]  }
0x1e4: {  	v41 =	vld [tilespmem:s8+$0x4D30]  }
0x1e5: {  	v42 =	vld [tilespmem:s8+$0x4B30]  }
0x1e6: {  	v43 =	vld [tilespmem:s8+$0x4CB0]  }
0x1e7: {  	v44 =	vld [tilespmem:s8+$0x4AB0]  }
0x1e8: {  	v45 =	vld [tilespmem:s8+$0x4C30]  }
0x1e9: {  	v46 =	vld [tilespmem:s8+$0x4BB0];
	v41 =	vmul.f32 v41, v32  }
0x1ea: {  	v47 =	vld [tilespmem:s8+$0x4A30];
	v42 =	vmul.f32 v42, v39;
	_ =	sdelay $0x2  }
0x1eb: {  	v43 =	vmul.f32 v43, v33;
	v45 =	vmul.f32 v45, v35  }
0x1ec: {  	v40 =	vmul.f32 v40, v38;
	v46 =	vmul.f32 v46, v34  }
0x1ed: {  	v44 =	vmul.f32 v44, v37;
	v47 =	vmul.f32 v47, v36;
	v43 =	vadd.f32 v43, v45  }
0x1ee: {  	v42 =	vadd.f32 v46, v42  }
0x1ef: {  	v40 =	vadd.f32 v40, v41;
	v44 =	vadd.f32 v44, v47;
	_ =	sdelay $0x1  }
0x1f0: {  	v40 =	vadd.f32 v40, v43;
	v41 =	vadd.f32 v42, v44;
	_ =	sdelay $0x1  }
0x1f1: {  	v40 =	vadd.f32 v40, v41;
	_ =	sdelay $0x1  }
0x1f2: {  	[tilespmem:s15+$0xFFFFFFC0] =	vst v40  }
0x1f3: {  	v40 =	vld [tilespmem:s8+$0x4D40]  }
0x1f4: {  	v41 =	vld [tilespmem:s8+$0x4BC0]  }
0x1f5: {  	v42 =	vld [tilespmem:s8+$0x4DC0]  }
0x1f6: {  	v43 =	vld [tilespmem:s8+$0x4CC0]  }
0x1f7: {  	v44 =	vld [tilespmem:s8+$0x4AC0]  }
0x1f8: {  	v45 =	vld [tilespmem:s8+$0x4C40]  }
0x1f9: {  	v46 =	vld [tilespmem:s8+$0x4B40]  }
0x1fa: {  	v47 =	vld [tilespmem:s8+$0x4A40];
	v42 =	vmul.f32 v42, v38  }
0x1fb: {  	v40 =	vmul.f32 v40, v32;
	v41 =	vmul.f32 v41, v34  }
0x1fc: {  	v43 =	vmul.f32 v43, v33  }
0x1fd: {  	v44 =	vmul.f32 v44, v37;
	v45 =	vmul.f32 v45, v35  }
0x1fe: {  	v40 =	vadd.f32 v42, v40;
	v46 =	vmul.f32 v46, v39  }
0x1ff: {  	v42 =	vmul.f32 v47, v36;
	v43 =	vadd.f32 v43, v45  }
0x200: {  	v41 =	vadd.f32 v41, v46  }
0x201: {  	v42 =	vadd.f32 v44, v42;
	v40 =	vadd.f32 v40, v43;
	_ =	sdelay $0x1  }
0x202: {  	v41 =	vadd.f32 v41, v42;
	_ =	sdelay $0x1  }
0x203: {  	v40 =	vadd.f32 v40, v41;
	_ =	sdelay $0x1  }
0x204: {  	[tilespmem:s15+$0xFFFFFFD0] =	vst v40  }
0x205: {  	v40 =	vld [tilespmem:s8+$0x4DD0]  }
.Ltmp3:
0x206: {  	v42 =	vld [tilespmem:s8+$0x4D50];
	(pc) =	sbr.rel @p2 .LBB2_5-.Ltmp3, $4  }
0x207: {  	v43 =	vld [tilespmem:s8+$0x4BD0]  }
0x208: {  	v41 =	vld [tilespmem:s8+$0x4AD0]  }
0x209: {  	v45 =	vld [tilespmem:s8+$0x4B50]  }
0x20a: {  	v44 =	vld [tilespmem:s8+$0x4CD0]  }
0x20b: {  	v46 =	vld [tilespmem:s8+$0x4C50]  }
0x20c: {  	v47 =	vld [tilespmem:s8+$0x4A50];
	_ =	sdelay $0x1  }
0x20d: {  	v42 =	vmul.f32 v42, v32;
	v40 =	vmul.f32 v40, v38  }
0x20e: {  	v43 =	vmul.f32 v43, v34;
	v41 =	vmul.f32 v41, v37  }
0x20f: {  	v45 =	vmul.f32 v45, v39;
	v44 =	vmul.f32 v44, v33  }
0x210: {  	v46 =	vmul.f32 v46, v35;
	v47 =	vmul.f32 v47, v36  }
0x211: {  	v40 =	vadd.f32 v40, v42;
	v43 =	vadd.f32 v43, v45  }
0x212: {  	v46 =	vadd.f32 v44, v46;
	v41 =	vadd.f32 v41, v47;
	_ =	sdelay $0x1  }
0x213: {  	v40 =	vadd.f32 v40, v46;
	v41 =	vadd.f32 v43, v41;
	_ =	sdelay $0x1  }
0x214: {  	v40 =	vadd.f32 v40, v41;
	_ =	sdelay $0x1  }
0x215: {  	[tilespmem:s22+$0xFFFFFFE0] =	vst v40  }
0x216: {  	v40 =	vld [tilespmem:s8+$0x4DE0]  }
0x217: {  	v48 =	vld [tilespmem:s8+$0x4B60]  }
0x218: {  	v49 =	vld [tilespmem:s8+$0x4AE0]  }
0x219: {  	v50 =	vld [tilespmem:s8+$0x4CE0]  }
0x21a: {  	v51 =	vld [tilespmem:s8+$0x4D60]  }
0x21b: {  	v52 =	vld [tilespmem:s8+$0x4C60]  }
0x21c: {  	v53 =	vld [tilespmem:s8+$0x4BE0]  }
0x21d: {  	v54 =	vld [tilespmem:s8+$0x4A60];
	_ =	sdelay $0x1  }
0x21e: {  	v41 =	vmul.f32 v48, v39;
	v43 =	vmul.f32 v50, v33  }
0x21f: {  	v44 =	vmul.f32 v51, v32;
	v40 =	vmul.f32 v40, v38  }
0x220: {  	v45 =	vmul.f32 v52, v35;
	v46 =	vmul.f32 v53, v34  }
0x221: {  	v42 =	vmul.f32 v49, v37;
	v47 =	vmul.f32 v54, v36  }
0x222: {  	v40 =	vadd.f32 v40, v44;
	v41 =	vadd.f32 v46, v41  }
0x223: {  	v43 =	vadd.f32 v43, v45;
	v42 =	vadd.f32 v42, v47;
	_ =	sdelay $0x1  }
0x224: {  	v40 =	vadd.f32 v40, v43;
	v41 =	vadd.f32 v41, v42;
	_ =	sdelay $0x1  }
0x225: {  	v40 =	vadd.f32 v40, v41;
	_ =	sdelay $0x1  }
0x226: {  	[tilespmem:s22+$0xFFFFFFF0] =	vst v40  }
0x227: {  	v40 =	vld [tilespmem:s8+$0x4A70]  }
0x228: {  	v55 =	vld [tilespmem:s8+$0x4DF0]  }
0x229: {  	v56 =	vld [tilespmem:s8+$0x4B70]  }
0x22a: {  	v57 =	vld [tilespmem:s8+$0x4D70]  }
0x22b: {  	v58 =	vld [tilespmem:s8+$0x4C70]  }
0x22c: {  	v59 =	vld [tilespmem:s8+$0x4AF0]  }
0x22d: {  	v60 =	vld [tilespmem:s8+$0x4BF0]  }
0x22e: {  	v61 =	vld [tilespmem:s8+$0x4CF0];
	_ =	sdelay $0x1  }
0x22f: {  	v62 =	vmul.f32 v40, v36;
	v63 =	vmul.f32 v56, v39  }
0x230: {  	v42 =	vmul.f32 v58, v35;
	v44 =	vmul.f32 v55, v38  }
0x231: {  	v45 =	vmul.f32 v59, v37;
	v48 =	vmul.f32 v57, v32  }
0x232: {  	v49 =	vmul.f32 v60, v34;
	v50 =	vmul.f32 v61, v33  }
0x233: {  	v36 =	vadd.f32 v45, v62;
	v32 =	vadd.f32 v44, v48  }
0x234: {  	v34 =	vadd.f32 v49, v63;
	v33 =	vadd.f32 v50, v42;
	_ =	sdelay $0x1  }
0x235: {  	v34 =	vadd.f32 v34, v36;
	v32 =	vadd.f32 v32, v33  }
0x236: {  	s25 =	sadd.s32 s11, s4  }
0x237: {  	s8 =	sshll.u32 s25, $0x4;
	v32 =	vadd.f32 v32, v34  }
0x238: {  	s14 =	sadd.s32 s2, s8;
	v33 =	vlaneseq.u32 @!p0  }
0x239: {  	s8 =	sadd.s32 $0x100, s14;
	[tilespmem:s22+$0x0] =	vst v32;
	v32 =	vmul.u32 @!p0 $0x8, v33  }
0x23a: {  	[hbm4b:s8+s3] =	stream.linear.scatter [tilespmem:s0], [sflag:$0x6], $0x800, $0x38;
	[tilespmem:$0x14A00] =	vst v63  }
0x23b: {  	v33 =	vld @!p0 [tilespmem:s11+$0x50];
	v34 =	vor.u32 @!p0 $0x80, v32  }
0x23c: {  	v35 =	vor.u32 @!p0 $0x81, v32  }
0x23d: {  	v36 =	vor.u32 @!p0 $0x82, v32  }
0x23e: {  	v37 =	vor.u32 @!p0 $0x83, v32  }
0x23f: {  	s8 =	simm.s32 @!p0 $0x800;
	v38 =	vor.u32 @!p0 $0x84, v32  }
0x240: {  	v39 =	vor.u32 @!p0 $0x85, v32;
	[tilespmem:v34+s8+$0x0] =	vst.idx.msk @!p0 $0xffff, v33;
	v34 =	vadd.s32 @!p0 $0x1, v33  }
0x241: {  	[tilespmem:v35+s8+$0x0] =	vst.idx.msk @!p0 $0xffff, v34;
	v34 =	vadd.s32 @!p0 $0x2, v33;
	v35 =	vor.u32 @!p0 $0x86, v32  }
0x242: {  	v32 =	vor.u32 @!p0 $0x87, v32;
	[tilespmem:v36+s8+$0x0] =	vst.idx.msk @!p0 $0xffff, v34;
	v34 =	vadd.s32 @!p0 $0x3, v33  }
0x243: {  	[tilespmem:v37+s8+$0x0] =	vst.idx.msk @!p0 $0xffff, v34;
	v34 =	vadd.s32 @!p0 $0x4, v33  }
0x244: {  	[tilespmem:v38+s8+$0x0] =	vst.idx.msk @!p0 $0xffff, v34;
	v34 =	vadd.s32 @!p0 $0x5, v33  }
0x245: {  	[tilespmem:v39+s8+$0x0] =	vst.idx.msk @!p0 $0xffff, v34;
	v34 =	vadd.s32 @!p0 $0x6, v33  }
0x246: {  	s15 =	sadd.s32 @!p0 $0x50, s11;
	v33 =	vadd.s32 @!p0 $0x7, v33;
	[tilespmem:v35+s8+$0x0] =	vst.idx.msk @!p0 $0xffff, v34  }
0x247: {  	s23 =	simm.s32 @!p0 $0x4A00;
	s22 =	simm.s32 @!p0 $0x880;
	[tilespmem:v32+s8+$0x0] =	vst.idx.msk @!p0 $0xffff, v33;
	s8 =	simm.s32 @!p0 $0x80  }
0x248: {  	[tilespmem:s23], [sflag:$0x2] =	stream.indirect.gather @!p0 [hbm4b:s7+s8], $0x80, s22, s8, $0xb8;
	[tilespmem:$0x14A00] =	vst v63  }
0x249: {  	s8 =	sadd.s32 @!p0 s4, s15  }
0x24a: {  	s8 =	sshll.u32 @!p0 s8, $0x4  }
0x24b: {  	s15 =	simm.s32 @!p0 $0x0;
	s22 =	simm.s32 @!p0 $0x11200;
	s8 =	sadd.s32 @!p0 s5, s8  }
0x24c: {  	[tilespmem:s22], [sflag:$0x2] =	stream.linear.gather @!p0 [hbm4b:s8+s15], $0x800, $0x38;
	[tilespmem:$0x14A00] =	vst v63  }
0x24d: {  	_ =	swait.ge [sflag:s18], $0x4000  }
0x24e: {  	[sflag:s18] =	ssyncset.done $0x0  }
0x24f: {  	[sflag:s18] =	ssyncadd.s32 $0xFFFFC000  }
0x250: {  	_ =	swait.ge [sflag:s18], $0x800  }
0x251: {  	[sflag:s18] =	ssyncset.done $0x0  }
0x252: {  	s8 =	simm.s32 @!p1 $0x7;
	[sflag:s18] =	ssyncadd.s32 $0xFFFFF800  }
0x253: {  	_ =	swait.ge @!p1 [sflag:s8], $0x800  }
0x254: {  	[sflag:s8] =	ssyncset.done @!p1 $0x0  }
0x255: {  	[sflag:s8] =	ssyncadd.s32 @!p1 $0xFFFFF800;
	s8 =	simm.s32 $0x11A70  }
0x256: {  	v36 =	vld [tilespmem:s8+$0xFFFFFF90]  }
0x257: {  	v32 =	vld [tilespmem:s8+$0xFFFFFFF0]  }
0x258: {  	v35 =	vld [tilespmem:s8+$0xFFFFFFD0]  }
0x259: {  	v34 =	vld [tilespmem:s8+$0xFFFFFFC0]  }
0x25a: {  	v33 =	vld [tilespmem:s8+$0xFFFFFFE0]  }
0x25b: {  	v37 =	vld [tilespmem:s8+$0xFFFFFFA0]  }
0x25c: {  	v39 =	vld [tilespmem:s8+$0xFFFFFFB0]  }
0x25d: {  	s15 =	simm.s32 $0x0;
	v38 =	vld [tilespmem:s8+$0x0]  }
0x25e: {  	v51 =	vld [tilespmem:s15+$0x8D80]  }
0x25f: {  	v52 =	vld [tilespmem:s15+$0x8B00]  }
0x260: {  	v53 =	vld [tilespmem:s15+$0x8B80]  }
0x261: {  	v54 =	vld [tilespmem:s15+$0x8C80]  }
0x262: {  	v55 =	vld [tilespmem:s15+$0x8A80]  }
0x263: {  	v56 =	vld [tilespmem:s15+$0x8D00]  }
0x264: {  	v57 =	vld [tilespmem:s15+$0x8C00]  }
0x265: {  	v58 =	vld [tilespmem:s15+$0x8A00];
	_ =	sdelay $0x1  }
0x266: {  	v40 =	vmul.f32 v51, v38;
	v41 =	vmul.f32 v52, v39  }
0x267: {  	v44 =	vmul.f32 v55, v37;
	v43 =	vmul.f32 v54, v33  }
0x268: {  	v42 =	vmul.f32 v53, v34;
	v46 =	vmul.f32 v57, v35  }
0x269: {  	v45 =	vmul.f32 v56, v32;
	v47 =	vmul.f32 v58, v36  }
0x26a: {  	v41 =	vadd.f32 v42, v41;
	v59 =	vadd.f32 v43, v46  }
0x26b: {  	v40 =	vadd.f32 v40, v45;
	v60 =	vadd.f32 v44, v47;
	_ =	sdelay $0x1  }
0x26c: {  	v40 =	vadd.f32 v40, v59;
	v41 =	vadd.f32 v41, v60;
	_ =	sdelay $0x1  }
0x26d: {  	v40 =	vadd.f32 v40, v41  }
0x26e: {  	s22 =	simm.s32 $0x13A70  }
0x26f: {  	[tilespmem:s22+$0xFFFFFF90] =	vst v40  }
0x270: {  	v40 =	vld [tilespmem:s15+$0x8D90]  }
0x271: {  	v61 =	vld [tilespmem:s15+$0x8C90]  }
0x272: {  	v62 =	vld [tilespmem:s15+$0x8C10]  }
0x273: {  	v63 =	vld [tilespmem:s15+$0x8D10]  }
0x274: {  	v48 =	vld [tilespmem:s15+$0x8B10]  }
0x275: {  	v49 =	vld [tilespmem:s15+$0x8B90]  }
0x276: {  	v50 =	vld [tilespmem:s15+$0x8A90]  }
0x277: {  	v51 =	vld [tilespmem:s15+$0x8A10];
	_ =	sdelay $0x1  }
0x278: {  	v41 =	vmul.f32 v61, v33;
	v42 =	vmul.f32 v62, v35  }
0x279: {  	v43 =	vmul.f32 v63, v32;
	v40 =	vmul.f32 v40, v38  }
0x27a: {  	v44 =	vmul.f32 v48, v39;
	v45 =	vmul.f32 v49, v34  }
0x27b: {  	v46 =	vmul.f32 v50, v37;
	v47 =	vmul.f32 v51, v36  }
0x27c: {  	v41 =	vadd.f32 v41, v42;
	v40 =	vadd.f32 v40, v43  }
0x27d: {  	v52 =	vadd.f32 v45, v44;
	v53 =	vadd.f32 v46, v47;
	_ =	sdelay $0x1  }
0x27e: {  	v40 =	vadd.f32 v40, v41;
	v54 =	vadd.f32 v52, v53;
	_ =	sdelay $0x1  }
0x27f: {  	v40 =	vadd.f32 v40, v54;
	_ =	sdelay $0x1  }
0x280: {  	[tilespmem:s22+$0xFFFFFFA0] =	vst v40  }
0x281: {  	v40 =	vld [tilespmem:s15+$0x8DA0]  }
0x282: {  	v55 =	vld [tilespmem:s15+$0x8D20]  }
0x283: {  	v56 =	vld [tilespmem:s15+$0x8CA0]  }
0x284: {  	v57 =	vld [tilespmem:s15+$0x8AA0]  }
0x285: {  	v58 =	vld [tilespmem:s15+$0x8B20]  }
0x286: {  	v59 =	vld [tilespmem:s15+$0x8BA0]  }
0x287: {  	v60 =	vld [tilespmem:s15+$0x8A20]  }
0x288: {  	v61 =	vld [tilespmem:s15+$0x8C20];
	_ =	sdelay $0x1  }
0x289: {  	v41 =	vmul.f32 v55, v32;
	v43 =	vmul.f32 v57, v37  }
0x28a: {  	v45 =	vmul.f32 v59, v34;
	v42 =	vmul.f32 v56, v33  }
0x28b: {  	v46 =	vmul.f32 v60, v36;
	v40 =	vmul.f32 v40, v38  }
0x28c: {  	v44 =	vmul.f32 v58, v39;
	v47 =	vmul.f32 v61, v35  }
0x28d: {  	v43 =	vadd.f32 v43, v46;
	v40 =	vadd.f32 v40, v41  }
0x28e: {  	v62 =	vadd.f32 v45, v44;
	v42 =	vadd.f32 v42, v47;
	_ =	sdelay $0x1  }
0x28f: {  	v41 =	vadd.f32 v62, v43;
	v40 =	vadd.f32 v40, v42;
	_ =	sdelay $0x1  }
0x290: {  	v40 =	vadd.f32 v40, v41;
	_ =	sdelay $0x1  }
0x291: {  	[tilespmem:s22+$0xFFFFFFB0] =	vst v40  }
0x292: {  	v40 =	vld [tilespmem:s15+$0x8DB0]  }
0x293: {  	v63 =	vld [tilespmem:s15+$0x8D30]  }
0x294: {  	v48 =	vld [tilespmem:s15+$0x8B30]  }
0x295: {  	v49 =	vld [tilespmem:s15+$0x8CB0]  }
0x296: {  	v50 =	vld [tilespmem:s15+$0x8AB0]  }
0x297: {  	v51 =	vld [tilespmem:s15+$0x8C30]  }
0x298: {  	v52 =	vld [tilespmem:s15+$0x8BB0]  }
0x299: {  	v53 =	vld [tilespmem:s15+$0x8A30];
	_ =	sdelay $0x1  }
0x29a: {  	v41 =	vmul.f32 v63, v32;
	v42 =	vmul.f32 v48, v39  }
0x29b: {  	v45 =	vmul.f32 v51, v35;
	v43 =	vmul.f32 v49, v33  }
0x29c: {  	v46 =	vmul.f32 v52, v34;
	v40 =	vmul.f32 v40, v38  }
0x29d: {  	v47 =	vmul.f32 v53, v36;
	v44 =	vmul.f32 v50, v37  }
0x29e: {  	v43 =	vadd.f32 v43, v45;
	v42 =	vadd.f32 v46, v42  }
0x29f: {  	v44 =	vadd.f32 v44, v47;
	v40 =	vadd.f32 v40, v41;
	_ =	sdelay $0x1  }
0x2a0: {  	v54 =	vadd.f32 v42, v44;
	v40 =	vadd.f32 v40, v43;
	_ =	sdelay $0x1  }
0x2a1: {  	v40 =	vadd.f32 v40, v54;
	_ =	sdelay $0x1  }
0x2a2: {  	[tilespmem:s22+$0xFFFFFFC0] =	vst v40  }
0x2a3: {  	v40 =	vld [tilespmem:s15+$0x8D40]  }
0x2a4: {  	v55 =	vld [tilespmem:s15+$0x8BC0]  }
0x2a5: {  	v56 =	vld [tilespmem:s15+$0x8DC0]  }
0x2a6: {  	v57 =	vld [tilespmem:s15+$0x8CC0]  }
0x2a7: {  	v58 =	vld [tilespmem:s15+$0x8AC0]  }
0x2a8: {  	v59 =	vld [tilespmem:s15+$0x8C40]  }
0x2a9: {  	v60 =	vld [tilespmem:s15+$0x8B40]  }
0x2aa: {  	v61 =	vld [tilespmem:s15+$0x8A40];
	_ =	sdelay $0x1  }
0x2ab: {  	v42 =	vmul.f32 v56, v38;
	v41 =	vmul.f32 v55, v34  }
0x2ac: {  	v40 =	vmul.f32 v40, v32;
	v43 =	vmul.f32 v57, v33  }
0x2ad: {  	v44 =	vmul.f32 v58, v37;
	v45 =	vmul.f32 v59, v35  }
0x2ae: {  	v46 =	vmul.f32 v60, v39;
	v47 =	vmul.f32 v61, v36  }
0x2af: {  	v40 =	vadd.f32 v42, v40;
	v62 =	vadd.f32 v43, v45  }
0x2b0: {  	v41 =	vadd.f32 v41, v46;
	v63 =	vadd.f32 v44, v47;
	_ =	sdelay $0x1  }
0x2b1: {  	v40 =	vadd.f32 v40, v62;
	v41 =	vadd.f32 v41, v63;
	_ =	sdelay $0x1  }
0x2b2: {  	v40 =	vadd.f32 v40, v41;
	_ =	sdelay $0x1  }
0x2b3: {  	[tilespmem:s22+$0xFFFFFFD0] =	vst v40  }
0x2b4: {  	v40 =	vld [tilespmem:s15+$0x8DD0]  }
0x2b5: {  	v42 =	vld [tilespmem:s15+$0x8D50]  }
0x2b6: {  	v43 =	vld [tilespmem:s15+$0x8BD0]  }
0x2b7: {  	v41 =	vld [tilespmem:s15+$0x8AD0]  }
0x2b8: {  	v45 =	vld [tilespmem:s15+$0x8B50]  }
0x2b9: {  	s24 =	simm.s32 $0x1000;
	s23 =	simm.s32 $0x13A70;
	v44 =	vld [tilespmem:s15+$0x8CD0]  }
.LBB2_7:
0x2ba: {  	p2 =	sne.s32 s24, $0xF000;
	v46 =	vld [tilespmem:s15+$0x8C50];
	s8 =	sadd.s32 $0x80, s8;
	s22 =	sadd.s32 $0x80, s22  }
0x2bb: {  	s25 =	smov.u32 s24;
	s24 =	sadd.s32 $0x1000, s24;
	v47 =	vld [tilespmem:s15+$0x8A50]  }
0x2bc: {  	v43 =	vmul.f32 v43, v34  }
0x2bd: {  	v42 =	vmul.f32 v42, v32;
	v45 =	vmul.f32 v45, v39  }
0x2be: {  	v40 =	vmul.f32 v40, v38;
	v44 =	vmul.f32 v44, v33  }
0x2bf: {  	v43 =	vadd.f32 v43, v45;
	v45 =	vmul.f32 v46, v35  }
0x2c0: {  	v41 =	vmul.f32 v41, v37;
	v40 =	vadd.f32 v40, v42;
	v46 =	vmul.f32 v47, v36  }
0x2c1: {  	v42 =	vadd.f32 v44, v45  }
0x2c2: {  	v41 =	vadd.f32 v41, v46  }
0x2c3: {  	v40 =	vadd.f32 v40, v42  }
0x2c4: {  	v41 =	vadd.f32 v43, v41;
	_ =	sdelay $0x1  }
0x2c5: {  	v40 =	vadd.f32 v40, v41;
	_ =	sdelay $0x1  }
0x2c6: {  	[tilespmem:s23+$0xFFFFFFE0] =	vst v40  }
0x2c7: {  	v40 =	vld [tilespmem:s15+$0x8DE0]  }
0x2c8: {  	v41 =	vld [tilespmem:s15+$0x8B60]  }
0x2c9: {  	v42 =	vld [tilespmem:s15+$0x8AE0]  }
0x2ca: {  	v43 =	vld [tilespmem:s15+$0x8CE0]  }
0x2cb: {  	v44 =	vld [tilespmem:s15+$0x8D60]  }
0x2cc: {  	v45 =	vld [tilespmem:s15+$0x8C60]  }
0x2cd: {  	v46 =	vld [tilespmem:s15+$0x8BE0]  }
0x2ce: {  	v41 =	vmul.f32 v41, v39;
	v47 =	vld [tilespmem:s15+$0x8A60]  }
0x2cf: {  	v43 =	vmul.f32 v43, v33  }
0x2d0: {  	v40 =	vmul.f32 v40, v38;
	v44 =	vmul.f32 v44, v32  }
0x2d1: {  	v45 =	vmul.f32 v45, v35  }
0x2d2: {  	v42 =	vmul.f32 v42, v37;
	v46 =	vmul.f32 v46, v34;
	v40 =	vadd.f32 v40, v44  }
0x2d3: {  	v44 =	vmul.f32 v47, v36  }
0x2d4: {  	v43 =	vadd.f32 v43, v45;
	v41 =	vadd.f32 v46, v41  }
0x2d5: {  	v42 =	vadd.f32 v42, v44  }
0x2d6: {  	v40 =	vadd.f32 v40, v43  }
0x2d7: {  	v41 =	vadd.f32 v41, v42;
	_ =	sdelay $0x1  }
0x2d8: {  	v40 =	vadd.f32 v40, v41;
	_ =	sdelay $0x1  }
0x2d9: {  	[tilespmem:s23+$0xFFFFFFF0] =	vst v40  }
0x2da: {  	v40 =	vld [tilespmem:s15+$0x8A70]  }
0x2db: {  	v41 =	vld [tilespmem:s15+$0x8DF0]  }
0x2dc: {  	v42 =	vld [tilespmem:s15+$0x8B70]  }
0x2dd: {  	v43 =	vld [tilespmem:s15+$0x8D70]  }
0x2de: {  	v44 =	vld [tilespmem:s15+$0x8C70]  }
0x2df: {  	v45 =	vld [tilespmem:s15+$0x8AF0]  }
0x2e0: {  	v36 =	vmul.f32 v40, v36;
	v40 =	vld [tilespmem:s15+$0x8BF0]  }
0x2e1: {  	v39 =	vmul.f32 v42, v39;
	v42 =	vld [tilespmem:s15+$0x8CF0];
	_ =	sdelay $0x1  }
0x2e2: {  	v38 =	vmul.f32 v41, v38;
	v35 =	vmul.f32 v44, v35  }
0x2e3: {  	v32 =	vmul.f32 v43, v32;
	v37 =	vmul.f32 v45, v37  }
0x2e4: {  	v34 =	vmul.f32 v40, v34  }
0x2e5: {  	v32 =	vadd.f32 v38, v32;
	v36 =	vadd.f32 v37, v36;
	v33 =	vmul.f32 v42, v33  }
0x2e6: {  	v34 =	vadd.f32 v34, v39  }
0x2e7: {  	v33 =	vadd.f32 v33, v35  }
0x2e8: {  	v34 =	vadd.f32 v34, v36  }
0x2e9: {  	v32 =	vadd.f32 v32, v33;
	_ =	sdelay $0x1  }
0x2ea: {  	v32 =	vadd.f32 v32, v34;
	_ =	sdelay $0x1  }
0x2eb: {  	[tilespmem:s23+$0x0] =	vst v32;
	s23 =	smov.u32 s22;
	_ =	sdelay $0x1  }
0x2ec: {  	v36 =	vld [tilespmem:s8+$0xFFFFFF90]  }
0x2ed: {  	v32 =	vld [tilespmem:s8+$0xFFFFFFF0]  }
0x2ee: {  	v35 =	vld [tilespmem:s8+$0xFFFFFFD0]  }
0x2ef: {  	v34 =	vld [tilespmem:s8+$0xFFFFFFC0]  }
0x2f0: {  	v33 =	vld [tilespmem:s8+$0xFFFFFFE0]  }
0x2f1: {  	v37 =	vld [tilespmem:s8+$0xFFFFFFA0]  }
0x2f2: {  	v39 =	vld [tilespmem:s8+$0xFFFFFFB0]  }
0x2f3: {  	s15 =	sshra.s32 s25, $0x2;
	v38 =	vld [tilespmem:s8+$0x0]  }
0x2f4: {  	v40 =	vld [tilespmem:s15+$0x8D80]  }
0x2f5: {  	v41 =	vld [tilespmem:s15+$0x8B00]  }
0x2f6: {  	v42 =	vld [tilespmem:s15+$0x8B80]  }
0x2f7: {  	v43 =	vld [tilespmem:s15+$0x8C80]  }
0x2f8: {  	v44 =	vld [tilespmem:s15+$0x8A80]  }
0x2f9: {  	v45 =	vld [tilespmem:s15+$0x8D00];
	v40 =	vmul.f32 v40, v38  }
0x2fa: {  	v41 =	vmul.f32 v41, v39;
	v46 =	vld [tilespmem:s15+$0x8C00]  }
0x2fb: {  	v47 =	vld [tilespmem:s15+$0x8A00];
	_ =	sdelay $0x1  }
0x2fc: {  	v43 =	vmul.f32 v43, v33;
	v44 =	vmul.f32 v44, v37  }
0x2fd: {  	v42 =	vmul.f32 v42, v34  }
0x2fe: {  	v45 =	vmul.f32 v45, v32;
	v46 =	vmul.f32 v46, v35  }
0x2ff: {  	v41 =	vadd.f32 v42, v41;
	v47 =	vmul.f32 v47, v36  }
0x300: {  	v40 =	vadd.f32 v40, v45;
	v42 =	vadd.f32 v43, v46  }
0x301: {  	v43 =	vadd.f32 v44, v47  }
0x302: {  	v40 =	vadd.f32 v40, v42  }
0x303: {  	v41 =	vadd.f32 v41, v43;
	_ =	sdelay $0x1  }
0x304: {  	v40 =	vadd.f32 v40, v41;
	_ =	sdelay $0x1  }
0x305: {  	[tilespmem:s22+$0xFFFFFF90] =	vst v40  }
0x306: {  	v40 =	vld [tilespmem:s15+$0x8D90]  }
0x307: {  	v41 =	vld [tilespmem:s15+$0x8C90]  }
0x308: {  	v42 =	vld [tilespmem:s15+$0x8C10]  }
0x309: {  	v43 =	vld [tilespmem:s15+$0x8D10]  }
0x30a: {  	v44 =	vld [tilespmem:s15+$0x8B10]  }
0x30b: {  	v45 =	vld [tilespmem:s15+$0x8B90]  }
0x30c: {  	v46 =	vld [tilespmem:s15+$0x8A90];
	v41 =	vmul.f32 v41, v33  }
0x30d: {  	v47 =	vld [tilespmem:s15+$0x8A10];
	v42 =	vmul.f32 v42, v35  }
0x30e: {  	v40 =	vmul.f32 v40, v38;
	v43 =	vmul.f32 v43, v32  }
0x30f: {  	v44 =	vmul.f32 v44, v39;
	v41 =	vadd.f32 v41, v42  }
0x310: {  	v42 =	vmul.f32 v45, v34;
	v40 =	vadd.f32 v40, v43  }
0x311: {  	v43 =	vmul.f32 v46, v37  }
0x312: {  	v45 =	vmul.f32 v47, v36;
	v42 =	vadd.f32 v42, v44;
	_ =	sdelay $0x1  }
0x313: {  	v40 =	vadd.f32 v40, v41;
	v43 =	vadd.f32 v43, v45;
	_ =	sdelay $0x1  }
0x314: {  	v41 =	vadd.f32 v42, v43;
	_ =	sdelay $0x1  }
0x315: {  	v40 =	vadd.f32 v40, v41;
	_ =	sdelay $0x1  }
0x316: {  	[tilespmem:s22+$0xFFFFFFA0] =	vst v40  }
0x317: {  	v40 =	vld [tilespmem:s15+$0x8DA0]  }
0x318: {  	v41 =	vld [tilespmem:s15+$0x8D20]  }
0x319: {  	v42 =	vld [tilespmem:s15+$0x8CA0]  }
0x31a: {  	v43 =	vld [tilespmem:s15+$0x8AA0]  }
0x31b: {  	v44 =	vld [tilespmem:s15+$0x8B20]  }
0x31c: {  	v45 =	vld [tilespmem:s15+$0x8BA0]  }
0x31d: {  	v46 =	vld [tilespmem:s15+$0x8A20];
	v41 =	vmul.f32 v41, v32  }
0x31e: {  	v47 =	vld [tilespmem:s15+$0x8C20];
	_ =	sdelay $0x1  }
0x31f: {  	v43 =	vmul.f32 v43, v37  }
0x320: {  	v42 =	vmul.f32 v42, v33;
	v45 =	vmul.f32 v45, v34  }
0x321: {  	v40 =	vmul.f32 v40, v38;
	v46 =	vmul.f32 v46, v36  }
0x322: {  	v44 =	vmul.f32 v44, v39;
	v47 =	vmul.f32 v47, v35  }
0x323: {  	v40 =	vadd.f32 v40, v41;
	v43 =	vadd.f32 v43, v46  }
0x324: {  	v41 =	vadd.f32 v45, v44;
	v42 =	vadd.f32 v42, v47;
	_ =	sdelay $0x1  }
0x325: {  	v41 =	vadd.f32 v41, v43;
	v40 =	vadd.f32 v40, v42;
	_ =	sdelay $0x1  }
0x326: {  	v40 =	vadd.f32 v40, v41;
	_ =	sdelay $0x1  }
0x327: {  	[tilespmem:s22+$0xFFFFFFB0] =	vst v40  }
0x328: {  	v40 =	vld [tilespmem:s15+$0x8DB0]  }
0x329: {  	v41 =	vld [tilespmem:s15+$0x8D30]  }
0x32a: {  	v42 =	vld [tilespmem:s15+$0x8B30]  }
0x32b: {  	v43 =	vld [tilespmem:s15+$0x8CB0]  }
0x32c: {  	v44 =	vld [tilespmem:s15+$0x8AB0]  }
0x32d: {  	v45 =	vld [tilespmem:s15+$0x8C30]  }
0x32e: {  	v46 =	vld [tilespmem:s15+$0x8BB0];
	v41 =	vmul.f32 v41, v32  }
0x32f: {  	v47 =	vld [tilespmem:s15+$0x8A30];
	v42 =	vmul.f32 v42, v39;
	_ =	sdelay $0x2  }
0x330: {  	v43 =	vmul.f32 v43, v33;
	v45 =	vmul.f32 v45, v35  }
0x331: {  	v40 =	vmul.f32 v40, v38;
	v46 =	vmul.f32 v46, v34  }
0x332: {  	v44 =	vmul.f32 v44, v37;
	v47 =	vmul.f32 v47, v36;
	v43 =	vadd.f32 v43, v45  }
0x333: {  	v42 =	vadd.f32 v46, v42  }
0x334: {  	v40 =	vadd.f32 v40, v41;
	v44 =	vadd.f32 v44, v47;
	_ =	sdelay $0x1  }
0x335: {  	v40 =	vadd.f32 v40, v43;
	v41 =	vadd.f32 v42, v44;
	_ =	sdelay $0x1  }
0x336: {  	v40 =	vadd.f32 v40, v41;
	_ =	sdelay $0x1  }
0x337: {  	[tilespmem:s22+$0xFFFFFFC0] =	vst v40  }
0x338: {  	v40 =	vld [tilespmem:s15+$0x8D40]  }
0x339: {  	v41 =	vld [tilespmem:s15+$0x8BC0]  }
0x33a: {  	v42 =	vld [tilespmem:s15+$0x8DC0]  }
0x33b: {  	v43 =	vld [tilespmem:s15+$0x8CC0]  }
0x33c: {  	v44 =	vld [tilespmem:s15+$0x8AC0]  }
0x33d: {  	v45 =	vld [tilespmem:s15+$0x8C40]  }
0x33e: {  	v46 =	vld [tilespmem:s15+$0x8B40]  }
0x33f: {  	v47 =	vld [tilespmem:s15+$0x8A40];
	v42 =	vmul.f32 v42, v38  }
0x340: {  	v40 =	vmul.f32 v40, v32;
	v41 =	vmul.f32 v41, v34  }
0x341: {  	v43 =	vmul.f32 v43, v33  }
0x342: {  	v44 =	vmul.f32 v44, v37;
	v45 =	vmul.f32 v45, v35  }
0x343: {  	v40 =	vadd.f32 v42, v40;
	v46 =	vmul.f32 v46, v39  }
0x344: {  	v42 =	vmul.f32 v47, v36;
	v43 =	vadd.f32 v43, v45  }
0x345: {  	v41 =	vadd.f32 v41, v46  }
0x346: {  	v42 =	vadd.f32 v44, v42;
	v40 =	vadd.f32 v40, v43;
	_ =	sdelay $0x1  }
0x347: {  	v41 =	vadd.f32 v41, v42;
	_ =	sdelay $0x1  }
0x348: {  	v40 =	vadd.f32 v40, v41;
	_ =	sdelay $0x1  }
0x349: {  	[tilespmem:s22+$0xFFFFFFD0] =	vst v40  }
0x34a: {  	v40 =	vld [tilespmem:s15+$0x8DD0]  }
.Ltmp4:
0x34b: {  	v42 =	vld [tilespmem:s15+$0x8D50];
	(pc) =	sbr.rel @p2 .LBB2_7-.Ltmp4, $4  }
0x34c: {  	v43 =	vld [tilespmem:s15+$0x8BD0]  }
0x34d: {  	v41 =	vld [tilespmem:s15+$0x8AD0]  }
0x34e: {  	v45 =	vld [tilespmem:s15+$0x8B50]  }
0x34f: {  	v44 =	vld [tilespmem:s15+$0x8CD0]  }
0x350: {  	v46 =	vld [tilespmem:s15+$0x8C50]  }
0x351: {  	v47 =	vld [tilespmem:s15+$0x8A50];
	_ =	sdelay $0x1  }
0x352: {  	v42 =	vmul.f32 v42, v32;
	v40 =	vmul.f32 v40, v38  }
0x353: {  	v43 =	vmul.f32 v43, v34;
	v41 =	vmul.f32 v41, v37  }
0x354: {  	v45 =	vmul.f32 v45, v39;
	v44 =	vmul.f32 v44, v33  }
0x355: {  	v46 =	vmul.f32 v46, v35;
	v47 =	vmul.f32 v47, v36  }
0x356: {  	v40 =	vadd.f32 v40, v42;
	v43 =	vadd.f32 v43, v45  }
0x357: {  	v46 =	vadd.f32 v44, v46;
	v41 =	vadd.f32 v41, v47;
	_ =	sdelay $0x1  }
0x358: {  	v40 =	vadd.f32 v40, v46;
	v41 =	vadd.f32 v43, v41;
	_ =	sdelay $0x1  }
0x359: {  	v40 =	vadd.f32 v40, v41;
	_ =	sdelay $0x1  }
0x35a: {  	[tilespmem:s23+$0xFFFFFFE0] =	vst v40  }
0x35b: {  	v40 =	vld [tilespmem:s15+$0x8DE0]  }
0x35c: {  	v48 =	vld [tilespmem:s15+$0x8B60]  }
0x35d: {  	v49 =	vld [tilespmem:s15+$0x8AE0]  }
0x35e: {  	v50 =	vld [tilespmem:s15+$0x8CE0]  }
0x35f: {  	v51 =	vld [tilespmem:s15+$0x8D60]  }
0x360: {  	v52 =	vld [tilespmem:s15+$0x8C60]  }
0x361: {  	v53 =	vld [tilespmem:s15+$0x8BE0]  }
0x362: {  	v54 =	vld [tilespmem:s15+$0x8A60];
	_ =	sdelay $0x1  }
0x363: {  	v41 =	vmul.f32 v48, v39;
	v43 =	vmul.f32 v50, v33  }
0x364: {  	v44 =	vmul.f32 v51, v32;
	v40 =	vmul.f32 v40, v38  }
0x365: {  	v45 =	vmul.f32 v52, v35;
	v46 =	vmul.f32 v53, v34  }
0x366: {  	v42 =	vmul.f32 v49, v37;
	v47 =	vmul.f32 v54, v36  }
0x367: {  	v40 =	vadd.f32 v40, v44;
	v41 =	vadd.f32 v46, v41  }
0x368: {  	v43 =	vadd.f32 v43, v45;
	v42 =	vadd.f32 v42, v47;
	_ =	sdelay $0x1  }
0x369: {  	v40 =	vadd.f32 v40, v43;
	v41 =	vadd.f32 v41, v42;
	_ =	sdelay $0x1  }
0x36a: {  	v40 =	vadd.f32 v40, v41;
	_ =	sdelay $0x1  }
0x36b: {  	[tilespmem:s23+$0xFFFFFFF0] =	vst v40  }
0x36c: {  	v40 =	vld [tilespmem:s15+$0x8A70]  }
0x36d: {  	v55 =	vld [tilespmem:s15+$0x8DF0]  }
0x36e: {  	v56 =	vld [tilespmem:s15+$0x8B70]  }
0x36f: {  	v57 =	vld [tilespmem:s15+$0x8D70]  }
0x370: {  	v58 =	vld [tilespmem:s15+$0x8C70]  }
0x371: {  	v59 =	vld [tilespmem:s15+$0x8AF0]  }
0x372: {  	v60 =	vld [tilespmem:s15+$0x8BF0]  }
0x373: {  	v61 =	vld [tilespmem:s15+$0x8CF0];
	_ =	sdelay $0x1  }
0x374: {  	v62 =	vmul.f32 v40, v36;
	v63 =	vmul.f32 v56, v39  }
0x375: {  	v42 =	vmul.f32 v58, v35;
	v44 =	vmul.f32 v55, v38  }
0x376: {  	v45 =	vmul.f32 v59, v37;
	v48 =	vmul.f32 v57, v32  }
0x377: {  	v49 =	vmul.f32 v60, v34;
	v50 =	vmul.f32 v61, v33  }
0x378: {  	v36 =	vadd.f32 v45, v62;
	v32 =	vadd.f32 v44, v48  }
0x379: {  	v34 =	vadd.f32 v49, v63;
	v33 =	vadd.f32 v50, v42;
	_ =	sdelay $0x1  }
0x37a: {  	v34 =	vadd.f32 v34, v36;
	v32 =	vadd.f32 v32, v33;
	_ =	sdelay $0x1  }
0x37b: {  	v32 =	vadd.f32 v32, v34  }
0x37c: {  	v33 =	vlaneseq.u32 @!p0  }
0x37d: {  	s8 =	sadd.s32 s12, s13;
	[tilespmem:s23+$0x0] =	vst v32;
	v32 =	vmul.u32 @!p0 $0x8, v33  }
0x37e: {  	[hbm4b:s8+s3] =	stream.linear.scatter [tilespmem:s19], [sflag:$0x7], $0x800, $0x38;
	[tilespmem:$0x14A00] =	vst v63  }
0x37f: {  	v33 =	vld @!p0 [tilespmem:s11+$0x60];
	v34 =	vor.u32 @!p0 $0x100, v32  }
0x380: {  	v35 =	vor.u32 @!p0 $0x101, v32  }
0x381: {  	v36 =	vor.u32 @!p0 $0x102, v32  }
0x382: {  	v37 =	vor.u32 @!p0 $0x103, v32  }
0x383: {  	s8 =	simm.s32 @!p0 $0x800;
	v38 =	vor.u32 @!p0 $0x104, v32  }
0x384: {  	v39 =	vor.u32 @!p0 $0x105, v32;
	[tilespmem:v34+s8+$0x0] =	vst.idx.msk @!p0 $0xffff, v33;
	v34 =	vadd.s32 @!p0 $0x1, v33  }
0x385: {  	[tilespmem:v35+s8+$0x0] =	vst.idx.msk @!p0 $0xffff, v34;
	v34 =	vadd.s32 @!p0 $0x2, v33;
	v35 =	vor.u32 @!p0 $0x106, v32  }
0x386: {  	v32 =	vor.u32 @!p0 $0x107, v32;
	[tilespmem:v36+s8+$0x0] =	vst.idx.msk @!p0 $0xffff, v34;
	v34 =	vadd.s32 @!p0 $0x3, v33  }
0x387: {  	[tilespmem:v37+s8+$0x0] =	vst.idx.msk @!p0 $0xffff, v34;
	v34 =	vadd.s32 @!p0 $0x4, v33  }
0x388: {  	[tilespmem:v38+s8+$0x0] =	vst.idx.msk @!p0 $0xffff, v34;
	v34 =	vadd.s32 @!p0 $0x5, v33  }
0x389: {  	[tilespmem:v39+s8+$0x0] =	vst.idx.msk @!p0 $0xffff, v34;
	v34 =	vadd.s32 @!p0 $0x6, v33  }
0x38a: {  	s12 =	sadd.s32 @!p0 $0x60, s11;
	v33 =	vadd.s32 @!p0 $0x7, v33;
	[tilespmem:v35+s8+$0x0] =	vst.idx.msk @!p0 $0xffff, v34  }
0x38b: {  	s22 =	simm.s32 @!p0 $0x8A00;
	s15 =	simm.s32 @!p0 $0x900;
	[tilespmem:v32+s8+$0x0] =	vst.idx.msk @!p0 $0xffff, v33;
	s8 =	simm.s32 @!p0 $0x80  }
0x38c: {  	[tilespmem:s22], [sflag:$0x3] =	stream.indirect.gather @!p0 [hbm4b:s7+s8], $0x80, s15, s8, $0xb8;
	[tilespmem:$0x14A00] =	vst v63  }
0x38d: {  	s8 =	sadd.s32 @!p0 s4, s12  }
0x38e: {  	s8 =	sshll.u32 @!p0 s8, $0x4  }
0x38f: {  	s12 =	simm.s32 @!p0 $0x0;
	s15 =	simm.s32 @!p0 $0x11A00;
	s8 =	sadd.s32 @!p0 s5, s8  }
0x390: {  	[tilespmem:s15], [sflag:$0x3] =	stream.linear.gather @!p0 [hbm4b:s8+s12], $0x800, $0x38;
	[tilespmem:$0x14A00] =	vst v63  }
0x391: {  	_ =	swait.ge [sflag:s20], $0x4000  }
0x392: {  	[sflag:s20] =	ssyncset.done $0x0  }
0x393: {  	[sflag:s20] =	ssyncadd.s32 $0xFFFFC000  }
0x394: {  	_ =	swait.ge [sflag:s20], $0x800  }
0x395: {  	[sflag:s20] =	ssyncset.done $0x0  }
0x396: {  	s8 =	simm.s32 @!p1 $0x8;
	[sflag:s20] =	ssyncadd.s32 $0xFFFFF800  }
0x397: {  	_ =	swait.ge @!p1 [sflag:s8], $0x800  }
0x398: {  	[sflag:s8] =	ssyncset.done @!p1 $0x0  }
0x399: {  	[sflag:s8] =	ssyncadd.s32 @!p1 $0xFFFFF800;
	s8 =	simm.s32 $0x12270  }
0x39a: {  	v36 =	vld [tilespmem:s8+$0xFFFFFF90]  }
0x39b: {  	v32 =	vld [tilespmem:s8+$0xFFFFFFF0]  }
0x39c: {  	v35 =	vld [tilespmem:s8+$0xFFFFFFD0]  }
0x39d: {  	v34 =	vld [tilespmem:s8+$0xFFFFFFC0]  }
0x39e: {  	v33 =	vld [tilespmem:s8+$0xFFFFFFE0]  }
0x39f: {  	v37 =	vld [tilespmem:s8+$0xFFFFFFA0]  }
0x3a0: {  	v39 =	vld [tilespmem:s8+$0xFFFFFFB0]  }
0x3a1: {  	s12 =	simm.s32 $0x0;
	v38 =	vld [tilespmem:s8+$0x0]  }
0x3a2: {  	v51 =	vld [tilespmem:s12+$0xCD80]  }
0x3a3: {  	v52 =	vld [tilespmem:s12+$0xCB00]  }
0x3a4: {  	v53 =	vld [tilespmem:s12+$0xCB80]  }
0x3a5: {  	v54 =	vld [tilespmem:s12+$0xCC80]  }
0x3a6: {  	v55 =	vld [tilespmem:s12+$0xCA80]  }
0x3a7: {  	v56 =	vld [tilespmem:s12+$0xCD00]  }
0x3a8: {  	v57 =	vld [tilespmem:s12+$0xCC00]  }
0x3a9: {  	v58 =	vld [tilespmem:s12+$0xCA00];
	_ =	sdelay $0x1  }
0x3aa: {  	v40 =	vmul.f32 v51, v38;
	v41 =	vmul.f32 v52, v39  }
0x3ab: {  	v44 =	vmul.f32 v55, v37;
	v43 =	vmul.f32 v54, v33  }
0x3ac: {  	v42 =	vmul.f32 v53, v34;
	v46 =	vmul.f32 v57, v35  }
0x3ad: {  	v45 =	vmul.f32 v56, v32;
	v47 =	vmul.f32 v58, v36  }
0x3ae: {  	v41 =	vadd.f32 v42, v41;
	v59 =	vadd.f32 v43, v46  }
0x3af: {  	v40 =	vadd.f32 v40, v45;
	v60 =	vadd.f32 v44, v47;
	_ =	sdelay $0x1  }
0x3b0: {  	v40 =	vadd.f32 v40, v59;
	v41 =	vadd.f32 v41, v60;
	_ =	sdelay $0x1  }
0x3b1: {  	v40 =	vadd.f32 v40, v41  }
0x3b2: {  	s15 =	simm.s32 $0x14270  }
0x3b3: {  	[tilespmem:s15+$0xFFFFFF90] =	vst v40  }
0x3b4: {  	v40 =	vld [tilespmem:s12+$0xCD90]  }
0x3b5: {  	v61 =	vld [tilespmem:s12+$0xCC90]  }
0x3b6: {  	v62 =	vld [tilespmem:s12+$0xCC10]  }
0x3b7: {  	v63 =	vld [tilespmem:s12+$0xCD10]  }
0x3b8: {  	v48 =	vld [tilespmem:s12+$0xCB10]  }
0x3b9: {  	v49 =	vld [tilespmem:s12+$0xCB90]  }
0x3ba: {  	v50 =	vld [tilespmem:s12+$0xCA90]  }
0x3bb: {  	v51 =	vld [tilespmem:s12+$0xCA10];
	_ =	sdelay $0x1  }
0x3bc: {  	v41 =	vmul.f32 v61, v33;
	v42 =	vmul.f32 v62, v35  }
0x3bd: {  	v43 =	vmul.f32 v63, v32;
	v40 =	vmul.f32 v40, v38  }
0x3be: {  	v44 =	vmul.f32 v48, v39;
	v45 =	vmul.f32 v49, v34  }
0x3bf: {  	v46 =	vmul.f32 v50, v37;
	v47 =	vmul.f32 v51, v36  }
0x3c0: {  	v41 =	vadd.f32 v41, v42;
	v40 =	vadd.f32 v40, v43  }
0x3c1: {  	v52 =	vadd.f32 v45, v44;
	v53 =	vadd.f32 v46, v47;
	_ =	sdelay $0x1  }
0x3c2: {  	v40 =	vadd.f32 v40, v41;
	v54 =	vadd.f32 v52, v53;
	_ =	sdelay $0x1  }
0x3c3: {  	v40 =	vadd.f32 v40, v54;
	_ =	sdelay $0x1  }
0x3c4: {  	[tilespmem:s15+$0xFFFFFFA0] =	vst v40  }
0x3c5: {  	v40 =	vld [tilespmem:s12+$0xCDA0]  }
0x3c6: {  	v55 =	vld [tilespmem:s12+$0xCD20]  }
0x3c7: {  	v56 =	vld [tilespmem:s12+$0xCCA0]  }
0x3c8: {  	v57 =	vld [tilespmem:s12+$0xCAA0]  }
0x3c9: {  	v58 =	vld [tilespmem:s12+$0xCB20]  }
0x3ca: {  	v59 =	vld [tilespmem:s12+$0xCBA0]  }
0x3cb: {  	v60 =	vld [tilespmem:s12+$0xCA20]  }
0x3cc: {  	v61 =	vld [tilespmem:s12+$0xCC20];
	_ =	sdelay $0x1  }
0x3cd: {  	v41 =	vmul.f32 v55, v32;
	v43 =	vmul.f32 v57, v37  }
0x3ce: {  	v45 =	vmul.f32 v59, v34;
	v42 =	vmul.f32 v56, v33  }
0x3cf: {  	v46 =	vmul.f32 v60, v36;
	v40 =	vmul.f32 v40, v38  }
0x3d0: {  	v44 =	vmul.f32 v58, v39;
	v47 =	vmul.f32 v61, v35  }
0x3d1: {  	v43 =	vadd.f32 v43, v46;
	v40 =	vadd.f32 v40, v41  }
0x3d2: {  	v62 =	vadd.f32 v45, v44;
	v42 =	vadd.f32 v42, v47;
	_ =	sdelay $0x1  }
0x3d3: {  	v41 =	vadd.f32 v62, v43;
	v40 =	vadd.f32 v40, v42;
	_ =	sdelay $0x1  }
0x3d4: {  	v40 =	vadd.f32 v40, v41;
	_ =	sdelay $0x1  }
0x3d5: {  	[tilespmem:s15+$0xFFFFFFB0] =	vst v40  }
0x3d6: {  	v40 =	vld [tilespmem:s12+$0xCDB0]  }
0x3d7: {  	v63 =	vld [tilespmem:s12+$0xCD30]  }
0x3d8: {  	v48 =	vld [tilespmem:s12+$0xCB30]  }
0x3d9: {  	v49 =	vld [tilespmem:s12+$0xCCB0]  }
0x3da: {  	v50 =	vld [tilespmem:s12+$0xCAB0]  }
0x3db: {  	v51 =	vld [tilespmem:s12+$0xCC30]  }
0x3dc: {  	v52 =	vld [tilespmem:s12+$0xCBB0]  }
0x3dd: {  	v53 =	vld [tilespmem:s12+$0xCA30];
	_ =	sdelay $0x1  }
0x3de: {  	v41 =	vmul.f32 v63, v32;
	v42 =	vmul.f32 v48, v39  }
0x3df: {  	v45 =	vmul.f32 v51, v35;
	v43 =	vmul.f32 v49, v33  }
0x3e0: {  	v46 =	vmul.f32 v52, v34;
	v40 =	vmul.f32 v40, v38  }
0x3e1: {  	v47 =	vmul.f32 v53, v36;
	v44 =	vmul.f32 v50, v37  }
0x3e2: {  	v43 =	vadd.f32 v43, v45;
	v42 =	vadd.f32 v46, v42  }
0x3e3: {  	v44 =	vadd.f32 v44, v47;
	v40 =	vadd.f32 v40, v41;
	_ =	sdelay $0x1  }
0x3e4: {  	v54 =	vadd.f32 v42, v44;
	v40 =	vadd.f32 v40, v43;
	_ =	sdelay $0x1  }
0x3e5: {  	v40 =	vadd.f32 v40, v54;
	_ =	sdelay $0x1  }
0x3e6: {  	[tilespmem:s15+$0xFFFFFFC0] =	vst v40  }
0x3e7: {  	v40 =	vld [tilespmem:s12+$0xCD40]  }
0x3e8: {  	v55 =	vld [tilespmem:s12+$0xCBC0]  }
0x3e9: {  	v56 =	vld [tilespmem:s12+$0xCDC0]  }
0x3ea: {  	v57 =	vld [tilespmem:s12+$0xCCC0]  }
0x3eb: {  	v58 =	vld [tilespmem:s12+$0xCAC0]  }
0x3ec: {  	v59 =	vld [tilespmem:s12+$0xCC40]  }
0x3ed: {  	v60 =	vld [tilespmem:s12+$0xCB40]  }
0x3ee: {  	v61 =	vld [tilespmem:s12+$0xCA40];
	_ =	sdelay $0x1  }
0x3ef: {  	v42 =	vmul.f32 v56, v38;
	v41 =	vmul.f32 v55, v34  }
0x3f0: {  	v40 =	vmul.f32 v40, v32;
	v43 =	vmul.f32 v57, v33  }
0x3f1: {  	v44 =	vmul.f32 v58, v37;
	v45 =	vmul.f32 v59, v35  }
0x3f2: {  	v46 =	vmul.f32 v60, v39;
	v47 =	vmul.f32 v61, v36  }
0x3f3: {  	v40 =	vadd.f32 v42, v40;
	v62 =	vadd.f32 v43, v45  }
0x3f4: {  	v41 =	vadd.f32 v41, v46;
	v63 =	vadd.f32 v44, v47;
	_ =	sdelay $0x1  }
0x3f5: {  	v40 =	vadd.f32 v40, v62;
	v41 =	vadd.f32 v41, v63;
	_ =	sdelay $0x1  }
0x3f6: {  	v40 =	vadd.f32 v40, v41;
	_ =	sdelay $0x1  }
0x3f7: {  	[tilespmem:s15+$0xFFFFFFD0] =	vst v40  }
0x3f8: {  	v40 =	vld [tilespmem:s12+$0xCDD0]  }
0x3f9: {  	v42 =	vld [tilespmem:s12+$0xCD50]  }
0x3fa: {  	v43 =	vld [tilespmem:s12+$0xCBD0]  }
0x3fb: {  	v41 =	vld [tilespmem:s12+$0xCAD0]  }
0x3fc: {  	v45 =	vld [tilespmem:s12+$0xCB50]  }
0x3fd: {  	s23 =	simm.s32 $0x1000;
	s22 =	simm.s32 $0x14270;
	v44 =	vld [tilespmem:s12+$0xCCD0]  }
.LBB2_9:
0x3fe: {  	p1 =	sne.s32 s23, $0xF000;
	v46 =	vld [tilespmem:s12+$0xCC50];
	s8 =	sadd.s32 $0x80, s8;
	s15 =	sadd.s32 $0x80, s15  }
0x3ff: {  	s24 =	smov.u32 s23;
	s23 =	sadd.s32 $0x1000, s23;
	v47 =	vld [tilespmem:s12+$0xCA50]  }
0x400: {  	v43 =	vmul.f32 v43, v34  }
0x401: {  	v42 =	vmul.f32 v42, v32;
	v45 =	vmul.f32 v45, v39  }
0x402: {  	v40 =	vmul.f32 v40, v38;
	v44 =	vmul.f32 v44, v33  }
0x403: {  	v43 =	vadd.f32 v43, v45;
	v45 =	vmul.f32 v46, v35  }
0x404: {  	v41 =	vmul.f32 v41, v37;
	v40 =	vadd.f32 v40, v42;
	v46 =	vmul.f32 v47, v36  }
0x405: {  	v42 =	vadd.f32 v44, v45  }
0x406: {  	v41 =	vadd.f32 v41, v46  }
0x407: {  	v40 =	vadd.f32 v40, v42  }
0x408: {  	v41 =	vadd.f32 v43, v41;
	_ =	sdelay $0x1  }
0x409: {  	v40 =	vadd.f32 v40, v41;
	_ =	sdelay $0x1  }
0x40a: {  	[tilespmem:s22+$0xFFFFFFE0] =	vst v40  }
0x40b: {  	v40 =	vld [tilespmem:s12+$0xCDE0]  }
0x40c: {  	v41 =	vld [tilespmem:s12+$0xCB60]  }
0x40d: {  	v42 =	vld [tilespmem:s12+$0xCAE0]  }
0x40e: {  	v43 =	vld [tilespmem:s12+$0xCCE0]  }
0x40f: {  	v44 =	vld [tilespmem:s12+$0xCD60]  }
0x410: {  	v45 =	vld [tilespmem:s12+$0xCC60]  }
0x411: {  	v46 =	vld [tilespmem:s12+$0xCBE0]  }
0x412: {  	v41 =	vmul.f32 v41, v39;
	v47 =	vld [tilespmem:s12+$0xCA60]  }
0x413: {  	v43 =	vmul.f32 v43, v33  }
0x414: {  	v40 =	vmul.f32 v40, v38;
	v44 =	vmul.f32 v44, v32  }
0x415: {  	v45 =	vmul.f32 v45, v35  }
0x416: {  	v42 =	vmul.f32 v42, v37;
	v46 =	vmul.f32 v46, v34;
	v40 =	vadd.f32 v40, v44  }
0x417: {  	v44 =	vmul.f32 v47, v36  }
0x418: {  	v43 =	vadd.f32 v43, v45;
	v41 =	vadd.f32 v46, v41  }
0x419: {  	v42 =	vadd.f32 v42, v44  }
0x41a: {  	v40 =	vadd.f32 v40, v43  }
0x41b: {  	v41 =	vadd.f32 v41, v42;
	_ =	sdelay $0x1  }
0x41c: {  	v40 =	vadd.f32 v40, v41;
	_ =	sdelay $0x1  }
0x41d: {  	[tilespmem:s22+$0xFFFFFFF0] =	vst v40  }
0x41e: {  	v40 =	vld [tilespmem:s12+$0xCA70]  }
0x41f: {  	v41 =	vld [tilespmem:s12+$0xCDF0]  }
0x420: {  	v42 =	vld [tilespmem:s12+$0xCB70]  }
0x421: {  	v43 =	vld [tilespmem:s12+$0xCD70]  }
0x422: {  	v44 =	vld [tilespmem:s12+$0xCC70]  }
0x423: {  	v45 =	vld [tilespmem:s12+$0xCAF0]  }
0x424: {  	v36 =	vmul.f32 v40, v36;
	v40 =	vld [tilespmem:s12+$0xCBF0]  }
0x425: {  	v39 =	vmul.f32 v42, v39;
	v42 =	vld [tilespmem:s12+$0xCCF0];
	_ =	sdelay $0x1  }
0x426: {  	v38 =	vmul.f32 v41, v38;
	v35 =	vmul.f32 v44, v35  }
0x427: {  	v32 =	vmul.f32 v43, v32;
	v37 =	vmul.f32 v45, v37  }
0x428: {  	v34 =	vmul.f32 v40, v34  }
0x429: {  	v32 =	vadd.f32 v38, v32;
	v36 =	vadd.f32 v37, v36;
	v33 =	vmul.f32 v42, v33  }
0x42a: {  	v34 =	vadd.f32 v34, v39  }
0x42b: {  	v33 =	vadd.f32 v33, v35  }
0x42c: {  	v34 =	vadd.f32 v34, v36  }
0x42d: {  	v32 =	vadd.f32 v32, v33;
	_ =	sdelay $0x1  }
0x42e: {  	v32 =	vadd.f32 v32, v34;
	_ =	sdelay $0x1  }
0x42f: {  	[tilespmem:s22+$0x0] =	vst v32;
	s22 =	smov.u32 s15;
	_ =	sdelay $0x1  }
0x430: {  	v36 =	vld [tilespmem:s8+$0xFFFFFF90]  }
0x431: {  	v32 =	vld [tilespmem:s8+$0xFFFFFFF0]  }
0x432: {  	v35 =	vld [tilespmem:s8+$0xFFFFFFD0]  }
0x433: {  	v34 =	vld [tilespmem:s8+$0xFFFFFFC0]  }
0x434: {  	v33 =	vld [tilespmem:s8+$0xFFFFFFE0]  }
0x435: {  	v37 =	vld [tilespmem:s8+$0xFFFFFFA0]  }
0x436: {  	v39 =	vld [tilespmem:s8+$0xFFFFFFB0]  }
0x437: {  	s12 =	sshra.s32 s24, $0x2;
	v38 =	vld [tilespmem:s8+$0x0]  }
0x438: {  	v40 =	vld [tilespmem:s12+$0xCD80]  }
0x439: {  	v41 =	vld [tilespmem:s12+$0xCB00]  }
0x43a: {  	v42 =	vld [tilespmem:s12+$0xCB80]  }
0x43b: {  	v43 =	vld [tilespmem:s12+$0xCC80]  }
0x43c: {  	v44 =	vld [tilespmem:s12+$0xCA80]  }
0x43d: {  	v45 =	vld [tilespmem:s12+$0xCD00];
	v40 =	vmul.f32 v40, v38  }
0x43e: {  	v41 =	vmul.f32 v41, v39;
	v46 =	vld [tilespmem:s12+$0xCC00]  }
0x43f: {  	v47 =	vld [tilespmem:s12+$0xCA00];
	_ =	sdelay $0x1  }
0x440: {  	v43 =	vmul.f32 v43, v33;
	v44 =	vmul.f32 v44, v37  }
0x441: {  	v42 =	vmul.f32 v42, v34  }
0x442: {  	v45 =	vmul.f32 v45, v32;
	v46 =	vmul.f32 v46, v35  }
0x443: {  	v41 =	vadd.f32 v42, v41;
	v47 =	vmul.f32 v47, v36  }
0x444: {  	v40 =	vadd.f32 v40, v45;
	v42 =	vadd.f32 v43, v46  }
0x445: {  	v43 =	vadd.f32 v44, v47  }
0x446: {  	v40 =	vadd.f32 v40, v42  }
0x447: {  	v41 =	vadd.f32 v41, v43;
	_ =	sdelay $0x1  }
0x448: {  	v40 =	vadd.f32 v40, v41;
	_ =	sdelay $0x1  }
0x449: {  	[tilespmem:s15+$0xFFFFFF90] =	vst v40  }
0x44a: {  	v40 =	vld [tilespmem:s12+$0xCD90]  }
0x44b: {  	v41 =	vld [tilespmem:s12+$0xCC90]  }
0x44c: {  	v42 =	vld [tilespmem:s12+$0xCC10]  }
0x44d: {  	v43 =	vld [tilespmem:s12+$0xCD10]  }
0x44e: {  	v44 =	vld [tilespmem:s12+$0xCB10]  }
0x44f: {  	v45 =	vld [tilespmem:s12+$0xCB90]  }
0x450: {  	v46 =	vld [tilespmem:s12+$0xCA90];
	v41 =	vmul.f32 v41, v33  }
0x451: {  	v47 =	vld [tilespmem:s12+$0xCA10];
	v42 =	vmul.f32 v42, v35  }
0x452: {  	v40 =	vmul.f32 v40, v38;
	v43 =	vmul.f32 v43, v32  }
0x453: {  	v44 =	vmul.f32 v44, v39;
	v41 =	vadd.f32 v41, v42  }
0x454: {  	v42 =	vmul.f32 v45, v34;
	v40 =	vadd.f32 v40, v43  }
0x455: {  	v43 =	vmul.f32 v46, v37  }
0x456: {  	v45 =	vmul.f32 v47, v36;
	v42 =	vadd.f32 v42, v44;
	_ =	sdelay $0x1  }
0x457: {  	v40 =	vadd.f32 v40, v41;
	v43 =	vadd.f32 v43, v45;
	_ =	sdelay $0x1  }
0x458: {  	v41 =	vadd.f32 v42, v43;
	_ =	sdelay $0x1  }
0x459: {  	v40 =	vadd.f32 v40, v41;
	_ =	sdelay $0x1  }
0x45a: {  	[tilespmem:s15+$0xFFFFFFA0] =	vst v40  }
0x45b: {  	v40 =	vld [tilespmem:s12+$0xCDA0]  }
0x45c: {  	v41 =	vld [tilespmem:s12+$0xCD20]  }
0x45d: {  	v42 =	vld [tilespmem:s12+$0xCCA0]  }
0x45e: {  	v43 =	vld [tilespmem:s12+$0xCAA0]  }
0x45f: {  	v44 =	vld [tilespmem:s12+$0xCB20]  }
0x460: {  	v45 =	vld [tilespmem:s12+$0xCBA0]  }
0x461: {  	v46 =	vld [tilespmem:s12+$0xCA20];
	v41 =	vmul.f32 v41, v32  }
0x462: {  	v47 =	vld [tilespmem:s12+$0xCC20];
	_ =	sdelay $0x1  }
0x463: {  	v43 =	vmul.f32 v43, v37  }
0x464: {  	v42 =	vmul.f32 v42, v33;
	v45 =	vmul.f32 v45, v34  }
0x465: {  	v40 =	vmul.f32 v40, v38;
	v46 =	vmul.f32 v46, v36  }
0x466: {  	v44 =	vmul.f32 v44, v39;
	v47 =	vmul.f32 v47, v35  }
0x467: {  	v40 =	vadd.f32 v40, v41;
	v43 =	vadd.f32 v43, v46  }
0x468: {  	v41 =	vadd.f32 v45, v44;
	v42 =	vadd.f32 v42, v47;
	_ =	sdelay $0x1  }
0x469: {  	v41 =	vadd.f32 v41, v43;
	v40 =	vadd.f32 v40, v42;
	_ =	sdelay $0x1  }
0x46a: {  	v40 =	vadd.f32 v40, v41;
	_ =	sdelay $0x1  }
0x46b: {  	[tilespmem:s15+$0xFFFFFFB0] =	vst v40  }
0x46c: {  	v40 =	vld [tilespmem:s12+$0xCDB0]  }
0x46d: {  	v41 =	vld [tilespmem:s12+$0xCD30]  }
0x46e: {  	v42 =	vld [tilespmem:s12+$0xCB30]  }
0x46f: {  	v43 =	vld [tilespmem:s12+$0xCCB0]  }
0x470: {  	v44 =	vld [tilespmem:s12+$0xCAB0]  }
0x471: {  	v45 =	vld [tilespmem:s12+$0xCC30]  }
0x472: {  	v46 =	vld [tilespmem:s12+$0xCBB0];
	v41 =	vmul.f32 v41, v32  }
0x473: {  	v47 =	vld [tilespmem:s12+$0xCA30];
	v42 =	vmul.f32 v42, v39;
	_ =	sdelay $0x2  }
0x474: {  	v43 =	vmul.f32 v43, v33;
	v45 =	vmul.f32 v45, v35  }
0x475: {  	v40 =	vmul.f32 v40, v38;
	v46 =	vmul.f32 v46, v34  }
0x476: {  	v44 =	vmul.f32 v44, v37;
	v47 =	vmul.f32 v47, v36;
	v43 =	vadd.f32 v43, v45  }
0x477: {  	v42 =	vadd.f32 v46, v42  }
0x478: {  	v40 =	vadd.f32 v40, v41;
	v44 =	vadd.f32 v44, v47;
	_ =	sdelay $0x1  }
0x479: {  	v40 =	vadd.f32 v40, v43;
	v41 =	vadd.f32 v42, v44;
	_ =	sdelay $0x1  }
0x47a: {  	v40 =	vadd.f32 v40, v41;
	_ =	sdelay $0x1  }
0x47b: {  	[tilespmem:s15+$0xFFFFFFC0] =	vst v40  }
0x47c: {  	v40 =	vld [tilespmem:s12+$0xCD40]  }
0x47d: {  	v41 =	vld [tilespmem:s12+$0xCBC0]  }
0x47e: {  	v42 =	vld [tilespmem:s12+$0xCDC0]  }
0x47f: {  	v43 =	vld [tilespmem:s12+$0xCCC0]  }
0x480: {  	v44 =	vld [tilespmem:s12+$0xCAC0]  }
0x481: {  	v45 =	vld [tilespmem:s12+$0xCC40]  }
0x482: {  	v46 =	vld [tilespmem:s12+$0xCB40]  }
0x483: {  	v47 =	vld [tilespmem:s12+$0xCA40];
	v42 =	vmul.f32 v42, v38  }
0x484: {  	v40 =	vmul.f32 v40, v32;
	v41 =	vmul.f32 v41, v34  }
0x485: {  	v43 =	vmul.f32 v43, v33  }
0x486: {  	v44 =	vmul.f32 v44, v37;
	v45 =	vmul.f32 v45, v35  }
0x487: {  	v40 =	vadd.f32 v42, v40;
	v46 =	vmul.f32 v46, v39  }
0x488: {  	v42 =	vmul.f32 v47, v36;
	v43 =	vadd.f32 v43, v45  }
0x489: {  	v41 =	vadd.f32 v41, v46  }
0x48a: {  	v42 =	vadd.f32 v44, v42;
	v40 =	vadd.f32 v40, v43;
	_ =	sdelay $0x1  }
0x48b: {  	v41 =	vadd.f32 v41, v42;
	_ =	sdelay $0x1  }
0x48c: {  	v40 =	vadd.f32 v40, v41;
	_ =	sdelay $0x1  }
0x48d: {  	[tilespmem:s15+$0xFFFFFFD0] =	vst v40  }
0x48e: {  	v40 =	vld [tilespmem:s12+$0xCDD0]  }
.Ltmp5:
0x48f: {  	v42 =	vld [tilespmem:s12+$0xCD50];
	(pc) =	sbr.rel @p1 .LBB2_9-.Ltmp5, $4  }
0x490: {  	v43 =	vld [tilespmem:s12+$0xCBD0]  }
0x491: {  	v41 =	vld [tilespmem:s12+$0xCAD0]  }
0x492: {  	v45 =	vld [tilespmem:s12+$0xCB50]  }
0x493: {  	v44 =	vld [tilespmem:s12+$0xCCD0]  }
0x494: {  	v46 =	vld [tilespmem:s12+$0xCC50]  }
0x495: {  	v47 =	vld [tilespmem:s12+$0xCA50];
	_ =	sdelay $0x1  }
0x496: {  	v42 =	vmul.f32 v42, v32;
	v40 =	vmul.f32 v40, v38  }
0x497: {  	v43 =	vmul.f32 v43, v34;
	v41 =	vmul.f32 v41, v37  }
0x498: {  	v45 =	vmul.f32 v45, v39;
	v44 =	vmul.f32 v44, v33  }
0x499: {  	v46 =	vmul.f32 v46, v35;
	v47 =	vmul.f32 v47, v36  }
0x49a: {  	v40 =	vadd.f32 v40, v42;
	v43 =	vadd.f32 v43, v45  }
0x49b: {  	v57 =	vadd.f32 v44, v46;
	v41 =	vadd.f32 v41, v47;
	_ =	sdelay $0x1  }
0x49c: {  	v40 =	vadd.f32 v40, v57;
	v41 =	vadd.f32 v43, v41;
	_ =	sdelay $0x1  }
0x49d: {  	v40 =	vadd.f32 v40, v41;
	_ =	sdelay $0x1  }
0x49e: {  	[tilespmem:s22+$0xFFFFFFE0] =	vst v40  }
0x49f: {  	v40 =	vld [tilespmem:s12+$0xCDE0]  }
0x4a0: {  	v58 =	vld [tilespmem:s12+$0xCB60]  }
0x4a1: {  	v59 =	vld [tilespmem:s12+$0xCAE0]  }
0x4a2: {  	v60 =	vld [tilespmem:s12+$0xCCE0]  }
0x4a3: {  	v61 =	vld [tilespmem:s12+$0xCD60]  }
0x4a4: {  	v62 =	vld [tilespmem:s12+$0xCC60]  }
0x4a5: {  	v63 =	vld [tilespmem:s12+$0xCBE0]  }
0x4a6: {  	v48 =	vld [tilespmem:s12+$0xCA60];
	_ =	sdelay $0x1  }
0x4a7: {  	v41 =	vmul.f32 v58, v39;
	v43 =	vmul.f32 v60, v33  }
0x4a8: {  	v44 =	vmul.f32 v61, v32;
	v40 =	vmul.f32 v40, v38  }
0x4a9: {  	v45 =	vmul.f32 v62, v35;
	v46 =	vmul.f32 v63, v34  }
0x4aa: {  	v42 =	vmul.f32 v59, v37;
	v47 =	vmul.f32 v48, v36  }
0x4ab: {  	v40 =	vadd.f32 v40, v44;
	v41 =	vadd.f32 v46, v41  }
0x4ac: {  	v43 =	vadd.f32 v43, v45;
	v42 =	vadd.f32 v42, v47;
	_ =	sdelay $0x1  }
0x4ad: {  	v40 =	vadd.f32 v40, v43;
	v41 =	vadd.f32 v41, v42;
	_ =	sdelay $0x1  }
0x4ae: {  	v40 =	vadd.f32 v40, v41;
	_ =	sdelay $0x1  }
0x4af: {  	[tilespmem:s22+$0xFFFFFFF0] =	vst v40  }
0x4b0: {  	v40 =	vld [tilespmem:s12+$0xCA70]  }
0x4b1: {  	v49 =	vld [tilespmem:s12+$0xCDF0]  }
0x4b2: {  	v50 =	vld [tilespmem:s12+$0xCB70]  }
0x4b3: {  	v51 =	vld [tilespmem:s12+$0xCD70]  }
0x4b4: {  	v52 =	vld [tilespmem:s12+$0xCC70]  }
0x4b5: {  	v53 =	vld [tilespmem:s12+$0xCAF0]  }
0x4b6: {  	v54 =	vld [tilespmem:s12+$0xCBF0]  }
0x4b7: {  	v55 =	vld [tilespmem:s12+$0xCCF0];
	_ =	sdelay $0x1  }
0x4b8: {  	v56 =	vmul.f32 v40, v36;
	v57 =	vmul.f32 v50, v39  }
0x4b9: {  	v58 =	vmul.f32 v52, v35;
	v59 =	vmul.f32 v49, v38  }
0x4ba: {  	v60 =	vmul.f32 v53, v37;
	v61 =	vmul.f32 v51, v32  }
0x4bb: {  	v62 =	vmul.f32 v54, v34;
	v63 =	vmul.f32 v55, v33  }
0x4bc: {  	v36 =	vadd.f32 v60, v56;
	v32 =	vadd.f32 v59, v61  }
0x4bd: {  	v34 =	vadd.f32 v62, v57;
	v33 =	vadd.f32 v63, v58;
	_ =	sdelay $0x1  }
0x4be: {  	v34 =	vadd.f32 v34, v36;
	v32 =	vadd.f32 v32, v33  }
.Ltmp6:
0x4bf: {  	_ = 	snop;
	(pc) =	sbr.rel @p0 .LBB2_12-.Ltmp6, $3  }
0x4c0: {  	v32 =	vadd.f32 v32, v34;
	_ =	sdelay $0x1  }
0x4c1: {  	s8 =	sadd.s32 $0x300, s14;
	[tilespmem:s22+$0x0] =	vst v32  }
0x4c2: {  	[hbm4b:s8+s3] =	stream.linear.scatter [tilespmem:s21], [sflag:$0x8], $0x800, $0x38;
	[tilespmem:$0x14A00] =	vst v63  }
0x4c3: {  	v32 =	vld [tilespmem:s11+$0x70];
	_ =	sdelay $0x4  }
0x4c4: {  	[tilespmem:v24+s16+$0x0] =	vst.idx.msk $0xffff, v32;
	v33 =	vadd.s32 $0x1, v32  }
0x4c5: {  	v59 =	vadd.s32 $0x2, v32;
	[tilespmem:v25+s16+$0x0] =	vst.idx.msk $0xffff, v33  }
0x4c6: {  	v60 =	vadd.s32 $0x3, v32;
	[tilespmem:v26+s16+$0x0] =	vst.idx.msk $0xffff, v59  }
0x4c7: {  	v61 =	vadd.s32 $0x4, v32;
	[tilespmem:v27+s16+$0x0] =	vst.idx.msk $0xffff, v60  }
0x4c8: {  	v62 =	vadd.s32 $0x5, v32;
	[tilespmem:v28+s16+$0x0] =	vst.idx.msk $0xffff, v61  }
0x4c9: {  	s8 =	sadd.s32 $0x70, s11;
	v63 =	vadd.s32 $0x6, v32;
	[tilespmem:v29+s16+$0x0] =	vst.idx.msk $0xffff, v62  }
.Ltmp7:
0x4ca: {  	s8 =	sadd.s32 s4, s8;
	v32 =	vadd.s32 $0x7, v32;
	[tilespmem:v30+s16+$0x0] =	vst.idx.msk $0xffff, v63;
	(pc) =	sbr.rel .LBB2_2-.Ltmp7, $4  }
0x4cb: {  	s8 =	sshll.u32 s8, $0x4;
	[tilespmem:v31+s16+$0x0] =	vst.idx.msk $0xffff, v32  }
0x4cc: {  	[tilespmem:s28], [sflag:$0x4] =	stream.indirect.gather [hbm4b:s7+s17], $0x80, s26, s17, $0xb8;
	[tilespmem:$0x14A00] =	vst v63  }
0x4cd: {  	s10 =	sadd.s32 $0x1, s10;
	s8 =	sadd.s32 s5, s8  }
0x4ce: {  	[tilespmem:s29], [sflag:$0x4] =	stream.linear.gather [hbm4b:s8+s3], $0x800, $0x38;
	[tilespmem:$0x14A00] =	vst v63  }
.LBB2_13:
0x4cf: {  	_ =	sfence.sel $0x180000  }
0x4d0: {  	[bflag:$0x0] =	sbarrier.arrive $0xFFFF  }
0x4d1: {  	_ =	strace $0x9000004D  }
0x4d2: {  	s0 =	stileid.u32;
	[bflag:$0x2] =	sbarrier.arrive $0xFFFF  }
0x4d3: {  	p0 =	sne.s32 s0, $0x0;
	s0 =	rddreg [dreg:$0x2]  }
0x4d4: {  	s0 =	sadd.s32 @!p0 $0x100000, s0  }
0x4d5: {  	[sflag:s0] =	ssyncadd.tile.s32 @!p0 $0x1;
	_ =	shalt  }
.Lfunc_end2:
_tile_overlayer_lowered:
.L_overlay_start_2:
0x4d6: {  	(tag) =	ssettag $0x2  }
0x4d7: {  	s0 =	rddreg [dreg:$0x0];
	s2 =	stileid.u32  }
0x4d8: {  	s1 =	rddreg [dreg:$0x1];
	p0 =	sne.s32 s2, $0x0  }
0x4d9: {  	s3 =	rddreg [dreg:$0x2];
	[bflag:$0x3] =	sbarrier.arrive $0xFFFF;
	s2 =	simm.s32 @!p0 $0x1C09  }
0x4da: {  	[timem:s3], [sflag:s2] =	dma.local @!p0 [hbm:s0], s1  }
0x4db: {  	s0 =	simm.s32 @!p0 $0x9  }
0x4dc: {  	_ =	swait.ge @!p0 [sflag:s0], s1  }
0x4dd: {  	s1 =	ssub.s32 @!p0 $0x0, s1;
	[sflag:s0] =	ssyncset.done @!p0 $0x0  }
0x4de: {  	[sflag:s0] =	ssyncadd.s32 @!p0 s1  }
0x4df: {  	[bflag:$0x3] =	sbarrier.arrive $0xFFFF  }
0x4e0: {  	_ =	shalt  }

// kernel: sparse-core-data-format-call.cloned.1.call-start
scs
called_computation_lowered:
.L_overlay_start_0:
0x0: {  	s2 =	sld [smem:$0x3FD9]  }
0x1: {  	s3 =	sld [smem:$0x3FFE];
	_ =	sdelay $0x1  }
0x2: {  	s1 =	srdreg.scid  }
0x3: {  	s0 =	sand.u32 $0x1, s1  }
0x4: {  	s18 =	sshll.u32 s0, $0xA;
	s2 =	sadd.s32 s3, s2  }
0x5: {  	s2 =	sadd.s32 s2, s18  }
0x6: {  	[smem:$0x3FC0] =	sst s2  }
0x7: {  	_ = 	snop  }
0x8: {  	s2 =	sld [smem:$0x3FC9];
	(tm) =	ssettm $0x1  }
0x9: {  	s19 =	sld [smem:$0x3FFB];
	_ =	sdelay $0x3  }
0xa: {  	_ =	strace s19  }
0xb: {  	s3 =	sld [smem:$0x3FFC];
	_ =	sdelay $0x3  }
0xc: {  	_ =	strace s3  }
0xd: {  	s3 =	sld [smem:$0x3FFD];
	_ =	sdelay $0x3  }
0xe: {  	_ =	strace s3  }
0xf: {  	_ =	strace $0x8FFFFFFF  }
0x10: {  	s20 =	sld [smem:$0x3FDB];
	_ =	sdelay $0x1  }
0x11: {  	s4 =	simm.s32 $_scs_section_size  }
0x12: {  	s5 =	simm.s32 $_size__tile_overlayer_lowered;
	s6 =	simm.s32 $_tile_overlayer_lowered  }
0x13: {  	s23 =	simm.s32 $0x1BFF;
	s22 =	sshll.u32 s6, $0x1;
	s3 =	sadd.s32 s4, s20  }
0x14: {  	s7 =	simm.s32 $0x0;
	s21 =	sshll.u32 s5, $0x1;
	s5 =	sadd.s32 s22, s3  }
0x15: {  	[timem:s7], [sflag:s23] =	dma.local [hbm:s5], s21  }
0x16: {  	_ =	swait.ge [sflag:s23], s21  }
0x17: {  	s4 =	ssub.s32 $0x0, s21;
	[sflag:s23] =	ssyncset.done $0x0  }
0x18: {  	[sflag:s23] =	ssyncadd.s32 s4;
	_ =	sdelay $0x1  }
0x19: {  	s24 =	simm.s32 $0x1B8B  }
0x1a: {  	_ =	swait.ge [sflag:s24], $0x1  }
0x1b: {  	[sflag:s24] =	ssyncset.done $0x0  }
0x1c: {  	s26 =	simm.s32 $0x1B8E;
	s25 =	sld [smem:$0x3FFE];
	[sflag:s24] =	ssyncadd.s32 $0xFFFFFFFF  }
0x1d: {  	s27 =	simm.s32 $execute0_lowered;
	[smem:$0x3FD2] =	sst s26  }
0x1e: {  	s5 =	sshll.u32 s27, $0x1;
	_ =	strace $0x80000046;
	[dreg:$0x1] =	wrdreg $0xFFFFFFFF  }
0x1f: {  	s28 =	simm.s32 $_size_execute0_lowered;
	s3 =	sadd.s32 s3, s5;
	[dreg:$0x0] =	wrdreg $0x0  }
0x20: {  	s5 =	sshll.u32 s28, $0x1;
	[dreg:$0x2] =	wrdreg s3  }
0x21: {  	[dreg:$0x3] =	wrdreg s5  }
0x22: {  	[dreg:$0x4] =	wrdreg $0xC0  }
0x23: {  	_ =	task [dreg:s7], $0x5FFFF  }
0x24: {  	[dreg:$0x1] =	wrdreg $0xFFFFFFFF  }
0x25: {  	[dreg:$0x0] =	wrdreg $0x60  }
0x26: {  	[dreg:$0x2] =	wrdreg s2  }
0x27: {  	[dreg:$0x3] =	wrdreg s25  }
0x28: {  	[dreg:$0x4] =	wrdreg $0x9  }
0x29: {  	_ =	task.clear_ibuf [dreg:s7], $0x5FFFF;
	_ =	strace $0x90000046  }
0x2a: {  	s29 =	simm.s32 $0x9;
	_ =	strace $0x80000048  }
0x2b: {  	_ =	swait.ge [sflag:s29], $0x1  }
0x2c: {  	[sflag:s29] =	ssyncadd.s32 $0xFFFFFFFF  }
0x2d: {  	_ =	strace $0x90000048  }
0x2e: {  	_ =	sfence  }
0x2f: {  	s30 =	sld [smem:$0x0];
	_ =	sdelay $0x2  }
0x30: {  	s31 =	sshll.u32 s1, $0xD;
	s1 =	sshrl.u32 s1, $0x2  }
0x31: {  	s3 =	sand.u32 $0x4000, s31;
	s1 =	sadd.s32 s1, s30  }
0x32: {  	s0 =	sor.u32 s3, s0;
	s1 =	sshll.u32 s1, $0x11  }
0x33: {  	s0 =	sor.u32 s1, s0  }
0x34: {  	s0 =	sadd.s32 $0x8F2B, s0  }
0x35: {  	[sflag:s0] =	ssyncadd.remote.s32 $0x1  }
0x36: {  	_ =	sfence.sel $0xFFFF  }
0x37: {  	[dreg:$0x0] =	wrdreg $0xFFFFFFFF;
	(pc) =	sbr.abs _section_cstart, $3  }
0x38: {  	[dreg:$0x1] =	wrdreg $0xFFFFFFFF  }
0x39: {  	_ =	task.clear_ibuf [dreg:s7], $0x2FFFF;
	_ =	strace $0x9FFFFFFF  }
0x3a: {  	(tm) =	ssettm $0x7FFFFFFF  }
0x3b: {  	_ =	shalt  }
tec
execute0_lowered:
.L_overlay_start_1:
0x0: {  	(tag) =	ssettag $0x1  }
0x1: {  	s0 =	stileid.u32  }
0x2: {  	s1 =	srdreg.scid;
	s2 =	rddreg [dreg:$0x0]  }
0x3: {  	s4 =	rddreg [dreg:$0x1];
	s7 =	simm.s32 $0x1;
	s8 =	simm.s32 $0x2  }
0x4: {  	s15 =	simm.s32 $0x0;
	s3 =	sshll.u32 s0, $0x4;
	s1 =	sshll.u32 s1, $0x8  }
0x5: {  	s13 =	simm.s32 $0x0;
	s14 =	simm.s32 $0x0;
	s1 =	sor.u32 s3, s1  }
0x6: {  	s10 =	simm.s32 $0x0;
	s12 =	simm.s32 $0x0;
	s3 =	sand.u32 $0x180, s1  }
0x7: {  	s4 =	sadd.s32 $0x2600, s4;
	s1 =	rddreg [dreg:$0x2];
	s6 =	ssub.s32 $0x2000, s3  }
.Ltmp0:
0x8: {  	_ =	strace $0x80000047;
	s5 =	sand.u32 $0x180, s6;
	(pc) =	sbr.rel .LBB1_1-.Ltmp0, $4  }
0x9: {  	s9 =	smov.u32 s3;
	p0 =	sne.s32 s5, $0x0;
	s5 =	simm.s32 $0x1  }
0xa: {  	s6 =	sshrl.u32 s6, $0x9;
	s7 =	simm.s32 @!p0 $0x0;
	[sflag:s5] =	ssyncpa.u1 $0x0  }
0xb: {  	p0 =	por $0x0, $0x0;
	s6 =	sadd.s32 s7, s6;
	s7 =	sand.u32 $0x7, s0  }
0xc: {  	[sflag:s8] =	ssyncpa.u1 $0x0;
	s8 =	sadd.s32 $0x1, s6;
	s11 =	smov.u32 s7  }
.LBB1_4:
0xd: {  	v5 =	vld [tilespmem:s19+$0xFFFFFFD0];
	[tilespmem:s18+$0x2040 ss:$0x81] =	vst.msk $0xffff, v1  }
0xe: {  	v58 =	vld [tilespmem:s19+$0xFFFFFFE0];
	[tilespmem:s18+$0x2850 ss:$0x81] =	vst.msk $0xffff, v2  }
0xf: {  	s20 =	sshra.s32 s20, $0x2;
	v59 =	vld [tilespmem:s19+$0xFFFFFFF0];
	[tilespmem:s18+$0x3060 ss:$0x81] =	vst.msk $0xffff, v3  }
0x10: {  	v60 =	vld [tilespmem:s19+$0x0];
	[tilespmem:s18+$0x0 ss:$0x81] =	vst.msk $0xffff, v0;
	s17 =	sadd.s32 s20, s17  }
0x11: {  	v61 =	vld [tilespmem:s19+$0x10];
	[tilespmem:s17+$0x3870 ss:$0x81] =	vst.msk $0xffff, v4  }
0x12: {  	v62 =	vld [tilespmem:s19+$0x20];
	s15 =	sshll.u32 s15, $0x7;
	s28 =	sshll.u32 s13, $0x3;
	[tilespmem:s17+$0x810 ss:$0x81] =	vst.msk $0xffff, v5  }
0x13: {  	v63 =	vld [tilespmem:s19+$0xFFFFFFC0];
	s29 =	sand.u32 $0xFFC00, s15;
	s18 =	sand.u32 $0xFFC00, s28;
	[tilespmem:s17+$0x1020 ss:$0x81] =	vst.msk $0xffff, v58  }
0x14: {  	s15 =	sand.u32 $0x380, s15;
	s18 =	sadd.s32 s18, s29;
	[tilespmem:s17+$0x1830 ss:$0x81] =	vst.msk $0xffff, v59  }
0x15: {  	s14 =	sshll.u32 s14, $0x11;
	s30 =	sshrl.u32 s13, $0x3;
	s15 =	sor.u32 s15, s18;
	[tilespmem:s17+$0x2040 ss:$0x81] =	vst.msk $0xffff, v60  }
0x16: {  	s14 =	sadd.s32 s4, s14;
	s18 =	sand.u32 $0xF, s30;
	s15 =	sshrl.u32 s15, $0x3;
	[tilespmem:s17+$0x2850 ss:$0x81] =	vst.msk $0xffff, v61  }
0x17: {  	s14 =	sadd.s32 s18, s14;
	[tilespmem:s17+$0x3060 ss:$0x81] =	vst.msk $0xffff, v62;
	s15 =	sand.u32 $0x1FFF0, s15  }
0x18: {  	s31 =	sand.u32 $0x7, s13;
	[tilespmem:s17+$0x0 ss:$0x81] =	vst.msk $0xffff, v63;
	s14 =	sadd.s32 s15, s14  }
0x19: {  	[hbm4b:s14+s31] =	stream.linear.scatter [tilespmem:s16], [sflag:$0x2], $0x4000, $0x20;
	[tilespmem:$0x10100] =	vst v63  }
.LBB1_5:
0x1a: {  	s16 =	sadd.s32 $0x200, s9  }
0x1b: {  	s13 =	sadd.s32 $0x80, s10;
	s17 =	smov.u32 s10;
	p2 =	sgt.s32 s16, $0x1FFF  }
0x1c: {  	s17 =	smov.u32 @p2 s13  }
0x1d: {  	s19 =	smov.u32 s11;
	s13 =	sadd.s32 $0x8, s11;
	p3 =	sgt.s32 s17, $0x7F  }
0x1e: {  	s19 =	smov.u32 @p3 s13  }
0x1f: {  	s16 =	smov.u32 @p2 s3;
	p2 =	sgt.s32 s19, $0x7  }
0x20: {  	p1 =	slt.u32 s12, $0x2;
	s19 =	smov.u32 @p2 s7;
	p2 =	sne.s32 s12, s8  }
.Ltmp1:
0x21: {  	s18 =	simm.s32 @!p1 $0x2;
	(pc) =	sbr.rel @!p2 .LBB1_6-.Ltmp1, $4  }
0x22: {  	s15 =	smov.u32 s9;
	s14 =	smov.u32 s11;
	_ =	swait.ge @!p1 [sflag:s18], $0x4000  }
0x23: {  	p0 =	por !p0, !p0;
	[sflag:s18] =	ssyncset.done @!p1 $0x0;
	s9 =	smov.u32 s16  }
0x24: {  	s17 =	simm.s32 @p3 $0x0;
	s13 =	smov.u32 s10;
	[sflag:s18] =	ssyncadd.s32 @!p1 $0xFFFFC000  }
0x25: {  	s10 =	smov.u32 s17;
	s12 =	sadd.s32 $0x1, s12;
	s11 =	smov.u32 s19  }
.LBB1_1:
0x26: {  	p1 =	sge.u32 s12, s6;
	s31 =	sadd.s32 $0xFFFFFFFF, s12  }
0x27: {  	s16 =	sxor.u32 @!p1 $0xFFFFFFFF, s12;
	s17 =	sand.u32 @!p1 $0x78, s9;
	s18 =	sshll.u32 @!p1 s10, $0xD  }
0x28: {  	s19 =	sshll.u32 @!p1 s10, $0x7;
	s20 =	sshll.u32 @!p1 s9, $0x3;
	s16 =	sshll.u32 @!p1 s16, $0xE  }
0x29: {  	s18 =	sand.u32 @!p1 $0xF0000, s18;
	s19 =	sand.u32 @!p1 $0x380, s19;
	s16 =	sand.u32 @!p1 $0x4000, s16  }
0x2a: {  	s18 =	sadd.s32 @!p1 s18, s20;
	s20 =	sand.u32 @!p1 $0x1C00, s20;
	s17 =	sor.u32 @!p1 s19, s17  }
0x2b: {  	s19 =	sshll.u32 @!p1 s11, $0x11;
	s17 =	sor.u32 @!p1 s20, s17;
	s18 =	sshrl.u32 @!p1 s18, $0x3  }
0x2c: {  	s19 =	sadd.s32 @!p1 s2, s19;
	s20 =	sand.u32 @!p1 $0x7, s9;
	s18 =	sand.u32 @!p1 $0x1FC00, s18  }
0x2d: {  	s17 =	sshrl.u32 @!p1 s17, $0x3;
	s18 =	sadd.s32 @!p1 s18, s19;
	s19 =	sshll.u32 @!p1 s20, $0x12  }
0x2e: {  	s17 =	sadd.s32 @!p1 s17, s18;
	s18 =	sor.u32 @!p1 $0x400, s19;
	s19 =	simm.s32 @!p1 $0x10000  }
0x2f: {  	[tilespmem:s16], [sflag:$0x1] =	stream.strided.gather @!p1 [hbm4b:s17+s18], $0x4000, s19, s18, $0x38;
	[tilespmem:$0x10100] =	vst v63  }
0x30: {  	p1 =	sge.u32 s31, s6  }
.Ltmp2:
0x31: {  	_ = 	snop;
	(pc) =	sbr.rel @p1 .LBB1_5-.Ltmp2, $1  }
0x32: {  	_ =	sdelay $0x3  }
0x33: {  	s16 =	simm.s32 $0x1  }
0x34: {  	_ =	swait.ge [sflag:s5], $0x4000;
	s16 =	simm.s32 @!p0 $0x0  }
0x35: {  	[sflag:s5] =	ssyncset.done $0x0;
	s17 =	sshll.u32 s16, $0xE  }
0x36: {  	[sflag:s5] =	ssyncadd.s32 $0xFFFFC000;
	s19 =	sor.u32 $0x40, s17  }
0x37: {  	s16 =	smul.u32 $0x10200, s16;
	v0 =	vld [tilespmem:s19+$0x30]  }
0x38: {  	v3 =	vld [tilespmem:s19+$0xFFFFFFD0]  }
0x39: {  	s16 =	sshrl.u32 s16, $0x2;
	v4 =	vld [tilespmem:s19+$0xFFFFFFE0]  }
0x3a: {  	v5 =	vld [tilespmem:s19+$0xFFFFFFF0];
	s17 =	sor.u32 $0x8000, s16  }
0x3b: {  	s31 =	sand.u32 $0x1, s12;
	v1 =	vld [tilespmem:s19+$0x0];
	s18 =	sadd.s32 $0x0, s17  }
0x3c: {  	v2 =	vld [tilespmem:s19+$0x10];
	s16 =	smul.u32 $0x10200, s31;
	[tilespmem:s18+$0x3870 ss:$0x81] =	vst.msk $0xffff, v0  }
0x3d: {  	[tilespmem:s18+$0x810 ss:$0x81] =	vst.msk $0xffff, v3;
	v3 =	vld [tilespmem:s19+$0x20]  }
0x3e: {  	s16 =	sshrl.u32 s16, $0x2;
	v0 =	vld [tilespmem:s19+$0xFFFFFFC0];
	[tilespmem:s18+$0x1020 ss:$0x81] =	vst.msk $0xffff, v4;
	s19 =	sadd.s32 $0x80, s19  }
0x3f: {  	s20 =	simm.s32 $0x4;
	s21 =	simm.s32 $0x8;
	s16 =	sor.u32 $0x8000, s16;
	[tilespmem:s18+$0x1830 ss:$0x81] =	vst.msk $0xffff, v5;
	v4 =	vld [tilespmem:s19+$0x30]  }
.LBB1_3:
0x40: {  	p1 =	sne.s32 s21, $0x1FC;
	v5 =	vld [tilespmem:s19+$0xFFFFFFD0];
	[tilespmem:s18+$0x2040 ss:$0x81] =	vst.msk $0xffff, v1  }
0x41: {  	v6 =	vld [tilespmem:s19+$0xFFFFFFE0];
	[tilespmem:s18+$0x2850 ss:$0x81] =	vst.msk $0xffff, v2  }
0x42: {  	s22 =	sshra.s32 s20, $0x2;
	s20 =	smov.u32 s21;
	v7 =	vld [tilespmem:s19+$0xFFFFFFF0];
	[tilespmem:s18+$0x3060 ss:$0x81] =	vst.msk $0xffff, v3  }
.Ltmp3:
0x43: {  	v1 =	vld [tilespmem:s19+$0x0];
	[tilespmem:s18+$0x0 ss:$0x81] =	vst.msk $0xffff, v0;
	s18 =	sadd.s32 s22, s17;
	(pc) =	sbr.rel @p1 .LBB1_3-.Ltmp3, $4  }
0x44: {  	v2 =	vld [tilespmem:s19+$0x10];
	[tilespmem:s18+$0x3870 ss:$0x81] =	vst.msk $0xffff, v4  }
0x45: {  	[tilespmem:s18+$0x810 ss:$0x81] =	vst.msk $0xffff, v5;
	v3 =	vld [tilespmem:s19+$0x20]  }
0x46: {  	v0 =	vld [tilespmem:s19+$0xFFFFFFC0];
	[tilespmem:s18+$0x1020 ss:$0x81] =	vst.msk $0xffff, v6;
	s19 =	sadd.s32 $0x80, s19  }
0x47: {  	s21 =	sadd.s32 $0x4, s21;
	v4 =	vld [tilespmem:s19+$0x30];
	[tilespmem:s18+$0x1830 ss:$0x81] =	vst.msk $0xffff, v7  }
.Ltmp4:
0x48: {  	_ = 	snop;
	(pc) =	sbr.rel .LBB1_4-.Ltmp4, $1  }
0x49: {  	_ =	sdelay $0x3  }
.LBB1_6:
0x4a: {  	_ =	sfence.sel $0x180000  }
0x4b: {  	s2 =	simm.s32 $0x1;
	[bflag:$0x0] =	sbarrier.arrive $0xFFFF  }
0x4c: {  	s31 =	simm.s32 $0x2;
	[sflag:s2] =	ssyncpa.u1 $0x1  }
0x4d: {  	[sflag:s31] =	ssyncpa.u1 $0x1  }
0x4e: {  	p0 =	sne.s32 s0, $0x0;
	_ =	strace $0x90000047  }
0x4f: {  	s0 =	sadd.s32 @!p0 $0x100000, s1;
	[bflag:$0x2] =	sbarrier.arrive $0xFFFF  }
0x50: {  	[sflag:s0] =	ssyncadd.tile.s32 @!p0 $0x1;
	_ =	shalt  }
.Lfunc_end1:
_tile_overlayer_lowered:
.L_overlay_start_2:
0x51: {  	(tag) =	ssettag $0x2  }
0x52: {  	s0 =	rddreg [dreg:$0x0];
	s2 =	stileid.u32  }
0x53: {  	s1 =	rddreg [dreg:$0x1];
	p0 =	sne.s32 s2, $0x0  }
0x54: {  	s3 =	rddreg [dreg:$0x2];
	[bflag:$0x3] =	sbarrier.arrive $0xFFFF;
	s2 =	simm.s32 @!p0 $0x1C01  }
0x55: {  	[timem:s3], [sflag:s2] =	dma.local @!p0 [hbm:s0], s1  }
0x56: {  	s0 =	simm.s32 @!p0 $0x1  }
0x57: {  	_ =	swait.ge @!p0 [sflag:s0], s1  }
0x58: {  	s1 =	ssub.s32 @!p0 $0x0, s1;
	[sflag:s0] =	ssyncset.done @!p0 $0x0  }
0x59: {  	[sflag:s0] =	ssyncadd.s32 @!p0 s1  }
0x5a: {  	[bflag:$0x3] =	sbarrier.arrive $0xFFFF  }
0x5b: {  	_ =	shalt  }

</sc_bundles>
